<compile_context>
chip_gen: v7x
topology: tpu7x:2x2x1
jax: 0.10.2.dev20260603
libtpu: 0.0.44.dev20260713+nightly
codegen_flags: <defaults>
</compile_context>

<pallas_src>
import functools

import jax
import jax.numpy as jnp
from jax import lax
from jax.experimental import pallas as pl
from jax.experimental.pallas import tpu as pltpu
from jax.experimental.pallas import tpu_sc as plsc

NC = 2
NS = 16
NW = NC * NS
K = 80
TW = 128

_HI = lax.Precision.HIGHEST



def _make_edge_pass(n, nacc, e, hcpad, heads, c):
    ept = e // NW
    nchunks = ept // K
    rps = (nacc // NS) & ~7
    tail = nacc - rps * NS
    assert ept * NW == e and nchunks * K == ept and tail % 8 == 0

    npairs = (nchunks - 1) // 2
    assert npairs * 2 + 1 == nchunks

    mesh = plsc.VectorSubcoreMesh(core_axis_name="c", subcore_axis_name="s")

    idx_t = pltpu.VMEM((K,), jnp.int32)
    row_t = pltpu.VMEM((K, TW), jnp.float32)

    @functools.partial(
        pl.kernel,
        out_type=jax.ShapeDtypeStruct((NC, nacc, TW), jnp.float32),
        mesh=mesh,
        scratch_types=(
            [idx_t] * 6 + [row_t] * 4
            + [pltpu.VMEM_SHARED((nacc, TW), jnp.float32)]
            + [pltpu.SemaphoreType.DMA] * 10
        ),
    )
    def edge_kernel(src_hbm, dst_hbm, t_hbm, zeros_hbm, out_hbm,
                    s0, s1, dg0, dg1, ds0, ds1,
                    sr0, sr1, ob0, ob1, acc,
                    ig0, ig1, is0, is1, gs0, gs1, gd0, gd1, ss0, ss1):
        SIDX, DIDXG, DIDXS = (s0, s1), (dg0, dg1), (ds0, ds1)
        SROWS, OBUF = (sr0, sr1), (ob0, ob1)
        IG, IS, GS, GD, SS = (ig0, ig1), (is0, is1), (gs0, gs1), (gd0, gd1), \
            (ss0, ss1)

        cid = lax.axis_index("c")
        sid = lax.axis_index("s")
        wid = sid * NC + cid
        r0 = sid * rps
        base = wid * ept

        pltpu.sync_copy(zeros_hbm.at[pl.ds(r0, rps)], acc.at[pl.ds(r0, rps)])

        @pl.when(sid == 0)
        def _zero_tail():
            pltpu.sync_copy(zeros_hbm.at[pl.ds(rps * NS, tail)],
                            acc.at[pl.ds(rps * NS, tail)])

        plsc.subcore_barrier()

        def idxg_issue(ci, b):
            o = base + ci * K
            pltpu.async_copy(src_hbm.at[pl.ds(o, K)], SIDX[b], IG[b])
            pltpu.async_copy(dst_hbm.at[pl.ds(o, K)], DIDXG[b], IG[b])

        def idxg_wait(b):
            pltpu.make_async_copy(src_hbm.at[pl.ds(0, K)], SIDX[b],
                                  IG[b]).wait()
            pltpu.make_async_copy(dst_hbm.at[pl.ds(0, K)], DIDXG[b],
                                  IG[b]).wait()

        def idxs_issue(ci, b):
            pltpu.async_copy(dst_hbm.at[pl.ds(base + ci * K, K)], DIDXS[b],
                             IS[b])

        def idxs_wait(b):
            pltpu.make_async_copy(dst_hbm.at[pl.ds(0, K)], DIDXS[b],
                                  IS[b]).wait()

        def gsrc_issue(b):
            pltpu.async_copy(t_hbm.at[SIDX[b]], SROWS[b], GS[b])

        def gsrc_wait(b):
            pltpu.make_async_copy(t_hbm.at[SIDX[b]], SROWS[b], GS[b]).wait()

        def gdst_issue(b):
            pltpu.async_copy(t_hbm.at[DIDXG[b]], OBUF[b], GD[b])

        def gdst_wait(b):
            pltpu.make_async_copy(t_hbm.at[DIDXG[b]], OBUF[b], GD[b]).wait()

        def scatter_issue(b):
            pltpu.async_copy(OBUF[b], acc.at[DIDXS[b]], SS[b], add=True)

        def scatter_wait(b):
            pltpu.make_async_copy(OBUF[b], acc.at[DIDXS[b]], SS[b]).wait()

        def compute(b):
            srows, obuf = SROWS[b], OBUF[b]

            @pl.loop(0, K)
            def _edge(ei):
                a = srows[ei, pl.ds(hcpad, 16)]
                d = obuf[ei, pl.ds(hcpad + 16, 16)]
                t = a + d
                w16 = jnp.exp(jnp.maximum(t, 0.2 * t))
                obuf[ei, pl.ds(hcpad, 16)] = w16
                if heads == 1:
                    wv = jnp.full((16,), w16[0], jnp.float32)
                    obuf[ei, pl.ds(0, 16)] = srows[ei, pl.ds(0, 16)] * wv
                elif c == 16:
                    for q in range(hcpad // 16):
                        wv = jnp.full((16,), w16[q], jnp.float32)
                        obuf[ei, pl.ds(16 * q, 16)] = (
                            srows[ei, pl.ds(16 * q, 16)] * wv)
                else:
                    lo = lax.iota(jnp.int32, 16) < 8
                    for q in range(hcpad // 16):
                        wa = jnp.full((16,), w16[2 * q], jnp.float32)
                        wb = jnp.full((16,), w16[2 * q + 1], jnp.float32)
                        wv = jnp.where(lo, wa, wb)
                        obuf[ei, pl.ds(16 * q, 16)] = (
                            srows[ei, pl.ds(16 * q, 16)] * wv)

        def step(ci, b, j=None, first=False, last=False):
            nb = 1 - b
            if not last:
                idxg_wait(nb)
                gsrc_issue(nb)
            gsrc_wait(b)
            gdst_wait(b)
            idxs_wait(b)
            compute(b)
            scatter_issue(b)

            if first:
                pass
            elif b == 0 and j is not None:
                pl.when(j > 0)(lambda: scatter_wait(nb))
            else:
                scatter_wait(nb)

            if not last:
                gdst_issue(nb)
                idxs_issue(ci + 1, nb)
                if b == 0:
                    idxg_issue(ci + 2, b)
                else:
                    pl.when(j < npairs - 1)(lambda: idxg_issue(ci + 2, b))

        idxg_issue(0, 0)
        idxg_issue(1, 1)
        idxs_issue(0, 0)
        idxg_wait(0)
        gsrc_issue(0)
        gdst_issue(0)

        @pl.loop(0, npairs)
        def _pair(j):
            step(2 * j, 0, j=j, first=False)
            step(2 * j + 1, 1, j=j)

        step(nchunks - 1, 0, last=True)
        scatter_wait(0)

        plsc.subcore_barrier()
        pltpu.sync_copy(acc.at[pl.ds(r0, rps)], out_hbm.at[cid, pl.ds(r0, rps)])

        @pl.when(sid == 0)
        def _out_tail():
            pltpu.sync_copy(acc.at[pl.ds(rps * NS, tail)],
                            out_hbm.at[cid, pl.ds(rps * NS, tail)])

    return edge_kernel



def _write_table(t_ref, h, as16, ad16, hcpad):
    t_ref[:, 0:hcpad] = h
    t_ref[:, hcpad:hcpad + 16] = as16
    t_ref[:, hcpad + 16:hcpad + 32] = ad16
    if hcpad + 32 < TW:
        t_ref[:, hcpad + 32:TW] = jnp.zeros(
            (h.shape[0], TW - hcpad - 32), jnp.float32)


def _tc_prep0(x, w1, a1s, a1d, hcpad):
    n = x.shape[0]

    def body(x_ref, w_ref, as_a, ad_a, t_ref):
        h = jnp.dot(x_ref[...], w_ref[...], precision=_HI)
        as16 = jnp.dot(h, as_a[...], precision=_HI)
        ad16 = jnp.dot(h, ad_a[...], precision=_HI)
        _write_table(t_ref, h, as16, ad16, hcpad)

    return pl.pallas_call(
        body,
        out_shape=jax.ShapeDtypeStruct((n, TW), jnp.float32),
    )(x, w1, a1s, a1d)


def _merge(acc, t_prev, heads, c, hcpad):
    accs = acc[0] + acc[1]
    as_prev = t_prev[:, hcpad:hcpad + 16]
    ad_prev = t_prev[:, hcpad + 16:hcpad + 32]
    t = as_prev + ad_prev
    wself = jnp.exp(jnp.maximum(t, 0.2 * t))
    out = jnp.zeros_like(t_prev[:, 0:c])
    for j in range(heads):
        num = (accs[:, j * c:(j + 1) * c]
               + wself[:, j:j + 1] * t_prev[:, j * c:(j + 1) * c])
        den = accs[:, hcpad + j:hcpad + j + 1] + wself[:, j:j + 1]
        out = out + num / (den + 1e-16)
    return out * (1.0 / heads)


_BN = 2000


def _tc_merge_prep(acc, t_prev, b, wn, ans, andm, heads, c, hcpad, hcpad_next):
    n = t_prev.shape[0]
    grid = n // _BN

    def body(acc_ref, t_ref, b_ref, wn_ref, ans_ref, and_ref, tn_ref):
        out = _merge(acc_ref[...], t_ref[...], heads, c, hcpad)
        xnext = jnp.maximum(out + b_ref[...], 0.0)
        hn = jnp.dot(xnext, wn_ref[...], precision=_HI)
        asn = jnp.dot(hn, ans_ref[...], precision=_HI)
        adn = jnp.dot(hn, and_ref[...], precision=_HI)
        _write_table(tn_ref, hn, asn, adn, hcpad_next)

    return pl.pallas_call(
        body,
        grid=(grid,),
        in_specs=[
            pl.BlockSpec((2, _BN, TW), lambda i: (0, i, 0)),
            pl.BlockSpec((_BN, TW), lambda i: (i, 0)),
            pl.BlockSpec(b.shape, lambda i: (0, 0)),
            pl.BlockSpec(wn.shape, lambda i: (0, 0)),
            pl.BlockSpec(ans.shape, lambda i: (0, 0)),
            pl.BlockSpec(andm.shape, lambda i: (0, 0)),
        ],
        out_specs=pl.BlockSpec((_BN, TW), lambda i: (i, 0)),
        out_shape=jax.ShapeDtypeStruct((n, TW), jnp.float32),
    )(acc, t_prev, b, wn, ans, andm)


def _tc_final(acc, t_prev, b, heads, c, hcpad):
    n = t_prev.shape[0]
    grid = n // _BN

    def body(acc_ref, t_ref, b_ref, o_ref):
        out = _merge(acc_ref[...], t_ref[...], heads, c, hcpad)
        out = out + b_ref[...]
        m = jnp.max(out, axis=1, keepdims=True)
        z = out - m
        lse = jnp.log(jnp.sum(jnp.exp(z), axis=1, keepdims=True))
        o_ref[...] = z - lse

    return pl.pallas_call(
        body,
        grid=(grid,),
        in_specs=[
            pl.BlockSpec((2, _BN, TW), lambda i: (0, i, 0)),
            pl.BlockSpec((_BN, TW), lambda i: (i, 0)),
            pl.BlockSpec(b.shape, lambda i: (0, 0)),
        ],
        out_specs=pl.BlockSpec((_BN, c), lambda i: (i, 0)),
        out_shape=jax.ShapeDtypeStruct((n, c), jnp.float32),
    )(acc, t_prev, b)



def _amat(a, hcpad):
    heads, c = a.shape
    m = jnp.zeros((hcpad, 16), jnp.float32)
    for j in range(heads):
        m = m.at[j * c:(j + 1) * c, j].set(a[j])
    return m


def kernel(x, edge_index, W1, a_src1, a_dst1, b1, W2, a_src2, a_dst2, b2,
           W3, a_src3, a_dst3, b3, W4, a_src4, a_dst4, b4):
    n = x.shape[0]
    e = edge_index.shape[1]

    ept = e // NW
    ept_pad = ((ept + K - 1) // K) * K
    if ept_pad % (2 * K) == 0:
        ept_pad += K
    pad = ept_pad - ept
    nacc = n + 8 if pad else n
    if pad:
        src = jnp.pad(edge_index[0].reshape(NW, ept), ((0, 0), (0, pad)),
                      constant_values=0).reshape(-1)
        dst = jnp.pad(edge_index[1].reshape(NW, ept), ((0, 0), (0, pad)),
                      constant_values=n).reshape(-1)
    else:
        src, dst = edge_index[0], edge_index[1]
    e_pad = NW * ept_pad

    cfg1, cfg2, cfg3, cfg4 = (6, 8, 48), (6, 16, 96), (1, 8, 16), (1, 16, 16)

    a1s, a1d = _amat(a_src1, 48), _amat(a_dst1, 48)
    a2s, a2d = _amat(a_src2, 96), _amat(a_dst2, 96)
    a3s, a3d = _amat(a_src3, 16), _amat(a_dst3, 16)
    a4s, a4d = _amat(a_src4, 16), _amat(a_dst4, 16)
    w3p = jnp.zeros((16, 16), jnp.float32).at[:, :8].set(W3)

    ep1 = _make_edge_pass(n, nacc, e_pad, 48, 6, 8)
    ep2 = _make_edge_pass(n, nacc, e_pad, 96, 6, 16)
    ep3 = _make_edge_pass(n, nacc, e_pad, 16, 1, 8)
    ep4 = _make_edge_pass(n, nacc, e_pad, 16, 1, 16)

    z = jnp.zeros((nacc, TW), jnp.float32)
    if pad:
        _pad = lambda t: jnp.pad(t, ((0, nacc - n), (0, 0)))
    else:
        _pad = lambda t: t

    t1 = _tc_prep0(x, W1, a1s, a1d, 48)
    p1 = ep1(src, dst, _pad(t1), z)[:, :n]
    t2 = _tc_merge_prep(p1, t1, b1.reshape(1, -1), W2, a2s, a2d, *cfg1, 96)
    p2 = ep2(src, dst, _pad(t2), z)[:, :n]
    t3 = _tc_merge_prep(p2, t2, b2.reshape(1, -1), w3p, a3s, a3d, *cfg2, 16)
    p3 = ep3(src, dst, _pad(t3), z)[:, :n]
    t4 = _tc_merge_prep(p3, t3, b3.reshape(1, -1), W4, a4s, a4d, *cfg3, 16)
    p4 = ep4(src, dst, _pad(t4), z)[:, :n]
    return _tc_final(p4, t4, b4.reshape(1, -1), *cfg4)

# --- scband reference (transcript-rebuilt; emitter-appended) ---
"""Pipeline reference for scband-gat-24721831756422 (READ-ONLY COPY).

The authoritative reference and input builder live on the scoring server;
editing this copy changes nothing except your own understanding.
"""

import jax, jax.numpy as jnp
import numpy as np

N = 10000
E = 320000
NFEAT = 128
NCLASS = 16


def gat_conv(x, edge_index, W, a_src, a_dst, b, H, C):
    n = x.shape[0]
    h = (x @ W).reshape(n, H, C)
    ar = jnp.arange(n, dtype=edge_index.dtype)
    ei = jnp.concatenate([edge_index, jnp.stack([ar, ar])], axis=1)
    src, dst = ei[0], ei[1]
    alpha_s = jnp.sum(h * a_src[None, :, :], axis=-1)
    alpha_d = jnp.sum(h * a_dst[None, :, :], axis=-1)
    e = alpha_s[src] + alpha_d[dst]
    e = jax.nn.leaky_relu(e, negative_slope=0.2)
    emax = jax.lax.stop_gradient(jax.ops.segment_max(e, dst, num_segments=n))
    ex = jnp.exp(e - emax[dst])
    denom = jax.ops.segment_sum(ex, dst, num_segments=n)
    alpha = ex / (denom[dst] + 1e-16)
    msg = h[src] * alpha[:, :, None]
    out = jax.ops.segment_sum(msg, dst, num_segments=n)
    return out.mean(axis=1) + b


def setup_inputs(seed: int = 0):
    key = jax.random.key(seed)
    ks = jax.random.split(key, 24)
    inp = {}
    inp['x'] = jax.random.normal(ks[0], (N, NFEAT), dtype=jnp.float32)
    inp['edge_index'] = jax.random.randint(ks[1], (2, E), 0, N)
    dims = [(NFEAT, 6, 8), (8, 6, 16), (16, 1, 8), (8, 1, 16)]
    for i, (fi, H, C) in enumerate(dims, start=1):
        inp['W%d' % i] = jax.random.normal(ks[4 * i - 2], (fi, H * C), dtype=jnp.float32) * 0.1
        inp['a_src%d' % i] = jax.random.normal(ks[4 * i - 1], (H, C), dtype=jnp.float32) * 0.1
        inp['a_dst%d' % i] = jax.random.normal(ks[4 * i], (H, C), dtype=jnp.float32) * 0.1
        inp['b%d' % i] = jnp.zeros((C,), dtype=jnp.float32)
    return inp


def reference(x, edge_index, W1, a_src1, a_dst1, b1, W2, a_src2, a_dst2, b2, W3, a_src3, a_dst3, b3, W4, a_src4, a_dst4, b4):
    h = jax.nn.relu(gat_conv(x, edge_index, W1, a_src1, a_dst1, b1, 6, 8))
    h = jax.nn.relu(gat_conv(h, edge_index, W2, a_src2, a_dst2, b2, 6, 16))
    h = jax.nn.relu(gat_conv(h, edge_index, W3, a_src3, a_dst3, b3, 1, 8))
    h = gat_conv(h, edge_index, W4, a_src4, a_dst4, b4, 1, 16)
    return jax.nn.log_softmax(h, axis=1)

if __name__ == "__main__":
    import jax
    _d = setup_inputs()
    print(jax.jit(kernel)(*tuple(_d.values())))

</pallas_src>

<mosaic_0001>
#map = affine_map<(d0, d1) -> (0)>
#map1 = affine_map<(d0, d1) -> (0, 0)>
#map2 = affine_map<(d0, d1) -> (0, 0, 0)>
module attributes {stable_mosaic.version = 14 : i64} {
  func.func @edge_kernel(%arg0: i32, %arg1: i32, %arg2: memref<320000xi32, #tpu.memory_space<hbm>>, %arg3: memref<320000xi32, #tpu.memory_space<hbm>>, %arg4: memref<10000x128xf32, #tpu.memory_space<hbm>>, %arg5: memref<10000x128xf32, #tpu.memory_space<hbm>>, %arg6: memref<2x10000x128xf32, #tpu.memory_space<hbm>>, %arg7: memref<80xi32, #tpu.memory_space<vmem>>, %arg8: memref<80xi32, #tpu.memory_space<vmem>>, %arg9: memref<80xi32, #tpu.memory_space<vmem>>, %arg10: memref<80xi32, #tpu.memory_space<vmem>>, %arg11: memref<80xi32, #tpu.memory_space<vmem>>, %arg12: memref<80xi32, #tpu.memory_space<vmem>>, %arg13: memref<80x128xf32, #tpu.memory_space<vmem>>, %arg14: memref<80x128xf32, #tpu.memory_space<vmem>>, %arg15: memref<80x128xf32, #tpu.memory_space<vmem>>, %arg16: memref<80x128xf32, #tpu.memory_space<vmem>>, %arg17: memref<10000x128xf32, #tpu.memory_space<vmem_shared>>, %arg18: memref<!tpu.dma_semaphore, #tpu.memory_space<semaphore_mem>>, %arg19: memref<!tpu.dma_semaphore, #tpu.memory_space<semaphore_mem>>, %arg20: memref<!tpu.dma_semaphore, #tpu.memory_space<semaphore_mem>>, %arg21: memref<!tpu.dma_semaphore, #tpu.memory_space<semaphore_mem>>, %arg22: memref<!tpu.dma_semaphore, #tpu.memory_space<semaphore_mem>>, %arg23: memref<!tpu.dma_semaphore, #tpu.memory_space<semaphore_mem>>, %arg24: memref<!tpu.dma_semaphore, #tpu.memory_space<semaphore_mem>>, %arg25: memref<!tpu.dma_semaphore, #tpu.memory_space<semaphore_mem>>, %arg26: memref<!tpu.dma_semaphore, #tpu.memory_space<semaphore_mem>>, %arg27: memref<!tpu.dma_semaphore, #tpu.memory_space<semaphore_mem>>) attributes {dimension_semantics = [#tpu.dimension_semantics<core_parallel>, #tpu.dimension_semantics<subcore_parallel>], iteration_bounds = array<i64: 2, 16>, scalar_prefetch = 0 : i64, scratch_operands = 21 : i64, tpu.core_type = #tpu.core_type<sc_vector_subcore>, window_params = [{transform_indices = #map}, {transform_indices = #map}, {transform_indices = #map1}, {transform_indices = #map1}, {transform_indices = #map2}]} {
    %mul3A = arith.constant 2 : i32
    %mul3A_0 = arith.muli %arg1, %mul3A : i32
    %add3A = arith.addi %mul3A_0, %arg0 : i32
    %mul3A_1 = arith.constant 624 : i32
    %mul3A_2 = arith.muli %arg1, %mul3A_1 : i32
    %mul3A_3 = arith.constant 10000 : i32
    %mul3A_4 = arith.muli %add3A, %mul3A_3 : i32
    "tpu.region"() ({
      %run_scoped3A = tpu.sem_alloc : memref<!tpu.dma_semaphore, #tpu.memory_space<semaphore_mem>>
      %dma_start3A_69 = arith.constant 0 : i32
      %dma_start3A_70 = tpu.memref_slice %arg17[%mul3A_2, %dma_start3A_69] : memref<10000x128xf32, #tpu.memory_space<vmem_shared>> -> memref<624x128xf32, #tpu.memory_space<vmem_shared>>
      %dma_start3A_71 = arith.constant 0 : i32
      %dma_start3A_72 = tpu.memref_slice %arg5[%mul3A_2, %dma_start3A_71] : memref<10000x128xf32, #tpu.memory_space<hbm>> -> memref<624x128xf32, #tpu.memory_space<hbm>>
      tpu.enqueue_dma source(%dma_start3A_72 : memref<624x128xf32, #tpu.memory_space<hbm>>) target(%dma_start3A_70 : memref<624x128xf32, #tpu.memory_space<vmem_shared>>) target_semaphore(%run_scoped3A : memref<!tpu.dma_semaphore, #tpu.memory_space<semaphore_mem>>)
      %dma_wait3A_73 = arith.constant 0 : i32
      %dma_wait3A_74 = tpu.memref_slice %arg17[%mul3A_2, %dma_wait3A_73] : memref<10000x128xf32, #tpu.memory_space<vmem_shared>> -> memref<624x128xf32, #tpu.memory_space<vmem_shared>>
      %dma_wait3A_75 = arith.constant 0 : i32
      %dma_wait3A_76 = tpu.memref_slice %arg5[%mul3A_2, %dma_wait3A_75] : memref<10000x128xf32, #tpu.memory_space<hbm>> -> memref<624x128xf32, #tpu.memory_space<hbm>>
      tpu.wait_dma2 semaphore(%run_scoped3A : memref<!tpu.dma_semaphore, #tpu.memory_space<semaphore_mem>>) src(%dma_wait3A_76 : memref<624x128xf32, #tpu.memory_space<hbm>>) dst(%dma_wait3A_74 : memref<624x128xf32, #tpu.memory_space<vmem_shared>>)
      tpu.yield
    }) : () -> ()
    %eq3A = arith.constant 0 : i32
    %eq3A_5 = arith.cmpi eq, %arg1, %eq3A : i32
    %convert_element_type3A = arith.extui %eq3A_5 : i1 to i32
    %cond3A = arith.constant 0 : i32
    %cond3A_6 = arith.cmpi ne, %convert_element_type3A, %cond3A : i32
    scf.if %cond3A_6 {
      "tpu.region"() ({
        %run_scoped3A = tpu.sem_alloc : memref<!tpu.dma_semaphore, #tpu.memory_space<semaphore_mem>>
        %dma_start3A_69 = arith.constant 9984 : i32
        %dma_start3A_70 = arith.constant 0 : i32
        %dma_start3A_71 = tpu.memref_slice %arg17[%dma_start3A_69, %dma_start3A_70] : memref<10000x128xf32, #tpu.memory_space<vmem_shared>> -> memref<16x128xf32, #tpu.memory_space<vmem_shared>>
        %dma_start3A_72 = arith.constant 9984 : i32
        %dma_start3A_73 = arith.constant 0 : i32
        %dma_start3A_74 = tpu.memref_slice %arg5[%dma_start3A_72, %dma_start3A_73] : memref<10000x128xf32, #tpu.memory_space<hbm>> -> memref<16x128xf32, #tpu.memory_space<hbm>>
        tpu.enqueue_dma source(%dma_start3A_74 : memref<16x128xf32, #tpu.memory_space<hbm>>) target(%dma_start3A_71 : memref<16x128xf32, #tpu.memory_space<vmem_shared>>) target_semaphore(%run_scoped3A : memref<!tpu.dma_semaphore, #tpu.memory_space<semaphore_mem>>)
        %dma_wait3A_75 = arith.constant 9984 : i32
        %dma_wait3A_76 = arith.constant 0 : i32
        %dma_wait3A_77 = tpu.memref_slice %arg17[%dma_wait3A_75, %dma_wait3A_76] : memref<10000x128xf32, #tpu.memory_space<vmem_shared>> -> memref<16x128xf32, #tpu.memory_space<vmem_shared>>
        %dma_wait3A_78 = arith.constant 9984 : i32
        %dma_wait3A_79 = arith.constant 0 : i32
        %dma_wait3A_80 = tpu.memref_slice %arg5[%dma_wait3A_78, %dma_wait3A_79] : memref<10000x128xf32, #tpu.memory_space<hbm>> -> memref<16x128xf32, #tpu.memory_space<hbm>>
        tpu.wait_dma2 semaphore(%run_scoped3A : memref<!tpu.dma_semaphore, #tpu.memory_space<semaphore_mem>>) src(%dma_wait3A_80 : memref<16x128xf32, #tpu.memory_space<hbm>>) dst(%dma_wait3A_77 : memref<16x128xf32, #tpu.memory_space<vmem_shared>>)
        tpu.yield
      }) : () -> ()
    } else {
    }
    %barrier3A = arith.constant 0 : index
    tpu.barrier barrier_id(%barrier3A)
    %add3A_7 = arith.constant 0 : i32
    %add3A_8 = arith.addi %mul3A_4, %add3A_7 : i32
    %dma_start3A = tpu.memref_slice %arg2[%add3A_8] : memref<320000xi32, #tpu.memory_space<hbm>> -> memref<80xi32, #tpu.memory_space<hbm>>
    %dma_start3A_9 = tpu.memref_slice %arg2[%add3A_8] : memref<320000xi32, #tpu.memory_space<hbm>> -> memref<80xi32, #tpu.memory_space<hbm>>
    tpu.enqueue_dma source(%dma_start3A_9 : memref<80xi32, #tpu.memory_space<hbm>>) target(%arg7 : memref<80xi32, #tpu.memory_space<vmem>>) target_semaphore(%arg18 : memref<!tpu.dma_semaphore, #tpu.memory_space<semaphore_mem>>)
    %dma_start3A_10 = tpu.memref_slice %arg3[%add3A_8] : memref<320000xi32, #tpu.memory_space<hbm>> -> memref<80xi32, #tpu.memory_space<hbm>>
    %dma_start3A_11 = tpu.memref_slice %arg3[%add3A_8] : memref<320000xi32, #tpu.memory_space<hbm>> -> memref<80xi32, #tpu.memory_space<hbm>>
    tpu.enqueue_dma source(%dma_start3A_11 : memref<80xi32, #tpu.memory_space<hbm>>) target(%arg9 : memref<80xi32, #tpu.memory_space<vmem>>) target_semaphore(%arg18 : memref<!tpu.dma_semaphore, #tpu.memory_space<semaphore_mem>>)
    %add3A_12 = arith.constant 80 : i32
    %add3A_13 = arith.addi %mul3A_4, %add3A_12 : i32
    %dma_start3A_14 = tpu.memref_slice %arg2[%add3A_13] : memref<320000xi32, #tpu.memory_space<hbm>> -> memref<80xi32, #tpu.memory_space<hbm>>
    %dma_start3A_15 = tpu.memref_slice %arg2[%add3A_13] : memref<320000xi32, #tpu.memory_space<hbm>> -> memref<80xi32, #tpu.memory_space<hbm>>
    tpu.enqueue_dma source(%dma_start3A_15 : memref<80xi32, #tpu.memory_space<hbm>>) target(%arg8 : memref<80xi32, #tpu.memory_space<vmem>>) target_semaphore(%arg19 : memref<!tpu.dma_semaphore, #tpu.memory_space<semaphore_mem>>)
    %dma_start3A_16 = tpu.memref_slice %arg3[%add3A_13] : memref<320000xi32, #tpu.memory_space<hbm>> -> memref<80xi32, #tpu.memory_space<hbm>>
    %dma_start3A_17 = tpu.memref_slice %arg3[%add3A_13] : memref<320000xi32, #tpu.memory_space<hbm>> -> memref<80xi32, #tpu.memory_space<hbm>>
    tpu.enqueue_dma source(%dma_start3A_17 : memref<80xi32, #tpu.memory_space<hbm>>) target(%arg10 : memref<80xi32, #tpu.memory_space<vmem>>) target_semaphore(%arg19 : memref<!tpu.dma_semaphore, #tpu.memory_space<semaphore_mem>>)
    %add3A_18 = arith.constant 0 : i32
    %add3A_19 = arith.addi %mul3A_4, %add3A_18 : i32
    %dma_start3A_20 = tpu.memref_slice %arg3[%add3A_19] : memref<320000xi32, #tpu.memory_space<hbm>> -> memref<80xi32, #tpu.memory_space<hbm>>
    %dma_start3A_21 = tpu.memref_slice %arg3[%add3A_19] : memref<320000xi32, #tpu.memory_space<hbm>> -> memref<80xi32, #tpu.memory_space<hbm>>
    tpu.enqueue_dma source(%dma_start3A_21 : memref<80xi32, #tpu.memory_space<hbm>>) target(%arg11 : memref<80xi32, #tpu.memory_space<vmem>>) target_semaphore(%arg20 : memref<!tpu.dma_semaphore, #tpu.memory_space<semaphore_mem>>)
    %dma_wait3A = arith.constant 0 : i32
    %dma_wait3A_22 = tpu.memref_slice %arg2[%dma_wait3A] : memref<320000xi32, #tpu.memory_space<hbm>> -> memref<80xi32, #tpu.memory_space<hbm>>
    %dma_wait3A_23 = arith.constant 0 : i32
    %dma_wait3A_24 = tpu.memref_slice %arg2[%dma_wait3A_23] : memref<320000xi32, #tpu.memory_space<hbm>> -> memref<80xi32, #tpu.memory_space<hbm>>
    tpu.wait_dma2 semaphore(%arg18 : memref<!tpu.dma_semaphore, #tpu.memory_space<semaphore_mem>>) src(%dma_wait3A_24 : memref<80xi32, #tpu.memory_space<hbm>>) dst(%arg7 : memref<80xi32, #tpu.memory_space<vmem>>)
    %dma_wait3A_25 = arith.constant 0 : i32
    %dma_wait3A_26 = tpu.memref_slice %arg3[%dma_wait3A_25] : memref<320000xi32, #tpu.memory_space<hbm>> -> memref<80xi32, #tpu.memory_space<hbm>>
    %dma_wait3A_27 = arith.constant 0 : i32
    %dma_wait3A_28 = tpu.memref_slice %arg3[%dma_wait3A_27] : memref<320000xi32, #tpu.memory_space<hbm>> -> memref<80xi32, #tpu.memory_space<hbm>>
    tpu.wait_dma2 semaphore(%arg18 : memref<!tpu.dma_semaphore, #tpu.memory_space<semaphore_mem>>) src(%dma_wait3A_28 : memref<80xi32, #tpu.memory_space<hbm>>) dst(%arg9 : memref<80xi32, #tpu.memory_space<vmem>>)
    %dma_start3A_29 = arith.constant 0 : i32
    %dma_start3A_30 = arith.constant 0 : i32
    %dma_start3A_31 = tpu.memref_slice %arg4[%dma_start3A_29, %dma_start3A_30] : memref<10000x128xf32, #tpu.memory_space<hbm>> -> memref<10000x128xf32, #tpu.memory_space<hbm>>
    tpu.enqueue_indirect_dma source(%dma_start3A_31 : memref<10000x128xf32, #tpu.memory_space<hbm>>) target(%arg13 : memref<80x128xf32, #tpu.memory_space<vmem>>) offsets(%arg7 : memref<80xi32, #tpu.memory_space<vmem>>) semaphore(%arg22 : memref<!tpu.dma_semaphore, #tpu.memory_space<semaphore_mem>>)
    %dma_start3A_32 = arith.constant 0 : i32
    %dma_start3A_33 = arith.constant 0 : i32
    %dma_start3A_34 = tpu.memref_slice %arg4[%dma_start3A_32, %dma_start3A_33] : memref<10000x128xf32, #tpu.memory_space<hbm>> -> memref<10000x128xf32, #tpu.memory_space<hbm>>
    tpu.enqueue_indirect_dma source(%dma_start3A_34 : memref<10000x128xf32, #tpu.memory_space<hbm>>) target(%arg15 : memref<80x128xf32, #tpu.memory_space<vmem>>) offsets(%arg9 : memref<80xi32, #tpu.memory_space<vmem>>) semaphore(%arg24 : memref<!tpu.dma_semaphore, #tpu.memory_space<semaphore_mem>>)
    %scan3A = arith.constant 0 : i32
    %scan3A_35 = arith.constant 62 : i32
    %scan3A_36 = arith.addi %scan3A, %scan3A_35 : i32
    %scan3A_37 = arith.constant 1 : i32
    scf.for %scan3A_69 = %scan3A to %scan3A_36 step %scan3A_37  : i32 {
      %mul3A_70 = arith.constant 1 : i32
      %mul3A_71 = arith.muli %scan3A_69, %mul3A_70 : i32
      %add3A_72 = arith.constant 0 : i32
      %add3A_73 = arith.addi %add3A_72, %mul3A_71 : i32
      %mul3A_74 = arith.constant 2 : i32
      %mul3A_75 = arith.muli %mul3A_74, %add3A_73 : i32
      %dma_wait3A_76 = arith.constant 0 : i32
      %dma_wait3A_77 = tpu.memref_slice %arg2[%dma_wait3A_76] : memref<320000xi32, #tpu.memory_space<hbm>> -> memref<80xi32, #tpu.memory_space<hbm>>
      %dma_wait3A_78 = arith.constant 0 : i32
      %dma_wait3A_79 = tpu.memref_slice %arg2[%dma_wait3A_78] : memref<320000xi32, #tpu.memory_space<hbm>> -> memref<80xi32, #tpu.memory_space<hbm>>
      tpu.wait_dma2 semaphore(%arg19 : memref<!tpu.dma_semaphore, #tpu.memory_space<semaphore_mem>>) src(%dma_wait3A_79 : memref<80xi32, #tpu.memory_space<hbm>>) dst(%arg8 : memref<80xi32, #tpu.memory_space<vmem>>)
      %dma_wait3A_80 = arith.constant 0 : i32
      %dma_wait3A_81 = tpu.memref_slice %arg3[%dma_wait3A_80] : memref<320000xi32, #tpu.memory_space<hbm>> -> memref<80xi32, #tpu.memory_space<hbm>>
      %dma_wait3A_82 = arith.constant 0 : i32
      %dma_wait3A_83 = tpu.memref_slice %arg3[%dma_wait3A_82] : memref<320000xi32, #tpu.memory_space<hbm>> -> memref<80xi32, #tpu.memory_space<hbm>>
      tpu.wait_dma2 semaphore(%arg19 : memref<!tpu.dma_semaphore, #tpu.memory_space<semaphore_mem>>) src(%dma_wait3A_83 : memref<80xi32, #tpu.memory_space<hbm>>) dst(%arg10 : memref<80xi32, #tpu.memory_space<vmem>>)
      %dma_start3A_84 = arith.constant 0 : i32
      %dma_start3A_85 = arith.constant 0 : i32
      %dma_start3A_86 = tpu.memref_slice %arg4[%dma_start3A_84, %dma_start3A_85] : memref<10000x128xf32, #tpu.memory_space<hbm>> -> memref<10000x128xf32, #tpu.memory_space<hbm>>
      tpu.enqueue_indirect_dma source(%dma_start3A_86 : memref<10000x128xf32, #tpu.memory_space<hbm>>) target(%arg14 : memref<80x128xf32, #tpu.memory_space<vmem>>) offsets(%arg8 : memref<80xi32, #tpu.memory_space<vmem>>) semaphore(%arg23 : memref<!tpu.dma_semaphore, #tpu.memory_space<semaphore_mem>>)
      %dma_wait3A_87 = arith.constant 0 : i32
      %dma_wait3A_88 = arith.constant 0 : i32
      %dma_wait3A_89 = tpu.memref_slice %arg4[%dma_wait3A_87, %dma_wait3A_88] : memref<10000x128xf32, #tpu.memory_space<hbm>> -> memref<10000x128xf32, #tpu.memory_space<hbm>>
      tpu.wait_indirect_dma semaphore(%arg22 : memref<!tpu.dma_semaphore, #tpu.memory_space<semaphore_mem>>) src(%dma_wait3A_89 : memref<10000x128xf32, #tpu.memory_space<hbm>>) dst(%arg13 : memref<80x128xf32, #tpu.memory_space<vmem>>)
      %dma_wait3A_90 = arith.constant 0 : i32
      %dma_wait3A_91 = arith.constant 0 : i32
      %dma_wait3A_92 = tpu.memref_slice %arg4[%dma_wait3A_90, %dma_wait3A_91] : memref<10000x128xf32, #tpu.memory_space<hbm>> -> memref<10000x128xf32, #tpu.memory_space<hbm>>
      tpu.wait_indirect_dma semaphore(%arg24 : memref<!tpu.dma_semaphore, #tpu.memory_space<semaphore_mem>>) src(%dma_wait3A_92 : memref<10000x128xf32, #tpu.memory_space<hbm>>) dst(%arg15 : memref<80x128xf32, #tpu.memory_space<vmem>>)
      %dma_wait3A_93 = arith.constant 0 : i32
      %dma_wait3A_94 = tpu.memref_slice %arg3[%dma_wait3A_93] : memref<320000xi32, #tpu.memory_space<hbm>> -> memref<80xi32, #tpu.memory_space<hbm>>
      %dma_wait3A_95 = arith.constant 0 : i32
      %dma_wait3A_96 = tpu.memref_slice %arg3[%dma_wait3A_95] : memref<320000xi32, #tpu.memory_space<hbm>> -> memref<80xi32, #tpu.memory_space<hbm>>
      tpu.wait_dma2 semaphore(%arg20 : memref<!tpu.dma_semaphore, #tpu.memory_space<semaphore_mem>>) src(%dma_wait3A_96 : memref<80xi32, #tpu.memory_space<hbm>>) dst(%arg11 : memref<80xi32, #tpu.memory_space<vmem>>)
      %scan3A_97 = arith.constant 0 : i32
      %scan3A_98 = arith.constant 80 : i32
      %scan3A_99 = arith.addi %scan3A_97, %scan3A_98 : i32
      %scan3A_100 = arith.constant 1 : i32
      scf.for %scan3A_178 = %scan3A_97 to %scan3A_99 step %scan3A_100  : i32 {
        %mul3A_179 = arith.constant 1 : i32
        %mul3A_180 = arith.muli %scan3A_178, %mul3A_179 : i32
        %add3A_181 = arith.constant 0 : i32
        %add3A_182 = arith.addi %add3A_181, %mul3A_180 : i32
        %get3A = arith.index_cast %add3A_182 : i32 to index
        %get3A_183 = arith.constant 48 : index
        %get3A_184 = tpu.vector_load %arg13[%get3A, %get3A_183] {strides = array<i32>} : memref<80x128xf32, #tpu.memory_space<vmem>>, vector<1x16xf32>,
        %get3A_185 = vector.shape_cast %get3A_184 : vector<1x16xf32> to vector<16xf32>
        %get3A_186 = arith.index_cast %add3A_182 : i32 to index
        %get3A_187 = arith.constant 64 : index
        %get3A_188 = tpu.vector_load %arg15[%get3A_186, %get3A_187] {strides = array<i32>} : memref<80x128xf32, #tpu.memory_space<vmem>>, vector<1x16xf32>,
        %get3A_189 = vector.shape_cast %get3A_188 : vector<1x16xf32> to vector<16xf32>
        %add3A_190 = arith.addf %get3A_185, %get3A_189 : vector<16xf32>
        %mul3A_191 = arith.constant 2.000000e-01 : f32
        %mul3A_192 = vector.broadcast %mul3A_191 : f32 to vector<16xf32>
        %mul3A_193 = arith.mulf %mul3A_192, %add3A_190 : vector<16xf32>
        %max3A = arith.maximumf %add3A_190, %mul3A_193 : vector<16xf32>
        %exp3A = math.exp %max3A : vector<16xf32>
        %swap3A = arith.index_cast %add3A_182 : i32 to index
        %swap3A_194 = arith.constant 48 : index
        %swap3A_195 = tpu.vector_load %arg15[%swap3A, %swap3A_194] {strides = array<i32>} : memref<80x128xf32, #tpu.memory_space<vmem>>, vector<1x16xf32>,
        %swap3A_196 = vector.shape_cast %swap3A_195 : vector<1x16xf32> to vector<16xf32>
        %swap3A_197 = vector.shape_cast %exp3A : vector<16xf32> to vector<1x16xf32>
        tpu.vector_store %arg15[%swap3A, %swap3A_194], %swap3A_197 {strides = array<i32>} : memref<80x128xf32, #tpu.memory_space<vmem>>, vector<1x16xf32>,
        %iota3A = tpu.iota {dimensions = array<i32: 0>} : vector<16xi32>
        %lt3A_198 = arith.constant 8 : i32
        %lt3A_199 = vector.broadcast %lt3A_198 : i32 to vector<16xi32>
        %lt3A_200 = arith.cmpi slt, %iota3A, %lt3A_199 : vector<16xi32>
        %slice3A = vector.extract_strided_slice %exp3A {offsets = [0], sizes = [1], strides = [1]} : vector<16xf32> to vector<1xf32>
        %squeeze3A = vector.extract %slice3A[0] : f32 from vector<1xf32>
        %broadcast_in_dim3A = vector.broadcast %squeeze3A : f32 to vector<16xf32>
        %slice3A_201 = vector.extract_strided_slice %exp3A {offsets = [1], sizes = [1], strides = [1]} : vector<16xf32> to vector<1xf32>
        %squeeze3A_202 = vector.extract %slice3A_201[0] : f32 from vector<1xf32>
        %broadcast_in_dim3A_203 = vector.broadcast %squeeze3A_202 : f32 to vector<16xf32>
        %select_n3A = arith.select %lt3A_200, %broadcast_in_dim3A, %broadcast_in_dim3A_203 : vector<16xi1>, vector<16xf32>
        %get3A_204 = arith.index_cast %add3A_182 : i32 to index
        %get3A_205 = arith.constant 0 : index
        %get3A_206 = tpu.vector_load %arg13[%get3A_204, %get3A_205] {strides = array<i32>} : memref<80x128xf32, #tpu.memory_space<vmem>>, vector<1x16xf32>,
        %get3A_207 = vector.shape_cast %get3A_206 : vector<1x16xf32> to vector<16xf32>
        %mul3A_208 = arith.mulf %get3A_207, %select_n3A : vector<16xf32>
        %swap3A_209 = arith.index_cast %add3A_182 : i32 to index
        %swap3A_210 = arith.constant 0 : index
        %swap3A_211 = tpu.vector_load %arg15[%swap3A_209, %swap3A_210] {strides = array<i32>} : memref<80x128xf32, #tpu.memory_space<vmem>>, vector<1x16xf32>,
        %swap3A_212 = vector.shape_cast %swap3A_211 : vector<1x16xf32> to vector<16xf32>
        %swap3A_213 = vector.shape_cast %mul3A_208 : vector<16xf32> to vector<1x16xf32>
        tpu.vector_store %arg15[%swap3A_209, %swap3A_210], %swap3A_213 {strides = array<i32>} : memref<80x128xf32, #tpu.memory_space<vmem>>, vector<1x16xf32>,
        %slice3A_214 = vector.extract_strided_slice %exp3A {offsets = [2], sizes = [1], strides = [1]} : vector<16xf32> to vector<1xf32>
        %squeeze3A_215 = vector.extract %slice3A_214[0] : f32 from vector<1xf32>
        %broadcast_in_dim3A_216 = vector.broadcast %squeeze3A_215 : f32 to vector<16xf32>
        %slice3A_217 = vector.extract_strided_slice %exp3A {offsets = [3], sizes = [1], strides = [1]} : vector<16xf32> to vector<1xf32>
        %squeeze3A_218 = vector.extract %slice3A_217[0] : f32 from vector<1xf32>
        %broadcast_in_dim3A_219 = vector.broadcast %squeeze3A_218 : f32 to vector<16xf32>
        %select_n3A_220 = arith.select %lt3A_200, %broadcast_in_dim3A_216, %broadcast_in_dim3A_219 : vector<16xi1>, vector<16xf32>
        %get3A_221 = arith.index_cast %add3A_182 : i32 to index
        %get3A_222 = arith.constant 16 : index
        %get3A_223 = tpu.vector_load %arg13[%get3A_221, %get3A_222] {strides = array<i32>} : memref<80x128xf32, #tpu.memory_space<vmem>>, vector<1x16xf32>,
        %get3A_224 = vector.shape_cast %get3A_223 : vector<1x16xf32> to vector<16xf32>
        %mul3A_225 = arith.mulf %get3A_224, %select_n3A_220 : vector<16xf32>
        %swap3A_226 = arith.index_cast %add3A_182 : i32 to index
        %swap3A_227 = arith.constant 16 : index
        %swap3A_228 = tpu.vector_load %arg15[%swap3A_226, %swap3A_227] {strides = array<i32>} : memref<80x128xf32, #tpu.memory_space<vmem>>, vector<1x16xf32>,
        %swap3A_229 = vector.shape_cast %swap3A_228 : vector<1x16xf32> to vector<16xf32>
        %swap3A_230 = vector.shape_cast %mul3A_225 : vector<16xf32> to vector<1x16xf32>
        tpu.vector_store %arg15[%swap3A_226, %swap3A_227], %swap3A_230 {strides = array<i32>} : memref<80x128xf32, #tpu.memory_space<vmem>>, vector<1x16xf32>,
        %slice3A_231 = vector.extract_strided_slice %exp3A {offsets = [4], sizes = [1], strides = [1]} : vector<16xf32> to vector<1xf32>
        %squeeze3A_232 = vector.extract %slice3A_231[0] : f32 from vector<1xf32>
        %broadcast_in_dim3A_233 = vector.broadcast %squeeze3A_232 : f32 to vector<16xf32>
        %slice3A_234 = vector.extract_strided_slice %exp3A {offsets = [5], sizes = [1], strides = [1]} : vector<16xf32> to vector<1xf32>
        %squeeze3A_235 = vector.extract %slice3A_234[0] : f32 from vector<1xf32>
        %broadcast_in_dim3A_236 = vector.broadcast %squeeze3A_235 : f32 to vector<16xf32>
        %select_n3A_237 = arith.select %lt3A_200, %broadcast_in_dim3A_233, %broadcast_in_dim3A_236 : vector<16xi1>, vector<16xf32>
        %get3A_238 = arith.index_cast %add3A_182 : i32 to index
        %get3A_239 = arith.constant 32 : index
        %get3A_240 = tpu.vector_load %arg13[%get3A_238, %get3A_239] {strides = array<i32>} : memref<80x128xf32, #tpu.memory_space<vmem>>, vector<1x16xf32>,
        %get3A_241 = vector.shape_cast %get3A_240 : vector<1x16xf32> to vector<16xf32>
        %mul3A_242 = arith.mulf %get3A_241, %select_n3A_237 : vector<16xf32>
        %swap3A_243 = arith.index_cast %add3A_182 : i32 to index
        %swap3A_244 = arith.constant 32 : index
        %swap3A_245 = tpu.vector_load %arg15[%swap3A_243, %swap3A_244] {strides = array<i32>} : memref<80x128xf32, #tpu.memory_space<vmem>>, vector<1x16xf32>,
        %swap3A_246 = vector.shape_cast %swap3A_245 : vector<1x16xf32> to vector<16xf32>
        %swap3A_247 = vector.shape_cast %mul3A_242 : vector<16xf32> to vector<1x16xf32>
        tpu.vector_store %arg15[%swap3A_243, %swap3A_244], %swap3A_247 {strides = array<i32>} : memref<80x128xf32, #tpu.memory_space<vmem>>, vector<1x16xf32>,
      }
      %scan3A_101 = arith.constant 80 : i32
      %dma_start3A_102 = arith.constant 0 : i32
      %dma_start3A_103 = arith.constant 0 : i32
      %dma_start3A_104 = tpu.memref_slice %arg17[%dma_start3A_102, %dma_start3A_103] : memref<10000x128xf32, #tpu.memory_space<vmem_shared>> -> memref<10000x128xf32, #tpu.memory_space<vmem_shared>>
      tpu.enqueue_indirect_dma source(%arg15 : memref<80x128xf32, #tpu.memory_space<vmem>>) target(%dma_start3A_104 : memref<10000x128xf32, #tpu.memory_space<vmem_shared>>) offsets(%arg11 : memref<80xi32, #tpu.memory_space<vmem>>) semaphore(%arg26 : memref<!tpu.dma_semaphore, #tpu.memory_space<semaphore_mem>>) {add = true}
      %gt3A = arith.constant 0 : i32
      %gt3A_105 = arith.cmpi sgt, %add3A_73, %gt3A : i32
      %convert_element_type3A_106 = arith.extui %gt3A_105 : i1 to i32
      %cond3A_107 = arith.constant 0 : i32
      %cond3A_108 = arith.cmpi ne, %convert_element_type3A_106, %cond3A_107 : i32
      scf.if %cond3A_108 {
        %dma_wait3A_178 = arith.constant 0 : i32
        %dma_wait3A_179 = arith.constant 0 : i32
        %dma_wait3A_180 = tpu.memref_slice %arg17[%dma_wait3A_178, %dma_wait3A_179] : memref<10000x128xf32, #tpu.memory_space<vmem_shared>> -> memref<10000x128xf32, #tpu.memory_space<vmem_shared>>
        tpu.wait_indirect_dma semaphore(%arg27 : memref<!tpu.dma_semaphore, #tpu.memory_space<semaphore_mem>>) src(%arg16 : memref<80x128xf32, #tpu.memory_space<vmem>>) dst(%dma_wait3A_180 : memref<10000x128xf32, #tpu.memory_space<vmem_shared>>)
      } else {
      }
      %dma_start3A_109 = arith.constant 0 : i32
      %dma_start3A_110 = arith.constant 0 : i32
      %dma_start3A_111 = tpu.memref_slice %arg4[%dma_start3A_109, %dma_start3A_110] : memref<10000x128xf32, #tpu.memory_space<hbm>> -> memref<10000x128xf32, #tpu.memory_space<hbm>>
      tpu.enqueue_indirect_dma source(%dma_start3A_111 : memref<10000x128xf32, #tpu.memory_space<hbm>>) target(%arg16 : memref<80x128xf32, #tpu.memory_space<vmem>>) offsets(%arg10 : memref<80xi32, #tpu.memory_space<vmem>>) semaphore(%arg25 : memref<!tpu.dma_semaphore, #tpu.memory_space<semaphore_mem>>)
      %add3A_112 = arith.constant 1 : i32
      %add3A_113 = arith.addi %mul3A_75, %add3A_112 : i32
      %mul3A_114 = arith.constant 80 : i32
      %mul3A_115 = arith.muli %add3A_113, %mul3A_114 : i32
      %add3A_116 = arith.addi %mul3A_4, %mul3A_115 : i32
      %dma_start3A_117 = tpu.memref_slice %arg3[%add3A_116] : memref<320000xi32, #tpu.memory_space<hbm>> -> memref<80xi32, #tpu.memory_space<hbm>>
      %dma_start3A_118 = tpu.memref_slice %arg3[%add3A_116] : memref<320000xi32, #tpu.memory_space<hbm>> -> memref<80xi32, #tpu.memory_space<hbm>>
      tpu.enqueue_dma source(%dma_start3A_118 : memref<80xi32, #tpu.memory_space<hbm>>) target(%arg12 : memref<80xi32, #tpu.memory_space<vmem>>) target_semaphore(%arg21 : memref<!tpu.dma_semaphore, #tpu.memory_space<semaphore_mem>>)
      %add3A_119 = arith.constant 2 : i32
      %add3A_120 = arith.addi %mul3A_75, %add3A_119 : i32
      %mul3A_121 = arith.constant 80 : i32
      %mul3A_122 = arith.muli %add3A_120, %mul3A_121 : i32
      %add3A_123 = arith.addi %mul3A_4, %mul3A_122 : i32
      %dma_start3A_124 = tpu.memref_slice %arg2[%add3A_123] : memref<320000xi32, #tpu.memory_space<hbm>> -> memref<80xi32, #tpu.memory_space<hbm>>
      %dma_start3A_125 = tpu.memref_slice %arg2[%add3A_123] : memref<320000xi32, #tpu.memory_space<hbm>> -> memref<80xi32, #tpu.memory_space<hbm>>
      tpu.enqueue_dma source(%dma_start3A_125 : memref<80xi32, #tpu.memory_space<hbm>>) target(%arg7 : memref<80xi32, #tpu.memory_space<vmem>>) target_semaphore(%arg18 : memref<!tpu.dma_semaphore, #tpu.memory_space<semaphore_mem>>)
      %dma_start3A_126 = tpu.memref_slice %arg3[%add3A_123] : memref<320000xi32, #tpu.memory_space<hbm>> -> memref<80xi32, #tpu.memory_space<hbm>>
      %dma_start3A_127 = tpu.memref_slice %arg3[%add3A_123] : memref<320000xi32, #tpu.memory_space<hbm>> -> memref<80xi32, #tpu.memory_space<hbm>>
      tpu.enqueue_dma source(%dma_start3A_127 : memref<80xi32, #tpu.memory_space<hbm>>) target(%arg9 : memref<80xi32, #tpu.memory_space<vmem>>) target_semaphore(%arg18 : memref<!tpu.dma_semaphore, #tpu.memory_space<semaphore_mem>>)
      %mul3A_128 = arith.constant 2 : i32
      %mul3A_129 = arith.muli %mul3A_128, %add3A_73 : i32
      %add3A_130 = arith.constant 1 : i32
      %add3A_131 = arith.addi %mul3A_129, %add3A_130 : i32
      %dma_wait3A_132 = arith.constant 0 : i32
      %dma_wait3A_133 = tpu.memref_slice %arg2[%dma_wait3A_132] : memref<320000xi32, #tpu.memory_space<hbm>> -> memref<80xi32, #tpu.memory_space<hbm>>
      %dma_wait3A_134 = arith.constant 0 : i32
      %dma_wait3A_135 = tpu.memref_slice %arg2[%dma_wait3A_134] : memref<320000xi32, #tpu.memory_space<hbm>> -> memref<80xi32, #tpu.memory_space<hbm>>
      tpu.wait_dma2 semaphore(%arg18 : memref<!tpu.dma_semaphore, #tpu.memory_space<semaphore_mem>>) src(%dma_wait3A_135 : memref<80xi32, #tpu.memory_space<hbm>>) dst(%arg7 : memref<80xi32, #tpu.memory_space<vmem>>)
      %dma_wait3A_136 = arith.constant 0 : i32
      %dma_wait3A_137 = tpu.memref_slice %arg3[%dma_wait3A_136] : memref<320000xi32, #tpu.memory_space<hbm>> -> memref<80xi32, #tpu.memory_space<hbm>>
      %dma_wait3A_138 = arith.constant 0 : i32
      %dma_wait3A_139 = tpu.memref_slice %arg3[%dma_wait3A_138] : memref<320000xi32, #tpu.memory_space<hbm>> -> memref<80xi32, #tpu.memory_space<hbm>>
      tpu.wait_dma2 semaphore(%arg18 : memref<!tpu.dma_semaphore, #tpu.memory_space<semaphore_mem>>) src(%dma_wait3A_139 : memref<80xi32, #tpu.memory_space<hbm>>) dst(%arg9 : memref<80xi32, #tpu.memory_space<vmem>>)
      %dma_start3A_140 = arith.constant 0 : i32
      %dma_start3A_141 = arith.constant 0 : i32
      %dma_start3A_142 = tpu.memref_slice %arg4[%dma_start3A_140, %dma_start3A_141] : memref<10000x128xf32, #tpu.memory_space<hbm>> -> memref<10000x128xf32, #tpu.memory_space<hbm>>
      tpu.enqueue_indirect_dma source(%dma_start3A_142 : memref<10000x128xf32, #tpu.memory_space<hbm>>) target(%arg13 : memref<80x128xf32, #tpu.memory_space<vmem>>) offsets(%arg7 : memref<80xi32, #tpu.memory_space<vmem>>) semaphore(%arg22 : memref<!tpu.dma_semaphore, #tpu.memory_space<semaphore_mem>>)
      %dma_wait3A_143 = arith.constant 0 : i32
      %dma_wait3A_144 = arith.constant 0 : i32
      %dma_wait3A_145 = tpu.memref_slice %arg4[%dma_wait3A_143, %dma_wait3A_144] : memref<10000x128xf32, #tpu.memory_space<hbm>> -> memref<10000x128xf32, #tpu.memory_space<hbm>>
      tpu.wait_indirect_dma semaphore(%arg23 : memref<!tpu.dma_semaphore, #tpu.memory_space<semaphore_mem>>) src(%dma_wait3A_145 : memref<10000x128xf32, #tpu.memory_space<hbm>>) dst(%arg14 : memref<80x128xf32, #tpu.memory_space<vmem>>)
      %dma_wait3A_146 = arith.constant 0 : i32
      %dma_wait3A_147 = arith.constant 0 : i32
      %dma_wait3A_148 = tpu.memref_slice %arg4[%dma_wait3A_146, %dma_wait3A_147] : memref<10000x128xf32, #tpu.memory_space<hbm>> -> memref<10000x128xf32, #tpu.memory_space<hbm>>
      tpu.wait_indirect_dma semaphore(%arg25 : memref<!tpu.dma_semaphore, #tpu.memory_space<semaphore_mem>>) src(%dma_wait3A_148 : memref<10000x128xf32, #tpu.memory_space<hbm>>) dst(%arg16 : memref<80x128xf32, #tpu.memory_space<vmem>>)
      %dma_wait3A_149 = arith.constant 0 : i32
      %dma_wait3A_150 = tpu.memref_slice %arg3[%dma_wait3A_149] : memref<320000xi32, #tpu.memory_space<hbm>> -> memref<80xi32, #tpu.memory_space<hbm>>
      %dma_wait3A_151 = arith.constant 0 : i32
      %dma_wait3A_152 = tpu.memref_slice %arg3[%dma_wait3A_151] : memref<320000xi32, #tpu.memory_space<hbm>> -> memref<80xi32, #tpu.memory_space<hbm>>
      tpu.wait_dma2 semaphore(%arg21 : memref<!tpu.dma_semaphore, #tpu.memory_space<semaphore_mem>>) src(%dma_wait3A_152 : memref<80xi32, #tpu.memory_space<hbm>>) dst(%arg12 : memref<80xi32, #tpu.memory_space<vmem>>)
      %scan3A_153 = arith.constant 0 : i32
      %scan3A_154 = arith.constant 80 : i32
      %scan3A_155 = arith.addi %scan3A_153, %scan3A_154 : i32
      %scan3A_156 = arith.constant 1 : i32
      scf.for %scan3A_178 = %scan3A_153 to %scan3A_155 step %scan3A_156  : i32 {
        %mul3A_179 = arith.constant 1 : i32
        %mul3A_180 = arith.muli %scan3A_178, %mul3A_179 : i32
        %add3A_181 = arith.constant 0 : i32
        %add3A_182 = arith.addi %add3A_181, %mul3A_180 : i32
        %get3A = arith.index_cast %add3A_182 : i32 to index
        %get3A_183 = arith.constant 48 : index
        %get3A_184 = tpu.vector_load %arg14[%get3A, %get3A_183] {strides = array<i32>} : memref<80x128xf32, #tpu.memory_space<vmem>>, vector<1x16xf32>,
        %get3A_185 = vector.shape_cast %get3A_184 : vector<1x16xf32> to vector<16xf32>
        %get3A_186 = arith.index_cast %add3A_182 : i32 to index
        %get3A_187 = arith.constant 64 : index
        %get3A_188 = tpu.vector_load %arg16[%get3A_186, %get3A_187] {strides = array<i32>} : memref<80x128xf32, #tpu.memory_space<vmem>>, vector<1x16xf32>,
        %get3A_189 = vector.shape_cast %get3A_188 : vector<1x16xf32> to vector<16xf32>
        %add3A_190 = arith.addf %get3A_185, %get3A_189 : vector<16xf32>
        %mul3A_191 = arith.constant 2.000000e-01 : f32
        %mul3A_192 = vector.broadcast %mul3A_191 : f32 to vector<16xf32>
        %mul3A_193 = arith.mulf %mul3A_192, %add3A_190 : vector<16xf32>
        %max3A = arith.maximumf %add3A_190, %mul3A_193 : vector<16xf32>
        %exp3A = math.exp %max3A : vector<16xf32>
        %swap3A = arith.index_cast %add3A_182 : i32 to index
        %swap3A_194 = arith.constant 48 : index
        %swap3A_195 = tpu.vector_load %arg16[%swap3A, %swap3A_194] {strides = array<i32>} : memref<80x128xf32, #tpu.memory_space<vmem>>, vector<1x16xf32>,
        %swap3A_196 = vector.shape_cast %swap3A_195 : vector<1x16xf32> to vector<16xf32>
        %swap3A_197 = vector.shape_cast %exp3A : vector<16xf32> to vector<1x16xf32>
        tpu.vector_store %arg16[%swap3A, %swap3A_194], %swap3A_197 {strides = array<i32>} : memref<80x128xf32, #tpu.memory_space<vmem>>, vector<1x16xf32>,
        %iota3A = tpu.iota {dimensions = array<i32: 0>} : vector<16xi32>
        %lt3A_198 = arith.constant 8 : i32
        %lt3A_199 = vector.broadcast %lt3A_198 : i32 to vector<16xi32>
        %lt3A_200 = arith.cmpi slt, %iota3A, %lt3A_199 : vector<16xi32>
        %slice3A = vector.extract_strided_slice %exp3A {offsets = [0], sizes = [1], strides = [1]} : vector<16xf32> to vector<1xf32>
        %squeeze3A = vector.extract %slice3A[0] : f32 from vector<1xf32>
        %broadcast_in_dim3A = vector.broadcast %squeeze3A : f32 to vector<16xf32>
        %slice3A_201 = vector.extract_strided_slice %exp3A {offsets = [1], sizes = [1], strides = [1]} : vector<16xf32> to vector<1xf32>
        %squeeze3A_202 = vector.extract %slice3A_201[0] : f32 from vector<1xf32>
        %broadcast_in_dim3A_203 = vector.broadcast %squeeze3A_202 : f32 to vector<16xf32>
        %select_n3A = arith.select %lt3A_200, %broadcast_in_dim3A, %broadcast_in_dim3A_203 : vector<16xi1>, vector<16xf32>
        %get3A_204 = arith.index_cast %add3A_182 : i32 to index
        %get3A_205 = arith.constant 0 : index
        %get3A_206 = tpu.vector_load %arg14[%get3A_204, %get3A_205] {strides = array<i32>} : memref<80x128xf32, #tpu.memory_space<vmem>>, vector<1x16xf32>,
        %get3A_207 = vector.shape_cast %get3A_206 : vector<1x16xf32> to vector<16xf32>
        %mul3A_208 = arith.mulf %get3A_207, %select_n3A : vector<16xf32>
        %swap3A_209 = arith.index_cast %add3A_182 : i32 to index
        %swap3A_210 = arith.constant 0 : index
        %swap3A_211 = tpu.vector_load %arg16[%swap3A_209, %swap3A_210] {strides = array<i32>} : memref<80x128xf32, #tpu.memory_space<vmem>>, vector<1x16xf32>,
        %swap3A_212 = vector.shape_cast %swap3A_211 : vector<1x16xf32> to vector<16xf32>
        %swap3A_213 = vector.shape_cast %mul3A_208 : vector<16xf32> to vector<1x16xf32>
        tpu.vector_store %arg16[%swap3A_209, %swap3A_210], %swap3A_213 {strides = array<i32>} : memref<80x128xf32, #tpu.memory_space<vmem>>, vector<1x16xf32>,
        %slice3A_214 = vector.extract_strided_slice %exp3A {offsets = [2], sizes = [1], strides = [1]} : vector<16xf32> to vector<1xf32>
        %squeeze3A_215 = vector.extract %slice3A_214[0] : f32 from vector<1xf32>
        %broadcast_in_dim3A_216 = vector.broadcast %squeeze3A_215 : f32 to vector<16xf32>
        %slice3A_217 = vector.extract_strided_slice %exp3A {offsets = [3], sizes = [1], strides = [1]} : vector<16xf32> to vector<1xf32>
        %squeeze3A_218 = vector.extract %slice3A_217[0] : f32 from vector<1xf32>
        %broadcast_in_dim3A_219 = vector.broadcast %squeeze3A_218 : f32 to vector<16xf32>
        %select_n3A_220 = arith.select %lt3A_200, %broadcast_in_dim3A_216, %broadcast_in_dim3A_219 : vector<16xi1>, vector<16xf32>
        %get3A_221 = arith.index_cast %add3A_182 : i32 to index
        %get3A_222 = arith.constant 16 : index
        %get3A_223 = tpu.vector_load %arg14[%get3A_221, %get3A_222] {strides = array<i32>} : memref<80x128xf32, #tpu.memory_space<vmem>>, vector<1x16xf32>,
        %get3A_224 = vector.shape_cast %get3A_223 : vector<1x16xf32> to vector<16xf32>
        %mul3A_225 = arith.mulf %get3A_224, %select_n3A_220 : vector<16xf32>
        %swap3A_226 = arith.index_cast %add3A_182 : i32 to index
        %swap3A_227 = arith.constant 16 : index
        %swap3A_228 = tpu.vector_load %arg16[%swap3A_226, %swap3A_227] {strides = array<i32>} : memref<80x128xf32, #tpu.memory_space<vmem>>, vector<1x16xf32>,
        %swap3A_229 = vector.shape_cast %swap3A_228 : vector<1x16xf32> to vector<16xf32>
        %swap3A_230 = vector.shape_cast %mul3A_225 : vector<16xf32> to vector<1x16xf32>
        tpu.vector_store %arg16[%swap3A_226, %swap3A_227], %swap3A_230 {strides = array<i32>} : memref<80x128xf32, #tpu.memory_space<vmem>>, vector<1x16xf32>,
        %slice3A_231 = vector.extract_strided_slice %exp3A {offsets = [4], sizes = [1], strides = [1]} : vector<16xf32> to vector<1xf32>
        %squeeze3A_232 = vector.extract %slice3A_231[0] : f32 from vector<1xf32>
        %broadcast_in_dim3A_233 = vector.broadcast %squeeze3A_232 : f32 to vector<16xf32>
        %slice3A_234 = vector.extract_strided_slice %exp3A {offsets = [5], sizes = [1], strides = [1]} : vector<16xf32> to vector<1xf32>
        %squeeze3A_235 = vector.extract %slice3A_234[0] : f32 from vector<1xf32>
        %broadcast_in_dim3A_236 = vector.broadcast %squeeze3A_235 : f32 to vector<16xf32>
        %select_n3A_237 = arith.select %lt3A_200, %broadcast_in_dim3A_233, %broadcast_in_dim3A_236 : vector<16xi1>, vector<16xf32>
        %get3A_238 = arith.index_cast %add3A_182 : i32 to index
        %get3A_239 = arith.constant 32 : index
        %get3A_240 = tpu.vector_load %arg14[%get3A_238, %get3A_239] {strides = array<i32>} : memref<80x128xf32, #tpu.memory_space<vmem>>, vector<1x16xf32>,
        %get3A_241 = vector.shape_cast %get3A_240 : vector<1x16xf32> to vector<16xf32>
        %mul3A_242 = arith.mulf %get3A_241, %select_n3A_237 : vector<16xf32>
        %swap3A_243 = arith.index_cast %add3A_182 : i32 to index
        %swap3A_244 = arith.constant 32 : index
        %swap3A_245 = tpu.vector_load %arg16[%swap3A_243, %swap3A_244] {strides = array<i32>} : memref<80x128xf32, #tpu.memory_space<vmem>>, vector<1x16xf32>,
        %swap3A_246 = vector.shape_cast %swap3A_245 : vector<1x16xf32> to vector<16xf32>
        %swap3A_247 = vector.shape_cast %mul3A_242 : vector<16xf32> to vector<1x16xf32>
        tpu.vector_store %arg16[%swap3A_243, %swap3A_244], %swap3A_247 {strides = array<i32>} : memref<80x128xf32, #tpu.memory_space<vmem>>, vector<1x16xf32>,
      }
      %scan3A_157 = arith.constant 80 : i32
      %dma_start3A_158 = arith.constant 0 : i32
      %dma_start3A_159 = arith.constant 0 : i32
      %dma_start3A_160 = tpu.memref_slice %arg17[%dma_start3A_158, %dma_start3A_159] : memref<10000x128xf32, #tpu.memory_space<vmem_shared>> -> memref<10000x128xf32, #tpu.memory_space<vmem_shared>>
      tpu.enqueue_indirect_dma source(%arg16 : memref<80x128xf32, #tpu.memory_space<vmem>>) target(%dma_start3A_160 : memref<10000x128xf32, #tpu.memory_space<vmem_shared>>) offsets(%arg12 : memref<80xi32, #tpu.memory_space<vmem>>) semaphore(%arg27 : memref<!tpu.dma_semaphore, #tpu.memory_space<semaphore_mem>>) {add = true}
      %dma_wait3A_161 = arith.constant 0 : i32
      %dma_wait3A_162 = arith.constant 0 : i32
      %dma_wait3A_163 = tpu.memref_slice %arg17[%dma_wait3A_161, %dma_wait3A_162] : memref<10000x128xf32, #tpu.memory_space<vmem_shared>> -> memref<10000x128xf32, #tpu.memory_space<vmem_shared>>
      tpu.wait_indirect_dma semaphore(%arg26 : memref<!tpu.dma_semaphore, #tpu.memory_space<semaphore_mem>>) src(%arg15 : memref<80x128xf32, #tpu.memory_space<vmem>>) dst(%dma_wait3A_163 : memref<10000x128xf32, #tpu.memory_space<vmem_shared>>)
      %dma_start3A_164 = arith.constant 0 : i32
      %dma_start3A_165 = arith.constant 0 : i32
      %dma_start3A_166 = tpu.memref_slice %arg4[%dma_start3A_164, %dma_start3A_165] : memref<10000x128xf32, #tpu.memory_space<hbm>> -> memref<10000x128xf32, #tpu.memory_space<hbm>>
      tpu.enqueue_indirect_dma source(%dma_start3A_166 : memref<10000x128xf32, #tpu.memory_space<hbm>>) target(%arg15 : memref<80x128xf32, #tpu.memory_space<vmem>>) offsets(%arg9 : memref<80xi32, #tpu.memory_space<vmem>>) semaphore(%arg24 : memref<!tpu.dma_semaphore, #tpu.memory_space<semaphore_mem>>)
      %add3A_167 = arith.constant 1 : i32
      %add3A_168 = arith.addi %add3A_131, %add3A_167 : i32
      %mul3A_169 = arith.constant 80 : i32
      %mul3A_170 = arith.muli %add3A_168, %mul3A_169 : i32
      %add3A_171 = arith.addi %mul3A_4, %mul3A_170 : i32
      %dma_start3A_172 = tpu.memref_slice %arg3[%add3A_171] : memref<320000xi32, #tpu.memory_space<hbm>> -> memref<80xi32, #tpu.memory_space<hbm>>
      %dma_start3A_173 = tpu.memref_slice %arg3[%add3A_171] : memref<320000xi32, #tpu.memory_space<hbm>> -> memref<80xi32, #tpu.memory_space<hbm>>
      tpu.enqueue_dma source(%dma_start3A_173 : memref<80xi32, #tpu.memory_space<hbm>>) target(%arg11 : memref<80xi32, #tpu.memory_space<vmem>>) target_semaphore(%arg20 : memref<!tpu.dma_semaphore, #tpu.memory_space<semaphore_mem>>)
      %lt3A = arith.constant 61 : i32
      %lt3A_174 = arith.cmpi slt, %add3A_73, %lt3A : i32
      %convert_element_type3A_175 = arith.extui %lt3A_174 : i1 to i32
      %cond3A_176 = arith.constant 0 : i32
      %cond3A_177 = arith.cmpi ne, %convert_element_type3A_175, %cond3A_176 : i32
      scf.if %cond3A_177 {
        %add3A_178 = arith.constant 2 : i32
        %add3A_179 = arith.addi %add3A_131, %add3A_178 : i32
        %mul3A_180 = arith.constant 80 : i32
        %mul3A_181 = arith.muli %add3A_179, %mul3A_180 : i32
        %add3A_182 = arith.addi %mul3A_4, %mul3A_181 : i32
        %dma_start3A_183 = tpu.memref_slice %arg2[%add3A_182] : memref<320000xi32, #tpu.memory_space<hbm>> -> memref<80xi32, #tpu.memory_space<hbm>>
        %dma_start3A_184 = tpu.memref_slice %arg2[%add3A_182] : memref<320000xi32, #tpu.memory_space<hbm>> -> memref<80xi32, #tpu.memory_space<hbm>>
        tpu.enqueue_dma source(%dma_start3A_184 : memref<80xi32, #tpu.memory_space<hbm>>) target(%arg8 : memref<80xi32, #tpu.memory_space<vmem>>) target_semaphore(%arg19 : memref<!tpu.dma_semaphore, #tpu.memory_space<semaphore_mem>>)
        %dma_start3A_185 = tpu.memref_slice %arg3[%add3A_182] : memref<320000xi32, #tpu.memory_space<hbm>> -> memref<80xi32, #tpu.memory_space<hbm>>
        %dma_start3A_186 = tpu.memref_slice %arg3[%add3A_182] : memref<320000xi32, #tpu.memory_space<hbm>> -> memref<80xi32, #tpu.memory_space<hbm>>
        tpu.enqueue_dma source(%dma_start3A_186 : memref<80xi32, #tpu.memory_space<hbm>>) target(%arg10 : memref<80xi32, #tpu.memory_space<vmem>>) target_semaphore(%arg19 : memref<!tpu.dma_semaphore, #tpu.memory_space<semaphore_mem>>)
      } else {
      }
    }
    %scan3A_38 = arith.constant 62 : i32
    %dma_wait3A_39 = arith.constant 0 : i32
    %dma_wait3A_40 = arith.constant 0 : i32
    %dma_wait3A_41 = tpu.memref_slice %arg4[%dma_wait3A_39, %dma_wait3A_40] : memref<10000x128xf32, #tpu.memory_space<hbm>> -> memref<10000x128xf32, #tpu.memory_space<hbm>>
    tpu.wait_indirect_dma semaphore(%arg22 : memref<!tpu.dma_semaphore, #tpu.memory_space<semaphore_mem>>) src(%dma_wait3A_41 : memref<10000x128xf32, #tpu.memory_space<hbm>>) dst(%arg13 : memref<80x128xf32, #tpu.memory_space<vmem>>)
    %dma_wait3A_42 = arith.constant 0 : i32
    %dma_wait3A_43 = arith.constant 0 : i32
    %dma_wait3A_44 = tpu.memref_slice %arg4[%dma_wait3A_42, %dma_wait3A_43] : memref<10000x128xf32, #tpu.memory_space<hbm>> -> memref<10000x128xf32, #tpu.memory_space<hbm>>
    tpu.wait_indirect_dma semaphore(%arg24 : memref<!tpu.dma_semaphore, #tpu.memory_space<semaphore_mem>>) src(%dma_wait3A_44 : memref<10000x128xf32, #tpu.memory_space<hbm>>) dst(%arg15 : memref<80x128xf32, #tpu.memory_space<vmem>>)
    %dma_wait3A_45 = arith.constant 0 : i32
    %dma_wait3A_46 = tpu.memref_slice %arg3[%dma_wait3A_45] : memref<320000xi32, #tpu.memory_space<hbm>> -> memref<80xi32, #tpu.memory_space<hbm>>
    %dma_wait3A_47 = arith.constant 0 : i32
    %dma_wait3A_48 = tpu.memref_slice %arg3[%dma_wait3A_47] : memref<320000xi32, #tpu.memory_space<hbm>> -> memref<80xi32, #tpu.memory_space<hbm>>
    tpu.wait_dma2 semaphore(%arg20 : memref<!tpu.dma_semaphore, #tpu.memory_space<semaphore_mem>>) src(%dma_wait3A_48 : memref<80xi32, #tpu.memory_space<hbm>>) dst(%arg11 : memref<80xi32, #tpu.memory_space<vmem>>)
    %scan3A_49 = arith.constant 0 : i32
    %scan3A_50 = arith.constant 80 : i32
    %scan3A_51 = arith.addi %scan3A_49, %scan3A_50 : i32
    %scan3A_52 = arith.constant 1 : i32
    scf.for %scan3A_69 = %scan3A_49 to %scan3A_51 step %scan3A_52  : i32 {
      %mul3A_70 = arith.constant 1 : i32
      %mul3A_71 = arith.muli %scan3A_69, %mul3A_70 : i32
      %add3A_72 = arith.constant 0 : i32
      %add3A_73 = arith.addi %add3A_72, %mul3A_71 : i32
      %get3A = arith.index_cast %add3A_73 : i32 to index
      %get3A_74 = arith.constant 48 : index
      %get3A_75 = tpu.vector_load %arg13[%get3A, %get3A_74] {strides = array<i32>} : memref<80x128xf32, #tpu.memory_space<vmem>>, vector<1x16xf32>,
      %get3A_76 = vector.shape_cast %get3A_75 : vector<1x16xf32> to vector<16xf32>
      %get3A_77 = arith.index_cast %add3A_73 : i32 to index
      %get3A_78 = arith.constant 64 : index
      %get3A_79 = tpu.vector_load %arg15[%get3A_77, %get3A_78] {strides = array<i32>} : memref<80x128xf32, #tpu.memory_space<vmem>>, vector<1x16xf32>,
      %get3A_80 = vector.shape_cast %get3A_79 : vector<1x16xf32> to vector<16xf32>
      %add3A_81 = arith.addf %get3A_76, %get3A_80 : vector<16xf32>
      %mul3A_82 = arith.constant 2.000000e-01 : f32
      %mul3A_83 = vector.broadcast %mul3A_82 : f32 to vector<16xf32>
      %mul3A_84 = arith.mulf %mul3A_83, %add3A_81 : vector<16xf32>
      %max3A = arith.maximumf %add3A_81, %mul3A_84 : vector<16xf32>
      %exp3A = math.exp %max3A : vector<16xf32>
      %swap3A = arith.index_cast %add3A_73 : i32 to index
      %swap3A_85 = arith.constant 48 : index
      %swap3A_86 = tpu.vector_load %arg15[%swap3A, %swap3A_85] {strides = array<i32>} : memref<80x128xf32, #tpu.memory_space<vmem>>, vector<1x16xf32>,
      %swap3A_87 = vector.shape_cast %swap3A_86 : vector<1x16xf32> to vector<16xf32>
      %swap3A_88 = vector.shape_cast %exp3A : vector<16xf32> to vector<1x16xf32>
      tpu.vector_store %arg15[%swap3A, %swap3A_85], %swap3A_88 {strides = array<i32>} : memref<80x128xf32, #tpu.memory_space<vmem>>, vector<1x16xf32>,
      %iota3A = tpu.iota {dimensions = array<i32: 0>} : vector<16xi32>
      %lt3A = arith.constant 8 : i32
      %lt3A_89 = vector.broadcast %lt3A : i32 to vector<16xi32>
      %lt3A_90 = arith.cmpi slt, %iota3A, %lt3A_89 : vector<16xi32>
      %slice3A = vector.extract_strided_slice %exp3A {offsets = [0], sizes = [1], strides = [1]} : vector<16xf32> to vector<1xf32>
      %squeeze3A = vector.extract %slice3A[0] : f32 from vector<1xf32>
      %broadcast_in_dim3A = vector.broadcast %squeeze3A : f32 to vector<16xf32>
      %slice3A_91 = vector.extract_strided_slice %exp3A {offsets = [1], sizes = [1], strides = [1]} : vector<16xf32> to vector<1xf32>
      %squeeze3A_92 = vector.extract %slice3A_91[0] : f32 from vector<1xf32>
      %broadcast_in_dim3A_93 = vector.broadcast %squeeze3A_92 : f32 to vector<16xf32>
      %select_n3A = arith.select %lt3A_90, %broadcast_in_dim3A, %broadcast_in_dim3A_93 : vector<16xi1>, vector<16xf32>
      %get3A_94 = arith.index_cast %add3A_73 : i32 to index
      %get3A_95 = arith.constant 0 : index
      %get3A_96 = tpu.vector_load %arg13[%get3A_94, %get3A_95] {strides = array<i32>} : memref<80x128xf32, #tpu.memory_space<vmem>>, vector<1x16xf32>,
      %get3A_97 = vector.shape_cast %get3A_96 : vector<1x16xf32> to vector<16xf32>
      %mul3A_98 = arith.mulf %get3A_97, %select_n3A : vector<16xf32>
      %swap3A_99 = arith.index_cast %add3A_73 : i32 to index
      %swap3A_100 = arith.constant 0 : index
      %swap3A_101 = tpu.vector_load %arg15[%swap3A_99, %swap3A_100] {strides = array<i32>} : memref<80x128xf32, #tpu.memory_space<vmem>>, vector<1x16xf32>,
      %swap3A_102 = vector.shape_cast %swap3A_101 : vector<1x16xf32> to vector<16xf32>
      %swap3A_103 = vector.shape_cast %mul3A_98 : vector<16xf32> to vector<1x16xf32>
      tpu.vector_store %arg15[%swap3A_99, %swap3A_100], %swap3A_103 {strides = array<i32>} : memref<80x128xf32, #tpu.memory_space<vmem>>, vector<1x16xf32>,
      %slice3A_104 = vector.extract_strided_slice %exp3A {offsets = [2], sizes = [1], strides = [1]} : vector<16xf32> to vector<1xf32>
      %squeeze3A_105 = vector.extract %slice3A_104[0] : f32 from vector<1xf32>
      %broadcast_in_dim3A_106 = vector.broadcast %squeeze3A_105 : f32 to vector<16xf32>
      %slice3A_107 = vector.extract_strided_slice %exp3A {offsets = [3], sizes = [1], strides = [1]} : vector<16xf32> to vector<1xf32>
      %squeeze3A_108 = vector.extract %slice3A_107[0] : f32 from vector<1xf32>
      %broadcast_in_dim3A_109 = vector.broadcast %squeeze3A_108 : f32 to vector<16xf32>
      %select_n3A_110 = arith.select %lt3A_90, %broadcast_in_dim3A_106, %broadcast_in_dim3A_109 : vector<16xi1>, vector<16xf32>
      %get3A_111 = arith.index_cast %add3A_73 : i32 to index
      %get3A_112 = arith.constant 16 : index
      %get3A_113 = tpu.vector_load %arg13[%get3A_111, %get3A_112] {strides = array<i32>} : memref<80x128xf32, #tpu.memory_space<vmem>>, vector<1x16xf32>,
      %get3A_114 = vector.shape_cast %get3A_113 : vector<1x16xf32> to vector<16xf32>
      %mul3A_115 = arith.mulf %get3A_114, %select_n3A_110 : vector<16xf32>
      %swap3A_116 = arith.index_cast %add3A_73 : i32 to index
      %swap3A_117 = arith.constant 16 : index
      %swap3A_118 = tpu.vector_load %arg15[%swap3A_116, %swap3A_117] {strides = array<i32>} : memref<80x128xf32, #tpu.memory_space<vmem>>, vector<1x16xf32>,
      %swap3A_119 = vector.shape_cast %swap3A_118 : vector<1x16xf32> to vector<16xf32>
      %swap3A_120 = vector.shape_cast %mul3A_115 : vector<16xf32> to vector<1x16xf32>
      tpu.vector_store %arg15[%swap3A_116, %swap3A_117], %swap3A_120 {strides = array<i32>} : memref<80x128xf32, #tpu.memory_space<vmem>>, vector<1x16xf32>,
      %slice3A_121 = vector.extract_strided_slice %exp3A {offsets = [4], sizes = [1], strides = [1]} : vector<16xf32> to vector<1xf32>
      %squeeze3A_122 = vector.extract %slice3A_121[0] : f32 from vector<1xf32>
      %broadcast_in_dim3A_123 = vector.broadcast %squeeze3A_122 : f32 to vector<16xf32>
      %slice3A_124 = vector.extract_strided_slice %exp3A {offsets = [5], sizes = [1], strides = [1]} : vector<16xf32> to vector<1xf32>
      %squeeze3A_125 = vector.extract %slice3A_124[0] : f32 from vector<1xf32>
      %broadcast_in_dim3A_126 = vector.broadcast %squeeze3A_125 : f32 to vector<16xf32>
      %select_n3A_127 = arith.select %lt3A_90, %broadcast_in_dim3A_123, %broadcast_in_dim3A_126 : vector<16xi1>, vector<16xf32>
      %get3A_128 = arith.index_cast %add3A_73 : i32 to index
      %get3A_129 = arith.constant 32 : index
      %get3A_130 = tpu.vector_load %arg13[%get3A_128, %get3A_129] {strides = array<i32>} : memref<80x128xf32, #tpu.memory_space<vmem>>, vector<1x16xf32>,
      %get3A_131 = vector.shape_cast %get3A_130 : vector<1x16xf32> to vector<16xf32>
      %mul3A_132 = arith.mulf %get3A_131, %select_n3A_127 : vector<16xf32>
      %swap3A_133 = arith.index_cast %add3A_73 : i32 to index
      %swap3A_134 = arith.constant 32 : index
      %swap3A_135 = tpu.vector_load %arg15[%swap3A_133, %swap3A_134] {strides = array<i32>} : memref<80x128xf32, #tpu.memory_space<vmem>>, vector<1x16xf32>,
      %swap3A_136 = vector.shape_cast %swap3A_135 : vector<1x16xf32> to vector<16xf32>
      %swap3A_137 = vector.shape_cast %mul3A_132 : vector<16xf32> to vector<1x16xf32>
      tpu.vector_store %arg15[%swap3A_133, %swap3A_134], %swap3A_137 {strides = array<i32>} : memref<80x128xf32, #tpu.memory_space<vmem>>, vector<1x16xf32>,
    }
    %scan3A_53 = arith.constant 80 : i32
    %dma_start3A_54 = arith.constant 0 : i32
    %dma_start3A_55 = arith.constant 0 : i32
    %dma_start3A_56 = tpu.memref_slice %arg17[%dma_start3A_54, %dma_start3A_55] : memref<10000x128xf32, #tpu.memory_space<vmem_shared>> -> memref<10000x128xf32, #tpu.memory_space<vmem_shared>>
    tpu.enqueue_indirect_dma source(%arg15 : memref<80x128xf32, #tpu.memory_space<vmem>>) target(%dma_start3A_56 : memref<10000x128xf32, #tpu.memory_space<vmem_shared>>) offsets(%arg11 : memref<80xi32, #tpu.memory_space<vmem>>) semaphore(%arg26 : memref<!tpu.dma_semaphore, #tpu.memory_space<semaphore_mem>>) {add = true}
    %dma_wait3A_57 = arith.constant 0 : i32
    %dma_wait3A_58 = arith.constant 0 : i32
    %dma_wait3A_59 = tpu.memref_slice %arg17[%dma_wait3A_57, %dma_wait3A_58] : memref<10000x128xf32, #tpu.memory_space<vmem_shared>> -> memref<10000x128xf32, #tpu.memory_space<vmem_shared>>
    tpu.wait_indirect_dma semaphore(%arg27 : memref<!tpu.dma_semaphore, #tpu.memory_space<semaphore_mem>>) src(%arg16 : memref<80x128xf32, #tpu.memory_space<vmem>>) dst(%dma_wait3A_59 : memref<10000x128xf32, #tpu.memory_space<vmem_shared>>)
    %dma_wait3A_60 = arith.constant 0 : i32
    %dma_wait3A_61 = arith.constant 0 : i32
    %dma_wait3A_62 = tpu.memref_slice %arg17[%dma_wait3A_60, %dma_wait3A_61] : memref<10000x128xf32, #tpu.memory_space<vmem_shared>> -> memref<10000x128xf32, #tpu.memory_space<vmem_shared>>
    tpu.wait_indirect_dma semaphore(%arg26 : memref<!tpu.dma_semaphore, #tpu.memory_space<semaphore_mem>>) src(%arg15 : memref<80x128xf32, #tpu.memory_space<vmem>>) dst(%dma_wait3A_62 : memref<10000x128xf32, #tpu.memory_space<vmem_shared>>)
    %barrier3A_63 = arith.constant 0 : index
    tpu.barrier barrier_id(%barrier3A_63)
    "tpu.region"() ({
      %run_scoped3A = tpu.sem_alloc : memref<!tpu.dma_semaphore, #tpu.memory_space<semaphore_mem>>
      %dma_start3A_69 = arith.constant 0 : i32
      %dma_start3A_70 = tpu.memref_slice %arg6[%arg0, %mul3A_2, %dma_start3A_69] : memref<2x10000x128xf32, #tpu.memory_space<hbm>> -> memref<1x624x128xf32, #tpu.memory_space<hbm>>
      %dma_start3A_71 = tpu.memref_squeeze %dma_start3A_70 : memref<1x624x128xf32, #tpu.memory_space<hbm>> -> memref<624x128xf32, #tpu.memory_space<hbm>>
      %dma_start3A_72 = arith.constant 0 : i32
      %dma_start3A_73 = tpu.memref_slice %arg17[%mul3A_2, %dma_start3A_72] : memref<10000x128xf32, #tpu.memory_space<vmem_shared>> -> memref<624x128xf32, #tpu.memory_space<vmem_shared>>
      tpu.enqueue_dma source(%dma_start3A_73 : memref<624x128xf32, #tpu.memory_space<vmem_shared>>) target(%dma_start3A_71 : memref<624x128xf32, #tpu.memory_space<hbm>>) target_semaphore(%run_scoped3A : memref<!tpu.dma_semaphore, #tpu.memory_space<semaphore_mem>>)
      %dma_wait3A_74 = arith.constant 0 : i32
      %dma_wait3A_75 = tpu.memref_slice %arg6[%arg0, %mul3A_2, %dma_wait3A_74] : memref<2x10000x128xf32, #tpu.memory_space<hbm>> -> memref<1x624x128xf32, #tpu.memory_space<hbm>>
      %dma_wait3A_76 = tpu.memref_squeeze %dma_wait3A_75 : memref<1x624x128xf32, #tpu.memory_space<hbm>> -> memref<624x128xf32, #tpu.memory_space<hbm>>
      %dma_wait3A_77 = arith.constant 0 : i32
      %dma_wait3A_78 = tpu.memref_slice %arg17[%mul3A_2, %dma_wait3A_77] : memref<10000x128xf32, #tpu.memory_space<vmem_shared>> -> memref<624x128xf32, #tpu.memory_space<vmem_shared>>
      tpu.wait_dma2 semaphore(%run_scoped3A : memref<!tpu.dma_semaphore, #tpu.memory_space<semaphore_mem>>) src(%dma_wait3A_78 : memref<624x128xf32, #tpu.memory_space<vmem_shared>>) dst(%dma_wait3A_76 : memref<624x128xf32, #tpu.memory_space<hbm>>)
      tpu.yield
    }) : () -> ()
    %eq3A_64 = arith.constant 0 : i32
    %eq3A_65 = arith.cmpi eq, %arg1, %eq3A_64 : i32
    %convert_element_type3A_66 = arith.extui %eq3A_65 : i1 to i32
    %cond3A_67 = arith.constant 0 : i32
    %cond3A_68 = arith.cmpi ne, %convert_element_type3A_66, %cond3A_67 : i32
    scf.if %cond3A_68 {
      "tpu.region"() ({
        %run_scoped3A = tpu.sem_alloc : memref<!tpu.dma_semaphore, #tpu.memory_space<semaphore_mem>>
        %dma_start3A_69 = arith.constant 9984 : i32
        %dma_start3A_70 = arith.constant 0 : i32
        %dma_start3A_71 = tpu.memref_slice %arg6[%arg0, %dma_start3A_69, %dma_start3A_70] : memref<2x10000x128xf32, #tpu.memory_space<hbm>> -> memref<1x16x128xf32, #tpu.memory_space<hbm>>
        %dma_start3A_72 = tpu.memref_squeeze %dma_start3A_71 : memref<1x16x128xf32, #tpu.memory_space<hbm>> -> memref<16x128xf32, #tpu.memory_space<hbm>>
        %dma_start3A_73 = arith.constant 9984 : i32
        %dma_start3A_74 = arith.constant 0 : i32
        %dma_start3A_75 = tpu.memref_slice %arg17[%dma_start3A_73, %dma_start3A_74] : memref<10000x128xf32, #tpu.memory_space<vmem_shared>> -> memref<16x128xf32, #tpu.memory_space<vmem_shared>>
        tpu.enqueue_dma source(%dma_start3A_75 : memref<16x128xf32, #tpu.memory_space<vmem_shared>>) target(%dma_start3A_72 : memref<16x128xf32, #tpu.memory_space<hbm>>) target_semaphore(%run_scoped3A : memref<!tpu.dma_semaphore, #tpu.memory_space<semaphore_mem>>)
        %dma_wait3A_76 = arith.constant 9984 : i32
        %dma_wait3A_77 = arith.constant 0 : i32
        %dma_wait3A_78 = tpu.memref_slice %arg6[%arg0, %dma_wait3A_76, %dma_wait3A_77] : memref<2x10000x128xf32, #tpu.memory_space<hbm>> -> memref<1x16x128xf32, #tpu.memory_space<hbm>>
        %dma_wait3A_79 = tpu.memref_squeeze %dma_wait3A_78 : memref<1x16x128xf32, #tpu.memory_space<hbm>> -> memref<16x128xf32, #tpu.memory_space<hbm>>
        %dma_wait3A_80 = arith.constant 9984 : i32
        %dma_wait3A_81 = arith.constant 0 : i32
        %dma_wait3A_82 = tpu.memref_slice %arg17[%dma_wait3A_80, %dma_wait3A_81] : memref<10000x128xf32, #tpu.memory_space<vmem_shared>> -> memref<16x128xf32, #tpu.memory_space<vmem_shared>>
        tpu.wait_dma2 semaphore(%run_scoped3A : memref<!tpu.dma_semaphore, #tpu.memory_space<semaphore_mem>>) src(%dma_wait3A_82 : memref<16x128xf32, #tpu.memory_space<vmem_shared>>) dst(%dma_wait3A_79 : memref<16x128xf32, #tpu.memory_space<hbm>>)
        tpu.yield
      }) : () -> ()
    } else {
    }
    return
  }
}

#map = affine_map<(d0, d1) -> (0)>
#map1 = affine_map<(d0, d1) -> (0, 0)>
#map2 = affine_map<(d0, d1) -> (0, 0, 0)>
module attributes {stable_mosaic.version = 14 : i64} {
  func.func @edge_kernel(%arg0: i32, %arg1: i32, %arg2: memref<320000xi32, #tpu.memory_space<hbm>>, %arg3: memref<320000xi32, #tpu.memory_space<hbm>>, %arg4: memref<10000x128xf32, #tpu.memory_space<hbm>>, %arg5: memref<10000x128xf32, #tpu.memory_space<hbm>>, %arg6: memref<2x10000x128xf32, #tpu.memory_space<hbm>>, %arg7: memref<80xi32, #tpu.memory_space<vmem>>, %arg8: memref<80xi32, #tpu.memory_space<vmem>>, %arg9: memref<80xi32, #tpu.memory_space<vmem>>, %arg10: memref<80xi32, #tpu.memory_space<vmem>>, %arg11: memref<80xi32, #tpu.memory_space<vmem>>, %arg12: memref<80xi32, #tpu.memory_space<vmem>>, %arg13: memref<80x128xf32, #tpu.memory_space<vmem>>, %arg14: memref<80x128xf32, #tpu.memory_space<vmem>>, %arg15: memref<80x128xf32, #tpu.memory_space<vmem>>, %arg16: memref<80x128xf32, #tpu.memory_space<vmem>>, %arg17: memref<10000x128xf32, #tpu.memory_space<vmem_shared>>, %arg18: memref<!tpu.dma_semaphore, #tpu.memory_space<semaphore_mem>>, %arg19: memref<!tpu.dma_semaphore, #tpu.memory_space<semaphore_mem>>, %arg20: memref<!tpu.dma_semaphore, #tpu.memory_space<semaphore_mem>>, %arg21: memref<!tpu.dma_semaphore, #tpu.memory_space<semaphore_mem>>, %arg22: memref<!tpu.dma_semaphore, #tpu.memory_space<semaphore_mem>>, %arg23: memref<!tpu.dma_semaphore, #tpu.memory_space<semaphore_mem>>, %arg24: memref<!tpu.dma_semaphore, #tpu.memory_space<semaphore_mem>>, %arg25: memref<!tpu.dma_semaphore, #tpu.memory_space<semaphore_mem>>, %arg26: memref<!tpu.dma_semaphore, #tpu.memory_space<semaphore_mem>>, %arg27: memref<!tpu.dma_semaphore, #tpu.memory_space<semaphore_mem>>) attributes {dimension_semantics = [#tpu.dimension_semantics<core_parallel>, #tpu.dimension_semantics<subcore_parallel>], iteration_bounds = array<i64: 2, 16>, scalar_prefetch = 0 : i64, scratch_operands = 21 : i64, tpu.core_type = #tpu.core_type<sc_vector_subcore>, window_params = [{transform_indices = #map}, {transform_indices = #map}, {transform_indices = #map1}, {transform_indices = #map1}, {transform_indices = #map2}]} {
    %mul3A = arith.constant 2 : i32
    %mul3A_0 = arith.muli %arg1, %mul3A : i32
    %add3A = arith.addi %mul3A_0, %arg0 : i32
    %mul3A_1 = arith.constant 624 : i32
    %mul3A_2 = arith.muli %arg1, %mul3A_1 : i32
    %mul3A_3 = arith.constant 10000 : i32
    %mul3A_4 = arith.muli %add3A, %mul3A_3 : i32
    "tpu.region"() ({
      %run_scoped3A = tpu.sem_alloc : memref<!tpu.dma_semaphore, #tpu.memory_space<semaphore_mem>>
      %dma_start3A_69 = arith.constant 0 : i32
      %dma_start3A_70 = tpu.memref_slice %arg17[%mul3A_2, %dma_start3A_69] : memref<10000x128xf32, #tpu.memory_space<vmem_shared>> -> memref<624x128xf32, #tpu.memory_space<vmem_shared>>
      %dma_start3A_71 = arith.constant 0 : i32
      %dma_start3A_72 = tpu.memref_slice %arg5[%mul3A_2, %dma_start3A_71] : memref<10000x128xf32, #tpu.memory_space<hbm>> -> memref<624x128xf32, #tpu.memory_space<hbm>>
      tpu.enqueue_dma source(%dma_start3A_72 : memref<624x128xf32, #tpu.memory_space<hbm>>) target(%dma_start3A_70 : memref<624x128xf32, #tpu.memory_space<vmem_shared>>) target_semaphore(%run_scoped3A : memref<!tpu.dma_semaphore, #tpu.memory_space<semaphore_mem>>)
      %dma_wait3A_73 = arith.constant 0 : i32
      %dma_wait3A_74 = tpu.memref_slice %arg17[%mul3A_2, %dma_wait3A_73] : memref<10000x128xf32, #tpu.memory_space<vmem_shared>> -> memref<624x128xf32, #tpu.memory_space<vmem_shared>>
      %dma_wait3A_75 = arith.constant 0 : i32
      %dma_wait3A_76 = tpu.memref_slice %arg5[%mul3A_2, %dma_wait3A_75] : memref<10000x128xf32, #tpu.memory_space<hbm>> -> memref<624x128xf32, #tpu.memory_space<hbm>>
      tpu.wait_dma2 semaphore(%run_scoped3A : memref<!tpu.dma_semaphore, #tpu.memory_space<semaphore_mem>>) src(%dma_wait3A_76 : memref<624x128xf32, #tpu.memory_space<hbm>>) dst(%dma_wait3A_74 : memref<624x128xf32, #tpu.memory_space<vmem_shared>>)
      tpu.yield
    }) : () -> ()
    %eq3A = arith.constant 0 : i32
    %eq3A_5 = arith.cmpi eq, %arg1, %eq3A : i32
    %convert_element_type3A = arith.extui %eq3A_5 : i1 to i32
    %cond3A = arith.constant 0 : i32
    %cond3A_6 = arith.cmpi ne, %convert_element_type3A, %cond3A : i32
    scf.if %cond3A_6 {
      "tpu.region"() ({
        %run_scoped3A = tpu.sem_alloc : memref<!tpu.dma_semaphore, #tpu.memory_space<semaphore_mem>>
        %dma_start3A_69 = arith.constant 9984 : i32
        %dma_start3A_70 = arith.constant 0 : i32
        %dma_start3A_71 = tpu.memref_slice %arg17[%dma_start3A_69, %dma_start3A_70] : memref<10000x128xf32, #tpu.memory_space<vmem_shared>> -> memref<16x128xf32, #tpu.memory_space<vmem_shared>>
        %dma_start3A_72 = arith.constant 9984 : i32
        %dma_start3A_73 = arith.constant 0 : i32
        %dma_start3A_74 = tpu.memref_slice %arg5[%dma_start3A_72, %dma_start3A_73] : memref<10000x128xf32, #tpu.memory_space<hbm>> -> memref<16x128xf32, #tpu.memory_space<hbm>>
        tpu.enqueue_dma source(%dma_start3A_74 : memref<16x128xf32, #tpu.memory_space<hbm>>) target(%dma_start3A_71 : memref<16x128xf32, #tpu.memory_space<vmem_shared>>) target_semaphore(%run_scoped3A : memref<!tpu.dma_semaphore, #tpu.memory_space<semaphore_mem>>)
        %dma_wait3A_75 = arith.constant 9984 : i32
        %dma_wait3A_76 = arith.constant 0 : i32
        %dma_wait3A_77 = tpu.memref_slice %arg17[%dma_wait3A_75, %dma_wait3A_76] : memref<10000x128xf32, #tpu.memory_space<vmem_shared>> -> memref<16x128xf32, #tpu.memory_space<vmem_shared>>
        %dma_wait3A_78 = arith.constant 9984 : i32
        %dma_wait3A_79 = arith.constant 0 : i32
        %dma_wait3A_80 = tpu.memref_slice %arg5[%dma_wait3A_78, %dma_wait3A_79] : memref<10000x128xf32, #tpu.memory_space<hbm>> -> memref<16x128xf32, #tpu.memory_space<hbm>>
        tpu.wait_dma2 semaphore(%run_scoped3A : memref<!tpu.dma_semaphore, #tpu.memory_space<semaphore_mem>>) src(%dma_wait3A_80 : memref<16x128xf32, #tpu.memory_space<hbm>>) dst(%dma_wait3A_77 : memref<16x128xf32, #tpu.memory_space<vmem_shared>>)
        tpu.yield
      }) : () -> ()
    } else {
    }
    %barrier3A = arith.constant 0 : index
    tpu.barrier barrier_id(%barrier3A)
    %add3A_7 = arith.constant 0 : i32
    %add3A_8 = arith.addi %mul3A_4, %add3A_7 : i32
    %dma_start3A = tpu.memref_slice %arg2[%add3A_8] : memref<320000xi32, #tpu.memory_space<hbm>> -> memref<80xi32, #tpu.memory_space<hbm>>
    %dma_start3A_9 = tpu.memref_slice %arg2[%add3A_8] : memref<320000xi32, #tpu.memory_space<hbm>> -> memref<80xi32, #tpu.memory_space<hbm>>
    tpu.enqueue_dma source(%dma_start3A_9 : memref<80xi32, #tpu.memory_space<hbm>>) target(%arg7 : memref<80xi32, #tpu.memory_space<vmem>>) target_semaphore(%arg18 : memref<!tpu.dma_semaphore, #tpu.memory_space<semaphore_mem>>)
    %dma_start3A_10 = tpu.memref_slice %arg3[%add3A_8] : memref<320000xi32, #tpu.memory_space<hbm>> -> memref<80xi32, #tpu.memory_space<hbm>>
    %dma_start3A_11 = tpu.memref_slice %arg3[%add3A_8] : memref<320000xi32, #tpu.memory_space<hbm>> -> memref<80xi32, #tpu.memory_space<hbm>>
    tpu.enqueue_dma source(%dma_start3A_11 : memref<80xi32, #tpu.memory_space<hbm>>) target(%arg9 : memref<80xi32, #tpu.memory_space<vmem>>) target_semaphore(%arg18 : memref<!tpu.dma_semaphore, #tpu.memory_space<semaphore_mem>>)
    %add3A_12 = arith.constant 80 : i32
    %add3A_13 = arith.addi %mul3A_4, %add3A_12 : i32
    %dma_start3A_14 = tpu.memref_slice %arg2[%add3A_13] : memref<320000xi32, #tpu.memory_space<hbm>> -> memref<80xi32, #tpu.memory_space<hbm>>
    %dma_start3A_15 = tpu.memref_slice %arg2[%add3A_13] : memref<320000xi32, #tpu.memory_space<hbm>> -> memref<80xi32, #tpu.memory_space<hbm>>
    tpu.enqueue_dma source(%dma_start3A_15 : memref<80xi32, #tpu.memory_space<hbm>>) target(%arg8 : memref<80xi32, #tpu.memory_space<vmem>>) target_semaphore(%arg19 : memref<!tpu.dma_semaphore, #tpu.memory_space<semaphore_mem>>)
    %dma_start3A_16 = tpu.memref_slice %arg3[%add3A_13] : memref<320000xi32, #tpu.memory_space<hbm>> -> memref<80xi32, #tpu.memory_space<hbm>>
    %dma_start3A_17 = tpu.memref_slice %arg3[%add3A_13] : memref<320000xi32, #tpu.memory_space<hbm>> -> memref<80xi32, #tpu.memory_space<hbm>>
    tpu.enqueue_dma source(%dma_start3A_17 : memref<80xi32, #tpu.memory_space<hbm>>) target(%arg10 : memref<80xi32, #tpu.memory_space<vmem>>) target_semaphore(%arg19 : memref<!tpu.dma_semaphore, #tpu.memory_space<semaphore_mem>>)
    %add3A_18 = arith.constant 0 : i32
    %add3A_19 = arith.addi %mul3A_4, %add3A_18 : i32
    %dma_start3A_20 = tpu.memref_slice %arg3[%add3A_19] : memref<320000xi32, #tpu.memory_space<hbm>> -> memref<80xi32, #tpu.memory_space<hbm>>
    %dma_start3A_21 = tpu.memref_slice %arg3[%add3A_19] : memref<320000xi32, #tpu.memory_space<hbm>> -> memref<80xi32, #tpu.memory_space<hbm>>
    tpu.enqueue_dma source(%dma_start3A_21 : memref<80xi32, #tpu.memory_space<hbm>>) target(%arg11 : memref<80xi32, #tpu.memory_space<vmem>>) target_semaphore(%arg20 : memref<!tpu.dma_semaphore, #tpu.memory_space<semaphore_mem>>)
    %dma_wait3A = arith.constant 0 : i32
    %dma_wait3A_22 = tpu.memref_slice %arg2[%dma_wait3A] : memref<320000xi32, #tpu.memory_space<hbm>> -> memref<80xi32, #tpu.memory_space<hbm>>
    %dma_wait3A_23 = arith.constant 0 : i32
    %dma_wait3A_24 = tpu.memref_slice %arg2[%dma_wait3A_23] : memref<320000xi32, #tpu.memory_space<hbm>> -> memref<80xi32, #tpu.memory_space<hbm>>
    tpu.wait_dma2 semaphore(%arg18 : memref<!tpu.dma_semaphore, #tpu.memory_space<semaphore_mem>>) src(%dma_wait3A_24 : memref<80xi32, #tpu.memory_space<hbm>>) dst(%arg7 : memref<80xi32, #tpu.memory_space<vmem>>)
    %dma_wait3A_25 = arith.constant 0 : i32
    %dma_wait3A_26 = tpu.memref_slice %arg3[%dma_wait3A_25] : memref<320000xi32, #tpu.memory_space<hbm>> -> memref<80xi32, #tpu.memory_space<hbm>>
    %dma_wait3A_27 = arith.constant 0 : i32
    %dma_wait3A_28 = tpu.memref_slice %arg3[%dma_wait3A_27] : memref<320000xi32, #tpu.memory_space<hbm>> -> memref<80xi32, #tpu.memory_space<hbm>>
    tpu.wait_dma2 semaphore(%arg18 : memref<!tpu.dma_semaphore, #tpu.memory_space<semaphore_mem>>) src(%dma_wait3A_28 : memref<80xi32, #tpu.memory_space<hbm>>) dst(%arg9 : memref<80xi32, #tpu.memory_space<vmem>>)
    %dma_start3A_29 = arith.constant 0 : i32
    %dma_start3A_30 = arith.constant 0 : i32
    %dma_start3A_31 = tpu.memref_slice %arg4[%dma_start3A_29, %dma_start3A_30] : memref<10000x128xf32, #tpu.memory_space<hbm>> -> memref<10000x128xf32, #tpu.memory_space<hbm>>
    tpu.enqueue_indirect_dma source(%dma_start3A_31 : memref<10000x128xf32, #tpu.memory_space<hbm>>) target(%arg13 : memref<80x128xf32, #tpu.memory_space<vmem>>) offsets(%arg7 : memref<80xi32, #tpu.memory_space<vmem>>) semaphore(%arg22 : memref<!tpu.dma_semaphore, #tpu.memory_space<semaphore_mem>>)
    %dma_start3A_32 = arith.constant 0 : i32
    %dma_start3A_33 = arith.constant 0 : i32
    %dma_start3A_34 = tpu.memref_slice %arg4[%dma_start3A_32, %dma_start3A_33] : memref<10000x128xf32, #tpu.memory_space<hbm>> -> memref<10000x128xf32, #tpu.memory_space<hbm>>
    tpu.enqueue_indirect_dma source(%dma_start3A_34 : memref<10000x128xf32, #tpu.memory_space<hbm>>) target(%arg15 : memref<80x128xf32, #tpu.memory_space<vmem>>) offsets(%arg9 : memref<80xi32, #tpu.memory_space<vmem>>) semaphore(%arg24 : memref<!tpu.dma_semaphore, #tpu.memory_space<semaphore_mem>>)
    %scan3A = arith.constant 0 : i32
    %scan3A_35 = arith.constant 62 : i32
    %scan3A_36 = arith.addi %scan3A, %scan3A_35 : i32
    %scan3A_37 = arith.constant 1 : i32
    scf.for %scan3A_69 = %scan3A to %scan3A_36 step %scan3A_37  : i32 {
      %mul3A_70 = arith.constant 1 : i32
      %mul3A_71 = arith.muli %scan3A_69, %mul3A_70 : i32
      %add3A_72 = arith.constant 0 : i32
      %add3A_73 = arith.addi %add3A_72, %mul3A_71 : i32
      %mul3A_74 = arith.constant 2 : i32
      %mul3A_75 = arith.muli %mul3A_74, %add3A_73 : i32
      %dma_wait3A_76 = arith.constant 0 : i32
      %dma_wait3A_77 = tpu.memref_slice %arg2[%dma_wait3A_76] : memref<320000xi32, #tpu.memory_space<hbm>> -> memref<80xi32, #tpu.memory_space<hbm>>
      %dma_wait3A_78 = arith.constant 0 : i32
      %dma_wait3A_79 = tpu.memref_slice %arg2[%dma_wait3A_78] : memref<320000xi32, #tpu.memory_space<hbm>> -> memref<80xi32, #tpu.memory_space<hbm>>
      tpu.wait_dma2 semaphore(%arg19 : memref<!tpu.dma_semaphore, #tpu.memory_space<semaphore_mem>>) src(%dma_wait3A_79 : memref<80xi32, #tpu.memory_space<hbm>>) dst(%arg8 : memref<80xi32, #tpu.memory_space<vmem>>)
      %dma_wait3A_80 = arith.constant 0 : i32
      %dma_wait3A_81 = tpu.memref_slice %arg3[%dma_wait3A_80] : memref<320000xi32, #tpu.memory_space<hbm>> -> memref<80xi32, #tpu.memory_space<hbm>>
      %dma_wait3A_82 = arith.constant 0 : i32
      %dma_wait3A_83 = tpu.memref_slice %arg3[%dma_wait3A_82] : memref<320000xi32, #tpu.memory_space<hbm>> -> memref<80xi32, #tpu.memory_space<hbm>>
      tpu.wait_dma2 semaphore(%arg19 : memref<!tpu.dma_semaphore, #tpu.memory_space<semaphore_mem>>) src(%dma_wait3A_83 : memref<80xi32, #tpu.memory_space<hbm>>) dst(%arg10 : memref<80xi32, #tpu.memory_space<vmem>>)
      %dma_start3A_84 = arith.constant 0 : i32
      %dma_start3A_85 = arith.constant 0 : i32
      %dma_start3A_86 = tpu.memref_slice %arg4[%dma_start3A_84, %dma_start3A_85] : memref<10000x128xf32, #tpu.memory_space<hbm>> -> memref<10000x128xf32, #tpu.memory_space<hbm>>
      tpu.enqueue_indirect_dma source(%dma_start3A_86 : memref<10000x128xf32, #tpu.memory_space<hbm>>) target(%arg14 : memref<80x128xf32, #tpu.memory_space<vmem>>) offsets(%arg8 : memref<80xi32, #tpu.memory_space<vmem>>) semaphore(%arg23 : memref<!tpu.dma_semaphore, #tpu.memory_space<semaphore_mem>>)
      %dma_wait3A_87 = arith.constant 0 : i32
      %dma_wait3A_88 = arith.constant 0 : i32
      %dma_wait3A_89 = tpu.memref_slice %arg4[%dma_wait3A_87, %dma_wait3A_88] : memref<10000x128xf32, #tpu.memory_space<hbm>> -> memref<10000x128xf32, #tpu.memory_space<hbm>>
      tpu.wait_indirect_dma semaphore(%arg22 : memref<!tpu.dma_semaphore, #tpu.memory_space<semaphore_mem>>) src(%dma_wait3A_89 : memref<10000x128xf32, #tpu.memory_space<hbm>>) dst(%arg13 : memref<80x128xf32, #tpu.memory_space<vmem>>)
      %dma_wait3A_90 = arith.constant 0 : i32
      %dma_wait3A_91 = arith.constant 0 : i32
      %dma_wait3A_92 = tpu.memref_slice %arg4[%dma_wait3A_90, %dma_wait3A_91] : memref<10000x128xf32, #tpu.memory_space<hbm>> -> memref<10000x128xf32, #tpu.memory_space<hbm>>
      tpu.wait_indirect_dma semaphore(%arg24 : memref<!tpu.dma_semaphore, #tpu.memory_space<semaphore_mem>>) src(%dma_wait3A_92 : memref<10000x128xf32, #tpu.memory_space<hbm>>) dst(%arg15 : memref<80x128xf32, #tpu.memory_space<vmem>>)
      %dma_wait3A_93 = arith.constant 0 : i32
      %dma_wait3A_94 = tpu.memref_slice %arg3[%dma_wait3A_93] : memref<320000xi32, #tpu.memory_space<hbm>> -> memref<80xi32, #tpu.memory_space<hbm>>
      %dma_wait3A_95 = arith.constant 0 : i32
      %dma_wait3A_96 = tpu.memref_slice %arg3[%dma_wait3A_95] : memref<320000xi32, #tpu.memory_space<hbm>> -> memref<80xi32, #tpu.memory_space<hbm>>
      tpu.wait_dma2 semaphore(%arg20 : memref<!tpu.dma_semaphore, #tpu.memory_space<semaphore_mem>>) src(%dma_wait3A_96 : memref<80xi32, #tpu.memory_space<hbm>>) dst(%arg11 : memref<80xi32, #tpu.memory_space<vmem>>)
      %scan3A_97 = arith.constant 0 : i32
      %scan3A_98 = arith.constant 80 : i32
      %scan3A_99 = arith.addi %scan3A_97, %scan3A_98 : i32
      %scan3A_100 = arith.constant 1 : i32
      scf.for %scan3A_178 = %scan3A_97 to %scan3A_99 step %scan3A_100  : i32 {
        %mul3A_179 = arith.constant 1 : i32
        %mul3A_180 = arith.muli %scan3A_178, %mul3A_179 : i32
        %add3A_181 = arith.constant 0 : i32
        %add3A_182 = arith.addi %add3A_181, %mul3A_180 : i32
        %get3A = arith.index_cast %add3A_182 : i32 to index
        %get3A_183 = arith.constant 16 : index
        %get3A_184 = tpu.vector_load %arg13[%get3A, %get3A_183] {strides = array<i32>} : memref<80x128xf32, #tpu.memory_space<vmem>>, vector<1x16xf32>,
        %get3A_185 = vector.shape_cast %get3A_184 : vector<1x16xf32> to vector<16xf32>
        %get3A_186 = arith.index_cast %add3A_182 : i32 to index
        %get3A_187 = arith.constant 32 : index
        %get3A_188 = tpu.vector_load %arg15[%get3A_186, %get3A_187] {strides = array<i32>} : memref<80x128xf32, #tpu.memory_space<vmem>>, vector<1x16xf32>,
        %get3A_189 = vector.shape_cast %get3A_188 : vector<1x16xf32> to vector<16xf32>
        %add3A_190 = arith.addf %get3A_185, %get3A_189 : vector<16xf32>
        %mul3A_191 = arith.constant 2.000000e-01 : f32
        %mul3A_192 = vector.broadcast %mul3A_191 : f32 to vector<16xf32>
        %mul3A_193 = arith.mulf %mul3A_192, %add3A_190 : vector<16xf32>
        %max3A = arith.maximumf %add3A_190, %mul3A_193 : vector<16xf32>
        %exp3A = math.exp %max3A : vector<16xf32>
        %swap3A = arith.index_cast %add3A_182 : i32 to index
        %swap3A_194 = arith.constant 16 : index
        %swap3A_195 = tpu.vector_load %arg15[%swap3A, %swap3A_194] {strides = array<i32>} : memref<80x128xf32, #tpu.memory_space<vmem>>, vector<1x16xf32>,
        %swap3A_196 = vector.shape_cast %swap3A_195 : vector<1x16xf32> to vector<16xf32>
        %swap3A_197 = vector.shape_cast %exp3A : vector<16xf32> to vector<1x16xf32>
        tpu.vector_store %arg15[%swap3A, %swap3A_194], %swap3A_197 {strides = array<i32>} : memref<80x128xf32, #tpu.memory_space<vmem>>, vector<1x16xf32>,
        %slice3A = vector.extract_strided_slice %exp3A {offsets = [0], sizes = [1], strides = [1]} : vector<16xf32> to vector<1xf32>
        %squeeze3A = vector.extract %slice3A[0] : f32 from vector<1xf32>
        %broadcast_in_dim3A = vector.broadcast %squeeze3A : f32 to vector<16xf32>
        %get3A_198 = arith.index_cast %add3A_182 : i32 to index
        %get3A_199 = arith.constant 0 : index
        %get3A_200 = tpu.vector_load %arg13[%get3A_198, %get3A_199] {strides = array<i32>} : memref<80x128xf32, #tpu.memory_space<vmem>>, vector<1x16xf32>,
        %get3A_201 = vector.shape_cast %get3A_200 : vector<1x16xf32> to vector<16xf32>
        %mul3A_202 = arith.mulf %get3A_201, %broadcast_in_dim3A : vector<16xf32>
        %swap3A_203 = arith.index_cast %add3A_182 : i32 to index
        %swap3A_204 = arith.constant 0 : index
        %swap3A_205 = tpu.vector_load %arg15[%swap3A_203, %swap3A_204] {strides = array<i32>} : memref<80x128xf32, #tpu.memory_space<vmem>>, vector<1x16xf32>,
        %swap3A_206 = vector.shape_cast %swap3A_205 : vector<1x16xf32> to vector<16xf32>
        %swap3A_207 = vector.shape_cast %mul3A_202 : vector<16xf32> to vector<1x16xf32>
        tpu.vector_store %arg15[%swap3A_203, %swap3A_204], %swap3A_207 {strides = array<i32>} : memref<80x128xf32, #tpu.memory_space<vmem>>, vector<1x16xf32>,
      }
      %scan3A_101 = arith.constant 80 : i32
      %dma_start3A_102 = arith.constant 0 : i32
      %dma_start3A_103 = arith.constant 0 : i32
      %dma_start3A_104 = tpu.memref_slice %arg17[%dma_start3A_102, %dma_start3A_103] : memref<10000x128xf32, #tpu.memory_space<vmem_shared>> -> memref<10000x128xf32, #tpu.memory_space<vmem_shared>>
      tpu.enqueue_indirect_dma source(%arg15 : memref<80x128xf32, #tpu.memory_space<vmem>>) target(%dma_start3A_104 : memref<10000x128xf32, #tpu.memory_space<vmem_shared>>) offsets(%arg11 : memref<80xi32, #tpu.memory_space<vmem>>) semaphore(%arg26 : memref<!tpu.dma_semaphore, #tpu.memory_space<semaphore_mem>>) {add = true}
      %gt3A = arith.constant 0 : i32
      %gt3A_105 = arith.cmpi sgt, %add3A_73, %gt3A : i32
      %convert_element_type3A_106 = arith.extui %gt3A_105 : i1 to i32
      %cond3A_107 = arith.constant 0 : i32
      %cond3A_108 = arith.cmpi ne, %convert_element_type3A_106, %cond3A_107 : i32
      scf.if %cond3A_108 {
        %dma_wait3A_178 = arith.constant 0 : i32
        %dma_wait3A_179 = arith.constant 0 : i32
        %dma_wait3A_180 = tpu.memref_slice %arg17[%dma_wait3A_178, %dma_wait3A_179] : memref<10000x128xf32, #tpu.memory_space<vmem_shared>> -> memref<10000x128xf32, #tpu.memory_space<vmem_shared>>
        tpu.wait_indirect_dma semaphore(%arg27 : memref<!tpu.dma_semaphore, #tpu.memory_space<semaphore_mem>>) src(%arg16 : memref<80x128xf32, #tpu.memory_space<vmem>>) dst(%dma_wait3A_180 : memref<10000x128xf32, #tpu.memory_space<vmem_shared>>)
      } else {
      }
      %dma_start3A_109 = arith.constant 0 : i32
      %dma_start3A_110 = arith.constant 0 : i32
      %dma_start3A_111 = tpu.memref_slice %arg4[%dma_start3A_109, %dma_start3A_110] : memref<10000x128xf32, #tpu.memory_space<hbm>> -> memref<10000x128xf32, #tpu.memory_space<hbm>>
      tpu.enqueue_indirect_dma source(%dma_start3A_111 : memref<10000x128xf32, #tpu.memory_space<hbm>>) target(%arg16 : memref<80x128xf32, #tpu.memory_space<vmem>>) offsets(%arg10 : memref<80xi32, #tpu.memory_space<vmem>>) semaphore(%arg25 : memref<!tpu.dma_semaphore, #tpu.memory_space<semaphore_mem>>)
      %add3A_112 = arith.constant 1 : i32
      %add3A_113 = arith.addi %mul3A_75, %add3A_112 : i32
      %mul3A_114 = arith.constant 80 : i32
      %mul3A_115 = arith.muli %add3A_113, %mul3A_114 : i32
      %add3A_116 = arith.addi %mul3A_4, %mul3A_115 : i32
      %dma_start3A_117 = tpu.memref_slice %arg3[%add3A_116] : memref<320000xi32, #tpu.memory_space<hbm>> -> memref<80xi32, #tpu.memory_space<hbm>>
      %dma_start3A_118 = tpu.memref_slice %arg3[%add3A_116] : memref<320000xi32, #tpu.memory_space<hbm>> -> memref<80xi32, #tpu.memory_space<hbm>>
      tpu.enqueue_dma source(%dma_start3A_118 : memref<80xi32, #tpu.memory_space<hbm>>) target(%arg12 : memref<80xi32, #tpu.memory_space<vmem>>) target_semaphore(%arg21 : memref<!tpu.dma_semaphore, #tpu.memory_space<semaphore_mem>>)
      %add3A_119 = arith.constant 2 : i32
      %add3A_120 = arith.addi %mul3A_75, %add3A_119 : i32
      %mul3A_121 = arith.constant 80 : i32
      %mul3A_122 = arith.muli %add3A_120, %mul3A_121 : i32
      %add3A_123 = arith.addi %mul3A_4, %mul3A_122 : i32
      %dma_start3A_124 = tpu.memref_slice %arg2[%add3A_123] : memref<320000xi32, #tpu.memory_space<hbm>> -> memref<80xi32, #tpu.memory_space<hbm>>
      %dma_start3A_125 = tpu.memref_slice %arg2[%add3A_123] : memref<320000xi32, #tpu.memory_space<hbm>> -> memref<80xi32, #tpu.memory_space<hbm>>
      tpu.enqueue_dma source(%dma_start3A_125 : memref<80xi32, #tpu.memory_space<hbm>>) target(%arg7 : memref<80xi32, #tpu.memory_space<vmem>>) target_semaphore(%arg18 : memref<!tpu.dma_semaphore, #tpu.memory_space<semaphore_mem>>)
      %dma_start3A_126 = tpu.memref_slice %arg3[%add3A_123] : memref<320000xi32, #tpu.memory_space<hbm>> -> memref<80xi32, #tpu.memory_space<hbm>>
      %dma_start3A_127 = tpu.memref_slice %arg3[%add3A_123] : memref<320000xi32, #tpu.memory_space<hbm>> -> memref<80xi32, #tpu.memory_space<hbm>>
      tpu.enqueue_dma source(%dma_start3A_127 : memref<80xi32, #tpu.memory_space<hbm>>) target(%arg9 : memref<80xi32, #tpu.memory_space<vmem>>) target_semaphore(%arg18 : memref<!tpu.dma_semaphore, #tpu.memory_space<semaphore_mem>>)
      %mul3A_128 = arith.constant 2 : i32
      %mul3A_129 = arith.muli %mul3A_128, %add3A_73 : i32
      %add3A_130 = arith.constant 1 : i32
      %add3A_131 = arith.addi %mul3A_129, %add3A_130 : i32
      %dma_wait3A_132 = arith.constant 0 : i32
      %dma_wait3A_133 = tpu.memref_slice %arg2[%dma_wait3A_132] : memref<320000xi32, #tpu.memory_space<hbm>> -> memref<80xi32, #tpu.memory_space<hbm>>
      %dma_wait3A_134 = arith.constant 0 : i32
      %dma_wait3A_135 = tpu.memref_slice %arg2[%dma_wait3A_134] : memref<320000xi32, #tpu.memory_space<hbm>> -> memref<80xi32, #tpu.memory_space<hbm>>
      tpu.wait_dma2 semaphore(%arg18 : memref<!tpu.dma_semaphore, #tpu.memory_space<semaphore_mem>>) src(%dma_wait3A_135 : memref<80xi32, #tpu.memory_space<hbm>>) dst(%arg7 : memref<80xi32, #tpu.memory_space<vmem>>)
      %dma_wait3A_136 = arith.constant 0 : i32
      %dma_wait3A_137 = tpu.memref_slice %arg3[%dma_wait3A_136] : memref<320000xi32, #tpu.memory_space<hbm>> -> memref<80xi32, #tpu.memory_space<hbm>>
      %dma_wait3A_138 = arith.constant 0 : i32
      %dma_wait3A_139 = tpu.memref_slice %arg3[%dma_wait3A_138] : memref<320000xi32, #tpu.memory_space<hbm>> -> memref<80xi32, #tpu.memory_space<hbm>>
      tpu.wait_dma2 semaphore(%arg18 : memref<!tpu.dma_semaphore, #tpu.memory_space<semaphore_mem>>) src(%dma_wait3A_139 : memref<80xi32, #tpu.memory_space<hbm>>) dst(%arg9 : memref<80xi32, #tpu.memory_space<vmem>>)
      %dma_start3A_140 = arith.constant 0 : i32
      %dma_start3A_141 = arith.constant 0 : i32
      %dma_start3A_142 = tpu.memref_slice %arg4[%dma_start3A_140, %dma_start3A_141] : memref<10000x128xf32, #tpu.memory_space<hbm>> -> memref<10000x128xf32, #tpu.memory_space<hbm>>
      tpu.enqueue_indirect_dma source(%dma_start3A_142 : memref<10000x128xf32, #tpu.memory_space<hbm>>) target(%arg13 : memref<80x128xf32, #tpu.memory_space<vmem>>) offsets(%arg7 : memref<80xi32, #tpu.memory_space<vmem>>) semaphore(%arg22 : memref<!tpu.dma_semaphore, #tpu.memory_space<semaphore_mem>>)
      %dma_wait3A_143 = arith.constant 0 : i32
      %dma_wait3A_144 = arith.constant 0 : i32
      %dma_wait3A_145 = tpu.memref_slice %arg4[%dma_wait3A_143, %dma_wait3A_144] : memref<10000x128xf32, #tpu.memory_space<hbm>> -> memref<10000x128xf32, #tpu.memory_space<hbm>>
      tpu.wait_indirect_dma semaphore(%arg23 : memref<!tpu.dma_semaphore, #tpu.memory_space<semaphore_mem>>) src(%dma_wait3A_145 : memref<10000x128xf32, #tpu.memory_space<hbm>>) dst(%arg14 : memref<80x128xf32, #tpu.memory_space<vmem>>)
      %dma_wait3A_146 = arith.constant 0 : i32
      %dma_wait3A_147 = arith.constant 0 : i32
      %dma_wait3A_148 = tpu.memref_slice %arg4[%dma_wait3A_146, %dma_wait3A_147] : memref<10000x128xf32, #tpu.memory_space<hbm>> -> memref<10000x128xf32, #tpu.memory_space<hbm>>
      tpu.wait_indirect_dma semaphore(%arg25 : memref<!tpu.dma_semaphore, #tpu.memory_space<semaphore_mem>>) src(%dma_wait3A_148 : memref<10000x128xf32, #tpu.memory_space<hbm>>) dst(%arg16 : memref<80x128xf32, #tpu.memory_space<vmem>>)
      %dma_wait3A_149 = arith.constant 0 : i32
      %dma_wait3A_150 = tpu.memref_slice %arg3[%dma_wait3A_149] : memref<320000xi32, #tpu.memory_space<hbm>> -> memref<80xi32, #tpu.memory_space<hbm>>
      %dma_wait3A_151 = arith.constant 0 : i32
      %dma_wait3A_152 = tpu.memref_slice %arg3[%dma_wait3A_151] : memref<320000xi32, #tpu.memory_space<hbm>> -> memref<80xi32, #tpu.memory_space<hbm>>
      tpu.wait_dma2 semaphore(%arg21 : memref<!tpu.dma_semaphore, #tpu.memory_space<semaphore_mem>>) src(%dma_wait3A_152 : memref<80xi32, #tpu.memory_space<hbm>>) dst(%arg12 : memref<80xi32, #tpu.memory_space<vmem>>)
      %scan3A_153 = arith.constant 0 : i32
      %scan3A_154 = arith.constant 80 : i32
      %scan3A_155 = arith.addi %scan3A_153, %scan3A_154 : i32
      %scan3A_156 = arith.constant 1 : i32
      scf.for %scan3A_178 = %scan3A_153 to %scan3A_155 step %scan3A_156  : i32 {
        %mul3A_179 = arith.constant 1 : i32
        %mul3A_180 = arith.muli %scan3A_178, %mul3A_179 : i32
        %add3A_181 = arith.constant 0 : i32
        %add3A_182 = arith.addi %add3A_181, %mul3A_180 : i32
        %get3A = arith.index_cast %add3A_182 : i32 to index
        %get3A_183 = arith.constant 16 : index
        %get3A_184 = tpu.vector_load %arg14[%get3A, %get3A_183] {strides = array<i32>} : memref<80x128xf32, #tpu.memory_space<vmem>>, vector<1x16xf32>,
        %get3A_185 = vector.shape_cast %get3A_184 : vector<1x16xf32> to vector<16xf32>
        %get3A_186 = arith.index_cast %add3A_182 : i32 to index
        %get3A_187 = arith.constant 32 : index
        %get3A_188 = tpu.vector_load %arg16[%get3A_186, %get3A_187] {strides = array<i32>} : memref<80x128xf32, #tpu.memory_space<vmem>>, vector<1x16xf32>,
        %get3A_189 = vector.shape_cast %get3A_188 : vector<1x16xf32> to vector<16xf32>
        %add3A_190 = arith.addf %get3A_185, %get3A_189 : vector<16xf32>
        %mul3A_191 = arith.constant 2.000000e-01 : f32
        %mul3A_192 = vector.broadcast %mul3A_191 : f32 to vector<16xf32>
        %mul3A_193 = arith.mulf %mul3A_192, %add3A_190 : vector<16xf32>
        %max3A = arith.maximumf %add3A_190, %mul3A_193 : vector<16xf32>
        %exp3A = math.exp %max3A : vector<16xf32>
        %swap3A = arith.index_cast %add3A_182 : i32 to index
        %swap3A_194 = arith.constant 16 : index
        %swap3A_195 = tpu.vector_load %arg16[%swap3A, %swap3A_194] {strides = array<i32>} : memref<80x128xf32, #tpu.memory_space<vmem>>, vector<1x16xf32>,
        %swap3A_196 = vector.shape_cast %swap3A_195 : vector<1x16xf32> to vector<16xf32>
        %swap3A_197 = vector.shape_cast %exp3A : vector<16xf32> to vector<1x16xf32>
        tpu.vector_store %arg16[%swap3A, %swap3A_194], %swap3A_197 {strides = array<i32>} : memref<80x128xf32, #tpu.memory_space<vmem>>, vector<1x16xf32>,
        %slice3A = vector.extract_strided_slice %exp3A {offsets = [0], sizes = [1], strides = [1]} : vector<16xf32> to vector<1xf32>
        %squeeze3A = vector.extract %slice3A[0] : f32 from vector<1xf32>
        %broadcast_in_dim3A = vector.broadcast %squeeze3A : f32 to vector<16xf32>
        %get3A_198 = arith.index_cast %add3A_182 : i32 to index
        %get3A_199 = arith.constant 0 : index
        %get3A_200 = tpu.vector_load %arg14[%get3A_198, %get3A_199] {strides = array<i32>} : memref<80x128xf32, #tpu.memory_space<vmem>>, vector<1x16xf32>,
        %get3A_201 = vector.shape_cast %get3A_200 : vector<1x16xf32> to vector<16xf32>
        %mul3A_202 = arith.mulf %get3A_201, %broadcast_in_dim3A : vector<16xf32>
        %swap3A_203 = arith.index_cast %add3A_182 : i32 to index
        %swap3A_204 = arith.constant 0 : index
        %swap3A_205 = tpu.vector_load %arg16[%swap3A_203, %swap3A_204] {strides = array<i32>} : memref<80x128xf32, #tpu.memory_space<vmem>>, vector<1x16xf32>,
        %swap3A_206 = vector.shape_cast %swap3A_205 : vector<1x16xf32> to vector<16xf32>
        %swap3A_207 = vector.shape_cast %mul3A_202 : vector<16xf32> to vector<1x16xf32>
        tpu.vector_store %arg16[%swap3A_203, %swap3A_204], %swap3A_207 {strides = array<i32>} : memref<80x128xf32, #tpu.memory_space<vmem>>, vector<1x16xf32>,
      }
      %scan3A_157 = arith.constant 80 : i32
      %dma_start3A_158 = arith.constant 0 : i32
      %dma_start3A_159 = arith.constant 0 : i32
      %dma_start3A_160 = tpu.memref_slice %arg17[%dma_start3A_158, %dma_start3A_159] : memref<10000x128xf32, #tpu.memory_space<vmem_shared>> -> memref<10000x128xf32, #tpu.memory_space<vmem_shared>>
      tpu.enqueue_indirect_dma source(%arg16 : memref<80x128xf32, #tpu.memory_space<vmem>>) target(%dma_start3A_160 : memref<10000x128xf32, #tpu.memory_space<vmem_shared>>) offsets(%arg12 : memref<80xi32, #tpu.memory_space<vmem>>) semaphore(%arg27 : memref<!tpu.dma_semaphore, #tpu.memory_space<semaphore_mem>>) {add = true}
      %dma_wait3A_161 = arith.constant 0 : i32
      %dma_wait3A_162 = arith.constant 0 : i32
      %dma_wait3A_163 = tpu.memref_slice %arg17[%dma_wait3A_161, %dma_wait3A_162] : memref<10000x128xf32, #tpu.memory_space<vmem_shared>> -> memref<10000x128xf32, #tpu.memory_space<vmem_shared>>
      tpu.wait_indirect_dma semaphore(%arg26 : memref<!tpu.dma_semaphore, #tpu.memory_space<semaphore_mem>>) src(%arg15 : memref<80x128xf32, #tpu.memory_space<vmem>>) dst(%dma_wait3A_163 : memref<10000x128xf32, #tpu.memory_space<vmem_shared>>)
      %dma_start3A_164 = arith.constant 0 : i32
      %dma_start3A_165 = arith.constant 0 : i32
      %dma_start3A_166 = tpu.memref_slice %arg4[%dma_start3A_164, %dma_start3A_165] : memref<10000x128xf32, #tpu.memory_space<hbm>> -> memref<10000x128xf32, #tpu.memory_space<hbm>>
      tpu.enqueue_indirect_dma source(%dma_start3A_166 : memref<10000x128xf32, #tpu.memory_space<hbm>>) target(%arg15 : memref<80x128xf32, #tpu.memory_space<vmem>>) offsets(%arg9 : memref<80xi32, #tpu.memory_space<vmem>>) semaphore(%arg24 : memref<!tpu.dma_semaphore, #tpu.memory_space<semaphore_mem>>)
      %add3A_167 = arith.constant 1 : i32
      %add3A_168 = arith.addi %add3A_131, %add3A_167 : i32
      %mul3A_169 = arith.constant 80 : i32
      %mul3A_170 = arith.muli %add3A_168, %mul3A_169 : i32
      %add3A_171 = arith.addi %mul3A_4, %mul3A_170 : i32
      %dma_start3A_172 = tpu.memref_slice %arg3[%add3A_171] : memref<320000xi32, #tpu.memory_space<hbm>> -> memref<80xi32, #tpu.memory_space<hbm>>
      %dma_start3A_173 = tpu.memref_slice %arg3[%add3A_171] : memref<320000xi32, #tpu.memory_space<hbm>> -> memref<80xi32, #tpu.memory_space<hbm>>
      tpu.enqueue_dma source(%dma_start3A_173 : memref<80xi32, #tpu.memory_space<hbm>>) target(%arg11 : memref<80xi32, #tpu.memory_space<vmem>>) target_semaphore(%arg20 : memref<!tpu.dma_semaphore, #tpu.memory_space<semaphore_mem>>)
      %lt3A = arith.constant 61 : i32
      %lt3A_174 = arith.cmpi slt, %add3A_73, %lt3A : i32
      %convert_element_type3A_175 = arith.extui %lt3A_174 : i1 to i32
      %cond3A_176 = arith.constant 0 : i32
      %cond3A_177 = arith.cmpi ne, %convert_element_type3A_175, %cond3A_176 : i32
      scf.if %cond3A_177 {
        %add3A_178 = arith.constant 2 : i32
        %add3A_179 = arith.addi %add3A_131, %add3A_178 : i32
        %mul3A_180 = arith.constant 80 : i32
        %mul3A_181 = arith.muli %add3A_179, %mul3A_180 : i32
        %add3A_182 = arith.addi %mul3A_4, %mul3A_181 : i32
        %dma_start3A_183 = tpu.memref_slice %arg2[%add3A_182] : memref<320000xi32, #tpu.memory_space<hbm>> -> memref<80xi32, #tpu.memory_space<hbm>>
        %dma_start3A_184 = tpu.memref_slice %arg2[%add3A_182] : memref<320000xi32, #tpu.memory_space<hbm>> -> memref<80xi32, #tpu.memory_space<hbm>>
        tpu.enqueue_dma source(%dma_start3A_184 : memref<80xi32, #tpu.memory_space<hbm>>) target(%arg8 : memref<80xi32, #tpu.memory_space<vmem>>) target_semaphore(%arg19 : memref<!tpu.dma_semaphore, #tpu.memory_space<semaphore_mem>>)
        %dma_start3A_185 = tpu.memref_slice %arg3[%add3A_182] : memref<320000xi32, #tpu.memory_space<hbm>> -> memref<80xi32, #tpu.memory_space<hbm>>
        %dma_start3A_186 = tpu.memref_slice %arg3[%add3A_182] : memref<320000xi32, #tpu.memory_space<hbm>> -> memref<80xi32, #tpu.memory_space<hbm>>
        tpu.enqueue_dma source(%dma_start3A_186 : memref<80xi32, #tpu.memory_space<hbm>>) target(%arg10 : memref<80xi32, #tpu.memory_space<vmem>>) target_semaphore(%arg19 : memref<!tpu.dma_semaphore, #tpu.memory_space<semaphore_mem>>)
      } else {
      }
    }
    %scan3A_38 = arith.constant 62 : i32
    %dma_wait3A_39 = arith.constant 0 : i32
    %dma_wait3A_40 = arith.constant 0 : i32
    %dma_wait3A_41 = tpu.memref_slice %arg4[%dma_wait3A_39, %dma_wait3A_40] : memref<10000x128xf32, #tpu.memory_space<hbm>> -> memref<10000x128xf32, #tpu.memory_space<hbm>>
    tpu.wait_indirect_dma semaphore(%arg22 : memref<!tpu.dma_semaphore, #tpu.memory_space<semaphore_mem>>) src(%dma_wait3A_41 : memref<10000x128xf32, #tpu.memory_space<hbm>>) dst(%arg13 : memref<80x128xf32, #tpu.memory_space<vmem>>)
    %dma_wait3A_42 = arith.constant 0 : i32
    %dma_wait3A_43 = arith.constant 0 : i32
    %dma_wait3A_44 = tpu.memref_slice %arg4[%dma_wait3A_42, %dma_wait3A_43] : memref<10000x128xf32, #tpu.memory_space<hbm>> -> memref<10000x128xf32, #tpu.memory_space<hbm>>
    tpu.wait_indirect_dma semaphore(%arg24 : memref<!tpu.dma_semaphore, #tpu.memory_space<semaphore_mem>>) src(%dma_wait3A_44 : memref<10000x128xf32, #tpu.memory_space<hbm>>) dst(%arg15 : memref<80x128xf32, #tpu.memory_space<vmem>>)
    %dma_wait3A_45 = arith.constant 0 : i32
    %dma_wait3A_46 = tpu.memref_slice %arg3[%dma_wait3A_45] : memref<320000xi32, #tpu.memory_space<hbm>> -> memref<80xi32, #tpu.memory_space<hbm>>
    %dma_wait3A_47 = arith.constant 0 : i32
    %dma_wait3A_48 = tpu.memref_slice %arg3[%dma_wait3A_47] : memref<320000xi32, #tpu.memory_space<hbm>> -> memref<80xi32, #tpu.memory_space<hbm>>
    tpu.wait_dma2 semaphore(%arg20 : memref<!tpu.dma_semaphore, #tpu.memory_space<semaphore_mem>>) src(%dma_wait3A_48 : memref<80xi32, #tpu.memory_space<hbm>>) dst(%arg11 : memref<80xi32, #tpu.memory_space<vmem>>)
    %scan3A_49 = arith.constant 0 : i32
    %scan3A_50 = arith.constant 80 : i32
    %scan3A_51 = arith.addi %scan3A_49, %scan3A_50 : i32
    %scan3A_52 = arith.constant 1 : i32
    scf.for %scan3A_69 = %scan3A_49 to %scan3A_51 step %scan3A_52  : i32 {
      %mul3A_70 = arith.constant 1 : i32
      %mul3A_71 = arith.muli %scan3A_69, %mul3A_70 : i32
      %add3A_72 = arith.constant 0 : i32
      %add3A_73 = arith.addi %add3A_72, %mul3A_71 : i32
      %get3A = arith.index_cast %add3A_73 : i32 to index
      %get3A_74 = arith.constant 16 : index
      %get3A_75 = tpu.vector_load %arg13[%get3A, %get3A_74] {strides = array<i32>} : memref<80x128xf32, #tpu.memory_space<vmem>>, vector<1x16xf32>,
      %get3A_76 = vector.shape_cast %get3A_75 : vector<1x16xf32> to vector<16xf32>
      %get3A_77 = arith.index_cast %add3A_73 : i32 to index
      %get3A_78 = arith.constant 32 : index
      %get3A_79 = tpu.vector_load %arg15[%get3A_77, %get3A_78] {strides = array<i32>} : memref<80x128xf32, #tpu.memory_space<vmem>>, vector<1x16xf32>,
      %get3A_80 = vector.shape_cast %get3A_79 : vector<1x16xf32> to vector<16xf32>
      %add3A_81 = arith.addf %get3A_76, %get3A_80 : vector<16xf32>
      %mul3A_82 = arith.constant 2.000000e-01 : f32
      %mul3A_83 = vector.broadcast %mul3A_82 : f32 to vector<16xf32>
      %mul3A_84 = arith.mulf %mul3A_83, %add3A_81 : vector<16xf32>
      %max3A = arith.maximumf %add3A_81, %mul3A_84 : vector<16xf32>
      %exp3A = math.exp %max3A : vector<16xf32>
      %swap3A = arith.index_cast %add3A_73 : i32 to index
      %swap3A_85 = arith.constant 16 : index
      %swap3A_86 = tpu.vector_load %arg15[%swap3A, %swap3A_85] {strides = array<i32>} : memref<80x128xf32, #tpu.memory_space<vmem>>, vector<1x16xf32>,
      %swap3A_87 = vector.shape_cast %swap3A_86 : vector<1x16xf32> to vector<16xf32>
      %swap3A_88 = vector.shape_cast %exp3A : vector<16xf32> to vector<1x16xf32>
      tpu.vector_store %arg15[%swap3A, %swap3A_85], %swap3A_88 {strides = array<i32>} : memref<80x128xf32, #tpu.memory_space<vmem>>, vector<1x16xf32>,
      %slice3A = vector.extract_strided_slice %exp3A {offsets = [0], sizes = [1], strides = [1]} : vector<16xf32> to vector<1xf32>
      %squeeze3A = vector.extract %slice3A[0] : f32 from vector<1xf32>
      %broadcast_in_dim3A = vector.broadcast %squeeze3A : f32 to vector<16xf32>
      %get3A_89 = arith.index_cast %add3A_73 : i32 to index
      %get3A_90 = arith.constant 0 : index
      %get3A_91 = tpu.vector_load %arg13[%get3A_89, %get3A_90] {strides = array<i32>} : memref<80x128xf32, #tpu.memory_space<vmem>>, vector<1x16xf32>,
      %get3A_92 = vector.shape_cast %get3A_91 : vector<1x16xf32> to vector<16xf32>
      %mul3A_93 = arith.mulf %get3A_92, %broadcast_in_dim3A : vector<16xf32>
      %swap3A_94 = arith.index_cast %add3A_73 : i32 to index
      %swap3A_95 = arith.constant 0 : index
      %swap3A_96 = tpu.vector_load %arg15[%swap3A_94, %swap3A_95] {strides = array<i32>} : memref<80x128xf32, #tpu.memory_space<vmem>>, vector<1x16xf32>,
      %swap3A_97 = vector.shape_cast %swap3A_96 : vector<1x16xf32> to vector<16xf32>
      %swap3A_98 = vector.shape_cast %mul3A_93 : vector<16xf32> to vector<1x16xf32>
      tpu.vector_store %arg15[%swap3A_94, %swap3A_95], %swap3A_98 {strides = array<i32>} : memref<80x128xf32, #tpu.memory_space<vmem>>, vector<1x16xf32>,
    }
    %scan3A_53 = arith.constant 80 : i32
    %dma_start3A_54 = arith.constant 0 : i32
    %dma_start3A_55 = arith.constant 0 : i32
    %dma_start3A_56 = tpu.memref_slice %arg17[%dma_start3A_54, %dma_start3A_55] : memref<10000x128xf32, #tpu.memory_space<vmem_shared>> -> memref<10000x128xf32, #tpu.memory_space<vmem_shared>>
    tpu.enqueue_indirect_dma source(%arg15 : memref<80x128xf32, #tpu.memory_space<vmem>>) target(%dma_start3A_56 : memref<10000x128xf32, #tpu.memory_space<vmem_shared>>) offsets(%arg11 : memref<80xi32, #tpu.memory_space<vmem>>) semaphore(%arg26 : memref<!tpu.dma_semaphore, #tpu.memory_space<semaphore_mem>>) {add = true}
    %dma_wait3A_57 = arith.constant 0 : i32
    %dma_wait3A_58 = arith.constant 0 : i32
    %dma_wait3A_59 = tpu.memref_slice %arg17[%dma_wait3A_57, %dma_wait3A_58] : memref<10000x128xf32, #tpu.memory_space<vmem_shared>> -> memref<10000x128xf32, #tpu.memory_space<vmem_shared>>
    tpu.wait_indirect_dma semaphore(%arg27 : memref<!tpu.dma_semaphore, #tpu.memory_space<semaphore_mem>>) src(%arg16 : memref<80x128xf32, #tpu.memory_space<vmem>>) dst(%dma_wait3A_59 : memref<10000x128xf32, #tpu.memory_space<vmem_shared>>)
    %dma_wait3A_60 = arith.constant 0 : i32
    %dma_wait3A_61 = arith.constant 0 : i32
    %dma_wait3A_62 = tpu.memref_slice %arg17[%dma_wait3A_60, %dma_wait3A_61] : memref<10000x128xf32, #tpu.memory_space<vmem_shared>> -> memref<10000x128xf32, #tpu.memory_space<vmem_shared>>
    tpu.wait_indirect_dma semaphore(%arg26 : memref<!tpu.dma_semaphore, #tpu.memory_space<semaphore_mem>>) src(%arg15 : memref<80x128xf32, #tpu.memory_space<vmem>>) dst(%dma_wait3A_62 : memref<10000x128xf32, #tpu.memory_space<vmem_shared>>)
    %barrier3A_63 = arith.constant 0 : index
    tpu.barrier barrier_id(%barrier3A_63)
    "tpu.region"() ({
      %run_scoped3A = tpu.sem_alloc : memref<!tpu.dma_semaphore, #tpu.memory_space<semaphore_mem>>
      %dma_start3A_69 = arith.constant 0 : i32
      %dma_start3A_70 = tpu.memref_slice %arg6[%arg0, %mul3A_2, %dma_start3A_69] : memref<2x10000x128xf32, #tpu.memory_space<hbm>> -> memref<1x624x128xf32, #tpu.memory_space<hbm>>
      %dma_start3A_71 = tpu.memref_squeeze %dma_start3A_70 : memref<1x624x128xf32, #tpu.memory_space<hbm>> -> memref<624x128xf32, #tpu.memory_space<hbm>>
      %dma_start3A_72 = arith.constant 0 : i32
      %dma_start3A_73 = tpu.memref_slice %arg17[%mul3A_2, %dma_start3A_72] : memref<10000x128xf32, #tpu.memory_space<vmem_shared>> -> memref<624x128xf32, #tpu.memory_space<vmem_shared>>
      tpu.enqueue_dma source(%dma_start3A_73 : memref<624x128xf32, #tpu.memory_space<vmem_shared>>) target(%dma_start3A_71 : memref<624x128xf32, #tpu.memory_space<hbm>>) target_semaphore(%run_scoped3A : memref<!tpu.dma_semaphore, #tpu.memory_space<semaphore_mem>>)
      %dma_wait3A_74 = arith.constant 0 : i32
      %dma_wait3A_75 = tpu.memref_slice %arg6[%arg0, %mul3A_2, %dma_wait3A_74] : memref<2x10000x128xf32, #tpu.memory_space<hbm>> -> memref<1x624x128xf32, #tpu.memory_space<hbm>>
      %dma_wait3A_76 = tpu.memref_squeeze %dma_wait3A_75 : memref<1x624x128xf32, #tpu.memory_space<hbm>> -> memref<624x128xf32, #tpu.memory_space<hbm>>
      %dma_wait3A_77 = arith.constant 0 : i32
      %dma_wait3A_78 = tpu.memref_slice %arg17[%mul3A_2, %dma_wait3A_77] : memref<10000x128xf32, #tpu.memory_space<vmem_shared>> -> memref<624x128xf32, #tpu.memory_space<vmem_shared>>
      tpu.wait_dma2 semaphore(%run_scoped3A : memref<!tpu.dma_semaphore, #tpu.memory_space<semaphore_mem>>) src(%dma_wait3A_78 : memref<624x128xf32, #tpu.memory_space<vmem_shared>>) dst(%dma_wait3A_76 : memref<624x128xf32, #tpu.memory_space<hbm>>)
      tpu.yield
    }) : () -> ()
    %eq3A_64 = arith.constant 0 : i32
    %eq3A_65 = arith.cmpi eq, %arg1, %eq3A_64 : i32
    %convert_element_type3A_66 = arith.extui %eq3A_65 : i1 to i32
    %cond3A_67 = arith.constant 0 : i32
    %cond3A_68 = arith.cmpi ne, %convert_element_type3A_66, %cond3A_67 : i32
    scf.if %cond3A_68 {
      "tpu.region"() ({
        %run_scoped3A = tpu.sem_alloc : memref<!tpu.dma_semaphore, #tpu.memory_space<semaphore_mem>>
        %dma_start3A_69 = arith.constant 9984 : i32
        %dma_start3A_70 = arith.constant 0 : i32
        %dma_start3A_71 = tpu.memref_slice %arg6[%arg0, %dma_start3A_69, %dma_start3A_70] : memref<2x10000x128xf32, #tpu.memory_space<hbm>> -> memref<1x16x128xf32, #tpu.memory_space<hbm>>
        %dma_start3A_72 = tpu.memref_squeeze %dma_start3A_71 : memref<1x16x128xf32, #tpu.memory_space<hbm>> -> memref<16x128xf32, #tpu.memory_space<hbm>>
        %dma_start3A_73 = arith.constant 9984 : i32
        %dma_start3A_74 = arith.constant 0 : i32
        %dma_start3A_75 = tpu.memref_slice %arg17[%dma_start3A_73, %dma_start3A_74] : memref<10000x128xf32, #tpu.memory_space<vmem_shared>> -> memref<16x128xf32, #tpu.memory_space<vmem_shared>>
        tpu.enqueue_dma source(%dma_start3A_75 : memref<16x128xf32, #tpu.memory_space<vmem_shared>>) target(%dma_start3A_72 : memref<16x128xf32, #tpu.memory_space<hbm>>) target_semaphore(%run_scoped3A : memref<!tpu.dma_semaphore, #tpu.memory_space<semaphore_mem>>)
        %dma_wait3A_76 = arith.constant 9984 : i32
        %dma_wait3A_77 = arith.constant 0 : i32
        %dma_wait3A_78 = tpu.memref_slice %arg6[%arg0, %dma_wait3A_76, %dma_wait3A_77] : memref<2x10000x128xf32, #tpu.memory_space<hbm>> -> memref<1x16x128xf32, #tpu.memory_space<hbm>>
        %dma_wait3A_79 = tpu.memref_squeeze %dma_wait3A_78 : memref<1x16x128xf32, #tpu.memory_space<hbm>> -> memref<16x128xf32, #tpu.memory_space<hbm>>
        %dma_wait3A_80 = arith.constant 9984 : i32
        %dma_wait3A_81 = arith.constant 0 : i32
        %dma_wait3A_82 = tpu.memref_slice %arg17[%dma_wait3A_80, %dma_wait3A_81] : memref<10000x128xf32, #tpu.memory_space<vmem_shared>> -> memref<16x128xf32, #tpu.memory_space<vmem_shared>>
        tpu.wait_dma2 semaphore(%run_scoped3A : memref<!tpu.dma_semaphore, #tpu.memory_space<semaphore_mem>>) src(%dma_wait3A_82 : memref<16x128xf32, #tpu.memory_space<vmem_shared>>) dst(%dma_wait3A_79 : memref<16x128xf32, #tpu.memory_space<hbm>>)
        tpu.yield
      }) : () -> ()
    } else {
    }
    return
  }
}

#map = affine_map<(d0, d1) -> (0)>
#map1 = affine_map<(d0, d1) -> (0, 0)>
#map2 = affine_map<(d0, d1) -> (0, 0, 0)>
module attributes {stable_mosaic.version = 14 : i64} {
  func.func @edge_kernel(%arg0: i32, %arg1: i32, %arg2: memref<320000xi32, #tpu.memory_space<hbm>>, %arg3: memref<320000xi32, #tpu.memory_space<hbm>>, %arg4: memref<10000x128xf32, #tpu.memory_space<hbm>>, %arg5: memref<10000x128xf32, #tpu.memory_space<hbm>>, %arg6: memref<2x10000x128xf32, #tpu.memory_space<hbm>>, %arg7: memref<80xi32, #tpu.memory_space<vmem>>, %arg8: memref<80xi32, #tpu.memory_space<vmem>>, %arg9: memref<80xi32, #tpu.memory_space<vmem>>, %arg10: memref<80xi32, #tpu.memory_space<vmem>>, %arg11: memref<80xi32, #tpu.memory_space<vmem>>, %arg12: memref<80xi32, #tpu.memory_space<vmem>>, %arg13: memref<80x128xf32, #tpu.memory_space<vmem>>, %arg14: memref<80x128xf32, #tpu.memory_space<vmem>>, %arg15: memref<80x128xf32, #tpu.memory_space<vmem>>, %arg16: memref<80x128xf32, #tpu.memory_space<vmem>>, %arg17: memref<10000x128xf32, #tpu.memory_space<vmem_shared>>, %arg18: memref<!tpu.dma_semaphore, #tpu.memory_space<semaphore_mem>>, %arg19: memref<!tpu.dma_semaphore, #tpu.memory_space<semaphore_mem>>, %arg20: memref<!tpu.dma_semaphore, #tpu.memory_space<semaphore_mem>>, %arg21: memref<!tpu.dma_semaphore, #tpu.memory_space<semaphore_mem>>, %arg22: memref<!tpu.dma_semaphore, #tpu.memory_space<semaphore_mem>>, %arg23: memref<!tpu.dma_semaphore, #tpu.memory_space<semaphore_mem>>, %arg24: memref<!tpu.dma_semaphore, #tpu.memory_space<semaphore_mem>>, %arg25: memref<!tpu.dma_semaphore, #tpu.memory_space<semaphore_mem>>, %arg26: memref<!tpu.dma_semaphore, #tpu.memory_space<semaphore_mem>>, %arg27: memref<!tpu.dma_semaphore, #tpu.memory_space<semaphore_mem>>) attributes {dimension_semantics = [#tpu.dimension_semantics<core_parallel>, #tpu.dimension_semantics<subcore_parallel>], iteration_bounds = array<i64: 2, 16>, scalar_prefetch = 0 : i64, scratch_operands = 21 : i64, tpu.core_type = #tpu.core_type<sc_vector_subcore>, window_params = [{transform_indices = #map}, {transform_indices = #map}, {transform_indices = #map1}, {transform_indices = #map1}, {transform_indices = #map2}]} {
    %mul3A = arith.constant 2 : i32
    %mul3A_0 = arith.muli %arg1, %mul3A : i32
    %add3A = arith.addi %mul3A_0, %arg0 : i32
    %mul3A_1 = arith.constant 624 : i32
    %mul3A_2 = arith.muli %arg1, %mul3A_1 : i32
    %mul3A_3 = arith.constant 10000 : i32
    %mul3A_4 = arith.muli %add3A, %mul3A_3 : i32
    "tpu.region"() ({
      %run_scoped3A = tpu.sem_alloc : memref<!tpu.dma_semaphore, #tpu.memory_space<semaphore_mem>>
      %dma_start3A_69 = arith.constant 0 : i32
      %dma_start3A_70 = tpu.memref_slice %arg17[%mul3A_2, %dma_start3A_69] : memref<10000x128xf32, #tpu.memory_space<vmem_shared>> -> memref<624x128xf32, #tpu.memory_space<vmem_shared>>
      %dma_start3A_71 = arith.constant 0 : i32
      %dma_start3A_72 = tpu.memref_slice %arg5[%mul3A_2, %dma_start3A_71] : memref<10000x128xf32, #tpu.memory_space<hbm>> -> memref<624x128xf32, #tpu.memory_space<hbm>>
      tpu.enqueue_dma source(%dma_start3A_72 : memref<624x128xf32, #tpu.memory_space<hbm>>) target(%dma_start3A_70 : memref<624x128xf32, #tpu.memory_space<vmem_shared>>) target_semaphore(%run_scoped3A : memref<!tpu.dma_semaphore, #tpu.memory_space<semaphore_mem>>)
      %dma_wait3A_73 = arith.constant 0 : i32
      %dma_wait3A_74 = tpu.memref_slice %arg17[%mul3A_2, %dma_wait3A_73] : memref<10000x128xf32, #tpu.memory_space<vmem_shared>> -> memref<624x128xf32, #tpu.memory_space<vmem_shared>>
      %dma_wait3A_75 = arith.constant 0 : i32
      %dma_wait3A_76 = tpu.memref_slice %arg5[%mul3A_2, %dma_wait3A_75] : memref<10000x128xf32, #tpu.memory_space<hbm>> -> memref<624x128xf32, #tpu.memory_space<hbm>>
      tpu.wait_dma2 semaphore(%run_scoped3A : memref<!tpu.dma_semaphore, #tpu.memory_space<semaphore_mem>>) src(%dma_wait3A_76 : memref<624x128xf32, #tpu.memory_space<hbm>>) dst(%dma_wait3A_74 : memref<624x128xf32, #tpu.memory_space<vmem_shared>>)
      tpu.yield
    }) : () -> ()
    %eq3A = arith.constant 0 : i32
    %eq3A_5 = arith.cmpi eq, %arg1, %eq3A : i32
    %convert_element_type3A = arith.extui %eq3A_5 : i1 to i32
    %cond3A = arith.constant 0 : i32
    %cond3A_6 = arith.cmpi ne, %convert_element_type3A, %cond3A : i32
    scf.if %cond3A_6 {
      "tpu.region"() ({
        %run_scoped3A = tpu.sem_alloc : memref<!tpu.dma_semaphore, #tpu.memory_space<semaphore_mem>>
        %dma_start3A_69 = arith.constant 9984 : i32
        %dma_start3A_70 = arith.constant 0 : i32
        %dma_start3A_71 = tpu.memref_slice %arg17[%dma_start3A_69, %dma_start3A_70] : memref<10000x128xf32, #tpu.memory_space<vmem_shared>> -> memref<16x128xf32, #tpu.memory_space<vmem_shared>>
        %dma_start3A_72 = arith.constant 9984 : i32
        %dma_start3A_73 = arith.constant 0 : i32
        %dma_start3A_74 = tpu.memref_slice %arg5[%dma_start3A_72, %dma_start3A_73] : memref<10000x128xf32, #tpu.memory_space<hbm>> -> memref<16x128xf32, #tpu.memory_space<hbm>>
        tpu.enqueue_dma source(%dma_start3A_74 : memref<16x128xf32, #tpu.memory_space<hbm>>) target(%dma_start3A_71 : memref<16x128xf32, #tpu.memory_space<vmem_shared>>) target_semaphore(%run_scoped3A : memref<!tpu.dma_semaphore, #tpu.memory_space<semaphore_mem>>)
        %dma_wait3A_75 = arith.constant 9984 : i32
        %dma_wait3A_76 = arith.constant 0 : i32
        %dma_wait3A_77 = tpu.memref_slice %arg17[%dma_wait3A_75, %dma_wait3A_76] : memref<10000x128xf32, #tpu.memory_space<vmem_shared>> -> memref<16x128xf32, #tpu.memory_space<vmem_shared>>
        %dma_wait3A_78 = arith.constant 9984 : i32
        %dma_wait3A_79 = arith.constant 0 : i32
        %dma_wait3A_80 = tpu.memref_slice %arg5[%dma_wait3A_78, %dma_wait3A_79] : memref<10000x128xf32, #tpu.memory_space<hbm>> -> memref<16x128xf32, #tpu.memory_space<hbm>>
        tpu.wait_dma2 semaphore(%run_scoped3A : memref<!tpu.dma_semaphore, #tpu.memory_space<semaphore_mem>>) src(%dma_wait3A_80 : memref<16x128xf32, #tpu.memory_space<hbm>>) dst(%dma_wait3A_77 : memref<16x128xf32, #tpu.memory_space<vmem_shared>>)
        tpu.yield
      }) : () -> ()
    } else {
    }
    %barrier3A = arith.constant 0 : index
    tpu.barrier barrier_id(%barrier3A)
    %add3A_7 = arith.constant 0 : i32
    %add3A_8 = arith.addi %mul3A_4, %add3A_7 : i32
    %dma_start3A = tpu.memref_slice %arg2[%add3A_8] : memref<320000xi32, #tpu.memory_space<hbm>> -> memref<80xi32, #tpu.memory_space<hbm>>
    %dma_start3A_9 = tpu.memref_slice %arg2[%add3A_8] : memref<320000xi32, #tpu.memory_space<hbm>> -> memref<80xi32, #tpu.memory_space<hbm>>
    tpu.enqueue_dma source(%dma_start3A_9 : memref<80xi32, #tpu.memory_space<hbm>>) target(%arg7 : memref<80xi32, #tpu.memory_space<vmem>>) target_semaphore(%arg18 : memref<!tpu.dma_semaphore, #tpu.memory_space<semaphore_mem>>)
    %dma_start3A_10 = tpu.memref_slice %arg3[%add3A_8] : memref<320000xi32, #tpu.memory_space<hbm>> -> memref<80xi32, #tpu.memory_space<hbm>>
    %dma_start3A_11 = tpu.memref_slice %arg3[%add3A_8] : memref<320000xi32, #tpu.memory_space<hbm>> -> memref<80xi32, #tpu.memory_space<hbm>>
    tpu.enqueue_dma source(%dma_start3A_11 : memref<80xi32, #tpu.memory_space<hbm>>) target(%arg9 : memref<80xi32, #tpu.memory_space<vmem>>) target_semaphore(%arg18 : memref<!tpu.dma_semaphore, #tpu.memory_space<semaphore_mem>>)
    %add3A_12 = arith.constant 80 : i32
    %add3A_13 = arith.addi %mul3A_4, %add3A_12 : i32
    %dma_start3A_14 = tpu.memref_slice %arg2[%add3A_13] : memref<320000xi32, #tpu.memory_space<hbm>> -> memref<80xi32, #tpu.memory_space<hbm>>
    %dma_start3A_15 = tpu.memref_slice %arg2[%add3A_13] : memref<320000xi32, #tpu.memory_space<hbm>> -> memref<80xi32, #tpu.memory_space<hbm>>
    tpu.enqueue_dma source(%dma_start3A_15 : memref<80xi32, #tpu.memory_space<hbm>>) target(%arg8 : memref<80xi32, #tpu.memory_space<vmem>>) target_semaphore(%arg19 : memref<!tpu.dma_semaphore, #tpu.memory_space<semaphore_mem>>)
    %dma_start3A_16 = tpu.memref_slice %arg3[%add3A_13] : memref<320000xi32, #tpu.memory_space<hbm>> -> memref<80xi32, #tpu.memory_space<hbm>>
    %dma_start3A_17 = tpu.memref_slice %arg3[%add3A_13] : memref<320000xi32, #tpu.memory_space<hbm>> -> memref<80xi32, #tpu.memory_space<hbm>>
    tpu.enqueue_dma source(%dma_start3A_17 : memref<80xi32, #tpu.memory_space<hbm>>) target(%arg10 : memref<80xi32, #tpu.memory_space<vmem>>) target_semaphore(%arg19 : memref<!tpu.dma_semaphore, #tpu.memory_space<semaphore_mem>>)
    %add3A_18 = arith.constant 0 : i32
    %add3A_19 = arith.addi %mul3A_4, %add3A_18 : i32
    %dma_start3A_20 = tpu.memref_slice %arg3[%add3A_19] : memref<320000xi32, #tpu.memory_space<hbm>> -> memref<80xi32, #tpu.memory_space<hbm>>
    %dma_start3A_21 = tpu.memref_slice %arg3[%add3A_19] : memref<320000xi32, #tpu.memory_space<hbm>> -> memref<80xi32, #tpu.memory_space<hbm>>
    tpu.enqueue_dma source(%dma_start3A_21 : memref<80xi32, #tpu.memory_space<hbm>>) target(%arg11 : memref<80xi32, #tpu.memory_space<vmem>>) target_semaphore(%arg20 : memref<!tpu.dma_semaphore, #tpu.memory_space<semaphore_mem>>)
    %dma_wait3A = arith.constant 0 : i32
    %dma_wait3A_22 = tpu.memref_slice %arg2[%dma_wait3A] : memref<320000xi32, #tpu.memory_space<hbm>> -> memref<80xi32, #tpu.memory_space<hbm>>
    %dma_wait3A_23 = arith.constant 0 : i32
    %dma_wait3A_24 = tpu.memref_slice %arg2[%dma_wait3A_23] : memref<320000xi32, #tpu.memory_space<hbm>> -> memref<80xi32, #tpu.memory_space<hbm>>
    tpu.wait_dma2 semaphore(%arg18 : memref<!tpu.dma_semaphore, #tpu.memory_space<semaphore_mem>>) src(%dma_wait3A_24 : memref<80xi32, #tpu.memory_space<hbm>>) dst(%arg7 : memref<80xi32, #tpu.memory_space<vmem>>)
    %dma_wait3A_25 = arith.constant 0 : i32
    %dma_wait3A_26 = tpu.memref_slice %arg3[%dma_wait3A_25] : memref<320000xi32, #tpu.memory_space<hbm>> -> memref<80xi32, #tpu.memory_space<hbm>>
    %dma_wait3A_27 = arith.constant 0 : i32
    %dma_wait3A_28 = tpu.memref_slice %arg3[%dma_wait3A_27] : memref<320000xi32, #tpu.memory_space<hbm>> -> memref<80xi32, #tpu.memory_space<hbm>>
    tpu.wait_dma2 semaphore(%arg18 : memref<!tpu.dma_semaphore, #tpu.memory_space<semaphore_mem>>) src(%dma_wait3A_28 : memref<80xi32, #tpu.memory_space<hbm>>) dst(%arg9 : memref<80xi32, #tpu.memory_space<vmem>>)
    %dma_start3A_29 = arith.constant 0 : i32
    %dma_start3A_30 = arith.constant 0 : i32
    %dma_start3A_31 = tpu.memref_slice %arg4[%dma_start3A_29, %dma_start3A_30] : memref<10000x128xf32, #tpu.memory_space<hbm>> -> memref<10000x128xf32, #tpu.memory_space<hbm>>
    tpu.enqueue_indirect_dma source(%dma_start3A_31 : memref<10000x128xf32, #tpu.memory_space<hbm>>) target(%arg13 : memref<80x128xf32, #tpu.memory_space<vmem>>) offsets(%arg7 : memref<80xi32, #tpu.memory_space<vmem>>) semaphore(%arg22 : memref<!tpu.dma_semaphore, #tpu.memory_space<semaphore_mem>>)
    %dma_start3A_32 = arith.constant 0 : i32
    %dma_start3A_33 = arith.constant 0 : i32
    %dma_start3A_34 = tpu.memref_slice %arg4[%dma_start3A_32, %dma_start3A_33] : memref<10000x128xf32, #tpu.memory_space<hbm>> -> memref<10000x128xf32, #tpu.memory_space<hbm>>
    tpu.enqueue_indirect_dma source(%dma_start3A_34 : memref<10000x128xf32, #tpu.memory_space<hbm>>) target(%arg15 : memref<80x128xf32, #tpu.memory_space<vmem>>) offsets(%arg9 : memref<80xi32, #tpu.memory_space<vmem>>) semaphore(%arg24 : memref<!tpu.dma_semaphore, #tpu.memory_space<semaphore_mem>>)
    %scan3A = arith.constant 0 : i32
    %scan3A_35 = arith.constant 62 : i32
    %scan3A_36 = arith.addi %scan3A, %scan3A_35 : i32
    %scan3A_37 = arith.constant 1 : i32
    scf.for %scan3A_69 = %scan3A to %scan3A_36 step %scan3A_37  : i32 {
      %mul3A_70 = arith.constant 1 : i32
      %mul3A_71 = arith.muli %scan3A_69, %mul3A_70 : i32
      %add3A_72 = arith.constant 0 : i32
      %add3A_73 = arith.addi %add3A_72, %mul3A_71 : i32
      %mul3A_74 = arith.constant 2 : i32
      %mul3A_75 = arith.muli %mul3A_74, %add3A_73 : i32
      %dma_wait3A_76 = arith.constant 0 : i32
      %dma_wait3A_77 = tpu.memref_slice %arg2[%dma_wait3A_76] : memref<320000xi32, #tpu.memory_space<hbm>> -> memref<80xi32, #tpu.memory_space<hbm>>
      %dma_wait3A_78 = arith.constant 0 : i32
      %dma_wait3A_79 = tpu.memref_slice %arg2[%dma_wait3A_78] : memref<320000xi32, #tpu.memory_space<hbm>> -> memref<80xi32, #tpu.memory_space<hbm>>
      tpu.wait_dma2 semaphore(%arg19 : memref<!tpu.dma_semaphore, #tpu.memory_space<semaphore_mem>>) src(%dma_wait3A_79 : memref<80xi32, #tpu.memory_space<hbm>>) dst(%arg8 : memref<80xi32, #tpu.memory_space<vmem>>)
      %dma_wait3A_80 = arith.constant 0 : i32
      %dma_wait3A_81 = tpu.memref_slice %arg3[%dma_wait3A_80] : memref<320000xi32, #tpu.memory_space<hbm>> -> memref<80xi32, #tpu.memory_space<hbm>>
      %dma_wait3A_82 = arith.constant 0 : i32
      %dma_wait3A_83 = tpu.memref_slice %arg3[%dma_wait3A_82] : memref<320000xi32, #tpu.memory_space<hbm>> -> memref<80xi32, #tpu.memory_space<hbm>>
      tpu.wait_dma2 semaphore(%arg19 : memref<!tpu.dma_semaphore, #tpu.memory_space<semaphore_mem>>) src(%dma_wait3A_83 : memref<80xi32, #tpu.memory_space<hbm>>) dst(%arg10 : memref<80xi32, #tpu.memory_space<vmem>>)
      %dma_start3A_84 = arith.constant 0 : i32
      %dma_start3A_85 = arith.constant 0 : i32
      %dma_start3A_86 = tpu.memref_slice %arg4[%dma_start3A_84, %dma_start3A_85] : memref<10000x128xf32, #tpu.memory_space<hbm>> -> memref<10000x128xf32, #tpu.memory_space<hbm>>
      tpu.enqueue_indirect_dma source(%dma_start3A_86 : memref<10000x128xf32, #tpu.memory_space<hbm>>) target(%arg14 : memref<80x128xf32, #tpu.memory_space<vmem>>) offsets(%arg8 : memref<80xi32, #tpu.memory_space<vmem>>) semaphore(%arg23 : memref<!tpu.dma_semaphore, #tpu.memory_space<semaphore_mem>>)
      %dma_wait3A_87 = arith.constant 0 : i32
      %dma_wait3A_88 = arith.constant 0 : i32
      %dma_wait3A_89 = tpu.memref_slice %arg4[%dma_wait3A_87, %dma_wait3A_88] : memref<10000x128xf32, #tpu.memory_space<hbm>> -> memref<10000x128xf32, #tpu.memory_space<hbm>>
      tpu.wait_indirect_dma semaphore(%arg22 : memref<!tpu.dma_semaphore, #tpu.memory_space<semaphore_mem>>) src(%dma_wait3A_89 : memref<10000x128xf32, #tpu.memory_space<hbm>>) dst(%arg13 : memref<80x128xf32, #tpu.memory_space<vmem>>)
      %dma_wait3A_90 = arith.constant 0 : i32
      %dma_wait3A_91 = arith.constant 0 : i32
      %dma_wait3A_92 = tpu.memref_slice %arg4[%dma_wait3A_90, %dma_wait3A_91] : memref<10000x128xf32, #tpu.memory_space<hbm>> -> memref<10000x128xf32, #tpu.memory_space<hbm>>
      tpu.wait_indirect_dma semaphore(%arg24 : memref<!tpu.dma_semaphore, #tpu.memory_space<semaphore_mem>>) src(%dma_wait3A_92 : memref<10000x128xf32, #tpu.memory_space<hbm>>) dst(%arg15 : memref<80x128xf32, #tpu.memory_space<vmem>>)
      %dma_wait3A_93 = arith.constant 0 : i32
      %dma_wait3A_94 = tpu.memref_slice %arg3[%dma_wait3A_93] : memref<320000xi32, #tpu.memory_space<hbm>> -> memref<80xi32, #tpu.memory_space<hbm>>
      %dma_wait3A_95 = arith.constant 0 : i32
      %dma_wait3A_96 = tpu.memref_slice %arg3[%dma_wait3A_95] : memref<320000xi32, #tpu.memory_space<hbm>> -> memref<80xi32, #tpu.memory_space<hbm>>
      tpu.wait_dma2 semaphore(%arg20 : memref<!tpu.dma_semaphore, #tpu.memory_space<semaphore_mem>>) src(%dma_wait3A_96 : memref<80xi32, #tpu.memory_space<hbm>>) dst(%arg11 : memref<80xi32, #tpu.memory_space<vmem>>)
      %scan3A_97 = arith.constant 0 : i32
      %scan3A_98 = arith.constant 80 : i32
      %scan3A_99 = arith.addi %scan3A_97, %scan3A_98 : i32
      %scan3A_100 = arith.constant 1 : i32
      scf.for %scan3A_178 = %scan3A_97 to %scan3A_99 step %scan3A_100  : i32 {
        %mul3A_179 = arith.constant 1 : i32
        %mul3A_180 = arith.muli %scan3A_178, %mul3A_179 : i32
        %add3A_181 = arith.constant 0 : i32
        %add3A_182 = arith.addi %add3A_181, %mul3A_180 : i32
        %get3A = arith.index_cast %add3A_182 : i32 to index
        %get3A_183 = arith.constant 16 : index
        %get3A_184 = tpu.vector_load %arg13[%get3A, %get3A_183] {strides = array<i32>} : memref<80x128xf32, #tpu.memory_space<vmem>>, vector<1x16xf32>,
        %get3A_185 = vector.shape_cast %get3A_184 : vector<1x16xf32> to vector<16xf32>
        %get3A_186 = arith.index_cast %add3A_182 : i32 to index
        %get3A_187 = arith.constant 32 : index
        %get3A_188 = tpu.vector_load %arg15[%get3A_186, %get3A_187] {strides = array<i32>} : memref<80x128xf32, #tpu.memory_space<vmem>>, vector<1x16xf32>,
        %get3A_189 = vector.shape_cast %get3A_188 : vector<1x16xf32> to vector<16xf32>
        %add3A_190 = arith.addf %get3A_185, %get3A_189 : vector<16xf32>
        %mul3A_191 = arith.constant 2.000000e-01 : f32
        %mul3A_192 = vector.broadcast %mul3A_191 : f32 to vector<16xf32>
        %mul3A_193 = arith.mulf %mul3A_192, %add3A_190 : vector<16xf32>
        %max3A = arith.maximumf %add3A_190, %mul3A_193 : vector<16xf32>
        %exp3A = math.exp %max3A : vector<16xf32>
        %swap3A = arith.index_cast %add3A_182 : i32 to index
        %swap3A_194 = arith.constant 16 : index
        %swap3A_195 = tpu.vector_load %arg15[%swap3A, %swap3A_194] {strides = array<i32>} : memref<80x128xf32, #tpu.memory_space<vmem>>, vector<1x16xf32>,
        %swap3A_196 = vector.shape_cast %swap3A_195 : vector<1x16xf32> to vector<16xf32>
        %swap3A_197 = vector.shape_cast %exp3A : vector<16xf32> to vector<1x16xf32>
        tpu.vector_store %arg15[%swap3A, %swap3A_194], %swap3A_197 {strides = array<i32>} : memref<80x128xf32, #tpu.memory_space<vmem>>, vector<1x16xf32>,
        %slice3A = vector.extract_strided_slice %exp3A {offsets = [0], sizes = [1], strides = [1]} : vector<16xf32> to vector<1xf32>
        %squeeze3A = vector.extract %slice3A[0] : f32 from vector<1xf32>
        %broadcast_in_dim3A = vector.broadcast %squeeze3A : f32 to vector<16xf32>
        %get3A_198 = arith.index_cast %add3A_182 : i32 to index
        %get3A_199 = arith.constant 0 : index
        %get3A_200 = tpu.vector_load %arg13[%get3A_198, %get3A_199] {strides = array<i32>} : memref<80x128xf32, #tpu.memory_space<vmem>>, vector<1x16xf32>,
        %get3A_201 = vector.shape_cast %get3A_200 : vector<1x16xf32> to vector<16xf32>
        %mul3A_202 = arith.mulf %get3A_201, %broadcast_in_dim3A : vector<16xf32>
        %swap3A_203 = arith.index_cast %add3A_182 : i32 to index
        %swap3A_204 = arith.constant 0 : index
        %swap3A_205 = tpu.vector_load %arg15[%swap3A_203, %swap3A_204] {strides = array<i32>} : memref<80x128xf32, #tpu.memory_space<vmem>>, vector<1x16xf32>,
        %swap3A_206 = vector.shape_cast %swap3A_205 : vector<1x16xf32> to vector<16xf32>
        %swap3A_207 = vector.shape_cast %mul3A_202 : vector<16xf32> to vector<1x16xf32>
        tpu.vector_store %arg15[%swap3A_203, %swap3A_204], %swap3A_207 {strides = array<i32>} : memref<80x128xf32, #tpu.memory_space<vmem>>, vector<1x16xf32>,
      }
      %scan3A_101 = arith.constant 80 : i32
      %dma_start3A_102 = arith.constant 0 : i32
      %dma_start3A_103 = arith.constant 0 : i32
      %dma_start3A_104 = tpu.memref_slice %arg17[%dma_start3A_102, %dma_start3A_103] : memref<10000x128xf32, #tpu.memory_space<vmem_shared>> -> memref<10000x128xf32, #tpu.memory_space<vmem_shared>>
      tpu.enqueue_indirect_dma source(%arg15 : memref<80x128xf32, #tpu.memory_space<vmem>>) target(%dma_start3A_104 : memref<10000x128xf32, #tpu.memory_space<vmem_shared>>) offsets(%arg11 : memref<80xi32, #tpu.memory_space<vmem>>) semaphore(%arg26 : memref<!tpu.dma_semaphore, #tpu.memory_space<semaphore_mem>>) {add = true}
      %gt3A = arith.constant 0 : i32
      %gt3A_105 = arith.cmpi sgt, %add3A_73, %gt3A : i32
      %convert_element_type3A_106 = arith.extui %gt3A_105 : i1 to i32
      %cond3A_107 = arith.constant 0 : i32
      %cond3A_108 = arith.cmpi ne, %convert_element_type3A_106, %cond3A_107 : i32
      scf.if %cond3A_108 {
        %dma_wait3A_178 = arith.constant 0 : i32
        %dma_wait3A_179 = arith.constant 0 : i32
        %dma_wait3A_180 = tpu.memref_slice %arg17[%dma_wait3A_178, %dma_wait3A_179] : memref<10000x128xf32, #tpu.memory_space<vmem_shared>> -> memref<10000x128xf32, #tpu.memory_space<vmem_shared>>
        tpu.wait_indirect_dma semaphore(%arg27 : memref<!tpu.dma_semaphore, #tpu.memory_space<semaphore_mem>>) src(%arg16 : memref<80x128xf32, #tpu.memory_space<vmem>>) dst(%dma_wait3A_180 : memref<10000x128xf32, #tpu.memory_space<vmem_shared>>)
      } else {
      }
      %dma_start3A_109 = arith.constant 0 : i32
      %dma_start3A_110 = arith.constant 0 : i32
      %dma_start3A_111 = tpu.memref_slice %arg4[%dma_start3A_109, %dma_start3A_110] : memref<10000x128xf32, #tpu.memory_space<hbm>> -> memref<10000x128xf32, #tpu.memory_space<hbm>>
      tpu.enqueue_indirect_dma source(%dma_start3A_111 : memref<10000x128xf32, #tpu.memory_space<hbm>>) target(%arg16 : memref<80x128xf32, #tpu.memory_space<vmem>>) offsets(%arg10 : memref<80xi32, #tpu.memory_space<vmem>>) semaphore(%arg25 : memref<!tpu.dma_semaphore, #tpu.memory_space<semaphore_mem>>)
      %add3A_112 = arith.constant 1 : i32
      %add3A_113 = arith.addi %mul3A_75, %add3A_112 : i32
      %mul3A_114 = arith.constant 80 : i32
      %mul3A_115 = arith.muli %add3A_113, %mul3A_114 : i32
      %add3A_116 = arith.addi %mul3A_4, %mul3A_115 : i32
      %dma_start3A_117 = tpu.memref_slice %arg3[%add3A_116] : memref<320000xi32, #tpu.memory_space<hbm>> -> memref<80xi32, #tpu.memory_space<hbm>>
      %dma_start3A_118 = tpu.memref_slice %arg3[%add3A_116] : memref<320000xi32, #tpu.memory_space<hbm>> -> memref<80xi32, #tpu.memory_space<hbm>>
      tpu.enqueue_dma source(%dma_start3A_118 : memref<80xi32, #tpu.memory_space<hbm>>) target(%arg12 : memref<80xi32, #tpu.memory_space<vmem>>) target_semaphore(%arg21 : memref<!tpu.dma_semaphore, #tpu.memory_space<semaphore_mem>>)
      %add3A_119 = arith.constant 2 : i32
      %add3A_120 = arith.addi %mul3A_75, %add3A_119 : i32
      %mul3A_121 = arith.constant 80 : i32
      %mul3A_122 = arith.muli %add3A_120, %mul3A_121 : i32
      %add3A_123 = arith.addi %mul3A_4, %mul3A_122 : i32
      %dma_start3A_124 = tpu.memref_slice %arg2[%add3A_123] : memref<320000xi32, #tpu.memory_space<hbm>> -> memref<80xi32, #tpu.memory_space<hbm>>
      %dma_start3A_125 = tpu.memref_slice %arg2[%add3A_123] : memref<320000xi32, #tpu.memory_space<hbm>> -> memref<80xi32, #tpu.memory_space<hbm>>
      tpu.enqueue_dma source(%dma_start3A_125 : memref<80xi32, #tpu.memory_space<hbm>>) target(%arg7 : memref<80xi32, #tpu.memory_space<vmem>>) target_semaphore(%arg18 : memref<!tpu.dma_semaphore, #tpu.memory_space<semaphore_mem>>)
      %dma_start3A_126 = tpu.memref_slice %arg3[%add3A_123] : memref<320000xi32, #tpu.memory_space<hbm>> -> memref<80xi32, #tpu.memory_space<hbm>>
      %dma_start3A_127 = tpu.memref_slice %arg3[%add3A_123] : memref<320000xi32, #tpu.memory_space<hbm>> -> memref<80xi32, #tpu.memory_space<hbm>>
      tpu.enqueue_dma source(%dma_start3A_127 : memref<80xi32, #tpu.memory_space<hbm>>) target(%arg9 : memref<80xi32, #tpu.memory_space<vmem>>) target_semaphore(%arg18 : memref<!tpu.dma_semaphore, #tpu.memory_space<semaphore_mem>>)
      %mul3A_128 = arith.constant 2 : i32
      %mul3A_129 = arith.muli %mul3A_128, %add3A_73 : i32
      %add3A_130 = arith.constant 1 : i32
      %add3A_131 = arith.addi %mul3A_129, %add3A_130 : i32
      %dma_wait3A_132 = arith.constant 0 : i32
      %dma_wait3A_133 = tpu.memref_slice %arg2[%dma_wait3A_132] : memref<320000xi32, #tpu.memory_space<hbm>> -> memref<80xi32, #tpu.memory_space<hbm>>
      %dma_wait3A_134 = arith.constant 0 : i32
      %dma_wait3A_135 = tpu.memref_slice %arg2[%dma_wait3A_134] : memref<320000xi32, #tpu.memory_space<hbm>> -> memref<80xi32, #tpu.memory_space<hbm>>
      tpu.wait_dma2 semaphore(%arg18 : memref<!tpu.dma_semaphore, #tpu.memory_space<semaphore_mem>>) src(%dma_wait3A_135 : memref<80xi32, #tpu.memory_space<hbm>>) dst(%arg7 : memref<80xi32, #tpu.memory_space<vmem>>)
      %dma_wait3A_136 = arith.constant 0 : i32
      %dma_wait3A_137 = tpu.memref_slice %arg3[%dma_wait3A_136] : memref<320000xi32, #tpu.memory_space<hbm>> -> memref<80xi32, #tpu.memory_space<hbm>>
      %dma_wait3A_138 = arith.constant 0 : i32
      %dma_wait3A_139 = tpu.memref_slice %arg3[%dma_wait3A_138] : memref<320000xi32, #tpu.memory_space<hbm>> -> memref<80xi32, #tpu.memory_space<hbm>>
      tpu.wait_dma2 semaphore(%arg18 : memref<!tpu.dma_semaphore, #tpu.memory_space<semaphore_mem>>) src(%dma_wait3A_139 : memref<80xi32, #tpu.memory_space<hbm>>) dst(%arg9 : memref<80xi32, #tpu.memory_space<vmem>>)
      %dma_start3A_140 = arith.constant 0 : i32
      %dma_start3A_141 = arith.constant 0 : i32
      %dma_start3A_142 = tpu.memref_slice %arg4[%dma_start3A_140, %dma_start3A_141] : memref<10000x128xf32, #tpu.memory_space<hbm>> -> memref<10000x128xf32, #tpu.memory_space<hbm>>
      tpu.enqueue_indirect_dma source(%dma_start3A_142 : memref<10000x128xf32, #tpu.memory_space<hbm>>) target(%arg13 : memref<80x128xf32, #tpu.memory_space<vmem>>) offsets(%arg7 : memref<80xi32, #tpu.memory_space<vmem>>) semaphore(%arg22 : memref<!tpu.dma_semaphore, #tpu.memory_space<semaphore_mem>>)
      %dma_wait3A_143 = arith.constant 0 : i32
      %dma_wait3A_144 = arith.constant 0 : i32
      %dma_wait3A_145 = tpu.memref_slice %arg4[%dma_wait3A_143, %dma_wait3A_144] : memref<10000x128xf32, #tpu.memory_space<hbm>> -> memref<10000x128xf32, #tpu.memory_space<hbm>>
      tpu.wait_indirect_dma semaphore(%arg23 : memref<!tpu.dma_semaphore, #tpu.memory_space<semaphore_mem>>) src(%dma_wait3A_145 : memref<10000x128xf32, #tpu.memory_space<hbm>>) dst(%arg14 : memref<80x128xf32, #tpu.memory_space<vmem>>)
      %dma_wait3A_146 = arith.constant 0 : i32
      %dma_wait3A_147 = arith.constant 0 : i32
      %dma_wait3A_148 = tpu.memref_slice %arg4[%dma_wait3A_146, %dma_wait3A_147] : memref<10000x128xf32, #tpu.memory_space<hbm>> -> memref<10000x128xf32, #tpu.memory_space<hbm>>
      tpu.wait_indirect_dma semaphore(%arg25 : memref<!tpu.dma_semaphore, #tpu.memory_space<semaphore_mem>>) src(%dma_wait3A_148 : memref<10000x128xf32, #tpu.memory_space<hbm>>) dst(%arg16 : memref<80x128xf32, #tpu.memory_space<vmem>>)
      %dma_wait3A_149 = arith.constant 0 : i32
      %dma_wait3A_150 = tpu.memref_slice %arg3[%dma_wait3A_149] : memref<320000xi32, #tpu.memory_space<hbm>> -> memref<80xi32, #tpu.memory_space<hbm>>
      %dma_wait3A_151 = arith.constant 0 : i32
      %dma_wait3A_152 = tpu.memref_slice %arg3[%dma_wait3A_151] : memref<320000xi32, #tpu.memory_space<hbm>> -> memref<80xi32, #tpu.memory_space<hbm>>
      tpu.wait_dma2 semaphore(%arg21 : memref<!tpu.dma_semaphore, #tpu.memory_space<semaphore_mem>>) src(%dma_wait3A_152 : memref<80xi32, #tpu.memory_space<hbm>>) dst(%arg12 : memref<80xi32, #tpu.memory_space<vmem>>)
      %scan3A_153 = arith.constant 0 : i32
      %scan3A_154 = arith.constant 80 : i32
      %scan3A_155 = arith.addi %scan3A_153, %scan3A_154 : i32
      %scan3A_156 = arith.constant 1 : i32
      scf.for %scan3A_178 = %scan3A_153 to %scan3A_155 step %scan3A_156  : i32 {
        %mul3A_179 = arith.constant 1 : i32
        %mul3A_180 = arith.muli %scan3A_178, %mul3A_179 : i32
        %add3A_181 = arith.constant 0 : i32
        %add3A_182 = arith.addi %add3A_181, %mul3A_180 : i32
        %get3A = arith.index_cast %add3A_182 : i32 to index
        %get3A_183 = arith.constant 16 : index
        %get3A_184 = tpu.vector_load %arg14[%get3A, %get3A_183] {strides = array<i32>} : memref<80x128xf32, #tpu.memory_space<vmem>>, vector<1x16xf32>,
        %get3A_185 = vector.shape_cast %get3A_184 : vector<1x16xf32> to vector<16xf32>
        %get3A_186 = arith.index_cast %add3A_182 : i32 to index
        %get3A_187 = arith.constant 32 : index
        %get3A_188 = tpu.vector_load %arg16[%get3A_186, %get3A_187] {strides = array<i32>} : memref<80x128xf32, #tpu.memory_space<vmem>>, vector<1x16xf32>,
        %get3A_189 = vector.shape_cast %get3A_188 : vector<1x16xf32> to vector<16xf32>
        %add3A_190 = arith.addf %get3A_185, %get3A_189 : vector<16xf32>
        %mul3A_191 = arith.constant 2.000000e-01 : f32
        %mul3A_192 = vector.broadcast %mul3A_191 : f32 to vector<16xf32>
        %mul3A_193 = arith.mulf %mul3A_192, %add3A_190 : vector<16xf32>
        %max3A = arith.maximumf %add3A_190, %mul3A_193 : vector<16xf32>
        %exp3A = math.exp %max3A : vector<16xf32>
        %swap3A = arith.index_cast %add3A_182 : i32 to index
        %swap3A_194 = arith.constant 16 : index
        %swap3A_195 = tpu.vector_load %arg16[%swap3A, %swap3A_194] {strides = array<i32>} : memref<80x128xf32, #tpu.memory_space<vmem>>, vector<1x16xf32>,
        %swap3A_196 = vector.shape_cast %swap3A_195 : vector<1x16xf32> to vector<16xf32>
        %swap3A_197 = vector.shape_cast %exp3A : vector<16xf32> to vector<1x16xf32>
        tpu.vector_store %arg16[%swap3A, %swap3A_194], %swap3A_197 {strides = array<i32>} : memref<80x128xf32, #tpu.memory_space<vmem>>, vector<1x16xf32>,
        %slice3A = vector.extract_strided_slice %exp3A {offsets = [0], sizes = [1], strides = [1]} : vector<16xf32> to vector<1xf32>
        %squeeze3A = vector.extract %slice3A[0] : f32 from vector<1xf32>
        %broadcast_in_dim3A = vector.broadcast %squeeze3A : f32 to vector<16xf32>
        %get3A_198 = arith.index_cast %add3A_182 : i32 to index
        %get3A_199 = arith.constant 0 : index
        %get3A_200 = tpu.vector_load %arg14[%get3A_198, %get3A_199] {strides = array<i32>} : memref<80x128xf32, #tpu.memory_space<vmem>>, vector<1x16xf32>,
        %get3A_201 = vector.shape_cast %get3A_200 : vector<1x16xf32> to vector<16xf32>
        %mul3A_202 = arith.mulf %get3A_201, %broadcast_in_dim3A : vector<16xf32>
        %swap3A_203 = arith.index_cast %add3A_182 : i32 to index
        %swap3A_204 = arith.constant 0 : index
        %swap3A_205 = tpu.vector_load %arg16[%swap3A_203, %swap3A_204] {strides = array<i32>} : memref<80x128xf32, #tpu.memory_space<vmem>>, vector<1x16xf32>,
        %swap3A_206 = vector.shape_cast %swap3A_205 : vector<1x16xf32> to vector<16xf32>
        %swap3A_207 = vector.shape_cast %mul3A_202 : vector<16xf32> to vector<1x16xf32>
        tpu.vector_store %arg16[%swap3A_203, %swap3A_204], %swap3A_207 {strides = array<i32>} : memref<80x128xf32, #tpu.memory_space<vmem>>, vector<1x16xf32>,
      }
      %scan3A_157 = arith.constant 80 : i32
      %dma_start3A_158 = arith.constant 0 : i32
      %dma_start3A_159 = arith.constant 0 : i32
      %dma_start3A_160 = tpu.memref_slice %arg17[%dma_start3A_158, %dma_start3A_159] : memref<10000x128xf32, #tpu.memory_space<vmem_shared>> -> memref<10000x128xf32, #tpu.memory_space<vmem_shared>>
      tpu.enqueue_indirect_dma source(%arg16 : memref<80x128xf32, #tpu.memory_space<vmem>>) target(%dma_start3A_160 : memref<10000x128xf32, #tpu.memory_space<vmem_shared>>) offsets(%arg12 : memref<80xi32, #tpu.memory_space<vmem>>) semaphore(%arg27 : memref<!tpu.dma_semaphore, #tpu.memory_space<semaphore_mem>>) {add = true}
      %dma_wait3A_161 = arith.constant 0 : i32
      %dma_wait3A_162 = arith.constant 0 : i32
      %dma_wait3A_163 = tpu.memref_slice %arg17[%dma_wait3A_161, %dma_wait3A_162] : memref<10000x128xf32, #tpu.memory_space<vmem_shared>> -> memref<10000x128xf32, #tpu.memory_space<vmem_shared>>
      tpu.wait_indirect_dma semaphore(%arg26 : memref<!tpu.dma_semaphore, #tpu.memory_space<semaphore_mem>>) src(%arg15 : memref<80x128xf32, #tpu.memory_space<vmem>>) dst(%dma_wait3A_163 : memref<10000x128xf32, #tpu.memory_space<vmem_shared>>)
      %dma_start3A_164 = arith.constant 0 : i32
      %dma_start3A_165 = arith.constant 0 : i32
      %dma_start3A_166 = tpu.memref_slice %arg4[%dma_start3A_164, %dma_start3A_165] : memref<10000x128xf32, #tpu.memory_space<hbm>> -> memref<10000x128xf32, #tpu.memory_space<hbm>>
      tpu.enqueue_indirect_dma source(%dma_start3A_166 : memref<10000x128xf32, #tpu.memory_space<hbm>>) target(%arg15 : memref<80x128xf32, #tpu.memory_space<vmem>>) offsets(%arg9 : memref<80xi32, #tpu.memory_space<vmem>>) semaphore(%arg24 : memref<!tpu.dma_semaphore, #tpu.memory_space<semaphore_mem>>)
      %add3A_167 = arith.constant 1 : i32
      %add3A_168 = arith.addi %add3A_131, %add3A_167 : i32
      %mul3A_169 = arith.constant 80 : i32
      %mul3A_170 = arith.muli %add3A_168, %mul3A_169 : i32
      %add3A_171 = arith.addi %mul3A_4, %mul3A_170 : i32
      %dma_start3A_172 = tpu.memref_slice %arg3[%add3A_171] : memref<320000xi32, #tpu.memory_space<hbm>> -> memref<80xi32, #tpu.memory_space<hbm>>
      %dma_start3A_173 = tpu.memref_slice %arg3[%add3A_171] : memref<320000xi32, #tpu.memory_space<hbm>> -> memref<80xi32, #tpu.memory_space<hbm>>
      tpu.enqueue_dma source(%dma_start3A_173 : memref<80xi32, #tpu.memory_space<hbm>>) target(%arg11 : memref<80xi32, #tpu.memory_space<vmem>>) target_semaphore(%arg20 : memref<!tpu.dma_semaphore, #tpu.memory_space<semaphore_mem>>)
      %lt3A = arith.constant 61 : i32
      %lt3A_174 = arith.cmpi slt, %add3A_73, %lt3A : i32
      %convert_element_type3A_175 = arith.extui %lt3A_174 : i1 to i32
      %cond3A_176 = arith.constant 0 : i32
      %cond3A_177 = arith.cmpi ne, %convert_element_type3A_175, %cond3A_176 : i32
      scf.if %cond3A_177 {
        %add3A_178 = arith.constant 2 : i32
        %add3A_179 = arith.addi %add3A_131, %add3A_178 : i32
        %mul3A_180 = arith.constant 80 : i32
        %mul3A_181 = arith.muli %add3A_179, %mul3A_180 : i32
        %add3A_182 = arith.addi %mul3A_4, %mul3A_181 : i32
        %dma_start3A_183 = tpu.memref_slice %arg2[%add3A_182] : memref<320000xi32, #tpu.memory_space<hbm>> -> memref<80xi32, #tpu.memory_space<hbm>>
        %dma_start3A_184 = tpu.memref_slice %arg2[%add3A_182] : memref<320000xi32, #tpu.memory_space<hbm>> -> memref<80xi32, #tpu.memory_space<hbm>>
        tpu.enqueue_dma source(%dma_start3A_184 : memref<80xi32, #tpu.memory_space<hbm>>) target(%arg8 : memref<80xi32, #tpu.memory_space<vmem>>) target_semaphore(%arg19 : memref<!tpu.dma_semaphore, #tpu.memory_space<semaphore_mem>>)
        %dma_start3A_185 = tpu.memref_slice %arg3[%add3A_182] : memref<320000xi32, #tpu.memory_space<hbm>> -> memref<80xi32, #tpu.memory_space<hbm>>
        %dma_start3A_186 = tpu.memref_slice %arg3[%add3A_182] : memref<320000xi32, #tpu.memory_space<hbm>> -> memref<80xi32, #tpu.memory_space<hbm>>
        tpu.enqueue_dma source(%dma_start3A_186 : memref<80xi32, #tpu.memory_space<hbm>>) target(%arg10 : memref<80xi32, #tpu.memory_space<vmem>>) target_semaphore(%arg19 : memref<!tpu.dma_semaphore, #tpu.memory_space<semaphore_mem>>)
      } else {
      }
    }
    %scan3A_38 = arith.constant 62 : i32
    %dma_wait3A_39 = arith.constant 0 : i32
    %dma_wait3A_40 = arith.constant 0 : i32
    %dma_wait3A_41 = tpu.memref_slice %arg4[%dma_wait3A_39, %dma_wait3A_40] : memref<10000x128xf32, #tpu.memory_space<hbm>> -> memref<10000x128xf32, #tpu.memory_space<hbm>>
    tpu.wait_indirect_dma semaphore(%arg22 : memref<!tpu.dma_semaphore, #tpu.memory_space<semaphore_mem>>) src(%dma_wait3A_41 : memref<10000x128xf32, #tpu.memory_space<hbm>>) dst(%arg13 : memref<80x128xf32, #tpu.memory_space<vmem>>)
    %dma_wait3A_42 = arith.constant 0 : i32
    %dma_wait3A_43 = arith.constant 0 : i32
    %dma_wait3A_44 = tpu.memref_slice %arg4[%dma_wait3A_42, %dma_wait3A_43] : memref<10000x128xf32, #tpu.memory_space<hbm>> -> memref<10000x128xf32, #tpu.memory_space<hbm>>
    tpu.wait_indirect_dma semaphore(%arg24 : memref<!tpu.dma_semaphore, #tpu.memory_space<semaphore_mem>>) src(%dma_wait3A_44 : memref<10000x128xf32, #tpu.memory_space<hbm>>) dst(%arg15 : memref<80x128xf32, #tpu.memory_space<vmem>>)
    %dma_wait3A_45 = arith.constant 0 : i32
    %dma_wait3A_46 = tpu.memref_slice %arg3[%dma_wait3A_45] : memref<320000xi32, #tpu.memory_space<hbm>> -> memref<80xi32, #tpu.memory_space<hbm>>
    %dma_wait3A_47 = arith.constant 0 : i32
    %dma_wait3A_48 = tpu.memref_slice %arg3[%dma_wait3A_47] : memref<320000xi32, #tpu.memory_space<hbm>> -> memref<80xi32, #tpu.memory_space<hbm>>
    tpu.wait_dma2 semaphore(%arg20 : memref<!tpu.dma_semaphore, #tpu.memory_space<semaphore_mem>>) src(%dma_wait3A_48 : memref<80xi32, #tpu.memory_space<hbm>>) dst(%arg11 : memref<80xi32, #tpu.memory_space<vmem>>)
    %scan3A_49 = arith.constant 0 : i32
    %scan3A_50 = arith.constant 80 : i32
    %scan3A_51 = arith.addi %scan3A_49, %scan3A_50 : i32
    %scan3A_52 = arith.constant 1 : i32
    scf.for %scan3A_69 = %scan3A_49 to %scan3A_51 step %scan3A_52  : i32 {
      %mul3A_70 = arith.constant 1 : i32
      %mul3A_71 = arith.muli %scan3A_69, %mul3A_70 : i32
      %add3A_72 = arith.constant 0 : i32
      %add3A_73 = arith.addi %add3A_72, %mul3A_71 : i32
      %get3A = arith.index_cast %add3A_73 : i32 to index
      %get3A_74 = arith.constant 16 : index
      %get3A_75 = tpu.vector_load %arg13[%get3A, %get3A_74] {strides = array<i32>} : memref<80x128xf32, #tpu.memory_space<vmem>>, vector<1x16xf32>,
      %get3A_76 = vector.shape_cast %get3A_75 : vector<1x16xf32> to vector<16xf32>
      %get3A_77 = arith.index_cast %add3A_73 : i32 to index
      %get3A_78 = arith.constant 32 : index
      %get3A_79 = tpu.vector_load %arg15[%get3A_77, %get3A_78] {strides = array<i32>} : memref<80x128xf32, #tpu.memory_space<vmem>>, vector<1x16xf32>,
      %get3A_80 = vector.shape_cast %get3A_79 : vector<1x16xf32> to vector<16xf32>
      %add3A_81 = arith.addf %get3A_76, %get3A_80 : vector<16xf32>
      %mul3A_82 = arith.constant 2.000000e-01 : f32
      %mul3A_83 = vector.broadcast %mul3A_82 : f32 to vector<16xf32>
      %mul3A_84 = arith.mulf %mul3A_83, %add3A_81 : vector<16xf32>
      %max3A = arith.maximumf %add3A_81, %mul3A_84 : vector<16xf32>
      %exp3A = math.exp %max3A : vector<16xf32>
      %swap3A = arith.index_cast %add3A_73 : i32 to index
      %swap3A_85 = arith.constant 16 : index
      %swap3A_86 = tpu.vector_load %arg15[%swap3A, %swap3A_85] {strides = array<i32>} : memref<80x128xf32, #tpu.memory_space<vmem>>, vector<1x16xf32>,
      %swap3A_87 = vector.shape_cast %swap3A_86 : vector<1x16xf32> to vector<16xf32>
      %swap3A_88 = vector.shape_cast %exp3A : vector<16xf32> to vector<1x16xf32>
      tpu.vector_store %arg15[%swap3A, %swap3A_85], %swap3A_88 {strides = array<i32>} : memref<80x128xf32, #tpu.memory_space<vmem>>, vector<1x16xf32>,
      %slice3A = vector.extract_strided_slice %exp3A {offsets = [0], sizes = [1], strides = [1]} : vector<16xf32> to vector<1xf32>
      %squeeze3A = vector.extract %slice3A[0] : f32 from vector<1xf32>
      %broadcast_in_dim3A = vector.broadcast %squeeze3A : f32 to vector<16xf32>
      %get3A_89 = arith.index_cast %add3A_73 : i32 to index
      %get3A_90 = arith.constant 0 : index
      %get3A_91 = tpu.vector_load %arg13[%get3A_89, %get3A_90] {strides = array<i32>} : memref<80x128xf32, #tpu.memory_space<vmem>>, vector<1x16xf32>,
      %get3A_92 = vector.shape_cast %get3A_91 : vector<1x16xf32> to vector<16xf32>
      %mul3A_93 = arith.mulf %get3A_92, %broadcast_in_dim3A : vector<16xf32>
      %swap3A_94 = arith.index_cast %add3A_73 : i32 to index
      %swap3A_95 = arith.constant 0 : index
      %swap3A_96 = tpu.vector_load %arg15[%swap3A_94, %swap3A_95] {strides = array<i32>} : memref<80x128xf32, #tpu.memory_space<vmem>>, vector<1x16xf32>,
      %swap3A_97 = vector.shape_cast %swap3A_96 : vector<1x16xf32> to vector<16xf32>
      %swap3A_98 = vector.shape_cast %mul3A_93 : vector<16xf32> to vector<1x16xf32>
      tpu.vector_store %arg15[%swap3A_94, %swap3A_95], %swap3A_98 {strides = array<i32>} : memref<80x128xf32, #tpu.memory_space<vmem>>, vector<1x16xf32>,
    }
    %scan3A_53 = arith.constant 80 : i32
    %dma_start3A_54 = arith.constant 0 : i32
    %dma_start3A_55 = arith.constant 0 : i32
    %dma_start3A_56 = tpu.memref_slice %arg17[%dma_start3A_54, %dma_start3A_55] : memref<10000x128xf32, #tpu.memory_space<vmem_shared>> -> memref<10000x128xf32, #tpu.memory_space<vmem_shared>>
    tpu.enqueue_indirect_dma source(%arg15 : memref<80x128xf32, #tpu.memory_space<vmem>>) target(%dma_start3A_56 : memref<10000x128xf32, #tpu.memory_space<vmem_shared>>) offsets(%arg11 : memref<80xi32, #tpu.memory_space<vmem>>) semaphore(%arg26 : memref<!tpu.dma_semaphore, #tpu.memory_space<semaphore_mem>>) {add = true}
    %dma_wait3A_57 = arith.constant 0 : i32
    %dma_wait3A_58 = arith.constant 0 : i32
    %dma_wait3A_59 = tpu.memref_slice %arg17[%dma_wait3A_57, %dma_wait3A_58] : memref<10000x128xf32, #tpu.memory_space<vmem_shared>> -> memref<10000x128xf32, #tpu.memory_space<vmem_shared>>
    tpu.wait_indirect_dma semaphore(%arg27 : memref<!tpu.dma_semaphore, #tpu.memory_space<semaphore_mem>>) src(%arg16 : memref<80x128xf32, #tpu.memory_space<vmem>>) dst(%dma_wait3A_59 : memref<10000x128xf32, #tpu.memory_space<vmem_shared>>)
    %dma_wait3A_60 = arith.constant 0 : i32
    %dma_wait3A_61 = arith.constant 0 : i32
    %dma_wait3A_62 = tpu.memref_slice %arg17[%dma_wait3A_60, %dma_wait3A_61] : memref<10000x128xf32, #tpu.memory_space<vmem_shared>> -> memref<10000x128xf32, #tpu.memory_space<vmem_shared>>
    tpu.wait_indirect_dma semaphore(%arg26 : memref<!tpu.dma_semaphore, #tpu.memory_space<semaphore_mem>>) src(%arg15 : memref<80x128xf32, #tpu.memory_space<vmem>>) dst(%dma_wait3A_62 : memref<10000x128xf32, #tpu.memory_space<vmem_shared>>)
    %barrier3A_63 = arith.constant 0 : index
    tpu.barrier barrier_id(%barrier3A_63)
    "tpu.region"() ({
      %run_scoped3A = tpu.sem_alloc : memref<!tpu.dma_semaphore, #tpu.memory_space<semaphore_mem>>
      %dma_start3A_69 = arith.constant 0 : i32
      %dma_start3A_70 = tpu.memref_slice %arg6[%arg0, %mul3A_2, %dma_start3A_69] : memref<2x10000x128xf32, #tpu.memory_space<hbm>> -> memref<1x624x128xf32, #tpu.memory_space<hbm>>
      %dma_start3A_71 = tpu.memref_squeeze %dma_start3A_70 : memref<1x624x128xf32, #tpu.memory_space<hbm>> -> memref<624x128xf32, #tpu.memory_space<hbm>>
      %dma_start3A_72 = arith.constant 0 : i32
      %dma_start3A_73 = tpu.memref_slice %arg17[%mul3A_2, %dma_start3A_72] : memref<10000x128xf32, #tpu.memory_space<vmem_shared>> -> memref<624x128xf32, #tpu.memory_space<vmem_shared>>
      tpu.enqueue_dma source(%dma_start3A_73 : memref<624x128xf32, #tpu.memory_space<vmem_shared>>) target(%dma_start3A_71 : memref<624x128xf32, #tpu.memory_space<hbm>>) target_semaphore(%run_scoped3A : memref<!tpu.dma_semaphore, #tpu.memory_space<semaphore_mem>>)
      %dma_wait3A_74 = arith.constant 0 : i32
      %dma_wait3A_75 = tpu.memref_slice %arg6[%arg0, %mul3A_2, %dma_wait3A_74] : memref<2x10000x128xf32, #tpu.memory_space<hbm>> -> memref<1x624x128xf32, #tpu.memory_space<hbm>>
      %dma_wait3A_76 = tpu.memref_squeeze %dma_wait3A_75 : memref<1x624x128xf32, #tpu.memory_space<hbm>> -> memref<624x128xf32, #tpu.memory_space<hbm>>
      %dma_wait3A_77 = arith.constant 0 : i32
      %dma_wait3A_78 = tpu.memref_slice %arg17[%mul3A_2, %dma_wait3A_77] : memref<10000x128xf32, #tpu.memory_space<vmem_shared>> -> memref<624x128xf32, #tpu.memory_space<vmem_shared>>
      tpu.wait_dma2 semaphore(%run_scoped3A : memref<!tpu.dma_semaphore, #tpu.memory_space<semaphore_mem>>) src(%dma_wait3A_78 : memref<624x128xf32, #tpu.memory_space<vmem_shared>>) dst(%dma_wait3A_76 : memref<624x128xf32, #tpu.memory_space<hbm>>)
      tpu.yield
    }) : () -> ()
    %eq3A_64 = arith.constant 0 : i32
    %eq3A_65 = arith.cmpi eq, %arg1, %eq3A_64 : i32
    %convert_element_type3A_66 = arith.extui %eq3A_65 : i1 to i32
    %cond3A_67 = arith.constant 0 : i32
    %cond3A_68 = arith.cmpi ne, %convert_element_type3A_66, %cond3A_67 : i32
    scf.if %cond3A_68 {
      "tpu.region"() ({
        %run_scoped3A = tpu.sem_alloc : memref<!tpu.dma_semaphore, #tpu.memory_space<semaphore_mem>>
        %dma_start3A_69 = arith.constant 9984 : i32
        %dma_start3A_70 = arith.constant 0 : i32
        %dma_start3A_71 = tpu.memref_slice %arg6[%arg0, %dma_start3A_69, %dma_start3A_70] : memref<2x10000x128xf32, #tpu.memory_space<hbm>> -> memref<1x16x128xf32, #tpu.memory_space<hbm>>
        %dma_start3A_72 = tpu.memref_squeeze %dma_start3A_71 : memref<1x16x128xf32, #tpu.memory_space<hbm>> -> memref<16x128xf32, #tpu.memory_space<hbm>>
        %dma_start3A_73 = arith.constant 9984 : i32
        %dma_start3A_74 = arith.constant 0 : i32
        %dma_start3A_75 = tpu.memref_slice %arg17[%dma_start3A_73, %dma_start3A_74] : memref<10000x128xf32, #tpu.memory_space<vmem_shared>> -> memref<16x128xf32, #tpu.memory_space<vmem_shared>>
        tpu.enqueue_dma source(%dma_start3A_75 : memref<16x128xf32, #tpu.memory_space<vmem_shared>>) target(%dma_start3A_72 : memref<16x128xf32, #tpu.memory_space<hbm>>) target_semaphore(%run_scoped3A : memref<!tpu.dma_semaphore, #tpu.memory_space<semaphore_mem>>)
        %dma_wait3A_76 = arith.constant 9984 : i32
        %dma_wait3A_77 = arith.constant 0 : i32
        %dma_wait3A_78 = tpu.memref_slice %arg6[%arg0, %dma_wait3A_76, %dma_wait3A_77] : memref<2x10000x128xf32, #tpu.memory_space<hbm>> -> memref<1x16x128xf32, #tpu.memory_space<hbm>>
        %dma_wait3A_79 = tpu.memref_squeeze %dma_wait3A_78 : memref<1x16x128xf32, #tpu.memory_space<hbm>> -> memref<16x128xf32, #tpu.memory_space<hbm>>
        %dma_wait3A_80 = arith.constant 9984 : i32
        %dma_wait3A_81 = arith.constant 0 : i32
        %dma_wait3A_82 = tpu.memref_slice %arg17[%dma_wait3A_80, %dma_wait3A_81] : memref<10000x128xf32, #tpu.memory_space<vmem_shared>> -> memref<16x128xf32, #tpu.memory_space<vmem_shared>>
        tpu.wait_dma2 semaphore(%run_scoped3A : memref<!tpu.dma_semaphore, #tpu.memory_space<semaphore_mem>>) src(%dma_wait3A_82 : memref<16x128xf32, #tpu.memory_space<vmem_shared>>) dst(%dma_wait3A_79 : memref<16x128xf32, #tpu.memory_space<hbm>>)
        tpu.yield
      }) : () -> ()
    } else {
    }
    return
  }
}

#map = affine_map<(d0, d1) -> (0)>
#map1 = affine_map<(d0, d1) -> (0, 0)>
#map2 = affine_map<(d0, d1) -> (0, 0, 0)>
module attributes {stable_mosaic.version = 14 : i64} {
  func.func @edge_kernel(%arg0: i32, %arg1: i32, %arg2: memref<320000xi32, #tpu.memory_space<hbm>>, %arg3: memref<320000xi32, #tpu.memory_space<hbm>>, %arg4: memref<10000x128xf32, #tpu.memory_space<hbm>>, %arg5: memref<10000x128xf32, #tpu.memory_space<hbm>>, %arg6: memref<2x10000x128xf32, #tpu.memory_space<hbm>>, %arg7: memref<80xi32, #tpu.memory_space<vmem>>, %arg8: memref<80xi32, #tpu.memory_space<vmem>>, %arg9: memref<80xi32, #tpu.memory_space<vmem>>, %arg10: memref<80xi32, #tpu.memory_space<vmem>>, %arg11: memref<80xi32, #tpu.memory_space<vmem>>, %arg12: memref<80xi32, #tpu.memory_space<vmem>>, %arg13: memref<80x128xf32, #tpu.memory_space<vmem>>, %arg14: memref<80x128xf32, #tpu.memory_space<vmem>>, %arg15: memref<80x128xf32, #tpu.memory_space<vmem>>, %arg16: memref<80x128xf32, #tpu.memory_space<vmem>>, %arg17: memref<10000x128xf32, #tpu.memory_space<vmem_shared>>, %arg18: memref<!tpu.dma_semaphore, #tpu.memory_space<semaphore_mem>>, %arg19: memref<!tpu.dma_semaphore, #tpu.memory_space<semaphore_mem>>, %arg20: memref<!tpu.dma_semaphore, #tpu.memory_space<semaphore_mem>>, %arg21: memref<!tpu.dma_semaphore, #tpu.memory_space<semaphore_mem>>, %arg22: memref<!tpu.dma_semaphore, #tpu.memory_space<semaphore_mem>>, %arg23: memref<!tpu.dma_semaphore, #tpu.memory_space<semaphore_mem>>, %arg24: memref<!tpu.dma_semaphore, #tpu.memory_space<semaphore_mem>>, %arg25: memref<!tpu.dma_semaphore, #tpu.memory_space<semaphore_mem>>, %arg26: memref<!tpu.dma_semaphore, #tpu.memory_space<semaphore_mem>>, %arg27: memref<!tpu.dma_semaphore, #tpu.memory_space<semaphore_mem>>) attributes {dimension_semantics = [#tpu.dimension_semantics<core_parallel>, #tpu.dimension_semantics<subcore_parallel>], iteration_bounds = array<i64: 2, 16>, scalar_prefetch = 0 : i64, scratch_operands = 21 : i64, tpu.core_type = #tpu.core_type<sc_vector_subcore>, window_params = [{transform_indices = #map}, {transform_indices = #map}, {transform_indices = #map1}, {transform_indices = #map1}, {transform_indices = #map2}]} {
    %mul3A = arith.constant 2 : i32
    %mul3A_0 = arith.muli %arg1, %mul3A : i32
    %add3A = arith.addi %mul3A_0, %arg0 : i32
    %mul3A_1 = arith.constant 624 : i32
    %mul3A_2 = arith.muli %arg1, %mul3A_1 : i32
    %mul3A_3 = arith.constant 10000 : i32
    %mul3A_4 = arith.muli %add3A, %mul3A_3 : i32
    "tpu.region"() ({
      %run_scoped3A = tpu.sem_alloc : memref<!tpu.dma_semaphore, #tpu.memory_space<semaphore_mem>>
      %dma_start3A_69 = arith.constant 0 : i32
      %dma_start3A_70 = tpu.memref_slice %arg17[%mul3A_2, %dma_start3A_69] : memref<10000x128xf32, #tpu.memory_space<vmem_shared>> -> memref<624x128xf32, #tpu.memory_space<vmem_shared>>
      %dma_start3A_71 = arith.constant 0 : i32
      %dma_start3A_72 = tpu.memref_slice %arg5[%mul3A_2, %dma_start3A_71] : memref<10000x128xf32, #tpu.memory_space<hbm>> -> memref<624x128xf32, #tpu.memory_space<hbm>>
      tpu.enqueue_dma source(%dma_start3A_72 : memref<624x128xf32, #tpu.memory_space<hbm>>) target(%dma_start3A_70 : memref<624x128xf32, #tpu.memory_space<vmem_shared>>) target_semaphore(%run_scoped3A : memref<!tpu.dma_semaphore, #tpu.memory_space<semaphore_mem>>)
      %dma_wait3A_73 = arith.constant 0 : i32
      %dma_wait3A_74 = tpu.memref_slice %arg17[%mul3A_2, %dma_wait3A_73] : memref<10000x128xf32, #tpu.memory_space<vmem_shared>> -> memref<624x128xf32, #tpu.memory_space<vmem_shared>>
      %dma_wait3A_75 = arith.constant 0 : i32
      %dma_wait3A_76 = tpu.memref_slice %arg5[%mul3A_2, %dma_wait3A_75] : memref<10000x128xf32, #tpu.memory_space<hbm>> -> memref<624x128xf32, #tpu.memory_space<hbm>>
      tpu.wait_dma2 semaphore(%run_scoped3A : memref<!tpu.dma_semaphore, #tpu.memory_space<semaphore_mem>>) src(%dma_wait3A_76 : memref<624x128xf32, #tpu.memory_space<hbm>>) dst(%dma_wait3A_74 : memref<624x128xf32, #tpu.memory_space<vmem_shared>>)
      tpu.yield
    }) : () -> ()
    %eq3A = arith.constant 0 : i32
    %eq3A_5 = arith.cmpi eq, %arg1, %eq3A : i32
    %convert_element_type3A = arith.extui %eq3A_5 : i1 to i32
    %cond3A = arith.constant 0 : i32
    %cond3A_6 = arith.cmpi ne, %convert_element_type3A, %cond3A : i32
    scf.if %cond3A_6 {
      "tpu.region"() ({
        %run_scoped3A = tpu.sem_alloc : memref<!tpu.dma_semaphore, #tpu.memory_space<semaphore_mem>>
        %dma_start3A_69 = arith.constant 9984 : i32
        %dma_start3A_70 = arith.constant 0 : i32
        %dma_start3A_71 = tpu.memref_slice %arg17[%dma_start3A_69, %dma_start3A_70] : memref<10000x128xf32, #tpu.memory_space<vmem_shared>> -> memref<16x128xf32, #tpu.memory_space<vmem_shared>>
        %dma_start3A_72 = arith.constant 9984 : i32
        %dma_start3A_73 = arith.constant 0 : i32
        %dma_start3A_74 = tpu.memref_slice %arg5[%dma_start3A_72, %dma_start3A_73] : memref<10000x128xf32, #tpu.memory_space<hbm>> -> memref<16x128xf32, #tpu.memory_space<hbm>>
        tpu.enqueue_dma source(%dma_start3A_74 : memref<16x128xf32, #tpu.memory_space<hbm>>) target(%dma_start3A_71 : memref<16x128xf32, #tpu.memory_space<vmem_shared>>) target_semaphore(%run_scoped3A : memref<!tpu.dma_semaphore, #tpu.memory_space<semaphore_mem>>)
        %dma_wait3A_75 = arith.constant 9984 : i32
        %dma_wait3A_76 = arith.constant 0 : i32
        %dma_wait3A_77 = tpu.memref_slice %arg17[%dma_wait3A_75, %dma_wait3A_76] : memref<10000x128xf32, #tpu.memory_space<vmem_shared>> -> memref<16x128xf32, #tpu.memory_space<vmem_shared>>
        %dma_wait3A_78 = arith.constant 9984 : i32
        %dma_wait3A_79 = arith.constant 0 : i32
        %dma_wait3A_80 = tpu.memref_slice %arg5[%dma_wait3A_78, %dma_wait3A_79] : memref<10000x128xf32, #tpu.memory_space<hbm>> -> memref<16x128xf32, #tpu.memory_space<hbm>>
        tpu.wait_dma2 semaphore(%run_scoped3A : memref<!tpu.dma_semaphore, #tpu.memory_space<semaphore_mem>>) src(%dma_wait3A_80 : memref<16x128xf32, #tpu.memory_space<hbm>>) dst(%dma_wait3A_77 : memref<16x128xf32, #tpu.memory_space<vmem_shared>>)
        tpu.yield
      }) : () -> ()
    } else {
    }
    %barrier3A = arith.constant 0 : index
    tpu.barrier barrier_id(%barrier3A)
    %add3A_7 = arith.constant 0 : i32
    %add3A_8 = arith.addi %mul3A_4, %add3A_7 : i32
    %dma_start3A = tpu.memref_slice %arg2[%add3A_8] : memref<320000xi32, #tpu.memory_space<hbm>> -> memref<80xi32, #tpu.memory_space<hbm>>
    %dma_start3A_9 = tpu.memref_slice %arg2[%add3A_8] : memref<320000xi32, #tpu.memory_space<hbm>> -> memref<80xi32, #tpu.memory_space<hbm>>
    tpu.enqueue_dma source(%dma_start3A_9 : memref<80xi32, #tpu.memory_space<hbm>>) target(%arg7 : memref<80xi32, #tpu.memory_space<vmem>>) target_semaphore(%arg18 : memref<!tpu.dma_semaphore, #tpu.memory_space<semaphore_mem>>)
    %dma_start3A_10 = tpu.memref_slice %arg3[%add3A_8] : memref<320000xi32, #tpu.memory_space<hbm>> -> memref<80xi32, #tpu.memory_space<hbm>>
    %dma_start3A_11 = tpu.memref_slice %arg3[%add3A_8] : memref<320000xi32, #tpu.memory_space<hbm>> -> memref<80xi32, #tpu.memory_space<hbm>>
    tpu.enqueue_dma source(%dma_start3A_11 : memref<80xi32, #tpu.memory_space<hbm>>) target(%arg9 : memref<80xi32, #tpu.memory_space<vmem>>) target_semaphore(%arg18 : memref<!tpu.dma_semaphore, #tpu.memory_space<semaphore_mem>>)
    %add3A_12 = arith.constant 80 : i32
    %add3A_13 = arith.addi %mul3A_4, %add3A_12 : i32
    %dma_start3A_14 = tpu.memref_slice %arg2[%add3A_13] : memref<320000xi32, #tpu.memory_space<hbm>> -> memref<80xi32, #tpu.memory_space<hbm>>
    %dma_start3A_15 = tpu.memref_slice %arg2[%add3A_13] : memref<320000xi32, #tpu.memory_space<hbm>> -> memref<80xi32, #tpu.memory_space<hbm>>
    tpu.enqueue_dma source(%dma_start3A_15 : memref<80xi32, #tpu.memory_space<hbm>>) target(%arg8 : memref<80xi32, #tpu.memory_space<vmem>>) target_semaphore(%arg19 : memref<!tpu.dma_semaphore, #tpu.memory_space<semaphore_mem>>)
    %dma_start3A_16 = tpu.memref_slice %arg3[%add3A_13] : memref<320000xi32, #tpu.memory_space<hbm>> -> memref<80xi32, #tpu.memory_space<hbm>>
    %dma_start3A_17 = tpu.memref_slice %arg3[%add3A_13] : memref<320000xi32, #tpu.memory_space<hbm>> -> memref<80xi32, #tpu.memory_space<hbm>>
    tpu.enqueue_dma source(%dma_start3A_17 : memref<80xi32, #tpu.memory_space<hbm>>) target(%arg10 : memref<80xi32, #tpu.memory_space<vmem>>) target_semaphore(%arg19 : memref<!tpu.dma_semaphore, #tpu.memory_space<semaphore_mem>>)
    %add3A_18 = arith.constant 0 : i32
    %add3A_19 = arith.addi %mul3A_4, %add3A_18 : i32
    %dma_start3A_20 = tpu.memref_slice %arg3[%add3A_19] : memref<320000xi32, #tpu.memory_space<hbm>> -> memref<80xi32, #tpu.memory_space<hbm>>
    %dma_start3A_21 = tpu.memref_slice %arg3[%add3A_19] : memref<320000xi32, #tpu.memory_space<hbm>> -> memref<80xi32, #tpu.memory_space<hbm>>
    tpu.enqueue_dma source(%dma_start3A_21 : memref<80xi32, #tpu.memory_space<hbm>>) target(%arg11 : memref<80xi32, #tpu.memory_space<vmem>>) target_semaphore(%arg20 : memref<!tpu.dma_semaphore, #tpu.memory_space<semaphore_mem>>)
    %dma_wait3A = arith.constant 0 : i32
    %dma_wait3A_22 = tpu.memref_slice %arg2[%dma_wait3A] : memref<320000xi32, #tpu.memory_space<hbm>> -> memref<80xi32, #tpu.memory_space<hbm>>
    %dma_wait3A_23 = arith.constant 0 : i32
    %dma_wait3A_24 = tpu.memref_slice %arg2[%dma_wait3A_23] : memref<320000xi32, #tpu.memory_space<hbm>> -> memref<80xi32, #tpu.memory_space<hbm>>
    tpu.wait_dma2 semaphore(%arg18 : memref<!tpu.dma_semaphore, #tpu.memory_space<semaphore_mem>>) src(%dma_wait3A_24 : memref<80xi32, #tpu.memory_space<hbm>>) dst(%arg7 : memref<80xi32, #tpu.memory_space<vmem>>)
    %dma_wait3A_25 = arith.constant 0 : i32
    %dma_wait3A_26 = tpu.memref_slice %arg3[%dma_wait3A_25] : memref<320000xi32, #tpu.memory_space<hbm>> -> memref<80xi32, #tpu.memory_space<hbm>>
    %dma_wait3A_27 = arith.constant 0 : i32
    %dma_wait3A_28 = tpu.memref_slice %arg3[%dma_wait3A_27] : memref<320000xi32, #tpu.memory_space<hbm>> -> memref<80xi32, #tpu.memory_space<hbm>>
    tpu.wait_dma2 semaphore(%arg18 : memref<!tpu.dma_semaphore, #tpu.memory_space<semaphore_mem>>) src(%dma_wait3A_28 : memref<80xi32, #tpu.memory_space<hbm>>) dst(%arg9 : memref<80xi32, #tpu.memory_space<vmem>>)
    %dma_start3A_29 = arith.constant 0 : i32
    %dma_start3A_30 = arith.constant 0 : i32
    %dma_start3A_31 = tpu.memref_slice %arg4[%dma_start3A_29, %dma_start3A_30] : memref<10000x128xf32, #tpu.memory_space<hbm>> -> memref<10000x128xf32, #tpu.memory_space<hbm>>
    tpu.enqueue_indirect_dma source(%dma_start3A_31 : memref<10000x128xf32, #tpu.memory_space<hbm>>) target(%arg13 : memref<80x128xf32, #tpu.memory_space<vmem>>) offsets(%arg7 : memref<80xi32, #tpu.memory_space<vmem>>) semaphore(%arg22 : memref<!tpu.dma_semaphore, #tpu.memory_space<semaphore_mem>>)
    %dma_start3A_32 = arith.constant 0 : i32
    %dma_start3A_33 = arith.constant 0 : i32
    %dma_start3A_34 = tpu.memref_slice %arg4[%dma_start3A_32, %dma_start3A_33] : memref<10000x128xf32, #tpu.memory_space<hbm>> -> memref<10000x128xf32, #tpu.memory_space<hbm>>
    tpu.enqueue_indirect_dma source(%dma_start3A_34 : memref<10000x128xf32, #tpu.memory_space<hbm>>) target(%arg15 : memref<80x128xf32, #tpu.memory_space<vmem>>) offsets(%arg9 : memref<80xi32, #tpu.memory_space<vmem>>) semaphore(%arg24 : memref<!tpu.dma_semaphore, #tpu.memory_space<semaphore_mem>>)
    %scan3A = arith.constant 0 : i32
    %scan3A_35 = arith.constant 62 : i32
    %scan3A_36 = arith.addi %scan3A, %scan3A_35 : i32
    %scan3A_37 = arith.constant 1 : i32
    scf.for %scan3A_69 = %scan3A to %scan3A_36 step %scan3A_37  : i32 {
      %mul3A_70 = arith.constant 1 : i32
      %mul3A_71 = arith.muli %scan3A_69, %mul3A_70 : i32
      %add3A_72 = arith.constant 0 : i32
      %add3A_73 = arith.addi %add3A_72, %mul3A_71 : i32
      %mul3A_74 = arith.constant 2 : i32
      %mul3A_75 = arith.muli %mul3A_74, %add3A_73 : i32
      %dma_wait3A_76 = arith.constant 0 : i32
      %dma_wait3A_77 = tpu.memref_slice %arg2[%dma_wait3A_76] : memref<320000xi32, #tpu.memory_space<hbm>> -> memref<80xi32, #tpu.memory_space<hbm>>
      %dma_wait3A_78 = arith.constant 0 : i32
      %dma_wait3A_79 = tpu.memref_slice %arg2[%dma_wait3A_78] : memref<320000xi32, #tpu.memory_space<hbm>> -> memref<80xi32, #tpu.memory_space<hbm>>
      tpu.wait_dma2 semaphore(%arg19 : memref<!tpu.dma_semaphore, #tpu.memory_space<semaphore_mem>>) src(%dma_wait3A_79 : memref<80xi32, #tpu.memory_space<hbm>>) dst(%arg8 : memref<80xi32, #tpu.memory_space<vmem>>)
      %dma_wait3A_80 = arith.constant 0 : i32
      %dma_wait3A_81 = tpu.memref_slice %arg3[%dma_wait3A_80] : memref<320000xi32, #tpu.memory_space<hbm>> -> memref<80xi32, #tpu.memory_space<hbm>>
      %dma_wait3A_82 = arith.constant 0 : i32
      %dma_wait3A_83 = tpu.memref_slice %arg3[%dma_wait3A_82] : memref<320000xi32, #tpu.memory_space<hbm>> -> memref<80xi32, #tpu.memory_space<hbm>>
      tpu.wait_dma2 semaphore(%arg19 : memref<!tpu.dma_semaphore, #tpu.memory_space<semaphore_mem>>) src(%dma_wait3A_83 : memref<80xi32, #tpu.memory_space<hbm>>) dst(%arg10 : memref<80xi32, #tpu.memory_space<vmem>>)
      %dma_start3A_84 = arith.constant 0 : i32
      %dma_start3A_85 = arith.constant 0 : i32
      %dma_start3A_86 = tpu.memref_slice %arg4[%dma_start3A_84, %dma_start3A_85] : memref<10000x128xf32, #tpu.memory_space<hbm>> -> memref<10000x128xf32, #tpu.memory_space<hbm>>
      tpu.enqueue_indirect_dma source(%dma_start3A_86 : memref<10000x128xf32, #tpu.memory_space<hbm>>) target(%arg14 : memref<80x128xf32, #tpu.memory_space<vmem>>) offsets(%arg8 : memref<80xi32, #tpu.memory_space<vmem>>) semaphore(%arg23 : memref<!tpu.dma_semaphore, #tpu.memory_space<semaphore_mem>>)
      %dma_wait3A_87 = arith.constant 0 : i32
      %dma_wait3A_88 = arith.constant 0 : i32
      %dma_wait3A_89 = tpu.memref_slice %arg4[%dma_wait3A_87, %dma_wait3A_88] : memref<10000x128xf32, #tpu.memory_space<hbm>> -> memref<10000x128xf32, #tpu.memory_space<hbm>>
      tpu.wait_indirect_dma semaphore(%arg22 : memref<!tpu.dma_semaphore, #tpu.memory_space<semaphore_mem>>) src(%dma_wait3A_89 : memref<10000x128xf32, #tpu.memory_space<hbm>>) dst(%arg13 : memref<80x128xf32, #tpu.memory_space<vmem>>)
      %dma_wait3A_90 = arith.constant 0 : i32
      %dma_wait3A_91 = arith.constant 0 : i32
      %dma_wait3A_92 = tpu.memref_slice %arg4[%dma_wait3A_90, %dma_wait3A_91] : memref<10000x128xf32, #tpu.memory_space<hbm>> -> memref<10000x128xf32, #tpu.memory_space<hbm>>
      tpu.wait_indirect_dma semaphore(%arg24 : memref<!tpu.dma_semaphore, #tpu.memory_space<semaphore_mem>>) src(%dma_wait3A_92 : memref<10000x128xf32, #tpu.memory_space<hbm>>) dst(%arg15 : memref<80x128xf32, #tpu.memory_space<vmem>>)
      %dma_wait3A_93 = arith.constant 0 : i32
      %dma_wait3A_94 = tpu.memref_slice %arg3[%dma_wait3A_93] : memref<320000xi32, #tpu.memory_space<hbm>> -> memref<80xi32, #tpu.memory_space<hbm>>
      %dma_wait3A_95 = arith.constant 0 : i32
      %dma_wait3A_96 = tpu.memref_slice %arg3[%dma_wait3A_95] : memref<320000xi32, #tpu.memory_space<hbm>> -> memref<80xi32, #tpu.memory_space<hbm>>
      tpu.wait_dma2 semaphore(%arg20 : memref<!tpu.dma_semaphore, #tpu.memory_space<semaphore_mem>>) src(%dma_wait3A_96 : memref<80xi32, #tpu.memory_space<hbm>>) dst(%arg11 : memref<80xi32, #tpu.memory_space<vmem>>)
      %scan3A_97 = arith.constant 0 : i32
      %scan3A_98 = arith.constant 80 : i32
      %scan3A_99 = arith.addi %scan3A_97, %scan3A_98 : i32
      %scan3A_100 = arith.constant 1 : i32
      scf.for %scan3A_178 = %scan3A_97 to %scan3A_99 step %scan3A_100  : i32 {
        %mul3A_179 = arith.constant 1 : i32
        %mul3A_180 = arith.muli %scan3A_178, %mul3A_179 : i32
        %add3A_181 = arith.constant 0 : i32
        %add3A_182 = arith.addi %add3A_181, %mul3A_180 : i32
        %get3A = arith.index_cast %add3A_182 : i32 to index
        %get3A_183 = arith.constant 96 : index
        %get3A_184 = tpu.vector_load %arg13[%get3A, %get3A_183] {strides = array<i32>} : memref<80x128xf32, #tpu.memory_space<vmem>>, vector<1x16xf32>,
        %get3A_185 = vector.shape_cast %get3A_184 : vector<1x16xf32> to vector<16xf32>
        %get3A_186 = arith.index_cast %add3A_182 : i32 to index
        %get3A_187 = arith.constant 112 : index
        %get3A_188 = tpu.vector_load %arg15[%get3A_186, %get3A_187] {strides = array<i32>} : memref<80x128xf32, #tpu.memory_space<vmem>>, vector<1x16xf32>,
        %get3A_189 = vector.shape_cast %get3A_188 : vector<1x16xf32> to vector<16xf32>
        %add3A_190 = arith.addf %get3A_185, %get3A_189 : vector<16xf32>
        %mul3A_191 = arith.constant 2.000000e-01 : f32
        %mul3A_192 = vector.broadcast %mul3A_191 : f32 to vector<16xf32>
        %mul3A_193 = arith.mulf %mul3A_192, %add3A_190 : vector<16xf32>
        %max3A = arith.maximumf %add3A_190, %mul3A_193 : vector<16xf32>
        %exp3A = math.exp %max3A : vector<16xf32>
        %swap3A = arith.index_cast %add3A_182 : i32 to index
        %swap3A_194 = arith.constant 96 : index
        %swap3A_195 = tpu.vector_load %arg15[%swap3A, %swap3A_194] {strides = array<i32>} : memref<80x128xf32, #tpu.memory_space<vmem>>, vector<1x16xf32>,
        %swap3A_196 = vector.shape_cast %swap3A_195 : vector<1x16xf32> to vector<16xf32>
        %swap3A_197 = vector.shape_cast %exp3A : vector<16xf32> to vector<1x16xf32>
        tpu.vector_store %arg15[%swap3A, %swap3A_194], %swap3A_197 {strides = array<i32>} : memref<80x128xf32, #tpu.memory_space<vmem>>, vector<1x16xf32>,
        %slice3A = vector.extract_strided_slice %exp3A {offsets = [0], sizes = [1], strides = [1]} : vector<16xf32> to vector<1xf32>
        %squeeze3A = vector.extract %slice3A[0] : f32 from vector<1xf32>
        %broadcast_in_dim3A = vector.broadcast %squeeze3A : f32 to vector<16xf32>
        %get3A_198 = arith.index_cast %add3A_182 : i32 to index
        %get3A_199 = arith.constant 0 : index
        %get3A_200 = tpu.vector_load %arg13[%get3A_198, %get3A_199] {strides = array<i32>} : memref<80x128xf32, #tpu.memory_space<vmem>>, vector<1x16xf32>,
        %get3A_201 = vector.shape_cast %get3A_200 : vector<1x16xf32> to vector<16xf32>
        %mul3A_202 = arith.mulf %get3A_201, %broadcast_in_dim3A : vector<16xf32>
        %swap3A_203 = arith.index_cast %add3A_182 : i32 to index
        %swap3A_204 = arith.constant 0 : index
        %swap3A_205 = tpu.vector_load %arg15[%swap3A_203, %swap3A_204] {strides = array<i32>} : memref<80x128xf32, #tpu.memory_space<vmem>>, vector<1x16xf32>,
        %swap3A_206 = vector.shape_cast %swap3A_205 : vector<1x16xf32> to vector<16xf32>
        %swap3A_207 = vector.shape_cast %mul3A_202 : vector<16xf32> to vector<1x16xf32>
        tpu.vector_store %arg15[%swap3A_203, %swap3A_204], %swap3A_207 {strides = array<i32>} : memref<80x128xf32, #tpu.memory_space<vmem>>, vector<1x16xf32>,
        %slice3A_208 = vector.extract_strided_slice %exp3A {offsets = [1], sizes = [1], strides = [1]} : vector<16xf32> to vector<1xf32>
        %squeeze3A_209 = vector.extract %slice3A_208[0] : f32 from vector<1xf32>
        %broadcast_in_dim3A_210 = vector.broadcast %squeeze3A_209 : f32 to vector<16xf32>
        %get3A_211 = arith.index_cast %add3A_182 : i32 to index
        %get3A_212 = arith.constant 16 : index
        %get3A_213 = tpu.vector_load %arg13[%get3A_211, %get3A_212] {strides = array<i32>} : memref<80x128xf32, #tpu.memory_space<vmem>>, vector<1x16xf32>,
        %get3A_214 = vector.shape_cast %get3A_213 : vector<1x16xf32> to vector<16xf32>
        %mul3A_215 = arith.mulf %get3A_214, %broadcast_in_dim3A_210 : vector<16xf32>
        %swap3A_216 = arith.index_cast %add3A_182 : i32 to index
        %swap3A_217 = arith.constant 16 : index
        %swap3A_218 = tpu.vector_load %arg15[%swap3A_216, %swap3A_217] {strides = array<i32>} : memref<80x128xf32, #tpu.memory_space<vmem>>, vector<1x16xf32>,
        %swap3A_219 = vector.shape_cast %swap3A_218 : vector<1x16xf32> to vector<16xf32>
        %swap3A_220 = vector.shape_cast %mul3A_215 : vector<16xf32> to vector<1x16xf32>
        tpu.vector_store %arg15[%swap3A_216, %swap3A_217], %swap3A_220 {strides = array<i32>} : memref<80x128xf32, #tpu.memory_space<vmem>>, vector<1x16xf32>,
        %slice3A_221 = vector.extract_strided_slice %exp3A {offsets = [2], sizes = [1], strides = [1]} : vector<16xf32> to vector<1xf32>
        %squeeze3A_222 = vector.extract %slice3A_221[0] : f32 from vector<1xf32>
        %broadcast_in_dim3A_223 = vector.broadcast %squeeze3A_222 : f32 to vector<16xf32>
        %get3A_224 = arith.index_cast %add3A_182 : i32 to index
        %get3A_225 = arith.constant 32 : index
        %get3A_226 = tpu.vector_load %arg13[%get3A_224, %get3A_225] {strides = array<i32>} : memref<80x128xf32, #tpu.memory_space<vmem>>, vector<1x16xf32>,
        %get3A_227 = vector.shape_cast %get3A_226 : vector<1x16xf32> to vector<16xf32>
        %mul3A_228 = arith.mulf %get3A_227, %broadcast_in_dim3A_223 : vector<16xf32>
        %swap3A_229 = arith.index_cast %add3A_182 : i32 to index
        %swap3A_230 = arith.constant 32 : index
        %swap3A_231 = tpu.vector_load %arg15[%swap3A_229, %swap3A_230] {strides = array<i32>} : memref<80x128xf32, #tpu.memory_space<vmem>>, vector<1x16xf32>,
        %swap3A_232 = vector.shape_cast %swap3A_231 : vector<1x16xf32> to vector<16xf32>
        %swap3A_233 = vector.shape_cast %mul3A_228 : vector<16xf32> to vector<1x16xf32>
        tpu.vector_store %arg15[%swap3A_229, %swap3A_230], %swap3A_233 {strides = array<i32>} : memref<80x128xf32, #tpu.memory_space<vmem>>, vector<1x16xf32>,
        %slice3A_234 = vector.extract_strided_slice %exp3A {offsets = [3], sizes = [1], strides = [1]} : vector<16xf32> to vector<1xf32>
        %squeeze3A_235 = vector.extract %slice3A_234[0] : f32 from vector<1xf32>
        %broadcast_in_dim3A_236 = vector.broadcast %squeeze3A_235 : f32 to vector<16xf32>
        %get3A_237 = arith.index_cast %add3A_182 : i32 to index
        %get3A_238 = arith.constant 48 : index
        %get3A_239 = tpu.vector_load %arg13[%get3A_237, %get3A_238] {strides = array<i32>} : memref<80x128xf32, #tpu.memory_space<vmem>>, vector<1x16xf32>,
        %get3A_240 = vector.shape_cast %get3A_239 : vector<1x16xf32> to vector<16xf32>
        %mul3A_241 = arith.mulf %get3A_240, %broadcast_in_dim3A_236 : vector<16xf32>
        %swap3A_242 = arith.index_cast %add3A_182 : i32 to index
        %swap3A_243 = arith.constant 48 : index
        %swap3A_244 = tpu.vector_load %arg15[%swap3A_242, %swap3A_243] {strides = array<i32>} : memref<80x128xf32, #tpu.memory_space<vmem>>, vector<1x16xf32>,
        %swap3A_245 = vector.shape_cast %swap3A_244 : vector<1x16xf32> to vector<16xf32>
        %swap3A_246 = vector.shape_cast %mul3A_241 : vector<16xf32> to vector<1x16xf32>
        tpu.vector_store %arg15[%swap3A_242, %swap3A_243], %swap3A_246 {strides = array<i32>} : memref<80x128xf32, #tpu.memory_space<vmem>>, vector<1x16xf32>,
        %slice3A_247 = vector.extract_strided_slice %exp3A {offsets = [4], sizes = [1], strides = [1]} : vector<16xf32> to vector<1xf32>
        %squeeze3A_248 = vector.extract %slice3A_247[0] : f32 from vector<1xf32>
        %broadcast_in_dim3A_249 = vector.broadcast %squeeze3A_248 : f32 to vector<16xf32>
        %get3A_250 = arith.index_cast %add3A_182 : i32 to index
        %get3A_251 = arith.constant 64 : index
        %get3A_252 = tpu.vector_load %arg13[%get3A_250, %get3A_251] {strides = array<i32>} : memref<80x128xf32, #tpu.memory_space<vmem>>, vector<1x16xf32>,
        %get3A_253 = vector.shape_cast %get3A_252 : vector<1x16xf32> to vector<16xf32>
        %mul3A_254 = arith.mulf %get3A_253, %broadcast_in_dim3A_249 : vector<16xf32>
        %swap3A_255 = arith.index_cast %add3A_182 : i32 to index
        %swap3A_256 = arith.constant 64 : index
        %swap3A_257 = tpu.vector_load %arg15[%swap3A_255, %swap3A_256] {strides = array<i32>} : memref<80x128xf32, #tpu.memory_space<vmem>>, vector<1x16xf32>,
        %swap3A_258 = vector.shape_cast %swap3A_257 : vector<1x16xf32> to vector<16xf32>
        %swap3A_259 = vector.shape_cast %mul3A_254 : vector<16xf32> to vector<1x16xf32>
        tpu.vector_store %arg15[%swap3A_255, %swap3A_256], %swap3A_259 {strides = array<i32>} : memref<80x128xf32, #tpu.memory_space<vmem>>, vector<1x16xf32>,
        %slice3A_260 = vector.extract_strided_slice %exp3A {offsets = [5], sizes = [1], strides = [1]} : vector<16xf32> to vector<1xf32>
        %squeeze3A_261 = vector.extract %slice3A_260[0] : f32 from vector<1xf32>
        %broadcast_in_dim3A_262 = vector.broadcast %squeeze3A_261 : f32 to vector<16xf32>
        %get3A_263 = arith.index_cast %add3A_182 : i32 to index
        %get3A_264 = arith.constant 80 : index
        %get3A_265 = tpu.vector_load %arg13[%get3A_263, %get3A_264] {strides = array<i32>} : memref<80x128xf32, #tpu.memory_space<vmem>>, vector<1x16xf32>,
        %get3A_266 = vector.shape_cast %get3A_265 : vector<1x16xf32> to vector<16xf32>
        %mul3A_267 = arith.mulf %get3A_266, %broadcast_in_dim3A_262 : vector<16xf32>
        %swap3A_268 = arith.index_cast %add3A_182 : i32 to index
        %swap3A_269 = arith.constant 80 : index
        %swap3A_270 = tpu.vector_load %arg15[%swap3A_268, %swap3A_269] {strides = array<i32>} : memref<80x128xf32, #tpu.memory_space<vmem>>, vector<1x16xf32>,
        %swap3A_271 = vector.shape_cast %swap3A_270 : vector<1x16xf32> to vector<16xf32>
        %swap3A_272 = vector.shape_cast %mul3A_267 : vector<16xf32> to vector<1x16xf32>
        tpu.vector_store %arg15[%swap3A_268, %swap3A_269], %swap3A_272 {strides = array<i32>} : memref<80x128xf32, #tpu.memory_space<vmem>>, vector<1x16xf32>,
      }
      %scan3A_101 = arith.constant 80 : i32
      %dma_start3A_102 = arith.constant 0 : i32
      %dma_start3A_103 = arith.constant 0 : i32
      %dma_start3A_104 = tpu.memref_slice %arg17[%dma_start3A_102, %dma_start3A_103] : memref<10000x128xf32, #tpu.memory_space<vmem_shared>> -> memref<10000x128xf32, #tpu.memory_space<vmem_shared>>
      tpu.enqueue_indirect_dma source(%arg15 : memref<80x128xf32, #tpu.memory_space<vmem>>) target(%dma_start3A_104 : memref<10000x128xf32, #tpu.memory_space<vmem_shared>>) offsets(%arg11 : memref<80xi32, #tpu.memory_space<vmem>>) semaphore(%arg26 : memref<!tpu.dma_semaphore, #tpu.memory_space<semaphore_mem>>) {add = true}
      %gt3A = arith.constant 0 : i32
      %gt3A_105 = arith.cmpi sgt, %add3A_73, %gt3A : i32
      %convert_element_type3A_106 = arith.extui %gt3A_105 : i1 to i32
      %cond3A_107 = arith.constant 0 : i32
      %cond3A_108 = arith.cmpi ne, %convert_element_type3A_106, %cond3A_107 : i32
      scf.if %cond3A_108 {
        %dma_wait3A_178 = arith.constant 0 : i32
        %dma_wait3A_179 = arith.constant 0 : i32
        %dma_wait3A_180 = tpu.memref_slice %arg17[%dma_wait3A_178, %dma_wait3A_179] : memref<10000x128xf32, #tpu.memory_space<vmem_shared>> -> memref<10000x128xf32, #tpu.memory_space<vmem_shared>>
        tpu.wait_indirect_dma semaphore(%arg27 : memref<!tpu.dma_semaphore, #tpu.memory_space<semaphore_mem>>) src(%arg16 : memref<80x128xf32, #tpu.memory_space<vmem>>) dst(%dma_wait3A_180 : memref<10000x128xf32, #tpu.memory_space<vmem_shared>>)
      } else {
      }
      %dma_start3A_109 = arith.constant 0 : i32
      %dma_start3A_110 = arith.constant 0 : i32
      %dma_start3A_111 = tpu.memref_slice %arg4[%dma_start3A_109, %dma_start3A_110] : memref<10000x128xf32, #tpu.memory_space<hbm>> -> memref<10000x128xf32, #tpu.memory_space<hbm>>
      tpu.enqueue_indirect_dma source(%dma_start3A_111 : memref<10000x128xf32, #tpu.memory_space<hbm>>) target(%arg16 : memref<80x128xf32, #tpu.memory_space<vmem>>) offsets(%arg10 : memref<80xi32, #tpu.memory_space<vmem>>) semaphore(%arg25 : memref<!tpu.dma_semaphore, #tpu.memory_space<semaphore_mem>>)
      %add3A_112 = arith.constant 1 : i32
      %add3A_113 = arith.addi %mul3A_75, %add3A_112 : i32
      %mul3A_114 = arith.constant 80 : i32
      %mul3A_115 = arith.muli %add3A_113, %mul3A_114 : i32
      %add3A_116 = arith.addi %mul3A_4, %mul3A_115 : i32
      %dma_start3A_117 = tpu.memref_slice %arg3[%add3A_116] : memref<320000xi32, #tpu.memory_space<hbm>> -> memref<80xi32, #tpu.memory_space<hbm>>
      %dma_start3A_118 = tpu.memref_slice %arg3[%add3A_116] : memref<320000xi32, #tpu.memory_space<hbm>> -> memref<80xi32, #tpu.memory_space<hbm>>
      tpu.enqueue_dma source(%dma_start3A_118 : memref<80xi32, #tpu.memory_space<hbm>>) target(%arg12 : memref<80xi32, #tpu.memory_space<vmem>>) target_semaphore(%arg21 : memref<!tpu.dma_semaphore, #tpu.memory_space<semaphore_mem>>)
      %add3A_119 = arith.constant 2 : i32
      %add3A_120 = arith.addi %mul3A_75, %add3A_119 : i32
      %mul3A_121 = arith.constant 80 : i32
      %mul3A_122 = arith.muli %add3A_120, %mul3A_121 : i32
      %add3A_123 = arith.addi %mul3A_4, %mul3A_122 : i32
      %dma_start3A_124 = tpu.memref_slice %arg2[%add3A_123] : memref<320000xi32, #tpu.memory_space<hbm>> -> memref<80xi32, #tpu.memory_space<hbm>>
      %dma_start3A_125 = tpu.memref_slice %arg2[%add3A_123] : memref<320000xi32, #tpu.memory_space<hbm>> -> memref<80xi32, #tpu.memory_space<hbm>>
      tpu.enqueue_dma source(%dma_start3A_125 : memref<80xi32, #tpu.memory_space<hbm>>) target(%arg7 : memref<80xi32, #tpu.memory_space<vmem>>) target_semaphore(%arg18 : memref<!tpu.dma_semaphore, #tpu.memory_space<semaphore_mem>>)
      %dma_start3A_126 = tpu.memref_slice %arg3[%add3A_123] : memref<320000xi32, #tpu.memory_space<hbm>> -> memref<80xi32, #tpu.memory_space<hbm>>
      %dma_start3A_127 = tpu.memref_slice %arg3[%add3A_123] : memref<320000xi32, #tpu.memory_space<hbm>> -> memref<80xi32, #tpu.memory_space<hbm>>
      tpu.enqueue_dma source(%dma_start3A_127 : memref<80xi32, #tpu.memory_space<hbm>>) target(%arg9 : memref<80xi32, #tpu.memory_space<vmem>>) target_semaphore(%arg18 : memref<!tpu.dma_semaphore, #tpu.memory_space<semaphore_mem>>)
      %mul3A_128 = arith.constant 2 : i32
      %mul3A_129 = arith.muli %mul3A_128, %add3A_73 : i32
      %add3A_130 = arith.constant 1 : i32
      %add3A_131 = arith.addi %mul3A_129, %add3A_130 : i32
      %dma_wait3A_132 = arith.constant 0 : i32
      %dma_wait3A_133 = tpu.memref_slice %arg2[%dma_wait3A_132] : memref<320000xi32, #tpu.memory_space<hbm>> -> memref<80xi32, #tpu.memory_space<hbm>>
      %dma_wait3A_134 = arith.constant 0 : i32
      %dma_wait3A_135 = tpu.memref_slice %arg2[%dma_wait3A_134] : memref<320000xi32, #tpu.memory_space<hbm>> -> memref<80xi32, #tpu.memory_space<hbm>>
      tpu.wait_dma2 semaphore(%arg18 : memref<!tpu.dma_semaphore, #tpu.memory_space<semaphore_mem>>) src(%dma_wait3A_135 : memref<80xi32, #tpu.memory_space<hbm>>) dst(%arg7 : memref<80xi32, #tpu.memory_space<vmem>>)
      %dma_wait3A_136 = arith.constant 0 : i32
      %dma_wait3A_137 = tpu.memref_slice %arg3[%dma_wait3A_136] : memref<320000xi32, #tpu.memory_space<hbm>> -> memref<80xi32, #tpu.memory_space<hbm>>
      %dma_wait3A_138 = arith.constant 0 : i32
      %dma_wait3A_139 = tpu.memref_slice %arg3[%dma_wait3A_138] : memref<320000xi32, #tpu.memory_space<hbm>> -> memref<80xi32, #tpu.memory_space<hbm>>
      tpu.wait_dma2 semaphore(%arg18 : memref<!tpu.dma_semaphore, #tpu.memory_space<semaphore_mem>>) src(%dma_wait3A_139 : memref<80xi32, #tpu.memory_space<hbm>>) dst(%arg9 : memref<80xi32, #tpu.memory_space<vmem>>)
      %dma_start3A_140 = arith.constant 0 : i32
      %dma_start3A_141 = arith.constant 0 : i32
      %dma_start3A_142 = tpu.memref_slice %arg4[%dma_start3A_140, %dma_start3A_141] : memref<10000x128xf32, #tpu.memory_space<hbm>> -> memref<10000x128xf32, #tpu.memory_space<hbm>>
      tpu.enqueue_indirect_dma source(%dma_start3A_142 : memref<10000x128xf32, #tpu.memory_space<hbm>>) target(%arg13 : memref<80x128xf32, #tpu.memory_space<vmem>>) offsets(%arg7 : memref<80xi32, #tpu.memory_space<vmem>>) semaphore(%arg22 : memref<!tpu.dma_semaphore, #tpu.memory_space<semaphore_mem>>)
      %dma_wait3A_143 = arith.constant 0 : i32
      %dma_wait3A_144 = arith.constant 0 : i32
      %dma_wait3A_145 = tpu.memref_slice %arg4[%dma_wait3A_143, %dma_wait3A_144] : memref<10000x128xf32, #tpu.memory_space<hbm>> -> memref<10000x128xf32, #tpu.memory_space<hbm>>
      tpu.wait_indirect_dma semaphore(%arg23 : memref<!tpu.dma_semaphore, #tpu.memory_space<semaphore_mem>>) src(%dma_wait3A_145 : memref<10000x128xf32, #tpu.memory_space<hbm>>) dst(%arg14 : memref<80x128xf32, #tpu.memory_space<vmem>>)
      %dma_wait3A_146 = arith.constant 0 : i32
      %dma_wait3A_147 = arith.constant 0 : i32
      %dma_wait3A_148 = tpu.memref_slice %arg4[%dma_wait3A_146, %dma_wait3A_147] : memref<10000x128xf32, #tpu.memory_space<hbm>> -> memref<10000x128xf32, #tpu.memory_space<hbm>>
      tpu.wait_indirect_dma semaphore(%arg25 : memref<!tpu.dma_semaphore, #tpu.memory_space<semaphore_mem>>) src(%dma_wait3A_148 : memref<10000x128xf32, #tpu.memory_space<hbm>>) dst(%arg16 : memref<80x128xf32, #tpu.memory_space<vmem>>)
      %dma_wait3A_149 = arith.constant 0 : i32
      %dma_wait3A_150 = tpu.memref_slice %arg3[%dma_wait3A_149] : memref<320000xi32, #tpu.memory_space<hbm>> -> memref<80xi32, #tpu.memory_space<hbm>>
      %dma_wait3A_151 = arith.constant 0 : i32
      %dma_wait3A_152 = tpu.memref_slice %arg3[%dma_wait3A_151] : memref<320000xi32, #tpu.memory_space<hbm>> -> memref<80xi32, #tpu.memory_space<hbm>>
      tpu.wait_dma2 semaphore(%arg21 : memref<!tpu.dma_semaphore, #tpu.memory_space<semaphore_mem>>) src(%dma_wait3A_152 : memref<80xi32, #tpu.memory_space<hbm>>) dst(%arg12 : memref<80xi32, #tpu.memory_space<vmem>>)
      %scan3A_153 = arith.constant 0 : i32
      %scan3A_154 = arith.constant 80 : i32
      %scan3A_155 = arith.addi %scan3A_153, %scan3A_154 : i32
      %scan3A_156 = arith.constant 1 : i32
      scf.for %scan3A_178 = %scan3A_153 to %scan3A_155 step %scan3A_156  : i32 {
        %mul3A_179 = arith.constant 1 : i32
        %mul3A_180 = arith.muli %scan3A_178, %mul3A_179 : i32
        %add3A_181 = arith.constant 0 : i32
        %add3A_182 = arith.addi %add3A_181, %mul3A_180 : i32
        %get3A = arith.index_cast %add3A_182 : i32 to index
        %get3A_183 = arith.constant 96 : index
        %get3A_184 = tpu.vector_load %arg14[%get3A, %get3A_183] {strides = array<i32>} : memref<80x128xf32, #tpu.memory_space<vmem>>, vector<1x16xf32>,
        %get3A_185 = vector.shape_cast %get3A_184 : vector<1x16xf32> to vector<16xf32>
        %get3A_186 = arith.index_cast %add3A_182 : i32 to index
        %get3A_187 = arith.constant 112 : index
        %get3A_188 = tpu.vector_load %arg16[%get3A_186, %get3A_187] {strides = array<i32>} : memref<80x128xf32, #tpu.memory_space<vmem>>, vector<1x16xf32>,
        %get3A_189 = vector.shape_cast %get3A_188 : vector<1x16xf32> to vector<16xf32>
        %add3A_190 = arith.addf %get3A_185, %get3A_189 : vector<16xf32>
        %mul3A_191 = arith.constant 2.000000e-01 : f32
        %mul3A_192 = vector.broadcast %mul3A_191 : f32 to vector<16xf32>
        %mul3A_193 = arith.mulf %mul3A_192, %add3A_190 : vector<16xf32>
        %max3A = arith.maximumf %add3A_190, %mul3A_193 : vector<16xf32>
        %exp3A = math.exp %max3A : vector<16xf32>
        %swap3A = arith.index_cast %add3A_182 : i32 to index
        %swap3A_194 = arith.constant 96 : index
        %swap3A_195 = tpu.vector_load %arg16[%swap3A, %swap3A_194] {strides = array<i32>} : memref<80x128xf32, #tpu.memory_space<vmem>>, vector<1x16xf32>,
        %swap3A_196 = vector.shape_cast %swap3A_195 : vector<1x16xf32> to vector<16xf32>
        %swap3A_197 = vector.shape_cast %exp3A : vector<16xf32> to vector<1x16xf32>
        tpu.vector_store %arg16[%swap3A, %swap3A_194], %swap3A_197 {strides = array<i32>} : memref<80x128xf32, #tpu.memory_space<vmem>>, vector<1x16xf32>,
        %slice3A = vector.extract_strided_slice %exp3A {offsets = [0], sizes = [1], strides = [1]} : vector<16xf32> to vector<1xf32>
        %squeeze3A = vector.extract %slice3A[0] : f32 from vector<1xf32>
        %broadcast_in_dim3A = vector.broadcast %squeeze3A : f32 to vector<16xf32>
        %get3A_198 = arith.index_cast %add3A_182 : i32 to index
        %get3A_199 = arith.constant 0 : index
        %get3A_200 = tpu.vector_load %arg14[%get3A_198, %get3A_199] {strides = array<i32>} : memref<80x128xf32, #tpu.memory_space<vmem>>, vector<1x16xf32>,
        %get3A_201 = vector.shape_cast %get3A_200 : vector<1x16xf32> to vector<16xf32>
        %mul3A_202 = arith.mulf %get3A_201, %broadcast_in_dim3A : vector<16xf32>
        %swap3A_203 = arith.index_cast %add3A_182 : i32 to index
        %swap3A_204 = arith.constant 0 : index
        %swap3A_205 = tpu.vector_load %arg16[%swap3A_203, %swap3A_204] {strides = array<i32>} : memref<80x128xf32, #tpu.memory_space<vmem>>, vector<1x16xf32>,
        %swap3A_206 = vector.shape_cast %swap3A_205 : vector<1x16xf32> to vector<16xf32>
        %swap3A_207 = vector.shape_cast %mul3A_202 : vector<16xf32> to vector<1x16xf32>
        tpu.vector_store %arg16[%swap3A_203, %swap3A_204], %swap3A_207 {strides = array<i32>} : memref<80x128xf32, #tpu.memory_space<vmem>>, vector<1x16xf32>,
        %slice3A_208 = vector.extract_strided_slice %exp3A {offsets = [1], sizes = [1], strides = [1]} : vector<16xf32> to vector<1xf32>
        %squeeze3A_209 = vector.extract %slice3A_208[0] : f32 from vector<1xf32>
        %broadcast_in_dim3A_210 = vector.broadcast %squeeze3A_209 : f32 to vector<16xf32>
        %get3A_211 = arith.index_cast %add3A_182 : i32 to index
        %get3A_212 = arith.constant 16 : index
        %get3A_213 = tpu.vector_load %arg14[%get3A_211, %get3A_212] {strides = array<i32>} : memref<80x128xf32, #tpu.memory_space<vmem>>, vector<1x16xf32>,
        %get3A_214 = vector.shape_cast %get3A_213 : vector<1x16xf32> to vector<16xf32>
        %mul3A_215 = arith.mulf %get3A_214, %broadcast_in_dim3A_210 : vector<16xf32>
        %swap3A_216 = arith.index_cast %add3A_182 : i32 to index
        %swap3A_217 = arith.constant 16 : index
        %swap3A_218 = tpu.vector_load %arg16[%swap3A_216, %swap3A_217] {strides = array<i32>} : memref<80x128xf32, #tpu.memory_space<vmem>>, vector<1x16xf32>,
        %swap3A_219 = vector.shape_cast %swap3A_218 : vector<1x16xf32> to vector<16xf32>
        %swap3A_220 = vector.shape_cast %mul3A_215 : vector<16xf32> to vector<1x16xf32>
        tpu.vector_store %arg16[%swap3A_216, %swap3A_217], %swap3A_220 {strides = array<i32>} : memref<80x128xf32, #tpu.memory_space<vmem>>, vector<1x16xf32>,
        %slice3A_221 = vector.extract_strided_slice %exp3A {offsets = [2], sizes = [1], strides = [1]} : vector<16xf32> to vector<1xf32>
        %squeeze3A_222 = vector.extract %slice3A_221[0] : f32 from vector<1xf32>
        %broadcast_in_dim3A_223 = vector.broadcast %squeeze3A_222 : f32 to vector<16xf32>
        %get3A_224 = arith.index_cast %add3A_182 : i32 to index
        %get3A_225 = arith.constant 32 : index
        %get3A_226 = tpu.vector_load %arg14[%get3A_224, %get3A_225] {strides = array<i32>} : memref<80x128xf32, #tpu.memory_space<vmem>>, vector<1x16xf32>,
        %get3A_227 = vector.shape_cast %get3A_226 : vector<1x16xf32> to vector<16xf32>
        %mul3A_228 = arith.mulf %get3A_227, %broadcast_in_dim3A_223 : vector<16xf32>
        %swap3A_229 = arith.index_cast %add3A_182 : i32 to index
        %swap3A_230 = arith.constant 32 : index
        %swap3A_231 = tpu.vector_load %arg16[%swap3A_229, %swap3A_230] {strides = array<i32>} : memref<80x128xf32, #tpu.memory_space<vmem>>, vector<1x16xf32>,
        %swap3A_232 = vector.shape_cast %swap3A_231 : vector<1x16xf32> to vector<16xf32>
        %swap3A_233 = vector.shape_cast %mul3A_228 : vector<16xf32> to vector<1x16xf32>
        tpu.vector_store %arg16[%swap3A_229, %swap3A_230], %swap3A_233 {strides = array<i32>} : memref<80x128xf32, #tpu.memory_space<vmem>>, vector<1x16xf32>,
        %slice3A_234 = vector.extract_strided_slice %exp3A {offsets = [3], sizes = [1], strides = [1]} : vector<16xf32> to vector<1xf32>
        %squeeze3A_235 = vector.extract %slice3A_234[0] : f32 from vector<1xf32>
        %broadcast_in_dim3A_236 = vector.broadcast %squeeze3A_235 : f32 to vector<16xf32>
        %get3A_237 = arith.index_cast %add3A_182 : i32 to index
        %get3A_238 = arith.constant 48 : index
        %get3A_239 = tpu.vector_load %arg14[%get3A_237, %get3A_238] {strides = array<i32>} : memref<80x128xf32, #tpu.memory_space<vmem>>, vector<1x16xf32>,
        %get3A_240 = vector.shape_cast %get3A_239 : vector<1x16xf32> to vector<16xf32>
        %mul3A_241 = arith.mulf %get3A_240, %broadcast_in_dim3A_236 : vector<16xf32>
        %swap3A_242 = arith.index_cast %add3A_182 : i32 to index
        %swap3A_243 = arith.constant 48 : index
        %swap3A_244 = tpu.vector_load %arg16[%swap3A_242, %swap3A_243] {strides = array<i32>} : memref<80x128xf32, #tpu.memory_space<vmem>>, vector<1x16xf32>,
        %swap3A_245 = vector.shape_cast %swap3A_244 : vector<1x16xf32> to vector<16xf32>
        %swap3A_246 = vector.shape_cast %mul3A_241 : vector<16xf32> to vector<1x16xf32>
        tpu.vector_store %arg16[%swap3A_242, %swap3A_243], %swap3A_246 {strides = array<i32>} : memref<80x128xf32, #tpu.memory_space<vmem>>, vector<1x16xf32>,
        %slice3A_247 = vector.extract_strided_slice %exp3A {offsets = [4], sizes = [1], strides = [1]} : vector<16xf32> to vector<1xf32>
        %squeeze3A_248 = vector.extract %slice3A_247[0] : f32 from vector<1xf32>
        %broadcast_in_dim3A_249 = vector.broadcast %squeeze3A_248 : f32 to vector<16xf32>
        %get3A_250 = arith.index_cast %add3A_182 : i32 to index
        %get3A_251 = arith.constant 64 : index
        %get3A_252 = tpu.vector_load %arg14[%get3A_250, %get3A_251] {strides = array<i32>} : memref<80x128xf32, #tpu.memory_space<vmem>>, vector<1x16xf32>,
        %get3A_253 = vector.shape_cast %get3A_252 : vector<1x16xf32> to vector<16xf32>
        %mul3A_254 = arith.mulf %get3A_253, %broadcast_in_dim3A_249 : vector<16xf32>
        %swap3A_255 = arith.index_cast %add3A_182 : i32 to index
        %swap3A_256 = arith.constant 64 : index
        %swap3A_257 = tpu.vector_load %arg16[%swap3A_255, %swap3A_256] {strides = array<i32>} : memref<80x128xf32, #tpu.memory_space<vmem>>, vector<1x16xf32>,
        %swap3A_258 = vector.shape_cast %swap3A_257 : vector<1x16xf32> to vector<16xf32>
        %swap3A_259 = vector.shape_cast %mul3A_254 : vector<16xf32> to vector<1x16xf32>
        tpu.vector_store %arg16[%swap3A_255, %swap3A_256], %swap3A_259 {strides = array<i32>} : memref<80x128xf32, #tpu.memory_space<vmem>>, vector<1x16xf32>,
        %slice3A_260 = vector.extract_strided_slice %exp3A {offsets = [5], sizes = [1], strides = [1]} : vector<16xf32> to vector<1xf32>
        %squeeze3A_261 = vector.extract %slice3A_260[0] : f32 from vector<1xf32>
        %broadcast_in_dim3A_262 = vector.broadcast %squeeze3A_261 : f32 to vector<16xf32>
        %get3A_263 = arith.index_cast %add3A_182 : i32 to index
        %get3A_264 = arith.constant 80 : index
        %get3A_265 = tpu.vector_load %arg14[%get3A_263, %get3A_264] {strides = array<i32>} : memref<80x128xf32, #tpu.memory_space<vmem>>, vector<1x16xf32>,
        %get3A_266 = vector.shape_cast %get3A_265 : vector<1x16xf32> to vector<16xf32>
        %mul3A_267 = arith.mulf %get3A_266, %broadcast_in_dim3A_262 : vector<16xf32>
        %swap3A_268 = arith.index_cast %add3A_182 : i32 to index
        %swap3A_269 = arith.constant 80 : index
        %swap3A_270 = tpu.vector_load %arg16[%swap3A_268, %swap3A_269] {strides = array<i32>} : memref<80x128xf32, #tpu.memory_space<vmem>>, vector<1x16xf32>,
        %swap3A_271 = vector.shape_cast %swap3A_270 : vector<1x16xf32> to vector<16xf32>
        %swap3A_272 = vector.shape_cast %mul3A_267 : vector<16xf32> to vector<1x16xf32>
        tpu.vector_store %arg16[%swap3A_268, %swap3A_269], %swap3A_272 {strides = array<i32>} : memref<80x128xf32, #tpu.memory_space<vmem>>, vector<1x16xf32>,
      }
      %scan3A_157 = arith.constant 80 : i32
      %dma_start3A_158 = arith.constant 0 : i32
      %dma_start3A_159 = arith.constant 0 : i32
      %dma_start3A_160 = tpu.memref_slice %arg17[%dma_start3A_158, %dma_start3A_159] : memref<10000x128xf32, #tpu.memory_space<vmem_shared>> -> memref<10000x128xf32, #tpu.memory_space<vmem_shared>>
      tpu.enqueue_indirect_dma source(%arg16 : memref<80x128xf32, #tpu.memory_space<vmem>>) target(%dma_start3A_160 : memref<10000x128xf32, #tpu.memory_space<vmem_shared>>) offsets(%arg12 : memref<80xi32, #tpu.memory_space<vmem>>) semaphore(%arg27 : memref<!tpu.dma_semaphore, #tpu.memory_space<semaphore_mem>>) {add = true}
      %dma_wait3A_161 = arith.constant 0 : i32
      %dma_wait3A_162 = arith.constant 0 : i32
      %dma_wait3A_163 = tpu.memref_slice %arg17[%dma_wait3A_161, %dma_wait3A_162] : memref<10000x128xf32, #tpu.memory_space<vmem_shared>> -> memref<10000x128xf32, #tpu.memory_space<vmem_shared>>
      tpu.wait_indirect_dma semaphore(%arg26 : memref<!tpu.dma_semaphore, #tpu.memory_space<semaphore_mem>>) src(%arg15 : memref<80x128xf32, #tpu.memory_space<vmem>>) dst(%dma_wait3A_163 : memref<10000x128xf32, #tpu.memory_space<vmem_shared>>)
      %dma_start3A_164 = arith.constant 0 : i32
      %dma_start3A_165 = arith.constant 0 : i32
      %dma_start3A_166 = tpu.memref_slice %arg4[%dma_start3A_164, %dma_start3A_165] : memref<10000x128xf32, #tpu.memory_space<hbm>> -> memref<10000x128xf32, #tpu.memory_space<hbm>>
      tpu.enqueue_indirect_dma source(%dma_start3A_166 : memref<10000x128xf32, #tpu.memory_space<hbm>>) target(%arg15 : memref<80x128xf32, #tpu.memory_space<vmem>>) offsets(%arg9 : memref<80xi32, #tpu.memory_space<vmem>>) semaphore(%arg24 : memref<!tpu.dma_semaphore, #tpu.memory_space<semaphore_mem>>)
      %add3A_167 = arith.constant 1 : i32
      %add3A_168 = arith.addi %add3A_131, %add3A_167 : i32
      %mul3A_169 = arith.constant 80 : i32
      %mul3A_170 = arith.muli %add3A_168, %mul3A_169 : i32
      %add3A_171 = arith.addi %mul3A_4, %mul3A_170 : i32
      %dma_start3A_172 = tpu.memref_slice %arg3[%add3A_171] : memref<320000xi32, #tpu.memory_space<hbm>> -> memref<80xi32, #tpu.memory_space<hbm>>
      %dma_start3A_173 = tpu.memref_slice %arg3[%add3A_171] : memref<320000xi32, #tpu.memory_space<hbm>> -> memref<80xi32, #tpu.memory_space<hbm>>
      tpu.enqueue_dma source(%dma_start3A_173 : memref<80xi32, #tpu.memory_space<hbm>>) target(%arg11 : memref<80xi32, #tpu.memory_space<vmem>>) target_semaphore(%arg20 : memref<!tpu.dma_semaphore, #tpu.memory_space<semaphore_mem>>)
      %lt3A = arith.constant 61 : i32
      %lt3A_174 = arith.cmpi slt, %add3A_73, %lt3A : i32
      %convert_element_type3A_175 = arith.extui %lt3A_174 : i1 to i32
      %cond3A_176 = arith.constant 0 : i32
      %cond3A_177 = arith.cmpi ne, %convert_element_type3A_175, %cond3A_176 : i32
      scf.if %cond3A_177 {
        %add3A_178 = arith.constant 2 : i32
        %add3A_179 = arith.addi %add3A_131, %add3A_178 : i32
        %mul3A_180 = arith.constant 80 : i32
        %mul3A_181 = arith.muli %add3A_179, %mul3A_180 : i32
        %add3A_182 = arith.addi %mul3A_4, %mul3A_181 : i32
        %dma_start3A_183 = tpu.memref_slice %arg2[%add3A_182] : memref<320000xi32, #tpu.memory_space<hbm>> -> memref<80xi32, #tpu.memory_space<hbm>>
        %dma_start3A_184 = tpu.memref_slice %arg2[%add3A_182] : memref<320000xi32, #tpu.memory_space<hbm>> -> memref<80xi32, #tpu.memory_space<hbm>>
        tpu.enqueue_dma source(%dma_start3A_184 : memref<80xi32, #tpu.memory_space<hbm>>) target(%arg8 : memref<80xi32, #tpu.memory_space<vmem>>) target_semaphore(%arg19 : memref<!tpu.dma_semaphore, #tpu.memory_space<semaphore_mem>>)
        %dma_start3A_185 = tpu.memref_slice %arg3[%add3A_182] : memref<320000xi32, #tpu.memory_space<hbm>> -> memref<80xi32, #tpu.memory_space<hbm>>
        %dma_start3A_186 = tpu.memref_slice %arg3[%add3A_182] : memref<320000xi32, #tpu.memory_space<hbm>> -> memref<80xi32, #tpu.memory_space<hbm>>
        tpu.enqueue_dma source(%dma_start3A_186 : memref<80xi32, #tpu.memory_space<hbm>>) target(%arg10 : memref<80xi32, #tpu.memory_space<vmem>>) target_semaphore(%arg19 : memref<!tpu.dma_semaphore, #tpu.memory_space<semaphore_mem>>)
      } else {
      }
    }
    %scan3A_38 = arith.constant 62 : i32
    %dma_wait3A_39 = arith.constant 0 : i32
    %dma_wait3A_40 = arith.constant 0 : i32
    %dma_wait3A_41 = tpu.memref_slice %arg4[%dma_wait3A_39, %dma_wait3A_40] : memref<10000x128xf32, #tpu.memory_space<hbm>> -> memref<10000x128xf32, #tpu.memory_space<hbm>>
    tpu.wait_indirect_dma semaphore(%arg22 : memref<!tpu.dma_semaphore, #tpu.memory_space<semaphore_mem>>) src(%dma_wait3A_41 : memref<10000x128xf32, #tpu.memory_space<hbm>>) dst(%arg13 : memref<80x128xf32, #tpu.memory_space<vmem>>)
    %dma_wait3A_42 = arith.constant 0 : i32
    %dma_wait3A_43 = arith.constant 0 : i32
    %dma_wait3A_44 = tpu.memref_slice %arg4[%dma_wait3A_42, %dma_wait3A_43] : memref<10000x128xf32, #tpu.memory_space<hbm>> -> memref<10000x128xf32, #tpu.memory_space<hbm>>
    tpu.wait_indirect_dma semaphore(%arg24 : memref<!tpu.dma_semaphore, #tpu.memory_space<semaphore_mem>>) src(%dma_wait3A_44 : memref<10000x128xf32, #tpu.memory_space<hbm>>) dst(%arg15 : memref<80x128xf32, #tpu.memory_space<vmem>>)
    %dma_wait3A_45 = arith.constant 0 : i32
    %dma_wait3A_46 = tpu.memref_slice %arg3[%dma_wait3A_45] : memref<320000xi32, #tpu.memory_space<hbm>> -> memref<80xi32, #tpu.memory_space<hbm>>
    %dma_wait3A_47 = arith.constant 0 : i32
    %dma_wait3A_48 = tpu.memref_slice %arg3[%dma_wait3A_47] : memref<320000xi32, #tpu.memory_space<hbm>> -> memref<80xi32, #tpu.memory_space<hbm>>
    tpu.wait_dma2 semaphore(%arg20 : memref<!tpu.dma_semaphore, #tpu.memory_space<semaphore_mem>>) src(%dma_wait3A_48 : memref<80xi32, #tpu.memory_space<hbm>>) dst(%arg11 : memref<80xi32, #tpu.memory_space<vmem>>)
    %scan3A_49 = arith.constant 0 : i32
    %scan3A_50 = arith.constant 80 : i32
    %scan3A_51 = arith.addi %scan3A_49, %scan3A_50 : i32
    %scan3A_52 = arith.constant 1 : i32
    scf.for %scan3A_69 = %scan3A_49 to %scan3A_51 step %scan3A_52  : i32 {
      %mul3A_70 = arith.constant 1 : i32
      %mul3A_71 = arith.muli %scan3A_69, %mul3A_70 : i32
      %add3A_72 = arith.constant 0 : i32
      %add3A_73 = arith.addi %add3A_72, %mul3A_71 : i32
      %get3A = arith.index_cast %add3A_73 : i32 to index
      %get3A_74 = arith.constant 96 : index
      %get3A_75 = tpu.vector_load %arg13[%get3A, %get3A_74] {strides = array<i32>} : memref<80x128xf32, #tpu.memory_space<vmem>>, vector<1x16xf32>,
      %get3A_76 = vector.shape_cast %get3A_75 : vector<1x16xf32> to vector<16xf32>
      %get3A_77 = arith.index_cast %add3A_73 : i32 to index
      %get3A_78 = arith.constant 112 : index
      %get3A_79 = tpu.vector_load %arg15[%get3A_77, %get3A_78] {strides = array<i32>} : memref<80x128xf32, #tpu.memory_space<vmem>>, vector<1x16xf32>,
      %get3A_80 = vector.shape_cast %get3A_79 : vector<1x16xf32> to vector<16xf32>
      %add3A_81 = arith.addf %get3A_76, %get3A_80 : vector<16xf32>
      %mul3A_82 = arith.constant 2.000000e-01 : f32
      %mul3A_83 = vector.broadcast %mul3A_82 : f32 to vector<16xf32>
      %mul3A_84 = arith.mulf %mul3A_83, %add3A_81 : vector<16xf32>
      %max3A = arith.maximumf %add3A_81, %mul3A_84 : vector<16xf32>
      %exp3A = math.exp %max3A : vector<16xf32>
      %swap3A = arith.index_cast %add3A_73 : i32 to index
      %swap3A_85 = arith.constant 96 : index
      %swap3A_86 = tpu.vector_load %arg15[%swap3A, %swap3A_85] {strides = array<i32>} : memref<80x128xf32, #tpu.memory_space<vmem>>, vector<1x16xf32>,
      %swap3A_87 = vector.shape_cast %swap3A_86 : vector<1x16xf32> to vector<16xf32>
      %swap3A_88 = vector.shape_cast %exp3A : vector<16xf32> to vector<1x16xf32>
      tpu.vector_store %arg15[%swap3A, %swap3A_85], %swap3A_88 {strides = array<i32>} : memref<80x128xf32, #tpu.memory_space<vmem>>, vector<1x16xf32>,
      %slice3A = vector.extract_strided_slice %exp3A {offsets = [0], sizes = [1], strides = [1]} : vector<16xf32> to vector<1xf32>
      %squeeze3A = vector.extract %slice3A[0] : f32 from vector<1xf32>
      %broadcast_in_dim3A = vector.broadcast %squeeze3A : f32 to vector<16xf32>
      %get3A_89 = arith.index_cast %add3A_73 : i32 to index
      %get3A_90 = arith.constant 0 : index
      %get3A_91 = tpu.vector_load %arg13[%get3A_89, %get3A_90] {strides = array<i32>} : memref<80x128xf32, #tpu.memory_space<vmem>>, vector<1x16xf32>,
      %get3A_92 = vector.shape_cast %get3A_91 : vector<1x16xf32> to vector<16xf32>
      %mul3A_93 = arith.mulf %get3A_92, %broadcast_in_dim3A : vector<16xf32>
      %swap3A_94 = arith.index_cast %add3A_73 : i32 to index
      %swap3A_95 = arith.constant 0 : index
      %swap3A_96 = tpu.vector_load %arg15[%swap3A_94, %swap3A_95] {strides = array<i32>} : memref<80x128xf32, #tpu.memory_space<vmem>>, vector<1x16xf32>,
      %swap3A_97 = vector.shape_cast %swap3A_96 : vector<1x16xf32> to vector<16xf32>
      %swap3A_98 = vector.shape_cast %mul3A_93 : vector<16xf32> to vector<1x16xf32>
      tpu.vector_store %arg15[%swap3A_94, %swap3A_95], %swap3A_98 {strides = array<i32>} : memref<80x128xf32, #tpu.memory_space<vmem>>, vector<1x16xf32>,
      %slice3A_99 = vector.extract_strided_slice %exp3A {offsets = [1], sizes = [1], strides = [1]} : vector<16xf32> to vector<1xf32>
      %squeeze3A_100 = vector.extract %slice3A_99[0] : f32 from vector<1xf32>
      %broadcast_in_dim3A_101 = vector.broadcast %squeeze3A_100 : f32 to vector<16xf32>
      %get3A_102 = arith.index_cast %add3A_73 : i32 to index
      %get3A_103 = arith.constant 16 : index
      %get3A_104 = tpu.vector_load %arg13[%get3A_102, %get3A_103] {strides = array<i32>} : memref<80x128xf32, #tpu.memory_space<vmem>>, vector<1x16xf32>,
      %get3A_105 = vector.shape_cast %get3A_104 : vector<1x16xf32> to vector<16xf32>
      %mul3A_106 = arith.mulf %get3A_105, %broadcast_in_dim3A_101 : vector<16xf32>
      %swap3A_107 = arith.index_cast %add3A_73 : i32 to index
      %swap3A_108 = arith.constant 16 : index
      %swap3A_109 = tpu.vector_load %arg15[%swap3A_107, %swap3A_108] {strides = array<i32>} : memref<80x128xf32, #tpu.memory_space<vmem>>, vector<1x16xf32>,
      %swap3A_110 = vector.shape_cast %swap3A_109 : vector<1x16xf32> to vector<16xf32>
      %swap3A_111 = vector.shape_cast %mul3A_106 : vector<16xf32> to vector<1x16xf32>
      tpu.vector_store %arg15[%swap3A_107, %swap3A_108], %swap3A_111 {strides = array<i32>} : memref<80x128xf32, #tpu.memory_space<vmem>>, vector<1x16xf32>,
      %slice3A_112 = vector.extract_strided_slice %exp3A {offsets = [2], sizes = [1], strides = [1]} : vector<16xf32> to vector<1xf32>
      %squeeze3A_113 = vector.extract %slice3A_112[0] : f32 from vector<1xf32>
      %broadcast_in_dim3A_114 = vector.broadcast %squeeze3A_113 : f32 to vector<16xf32>
      %get3A_115 = arith.index_cast %add3A_73 : i32 to index
      %get3A_116 = arith.constant 32 : index
      %get3A_117 = tpu.vector_load %arg13[%get3A_115, %get3A_116] {strides = array<i32>} : memref<80x128xf32, #tpu.memory_space<vmem>>, vector<1x16xf32>,
      %get3A_118 = vector.shape_cast %get3A_117 : vector<1x16xf32> to vector<16xf32>
      %mul3A_119 = arith.mulf %get3A_118, %broadcast_in_dim3A_114 : vector<16xf32>
      %swap3A_120 = arith.index_cast %add3A_73 : i32 to index
      %swap3A_121 = arith.constant 32 : index
      %swap3A_122 = tpu.vector_load %arg15[%swap3A_120, %swap3A_121] {strides = array<i32>} : memref<80x128xf32, #tpu.memory_space<vmem>>, vector<1x16xf32>,
      %swap3A_123 = vector.shape_cast %swap3A_122 : vector<1x16xf32> to vector<16xf32>
      %swap3A_124 = vector.shape_cast %mul3A_119 : vector<16xf32> to vector<1x16xf32>
      tpu.vector_store %arg15[%swap3A_120, %swap3A_121], %swap3A_124 {strides = array<i32>} : memref<80x128xf32, #tpu.memory_space<vmem>>, vector<1x16xf32>,
      %slice3A_125 = vector.extract_strided_slice %exp3A {offsets = [3], sizes = [1], strides = [1]} : vector<16xf32> to vector<1xf32>
      %squeeze3A_126 = vector.extract %slice3A_125[0] : f32 from vector<1xf32>
      %broadcast_in_dim3A_127 = vector.broadcast %squeeze3A_126 : f32 to vector<16xf32>
      %get3A_128 = arith.index_cast %add3A_73 : i32 to index
      %get3A_129 = arith.constant 48 : index
      %get3A_130 = tpu.vector_load %arg13[%get3A_128, %get3A_129] {strides = array<i32>} : memref<80x128xf32, #tpu.memory_space<vmem>>, vector<1x16xf32>,
      %get3A_131 = vector.shape_cast %get3A_130 : vector<1x16xf32> to vector<16xf32>
      %mul3A_132 = arith.mulf %get3A_131, %broadcast_in_dim3A_127 : vector<16xf32>
      %swap3A_133 = arith.index_cast %add3A_73 : i32 to index
      %swap3A_134 = arith.constant 48 : index
      %swap3A_135 = tpu.vector_load %arg15[%swap3A_133, %swap3A_134] {strides = array<i32>} : memref<80x128xf32, #tpu.memory_space<vmem>>, vector<1x16xf32>,
      %swap3A_136 = vector.shape_cast %swap3A_135 : vector<1x16xf32> to vector<16xf32>
      %swap3A_137 = vector.shape_cast %mul3A_132 : vector<16xf32> to vector<1x16xf32>
      tpu.vector_store %arg15[%swap3A_133, %swap3A_134], %swap3A_137 {strides = array<i32>} : memref<80x128xf32, #tpu.memory_space<vmem>>, vector<1x16xf32>,
      %slice3A_138 = vector.extract_strided_slice %exp3A {offsets = [4], sizes = [1], strides = [1]} : vector<16xf32> to vector<1xf32>
      %squeeze3A_139 = vector.extract %slice3A_138[0] : f32 from vector<1xf32>
      %broadcast_in_dim3A_140 = vector.broadcast %squeeze3A_139 : f32 to vector<16xf32>
      %get3A_141 = arith.index_cast %add3A_73 : i32 to index
      %get3A_142 = arith.constant 64 : index
      %get3A_143 = tpu.vector_load %arg13[%get3A_141, %get3A_142] {strides = array<i32>} : memref<80x128xf32, #tpu.memory_space<vmem>>, vector<1x16xf32>,
      %get3A_144 = vector.shape_cast %get3A_143 : vector<1x16xf32> to vector<16xf32>
      %mul3A_145 = arith.mulf %get3A_144, %broadcast_in_dim3A_140 : vector<16xf32>
      %swap3A_146 = arith.index_cast %add3A_73 : i32 to index
      %swap3A_147 = arith.constant 64 : index
      %swap3A_148 = tpu.vector_load %arg15[%swap3A_146, %swap3A_147] {strides = array<i32>} : memref<80x128xf32, #tpu.memory_space<vmem>>, vector<1x16xf32>,
      %swap3A_149 = vector.shape_cast %swap3A_148 : vector<1x16xf32> to vector<16xf32>
      %swap3A_150 = vector.shape_cast %mul3A_145 : vector<16xf32> to vector<1x16xf32>
      tpu.vector_store %arg15[%swap3A_146, %swap3A_147], %swap3A_150 {strides = array<i32>} : memref<80x128xf32, #tpu.memory_space<vmem>>, vector<1x16xf32>,
      %slice3A_151 = vector.extract_strided_slice %exp3A {offsets = [5], sizes = [1], strides = [1]} : vector<16xf32> to vector<1xf32>
      %squeeze3A_152 = vector.extract %slice3A_151[0] : f32 from vector<1xf32>
      %broadcast_in_dim3A_153 = vector.broadcast %squeeze3A_152 : f32 to vector<16xf32>
      %get3A_154 = arith.index_cast %add3A_73 : i32 to index
      %get3A_155 = arith.constant 80 : index
      %get3A_156 = tpu.vector_load %arg13[%get3A_154, %get3A_155] {strides = array<i32>} : memref<80x128xf32, #tpu.memory_space<vmem>>, vector<1x16xf32>,
      %get3A_157 = vector.shape_cast %get3A_156 : vector<1x16xf32> to vector<16xf32>
      %mul3A_158 = arith.mulf %get3A_157, %broadcast_in_dim3A_153 : vector<16xf32>
      %swap3A_159 = arith.index_cast %add3A_73 : i32 to index
      %swap3A_160 = arith.constant 80 : index
      %swap3A_161 = tpu.vector_load %arg15[%swap3A_159, %swap3A_160] {strides = array<i32>} : memref<80x128xf32, #tpu.memory_space<vmem>>, vector<1x16xf32>,
      %swap3A_162 = vector.shape_cast %swap3A_161 : vector<1x16xf32> to vector<16xf32>
      %swap3A_163 = vector.shape_cast %mul3A_158 : vector<16xf32> to vector<1x16xf32>
      tpu.vector_store %arg15[%swap3A_159, %swap3A_160], %swap3A_163 {strides = array<i32>} : memref<80x128xf32, #tpu.memory_space<vmem>>, vector<1x16xf32>,
    }
    %scan3A_53 = arith.constant 80 : i32
    %dma_start3A_54 = arith.constant 0 : i32
    %dma_start3A_55 = arith.constant 0 : i32
    %dma_start3A_56 = tpu.memref_slice %arg17[%dma_start3A_54, %dma_start3A_55] : memref<10000x128xf32, #tpu.memory_space<vmem_shared>> -> memref<10000x128xf32, #tpu.memory_space<vmem_shared>>
    tpu.enqueue_indirect_dma source(%arg15 : memref<80x128xf32, #tpu.memory_space<vmem>>) target(%dma_start3A_56 : memref<10000x128xf32, #tpu.memory_space<vmem_shared>>) offsets(%arg11 : memref<80xi32, #tpu.memory_space<vmem>>) semaphore(%arg26 : memref<!tpu.dma_semaphore, #tpu.memory_space<semaphore_mem>>) {add = true}
    %dma_wait3A_57 = arith.constant 0 : i32
    %dma_wait3A_58 = arith.constant 0 : i32
    %dma_wait3A_59 = tpu.memref_slice %arg17[%dma_wait3A_57, %dma_wait3A_58] : memref<10000x128xf32, #tpu.memory_space<vmem_shared>> -> memref<10000x128xf32, #tpu.memory_space<vmem_shared>>
    tpu.wait_indirect_dma semaphore(%arg27 : memref<!tpu.dma_semaphore, #tpu.memory_space<semaphore_mem>>) src(%arg16 : memref<80x128xf32, #tpu.memory_space<vmem>>) dst(%dma_wait3A_59 : memref<10000x128xf32, #tpu.memory_space<vmem_shared>>)
    %dma_wait3A_60 = arith.constant 0 : i32
    %dma_wait3A_61 = arith.constant 0 : i32
    %dma_wait3A_62 = tpu.memref_slice %arg17[%dma_wait3A_60, %dma_wait3A_61] : memref<10000x128xf32, #tpu.memory_space<vmem_shared>> -> memref<10000x128xf32, #tpu.memory_space<vmem_shared>>
    tpu.wait_indirect_dma semaphore(%arg26 : memref<!tpu.dma_semaphore, #tpu.memory_space<semaphore_mem>>) src(%arg15 : memref<80x128xf32, #tpu.memory_space<vmem>>) dst(%dma_wait3A_62 : memref<10000x128xf32, #tpu.memory_space<vmem_shared>>)
    %barrier3A_63 = arith.constant 0 : index
    tpu.barrier barrier_id(%barrier3A_63)
    "tpu.region"() ({
      %run_scoped3A = tpu.sem_alloc : memref<!tpu.dma_semaphore, #tpu.memory_space<semaphore_mem>>
      %dma_start3A_69 = arith.constant 0 : i32
      %dma_start3A_70 = tpu.memref_slice %arg6[%arg0, %mul3A_2, %dma_start3A_69] : memref<2x10000x128xf32, #tpu.memory_space<hbm>> -> memref<1x624x128xf32, #tpu.memory_space<hbm>>
      %dma_start3A_71 = tpu.memref_squeeze %dma_start3A_70 : memref<1x624x128xf32, #tpu.memory_space<hbm>> -> memref<624x128xf32, #tpu.memory_space<hbm>>
      %dma_start3A_72 = arith.constant 0 : i32
      %dma_start3A_73 = tpu.memref_slice %arg17[%mul3A_2, %dma_start3A_72] : memref<10000x128xf32, #tpu.memory_space<vmem_shared>> -> memref<624x128xf32, #tpu.memory_space<vmem_shared>>
      tpu.enqueue_dma source(%dma_start3A_73 : memref<624x128xf32, #tpu.memory_space<vmem_shared>>) target(%dma_start3A_71 : memref<624x128xf32, #tpu.memory_space<hbm>>) target_semaphore(%run_scoped3A : memref<!tpu.dma_semaphore, #tpu.memory_space<semaphore_mem>>)
      %dma_wait3A_74 = arith.constant 0 : i32
      %dma_wait3A_75 = tpu.memref_slice %arg6[%arg0, %mul3A_2, %dma_wait3A_74] : memref<2x10000x128xf32, #tpu.memory_space<hbm>> -> memref<1x624x128xf32, #tpu.memory_space<hbm>>
      %dma_wait3A_76 = tpu.memref_squeeze %dma_wait3A_75 : memref<1x624x128xf32, #tpu.memory_space<hbm>> -> memref<624x128xf32, #tpu.memory_space<hbm>>
      %dma_wait3A_77 = arith.constant 0 : i32
      %dma_wait3A_78 = tpu.memref_slice %arg17[%mul3A_2, %dma_wait3A_77] : memref<10000x128xf32, #tpu.memory_space<vmem_shared>> -> memref<624x128xf32, #tpu.memory_space<vmem_shared>>
      tpu.wait_dma2 semaphore(%run_scoped3A : memref<!tpu.dma_semaphore, #tpu.memory_space<semaphore_mem>>) src(%dma_wait3A_78 : memref<624x128xf32, #tpu.memory_space<vmem_shared>>) dst(%dma_wait3A_76 : memref<624x128xf32, #tpu.memory_space<hbm>>)
      tpu.yield
    }) : () -> ()
    %eq3A_64 = arith.constant 0 : i32
    %eq3A_65 = arith.cmpi eq, %arg1, %eq3A_64 : i32
    %convert_element_type3A_66 = arith.extui %eq3A_65 : i1 to i32
    %cond3A_67 = arith.constant 0 : i32
    %cond3A_68 = arith.cmpi ne, %convert_element_type3A_66, %cond3A_67 : i32
    scf.if %cond3A_68 {
      "tpu.region"() ({
        %run_scoped3A = tpu.sem_alloc : memref<!tpu.dma_semaphore, #tpu.memory_space<semaphore_mem>>
        %dma_start3A_69 = arith.constant 9984 : i32
        %dma_start3A_70 = arith.constant 0 : i32
        %dma_start3A_71 = tpu.memref_slice %arg6[%arg0, %dma_start3A_69, %dma_start3A_70] : memref<2x10000x128xf32, #tpu.memory_space<hbm>> -> memref<1x16x128xf32, #tpu.memory_space<hbm>>
        %dma_start3A_72 = tpu.memref_squeeze %dma_start3A_71 : memref<1x16x128xf32, #tpu.memory_space<hbm>> -> memref<16x128xf32, #tpu.memory_space<hbm>>
        %dma_start3A_73 = arith.constant 9984 : i32
        %dma_start3A_74 = arith.constant 0 : i32
        %dma_start3A_75 = tpu.memref_slice %arg17[%dma_start3A_73, %dma_start3A_74] : memref<10000x128xf32, #tpu.memory_space<vmem_shared>> -> memref<16x128xf32, #tpu.memory_space<vmem_shared>>
        tpu.enqueue_dma source(%dma_start3A_75 : memref<16x128xf32, #tpu.memory_space<vmem_shared>>) target(%dma_start3A_72 : memref<16x128xf32, #tpu.memory_space<hbm>>) target_semaphore(%run_scoped3A : memref<!tpu.dma_semaphore, #tpu.memory_space<semaphore_mem>>)
        %dma_wait3A_76 = arith.constant 9984 : i32
        %dma_wait3A_77 = arith.constant 0 : i32
        %dma_wait3A_78 = tpu.memref_slice %arg6[%arg0, %dma_wait3A_76, %dma_wait3A_77] : memref<2x10000x128xf32, #tpu.memory_space<hbm>> -> memref<1x16x128xf32, #tpu.memory_space<hbm>>
        %dma_wait3A_79 = tpu.memref_squeeze %dma_wait3A_78 : memref<1x16x128xf32, #tpu.memory_space<hbm>> -> memref<16x128xf32, #tpu.memory_space<hbm>>
        %dma_wait3A_80 = arith.constant 9984 : i32
        %dma_wait3A_81 = arith.constant 0 : i32
        %dma_wait3A_82 = tpu.memref_slice %arg17[%dma_wait3A_80, %dma_wait3A_81] : memref<10000x128xf32, #tpu.memory_space<vmem_shared>> -> memref<16x128xf32, #tpu.memory_space<vmem_shared>>
        tpu.wait_dma2 semaphore(%run_scoped3A : memref<!tpu.dma_semaphore, #tpu.memory_space<semaphore_mem>>) src(%dma_wait3A_82 : memref<16x128xf32, #tpu.memory_space<vmem_shared>>) dst(%dma_wait3A_79 : memref<16x128xf32, #tpu.memory_space<hbm>>)
        tpu.yield
      }) : () -> ()
    } else {
    }
    return
  }
}

module attributes {stable_mosaic.version = 14 : i64} {
  func.func @body(%arg0: memref<10000x128xf32, #tpu.memory_space<vmem>>, %arg1: memref<128x48xf32, #tpu.memory_space<vmem>>, %arg2: memref<48x16xf32, #tpu.memory_space<vmem>>, %arg3: memref<48x16xf32, #tpu.memory_space<vmem>>, %arg4: memref<10000x128xf32, #tpu.memory_space<vmem>>) attributes {dimension_semantics = [], scalar_prefetch = 0 : i64, scratch_operands = 0 : i64, tpu.core_type = #tpu.core_type<tc>} {
    %get3A = arith.constant 0 : index
    %get3A_0 = arith.constant 0 : index
    %get3A_1 = vector.load %arg0[%get3A, %get3A_0] : memref<10000x128xf32, #tpu.memory_space<vmem>>, vector<10000x128xf32>
    %get3A_2 = arith.constant 0 : index
    %get3A_3 = arith.constant 0 : index
    %get3A_4 = vector.load %arg1[%get3A_2, %get3A_3] : memref<128x48xf32, #tpu.memory_space<vmem>>, vector<128x48xf32>
    %dot_general3A = arith.constant dense<0.000000e+00> : vector<10000x48xf32>
    %dot_general3A_5 = tpu.matmul %get3A_1, %get3A_4, %dot_general3A {dimension_numbers = #tpu.dot_dimension_numbers<[1], [0], [0], [1], [0, 0, 1, 1], [], []>, precision = #tpu.contract_precision<fp32>, transpose_lhs_hint = false} : vector<10000x128xf32>, vector<128x48xf32>, vector<10000x48xf32> -> vector<10000x48xf32>
    %get3A_6 = arith.constant 0 : index
    %get3A_7 = arith.constant 0 : index
    %get3A_8 = vector.load %arg2[%get3A_6, %get3A_7] : memref<48x16xf32, #tpu.memory_space<vmem>>, vector<48x16xf32>
    %dot_general3A_9 = arith.constant dense<0.000000e+00> : vector<10000x16xf32>
    %dot_general3A_10 = tpu.matmul %dot_general3A_5, %get3A_8, %dot_general3A_9 {dimension_numbers = #tpu.dot_dimension_numbers<[1], [0], [0], [1], [0, 0, 1, 1], [], []>, precision = #tpu.contract_precision<fp32>, transpose_lhs_hint = false} : vector<10000x48xf32>, vector<48x16xf32>, vector<10000x16xf32> -> vector<10000x16xf32>
    %get3A_11 = arith.constant 0 : index
    %get3A_12 = arith.constant 0 : index
    %get3A_13 = vector.load %arg3[%get3A_11, %get3A_12] : memref<48x16xf32, #tpu.memory_space<vmem>>, vector<48x16xf32>
    %dot_general3A_14 = arith.constant dense<0.000000e+00> : vector<10000x16xf32>
    %dot_general3A_15 = tpu.matmul %dot_general3A_5, %get3A_13, %dot_general3A_14 {dimension_numbers = #tpu.dot_dimension_numbers<[1], [0], [0], [1], [0, 0, 1, 1], [], []>, precision = #tpu.contract_precision<fp32>, transpose_lhs_hint = false} : vector<10000x48xf32>, vector<48x16xf32>, vector<10000x16xf32> -> vector<10000x16xf32>
    %swap3A = arith.constant 0 : index
    %swap3A_16 = arith.constant 0 : index
    %swap3A_17 = vector.load %arg4[%swap3A, %swap3A_16] : memref<10000x128xf32, #tpu.memory_space<vmem>>, vector<10000x48xf32>
    tpu.vector_store %arg4[%swap3A, %swap3A_16], %dot_general3A_5 {strides = array<i32>} : memref<10000x128xf32, #tpu.memory_space<vmem>>, vector<10000x48xf32>,
    %swap3A_18 = arith.constant 0 : index
    %swap3A_19 = arith.constant 48 : index
    %swap3A_20 = vector.load %arg4[%swap3A_18, %swap3A_19] : memref<10000x128xf32, #tpu.memory_space<vmem>>, vector<10000x16xf32>
    tpu.vector_store %arg4[%swap3A_18, %swap3A_19], %dot_general3A_10 {strides = array<i32>} : memref<10000x128xf32, #tpu.memory_space<vmem>>, vector<10000x16xf32>,
    %swap3A_21 = arith.constant 0 : index
    %swap3A_22 = arith.constant 64 : index
    %swap3A_23 = vector.load %arg4[%swap3A_21, %swap3A_22] : memref<10000x128xf32, #tpu.memory_space<vmem>>, vector<10000x16xf32>
    tpu.vector_store %arg4[%swap3A_21, %swap3A_22], %dot_general3A_15 {strides = array<i32>} : memref<10000x128xf32, #tpu.memory_space<vmem>>, vector<10000x16xf32>,
    %broadcast_in_dim3A = arith.constant 0.000000e+00 : f32
    %broadcast_in_dim3A_24 = vector.broadcast %broadcast_in_dim3A : f32 to vector<10000x48xf32>
    %swap3A_25 = arith.constant 0 : index
    %swap3A_26 = arith.constant 80 : index
    %swap3A_27 = vector.load %arg4[%swap3A_25, %swap3A_26] : memref<10000x128xf32, #tpu.memory_space<vmem>>, vector<10000x48xf32>
    tpu.vector_store %arg4[%swap3A_25, %swap3A_26], %broadcast_in_dim3A_24 {strides = array<i32>} : memref<10000x128xf32, #tpu.memory_space<vmem>>, vector<10000x48xf32>,
    return
  }
}

module attributes {stable_mosaic.version = 14 : i64} {
  func.func @body(%arg0: i32, %arg1: memref<2x2000x128xf32, #tpu.memory_space<vmem>>, %arg2: memref<2000x128xf32, #tpu.memory_space<vmem>>, %arg3: memref<1x8xf32, #tpu.memory_space<vmem>>, %arg4: memref<8x96xf32, #tpu.memory_space<vmem>>, %arg5: memref<96x16xf32, #tpu.memory_space<vmem>>, %arg6: memref<96x16xf32, #tpu.memory_space<vmem>>, %arg7: memref<2000x128xf32, #tpu.memory_space<vmem>>) attributes {dimension_semantics = [#tpu.dimension_semantics<arbitrary>], iteration_bounds = array<i64: 5>, scalar_prefetch = 0 : i64, scratch_operands = 0 : i64, tpu.core_type = #tpu.core_type<tc>, window_params = [{transform_indices = @transform_0, window_bounds = array<i64: 2, 2000, 128>}, {transform_indices = @transform_1, window_bounds = array<i64: 2000, 128>}, {pipeline_mode = #tpu.pipeline_mode<synchronous>, transform_indices = @transform_2, window_bounds = array<i64: 1, 8>}, {pipeline_mode = #tpu.pipeline_mode<synchronous>, transform_indices = @transform_3, window_bounds = array<i64: 8, 96>}, {pipeline_mode = #tpu.pipeline_mode<synchronous>, transform_indices = @transform_4, window_bounds = array<i64: 96, 16>}, {pipeline_mode = #tpu.pipeline_mode<synchronous>, transform_indices = @transform_5, window_bounds = array<i64: 96, 16>}, {transform_indices = @transform_6, window_bounds = array<i64: 2000, 128>}]} {
    %get3A = arith.constant 0 : index
    %get3A_0 = arith.constant 0 : index
    %get3A_1 = arith.constant 0 : index
    %get3A_2 = vector.load %arg1[%get3A, %get3A_0, %get3A_1] : memref<2x2000x128xf32, #tpu.memory_space<vmem>>, vector<2x2000x128xf32>
    %get3A_3 = arith.constant 0 : index
    %get3A_4 = arith.constant 0 : index
    %get3A_5 = vector.load %arg2[%get3A_3, %get3A_4] : memref<2000x128xf32, #tpu.memory_space<vmem>>, vector<2000x128xf32>
    %slice3A = vector.extract_strided_slice %get3A_2 {offsets = [0, 0, 0], sizes = [1, 2000, 128], strides = [1, 1, 1]} : vector<2x2000x128xf32> to vector<1x2000x128xf32>
    %squeeze3A = vector.shape_cast %slice3A : vector<1x2000x128xf32> to vector<2000x128xf32>
    %slice3A_6 = vector.extract_strided_slice %get3A_2 {offsets = [1, 0, 0], sizes = [1, 2000, 128], strides = [1, 1, 1]} : vector<2x2000x128xf32> to vector<1x2000x128xf32>
    %squeeze3A_7 = vector.shape_cast %slice3A_6 : vector<1x2000x128xf32> to vector<2000x128xf32>
    %add3A = arith.addf %squeeze3A, %squeeze3A_7 : vector<2000x128xf32>
    %slice3A_8 = vector.extract_strided_slice %get3A_5 {offsets = [0, 48], sizes = [2000, 16], strides = [1, 1]} : vector<2000x128xf32> to vector<2000x16xf32>
    %slice3A_9 = vector.extract_strided_slice %get3A_5 {offsets = [0, 64], sizes = [2000, 16], strides = [1, 1]} : vector<2000x128xf32> to vector<2000x16xf32>
    %add3A_10 = arith.addf %slice3A_8, %slice3A_9 : vector<2000x16xf32>
    %mul3A = arith.constant 2.000000e-01 : f32
    %mul3A_11 = vector.broadcast %mul3A : f32 to vector<2000x16xf32>
    %mul3A_12 = arith.mulf %mul3A_11, %add3A_10 : vector<2000x16xf32>
    %max3A = arith.maximumf %add3A_10, %mul3A_12 : vector<2000x16xf32>
    %exp3A = math.exp %max3A : vector<2000x16xf32>
    %broadcast_in_dim3A = arith.constant 0.000000e+00 : f32
    %broadcast_in_dim3A_13 = vector.broadcast %broadcast_in_dim3A : f32 to vector<2000x8xf32>
    %slice3A_14 = vector.extract_strided_slice %add3A {offsets = [0, 0], sizes = [2000, 8], strides = [1, 1]} : vector<2000x128xf32> to vector<2000x8xf32>
    %slice3A_15 = vector.extract_strided_slice %exp3A {offsets = [0, 0], sizes = [2000, 1], strides = [1, 1]} : vector<2000x16xf32> to vector<2000x1xf32>
    %slice3A_16 = vector.extract_strided_slice %get3A_5 {offsets = [0, 0], sizes = [2000, 8], strides = [1, 1]} : vector<2000x128xf32> to vector<2000x8xf32>
    %mul3A_17 = vector.broadcast %slice3A_15 : vector<2000x1xf32> to vector<2000x8xf32>
    %mul3A_18 = arith.mulf %mul3A_17, %slice3A_16 : vector<2000x8xf32>
    %add3A_19 = arith.addf %slice3A_14, %mul3A_18 : vector<2000x8xf32>
    %slice3A_20 = vector.extract_strided_slice %add3A {offsets = [0, 48], sizes = [2000, 1], strides = [1, 1]} : vector<2000x128xf32> to vector<2000x1xf32>
    %slice3A_21 = vector.extract_strided_slice %exp3A {offsets = [0, 0], sizes = [2000, 1], strides = [1, 1]} : vector<2000x16xf32> to vector<2000x1xf32>
    %add3A_22 = arith.addf %slice3A_20, %slice3A_21 : vector<2000x1xf32>
    %add3A_23 = arith.constant 1.000000e-16 : f32
    %add3A_24 = vector.broadcast %add3A_23 : f32 to vector<2000x1xf32>
    %add3A_25 = arith.addf %add3A_22, %add3A_24 : vector<2000x1xf32>
    %div3A = vector.broadcast %add3A_25 : vector<2000x1xf32> to vector<2000x8xf32>
    %div3A_26 = arith.divf %add3A_19, %div3A : vector<2000x8xf32>
    %add3A_27 = arith.addf %broadcast_in_dim3A_13, %div3A_26 : vector<2000x8xf32>
    %slice3A_28 = vector.extract_strided_slice %add3A {offsets = [0, 8], sizes = [2000, 8], strides = [1, 1]} : vector<2000x128xf32> to vector<2000x8xf32>
    %slice3A_29 = vector.extract_strided_slice %exp3A {offsets = [0, 1], sizes = [2000, 1], strides = [1, 1]} : vector<2000x16xf32> to vector<2000x1xf32>
    %slice3A_30 = vector.extract_strided_slice %get3A_5 {offsets = [0, 8], sizes = [2000, 8], strides = [1, 1]} : vector<2000x128xf32> to vector<2000x8xf32>
    %mul3A_31 = vector.broadcast %slice3A_29 : vector<2000x1xf32> to vector<2000x8xf32>
    %mul3A_32 = arith.mulf %mul3A_31, %slice3A_30 : vector<2000x8xf32>
    %add3A_33 = arith.addf %slice3A_28, %mul3A_32 : vector<2000x8xf32>
    %slice3A_34 = vector.extract_strided_slice %add3A {offsets = [0, 49], sizes = [2000, 1], strides = [1, 1]} : vector<2000x128xf32> to vector<2000x1xf32>
    %slice3A_35 = vector.extract_strided_slice %exp3A {offsets = [0, 1], sizes = [2000, 1], strides = [1, 1]} : vector<2000x16xf32> to vector<2000x1xf32>
    %add3A_36 = arith.addf %slice3A_34, %slice3A_35 : vector<2000x1xf32>
    %add3A_37 = arith.constant 1.000000e-16 : f32
    %add3A_38 = vector.broadcast %add3A_37 : f32 to vector<2000x1xf32>
    %add3A_39 = arith.addf %add3A_36, %add3A_38 : vector<2000x1xf32>
    %div3A_40 = vector.broadcast %add3A_39 : vector<2000x1xf32> to vector<2000x8xf32>
    %div3A_41 = arith.divf %add3A_33, %div3A_40 : vector<2000x8xf32>
    %add3A_42 = arith.addf %add3A_27, %div3A_41 : vector<2000x8xf32>
    %slice3A_43 = vector.extract_strided_slice %add3A {offsets = [0, 16], sizes = [2000, 8], strides = [1, 1]} : vector<2000x128xf32> to vector<2000x8xf32>
    %slice3A_44 = vector.extract_strided_slice %exp3A {offsets = [0, 2], sizes = [2000, 1], strides = [1, 1]} : vector<2000x16xf32> to vector<2000x1xf32>
    %slice3A_45 = vector.extract_strided_slice %get3A_5 {offsets = [0, 16], sizes = [2000, 8], strides = [1, 1]} : vector<2000x128xf32> to vector<2000x8xf32>
    %mul3A_46 = vector.broadcast %slice3A_44 : vector<2000x1xf32> to vector<2000x8xf32>
    %mul3A_47 = arith.mulf %mul3A_46, %slice3A_45 : vector<2000x8xf32>
    %add3A_48 = arith.addf %slice3A_43, %mul3A_47 : vector<2000x8xf32>
    %slice3A_49 = vector.extract_strided_slice %add3A {offsets = [0, 50], sizes = [2000, 1], strides = [1, 1]} : vector<2000x128xf32> to vector<2000x1xf32>
    %slice3A_50 = vector.extract_strided_slice %exp3A {offsets = [0, 2], sizes = [2000, 1], strides = [1, 1]} : vector<2000x16xf32> to vector<2000x1xf32>
    %add3A_51 = arith.addf %slice3A_49, %slice3A_50 : vector<2000x1xf32>
    %add3A_52 = arith.constant 1.000000e-16 : f32
    %add3A_53 = vector.broadcast %add3A_52 : f32 to vector<2000x1xf32>
    %add3A_54 = arith.addf %add3A_51, %add3A_53 : vector<2000x1xf32>
    %div3A_55 = vector.broadcast %add3A_54 : vector<2000x1xf32> to vector<2000x8xf32>
    %div3A_56 = arith.divf %add3A_48, %div3A_55 : vector<2000x8xf32>
    %add3A_57 = arith.addf %add3A_42, %div3A_56 : vector<2000x8xf32>
    %slice3A_58 = vector.extract_strided_slice %add3A {offsets = [0, 24], sizes = [2000, 8], strides = [1, 1]} : vector<2000x128xf32> to vector<2000x8xf32>
    %slice3A_59 = vector.extract_strided_slice %exp3A {offsets = [0, 3], sizes = [2000, 1], strides = [1, 1]} : vector<2000x16xf32> to vector<2000x1xf32>
    %slice3A_60 = vector.extract_strided_slice %get3A_5 {offsets = [0, 24], sizes = [2000, 8], strides = [1, 1]} : vector<2000x128xf32> to vector<2000x8xf32>
    %mul3A_61 = vector.broadcast %slice3A_59 : vector<2000x1xf32> to vector<2000x8xf32>
    %mul3A_62 = arith.mulf %mul3A_61, %slice3A_60 : vector<2000x8xf32>
    %add3A_63 = arith.addf %slice3A_58, %mul3A_62 : vector<2000x8xf32>
    %slice3A_64 = vector.extract_strided_slice %add3A {offsets = [0, 51], sizes = [2000, 1], strides = [1, 1]} : vector<2000x128xf32> to vector<2000x1xf32>
    %slice3A_65 = vector.extract_strided_slice %exp3A {offsets = [0, 3], sizes = [2000, 1], strides = [1, 1]} : vector<2000x16xf32> to vector<2000x1xf32>
    %add3A_66 = arith.addf %slice3A_64, %slice3A_65 : vector<2000x1xf32>
    %add3A_67 = arith.constant 1.000000e-16 : f32
    %add3A_68 = vector.broadcast %add3A_67 : f32 to vector<2000x1xf32>
    %add3A_69 = arith.addf %add3A_66, %add3A_68 : vector<2000x1xf32>
    %div3A_70 = vector.broadcast %add3A_69 : vector<2000x1xf32> to vector<2000x8xf32>
    %div3A_71 = arith.divf %add3A_63, %div3A_70 : vector<2000x8xf32>
    %add3A_72 = arith.addf %add3A_57, %div3A_71 : vector<2000x8xf32>
    %slice3A_73 = vector.extract_strided_slice %add3A {offsets = [0, 32], sizes = [2000, 8], strides = [1, 1]} : vector<2000x128xf32> to vector<2000x8xf32>
    %slice3A_74 = vector.extract_strided_slice %exp3A {offsets = [0, 4], sizes = [2000, 1], strides = [1, 1]} : vector<2000x16xf32> to vector<2000x1xf32>
    %slice3A_75 = vector.extract_strided_slice %get3A_5 {offsets = [0, 32], sizes = [2000, 8], strides = [1, 1]} : vector<2000x128xf32> to vector<2000x8xf32>
    %mul3A_76 = vector.broadcast %slice3A_74 : vector<2000x1xf32> to vector<2000x8xf32>
    %mul3A_77 = arith.mulf %mul3A_76, %slice3A_75 : vector<2000x8xf32>
    %add3A_78 = arith.addf %slice3A_73, %mul3A_77 : vector<2000x8xf32>
    %slice3A_79 = vector.extract_strided_slice %add3A {offsets = [0, 52], sizes = [2000, 1], strides = [1, 1]} : vector<2000x128xf32> to vector<2000x1xf32>
    %slice3A_80 = vector.extract_strided_slice %exp3A {offsets = [0, 4], sizes = [2000, 1], strides = [1, 1]} : vector<2000x16xf32> to vector<2000x1xf32>
    %add3A_81 = arith.addf %slice3A_79, %slice3A_80 : vector<2000x1xf32>
    %add3A_82 = arith.constant 1.000000e-16 : f32
    %add3A_83 = vector.broadcast %add3A_82 : f32 to vector<2000x1xf32>
    %add3A_84 = arith.addf %add3A_81, %add3A_83 : vector<2000x1xf32>
    %div3A_85 = vector.broadcast %add3A_84 : vector<2000x1xf32> to vector<2000x8xf32>
    %div3A_86 = arith.divf %add3A_78, %div3A_85 : vector<2000x8xf32>
    %add3A_87 = arith.addf %add3A_72, %div3A_86 : vector<2000x8xf32>
    %slice3A_88 = vector.extract_strided_slice %add3A {offsets = [0, 40], sizes = [2000, 8], strides = [1, 1]} : vector<2000x128xf32> to vector<2000x8xf32>
    %slice3A_89 = vector.extract_strided_slice %exp3A {offsets = [0, 5], sizes = [2000, 1], strides = [1, 1]} : vector<2000x16xf32> to vector<2000x1xf32>
    %slice3A_90 = vector.extract_strided_slice %get3A_5 {offsets = [0, 40], sizes = [2000, 8], strides = [1, 1]} : vector<2000x128xf32> to vector<2000x8xf32>
    %mul3A_91 = vector.broadcast %slice3A_89 : vector<2000x1xf32> to vector<2000x8xf32>
    %mul3A_92 = arith.mulf %mul3A_91, %slice3A_90 : vector<2000x8xf32>
    %add3A_93 = arith.addf %slice3A_88, %mul3A_92 : vector<2000x8xf32>
    %slice3A_94 = vector.extract_strided_slice %add3A {offsets = [0, 53], sizes = [2000, 1], strides = [1, 1]} : vector<2000x128xf32> to vector<2000x1xf32>
    %slice3A_95 = vector.extract_strided_slice %exp3A {offsets = [0, 5], sizes = [2000, 1], strides = [1, 1]} : vector<2000x16xf32> to vector<2000x1xf32>
    %add3A_96 = arith.addf %slice3A_94, %slice3A_95 : vector<2000x1xf32>
    %add3A_97 = arith.constant 1.000000e-16 : f32
    %add3A_98 = vector.broadcast %add3A_97 : f32 to vector<2000x1xf32>
    %add3A_99 = arith.addf %add3A_96, %add3A_98 : vector<2000x1xf32>
    %div3A_100 = vector.broadcast %add3A_99 : vector<2000x1xf32> to vector<2000x8xf32>
    %div3A_101 = arith.divf %add3A_93, %div3A_100 : vector<2000x8xf32>
    %add3A_102 = arith.addf %add3A_87, %div3A_101 : vector<2000x8xf32>
    %mul3A_103 = arith.constant 0.166666672 : f32
    %mul3A_104 = vector.broadcast %mul3A_103 : f32 to vector<2000x8xf32>
    %mul3A_105 = arith.mulf %add3A_102, %mul3A_104 : vector<2000x8xf32>
    %get3A_106 = arith.constant 0 : index
    %get3A_107 = arith.constant 0 : index
    %get3A_108 = vector.load %arg3[%get3A_106, %get3A_107] : memref<1x8xf32, #tpu.memory_space<vmem>>, vector<1x8xf32>
    %add3A_109 = vector.broadcast %get3A_108 : vector<1x8xf32> to vector<2000x8xf32>
    %add3A_110 = arith.addf %mul3A_105, %add3A_109 : vector<2000x8xf32>
    %max3A_111 = arith.constant 0.000000e+00 : f32
    %max3A_112 = vector.broadcast %max3A_111 : f32 to vector<2000x8xf32>
    %max3A_113 = arith.maximumf %add3A_110, %max3A_112 : vector<2000x8xf32>
    %get3A_114 = arith.constant 0 : index
    %get3A_115 = arith.constant 0 : index
    %get3A_116 = vector.load %arg4[%get3A_114, %get3A_115] : memref<8x96xf32, #tpu.memory_space<vmem>>, vector<8x96xf32>
    %dot_general3A = arith.constant dense<0.000000e+00> : vector<2000x96xf32>
    %dot_general3A_117 = tpu.matmul %max3A_113, %get3A_116, %dot_general3A {dimension_numbers = #tpu.dot_dimension_numbers<[1], [0], [0], [1], [0, 0, 1, 1], [], []>, precision = #tpu.contract_precision<fp32>, transpose_lhs_hint = false} : vector<2000x8xf32>, vector<8x96xf32>, vector<2000x96xf32> -> vector<2000x96xf32>
    %get3A_118 = arith.constant 0 : index
    %get3A_119 = arith.constant 0 : index
    %get3A_120 = vector.load %arg5[%get3A_118, %get3A_119] : memref<96x16xf32, #tpu.memory_space<vmem>>, vector<96x16xf32>
    %dot_general3A_121 = arith.constant dense<0.000000e+00> : vector<2000x16xf32>
    %dot_general3A_122 = tpu.matmul %dot_general3A_117, %get3A_120, %dot_general3A_121 {dimension_numbers = #tpu.dot_dimension_numbers<[1], [0], [0], [1], [0, 0, 1, 1], [], []>, precision = #tpu.contract_precision<fp32>, transpose_lhs_hint = false} : vector<2000x96xf32>, vector<96x16xf32>, vector<2000x16xf32> -> vector<2000x16xf32>
    %get3A_123 = arith.constant 0 : index
    %get3A_124 = arith.constant 0 : index
    %get3A_125 = vector.load %arg6[%get3A_123, %get3A_124] : memref<96x16xf32, #tpu.memory_space<vmem>>, vector<96x16xf32>
    %dot_general3A_126 = arith.constant dense<0.000000e+00> : vector<2000x16xf32>
    %dot_general3A_127 = tpu.matmul %dot_general3A_117, %get3A_125, %dot_general3A_126 {dimension_numbers = #tpu.dot_dimension_numbers<[1], [0], [0], [1], [0, 0, 1, 1], [], []>, precision = #tpu.contract_precision<fp32>, transpose_lhs_hint = false} : vector<2000x96xf32>, vector<96x16xf32>, vector<2000x16xf32> -> vector<2000x16xf32>
    %swap3A = arith.constant 0 : index
    %swap3A_128 = arith.constant 0 : index
    %swap3A_129 = vector.load %arg7[%swap3A, %swap3A_128] : memref<2000x128xf32, #tpu.memory_space<vmem>>, vector<2000x96xf32>
    tpu.vector_store %arg7[%swap3A, %swap3A_128], %dot_general3A_117 {strides = array<i32>} : memref<2000x128xf32, #tpu.memory_space<vmem>>, vector<2000x96xf32>,
    %swap3A_130 = arith.constant 0 : index
    %swap3A_131 = arith.constant 96 : index
    %swap3A_132 = vector.load %arg7[%swap3A_130, %swap3A_131] : memref<2000x128xf32, #tpu.memory_space<vmem>>, vector<2000x16xf32>
    tpu.vector_store %arg7[%swap3A_130, %swap3A_131], %dot_general3A_122 {strides = array<i32>} : memref<2000x128xf32, #tpu.memory_space<vmem>>, vector<2000x16xf32>,
    %swap3A_133 = arith.constant 0 : index
    %swap3A_134 = arith.constant 112 : index
    %swap3A_135 = vector.load %arg7[%swap3A_133, %swap3A_134] : memref<2000x128xf32, #tpu.memory_space<vmem>>, vector<2000x16xf32>
    tpu.vector_store %arg7[%swap3A_133, %swap3A_134], %dot_general3A_127 {strides = array<i32>} : memref<2000x128xf32, #tpu.memory_space<vmem>>, vector<2000x16xf32>,
    return
  }
  func.func @transform_0(%arg0: i32) -> (i32, i32, i32) {
    %c0_i32 = arith.constant 0 : i32
    %c0_i32_0 = arith.constant 0 : i32
    %c0_i32_1 = arith.constant 0 : i32
    return %c0_i32, %arg0, %c0_i32_0 : i32, i32, i32
  }
  func.func @transform_1(%arg0: i32) -> (i32, i32) {
    %c0_i32 = arith.constant 0 : i32
    %c0_i32_0 = arith.constant 0 : i32
    return %arg0, %c0_i32 : i32, i32
  }
  func.func @transform_2(%arg0: i32) -> (i32, i32) {
    %c0_i32 = arith.constant 0 : i32
    %c0_i32_0 = arith.constant 0 : i32
    %c0_i32_1 = arith.constant 0 : i32
    return %c0_i32, %c0_i32_0 : i32, i32
  }
  func.func @transform_3(%arg0: i32) -> (i32, i32) {
    %c0_i32 = arith.constant 0 : i32
    %c0_i32_0 = arith.constant 0 : i32
    %c0_i32_1 = arith.constant 0 : i32
    return %c0_i32, %c0_i32_0 : i32, i32
  }
  func.func @transform_4(%arg0: i32) -> (i32, i32) {
    %c0_i32 = arith.constant 0 : i32
    %c0_i32_0 = arith.constant 0 : i32
    %c0_i32_1 = arith.constant 0 : i32
    return %c0_i32, %c0_i32_0 : i32, i32
  }
  func.func @transform_5(%arg0: i32) -> (i32, i32) {
    %c0_i32 = arith.constant 0 : i32
    %c0_i32_0 = arith.constant 0 : i32
    %c0_i32_1 = arith.constant 0 : i32
    return %c0_i32, %c0_i32_0 : i32, i32
  }
  func.func @transform_6(%arg0: i32) -> (i32, i32) {
    %c0_i32 = arith.constant 0 : i32
    %c0_i32_0 = arith.constant 0 : i32
    return %arg0, %c0_i32 : i32, i32
  }
}

module attributes {stable_mosaic.version = 14 : i64} {
  func.func @body(%arg0: i32, %arg1: memref<2x2000x128xf32, #tpu.memory_space<vmem>>, %arg2: memref<2000x128xf32, #tpu.memory_space<vmem>>, %arg3: memref<1x16xf32, #tpu.memory_space<vmem>>, %arg4: memref<16x16xf32, #tpu.memory_space<vmem>>, %arg5: memref<16x16xf32, #tpu.memory_space<vmem>>, %arg6: memref<16x16xf32, #tpu.memory_space<vmem>>, %arg7: memref<2000x128xf32, #tpu.memory_space<vmem>>) attributes {dimension_semantics = [#tpu.dimension_semantics<arbitrary>], iteration_bounds = array<i64: 5>, scalar_prefetch = 0 : i64, scratch_operands = 0 : i64, tpu.core_type = #tpu.core_type<tc>, window_params = [{transform_indices = @transform_0, window_bounds = array<i64: 2, 2000, 128>}, {transform_indices = @transform_1, window_bounds = array<i64: 2000, 128>}, {pipeline_mode = #tpu.pipeline_mode<synchronous>, transform_indices = @transform_2, window_bounds = array<i64: 1, 16>}, {pipeline_mode = #tpu.pipeline_mode<synchronous>, transform_indices = @transform_3, window_bounds = array<i64: 16, 16>}, {pipeline_mode = #tpu.pipeline_mode<synchronous>, transform_indices = @transform_4, window_bounds = array<i64: 16, 16>}, {pipeline_mode = #tpu.pipeline_mode<synchronous>, transform_indices = @transform_5, window_bounds = array<i64: 16, 16>}, {transform_indices = @transform_6, window_bounds = array<i64: 2000, 128>}]} {
    %get3A = arith.constant 0 : index
    %get3A_0 = arith.constant 0 : index
    %get3A_1 = arith.constant 0 : index
    %get3A_2 = vector.load %arg1[%get3A, %get3A_0, %get3A_1] : memref<2x2000x128xf32, #tpu.memory_space<vmem>>, vector<2x2000x128xf32>
    %get3A_3 = arith.constant 0 : index
    %get3A_4 = arith.constant 0 : index
    %get3A_5 = vector.load %arg2[%get3A_3, %get3A_4] : memref<2000x128xf32, #tpu.memory_space<vmem>>, vector<2000x128xf32>
    %slice3A = vector.extract_strided_slice %get3A_2 {offsets = [0, 0, 0], sizes = [1, 2000, 128], strides = [1, 1, 1]} : vector<2x2000x128xf32> to vector<1x2000x128xf32>
    %squeeze3A = vector.shape_cast %slice3A : vector<1x2000x128xf32> to vector<2000x128xf32>
    %slice3A_6 = vector.extract_strided_slice %get3A_2 {offsets = [1, 0, 0], sizes = [1, 2000, 128], strides = [1, 1, 1]} : vector<2x2000x128xf32> to vector<1x2000x128xf32>
    %squeeze3A_7 = vector.shape_cast %slice3A_6 : vector<1x2000x128xf32> to vector<2000x128xf32>
    %add3A = arith.addf %squeeze3A, %squeeze3A_7 : vector<2000x128xf32>
    %slice3A_8 = vector.extract_strided_slice %get3A_5 {offsets = [0, 96], sizes = [2000, 16], strides = [1, 1]} : vector<2000x128xf32> to vector<2000x16xf32>
    %slice3A_9 = vector.extract_strided_slice %get3A_5 {offsets = [0, 112], sizes = [2000, 16], strides = [1, 1]} : vector<2000x128xf32> to vector<2000x16xf32>
    %add3A_10 = arith.addf %slice3A_8, %slice3A_9 : vector<2000x16xf32>
    %mul3A = arith.constant 2.000000e-01 : f32
    %mul3A_11 = vector.broadcast %mul3A : f32 to vector<2000x16xf32>
    %mul3A_12 = arith.mulf %mul3A_11, %add3A_10 : vector<2000x16xf32>
    %max3A = arith.maximumf %add3A_10, %mul3A_12 : vector<2000x16xf32>
    %exp3A = math.exp %max3A : vector<2000x16xf32>
    %broadcast_in_dim3A = arith.constant 0.000000e+00 : f32
    %broadcast_in_dim3A_13 = vector.broadcast %broadcast_in_dim3A : f32 to vector<2000x16xf32>
    %slice3A_14 = vector.extract_strided_slice %add3A {offsets = [0, 0], sizes = [2000, 16], strides = [1, 1]} : vector<2000x128xf32> to vector<2000x16xf32>
    %slice3A_15 = vector.extract_strided_slice %exp3A {offsets = [0, 0], sizes = [2000, 1], strides = [1, 1]} : vector<2000x16xf32> to vector<2000x1xf32>
    %slice3A_16 = vector.extract_strided_slice %get3A_5 {offsets = [0, 0], sizes = [2000, 16], strides = [1, 1]} : vector<2000x128xf32> to vector<2000x16xf32>
    %mul3A_17 = vector.broadcast %slice3A_15 : vector<2000x1xf32> to vector<2000x16xf32>
    %mul3A_18 = arith.mulf %mul3A_17, %slice3A_16 : vector<2000x16xf32>
    %add3A_19 = arith.addf %slice3A_14, %mul3A_18 : vector<2000x16xf32>
    %slice3A_20 = vector.extract_strided_slice %add3A {offsets = [0, 96], sizes = [2000, 1], strides = [1, 1]} : vector<2000x128xf32> to vector<2000x1xf32>
    %slice3A_21 = vector.extract_strided_slice %exp3A {offsets = [0, 0], sizes = [2000, 1], strides = [1, 1]} : vector<2000x16xf32> to vector<2000x1xf32>
    %add3A_22 = arith.addf %slice3A_20, %slice3A_21 : vector<2000x1xf32>
    %add3A_23 = arith.constant 1.000000e-16 : f32
    %add3A_24 = vector.broadcast %add3A_23 : f32 to vector<2000x1xf32>
    %add3A_25 = arith.addf %add3A_22, %add3A_24 : vector<2000x1xf32>
    %div3A = vector.broadcast %add3A_25 : vector<2000x1xf32> to vector<2000x16xf32>
    %div3A_26 = arith.divf %add3A_19, %div3A : vector<2000x16xf32>
    %add3A_27 = arith.addf %broadcast_in_dim3A_13, %div3A_26 : vector<2000x16xf32>
    %slice3A_28 = vector.extract_strided_slice %add3A {offsets = [0, 16], sizes = [2000, 16], strides = [1, 1]} : vector<2000x128xf32> to vector<2000x16xf32>
    %slice3A_29 = vector.extract_strided_slice %exp3A {offsets = [0, 1], sizes = [2000, 1], strides = [1, 1]} : vector<2000x16xf32> to vector<2000x1xf32>
    %slice3A_30 = vector.extract_strided_slice %get3A_5 {offsets = [0, 16], sizes = [2000, 16], strides = [1, 1]} : vector<2000x128xf32> to vector<2000x16xf32>
    %mul3A_31 = vector.broadcast %slice3A_29 : vector<2000x1xf32> to vector<2000x16xf32>
    %mul3A_32 = arith.mulf %mul3A_31, %slice3A_30 : vector<2000x16xf32>
    %add3A_33 = arith.addf %slice3A_28, %mul3A_32 : vector<2000x16xf32>
    %slice3A_34 = vector.extract_strided_slice %add3A {offsets = [0, 97], sizes = [2000, 1], strides = [1, 1]} : vector<2000x128xf32> to vector<2000x1xf32>
    %slice3A_35 = vector.extract_strided_slice %exp3A {offsets = [0, 1], sizes = [2000, 1], strides = [1, 1]} : vector<2000x16xf32> to vector<2000x1xf32>
    %add3A_36 = arith.addf %slice3A_34, %slice3A_35 : vector<2000x1xf32>
    %add3A_37 = arith.constant 1.000000e-16 : f32
    %add3A_38 = vector.broadcast %add3A_37 : f32 to vector<2000x1xf32>
    %add3A_39 = arith.addf %add3A_36, %add3A_38 : vector<2000x1xf32>
    %div3A_40 = vector.broadcast %add3A_39 : vector<2000x1xf32> to vector<2000x16xf32>
    %div3A_41 = arith.divf %add3A_33, %div3A_40 : vector<2000x16xf32>
    %add3A_42 = arith.addf %add3A_27, %div3A_41 : vector<2000x16xf32>
    %slice3A_43 = vector.extract_strided_slice %add3A {offsets = [0, 32], sizes = [2000, 16], strides = [1, 1]} : vector<2000x128xf32> to vector<2000x16xf32>
    %slice3A_44 = vector.extract_strided_slice %exp3A {offsets = [0, 2], sizes = [2000, 1], strides = [1, 1]} : vector<2000x16xf32> to vector<2000x1xf32>
    %slice3A_45 = vector.extract_strided_slice %get3A_5 {offsets = [0, 32], sizes = [2000, 16], strides = [1, 1]} : vector<2000x128xf32> to vector<2000x16xf32>
    %mul3A_46 = vector.broadcast %slice3A_44 : vector<2000x1xf32> to vector<2000x16xf32>
    %mul3A_47 = arith.mulf %mul3A_46, %slice3A_45 : vector<2000x16xf32>
    %add3A_48 = arith.addf %slice3A_43, %mul3A_47 : vector<2000x16xf32>
    %slice3A_49 = vector.extract_strided_slice %add3A {offsets = [0, 98], sizes = [2000, 1], strides = [1, 1]} : vector<2000x128xf32> to vector<2000x1xf32>
    %slice3A_50 = vector.extract_strided_slice %exp3A {offsets = [0, 2], sizes = [2000, 1], strides = [1, 1]} : vector<2000x16xf32> to vector<2000x1xf32>
    %add3A_51 = arith.addf %slice3A_49, %slice3A_50 : vector<2000x1xf32>
    %add3A_52 = arith.constant 1.000000e-16 : f32
    %add3A_53 = vector.broadcast %add3A_52 : f32 to vector<2000x1xf32>
    %add3A_54 = arith.addf %add3A_51, %add3A_53 : vector<2000x1xf32>
    %div3A_55 = vector.broadcast %add3A_54 : vector<2000x1xf32> to vector<2000x16xf32>
    %div3A_56 = arith.divf %add3A_48, %div3A_55 : vector<2000x16xf32>
    %add3A_57 = arith.addf %add3A_42, %div3A_56 : vector<2000x16xf32>
    %slice3A_58 = vector.extract_strided_slice %add3A {offsets = [0, 48], sizes = [2000, 16], strides = [1, 1]} : vector<2000x128xf32> to vector<2000x16xf32>
    %slice3A_59 = vector.extract_strided_slice %exp3A {offsets = [0, 3], sizes = [2000, 1], strides = [1, 1]} : vector<2000x16xf32> to vector<2000x1xf32>
    %slice3A_60 = vector.extract_strided_slice %get3A_5 {offsets = [0, 48], sizes = [2000, 16], strides = [1, 1]} : vector<2000x128xf32> to vector<2000x16xf32>
    %mul3A_61 = vector.broadcast %slice3A_59 : vector<2000x1xf32> to vector<2000x16xf32>
    %mul3A_62 = arith.mulf %mul3A_61, %slice3A_60 : vector<2000x16xf32>
    %add3A_63 = arith.addf %slice3A_58, %mul3A_62 : vector<2000x16xf32>
    %slice3A_64 = vector.extract_strided_slice %add3A {offsets = [0, 99], sizes = [2000, 1], strides = [1, 1]} : vector<2000x128xf32> to vector<2000x1xf32>
    %slice3A_65 = vector.extract_strided_slice %exp3A {offsets = [0, 3], sizes = [2000, 1], strides = [1, 1]} : vector<2000x16xf32> to vector<2000x1xf32>
    %add3A_66 = arith.addf %slice3A_64, %slice3A_65 : vector<2000x1xf32>
    %add3A_67 = arith.constant 1.000000e-16 : f32
    %add3A_68 = vector.broadcast %add3A_67 : f32 to vector<2000x1xf32>
    %add3A_69 = arith.addf %add3A_66, %add3A_68 : vector<2000x1xf32>
    %div3A_70 = vector.broadcast %add3A_69 : vector<2000x1xf32> to vector<2000x16xf32>
    %div3A_71 = arith.divf %add3A_63, %div3A_70 : vector<2000x16xf32>
    %add3A_72 = arith.addf %add3A_57, %div3A_71 : vector<2000x16xf32>
    %slice3A_73 = vector.extract_strided_slice %add3A {offsets = [0, 64], sizes = [2000, 16], strides = [1, 1]} : vector<2000x128xf32> to vector<2000x16xf32>
    %slice3A_74 = vector.extract_strided_slice %exp3A {offsets = [0, 4], sizes = [2000, 1], strides = [1, 1]} : vector<2000x16xf32> to vector<2000x1xf32>
    %slice3A_75 = vector.extract_strided_slice %get3A_5 {offsets = [0, 64], sizes = [2000, 16], strides = [1, 1]} : vector<2000x128xf32> to vector<2000x16xf32>
    %mul3A_76 = vector.broadcast %slice3A_74 : vector<2000x1xf32> to vector<2000x16xf32>
    %mul3A_77 = arith.mulf %mul3A_76, %slice3A_75 : vector<2000x16xf32>
    %add3A_78 = arith.addf %slice3A_73, %mul3A_77 : vector<2000x16xf32>
    %slice3A_79 = vector.extract_strided_slice %add3A {offsets = [0, 100], sizes = [2000, 1], strides = [1, 1]} : vector<2000x128xf32> to vector<2000x1xf32>
    %slice3A_80 = vector.extract_strided_slice %exp3A {offsets = [0, 4], sizes = [2000, 1], strides = [1, 1]} : vector<2000x16xf32> to vector<2000x1xf32>
    %add3A_81 = arith.addf %slice3A_79, %slice3A_80 : vector<2000x1xf32>
    %add3A_82 = arith.constant 1.000000e-16 : f32
    %add3A_83 = vector.broadcast %add3A_82 : f32 to vector<2000x1xf32>
    %add3A_84 = arith.addf %add3A_81, %add3A_83 : vector<2000x1xf32>
    %div3A_85 = vector.broadcast %add3A_84 : vector<2000x1xf32> to vector<2000x16xf32>
    %div3A_86 = arith.divf %add3A_78, %div3A_85 : vector<2000x16xf32>
    %add3A_87 = arith.addf %add3A_72, %div3A_86 : vector<2000x16xf32>
    %slice3A_88 = vector.extract_strided_slice %add3A {offsets = [0, 80], sizes = [2000, 16], strides = [1, 1]} : vector<2000x128xf32> to vector<2000x16xf32>
    %slice3A_89 = vector.extract_strided_slice %exp3A {offsets = [0, 5], sizes = [2000, 1], strides = [1, 1]} : vector<2000x16xf32> to vector<2000x1xf32>
    %slice3A_90 = vector.extract_strided_slice %get3A_5 {offsets = [0, 80], sizes = [2000, 16], strides = [1, 1]} : vector<2000x128xf32> to vector<2000x16xf32>
    %mul3A_91 = vector.broadcast %slice3A_89 : vector<2000x1xf32> to vector<2000x16xf32>
    %mul3A_92 = arith.mulf %mul3A_91, %slice3A_90 : vector<2000x16xf32>
    %add3A_93 = arith.addf %slice3A_88, %mul3A_92 : vector<2000x16xf32>
    %slice3A_94 = vector.extract_strided_slice %add3A {offsets = [0, 101], sizes = [2000, 1], strides = [1, 1]} : vector<2000x128xf32> to vector<2000x1xf32>
    %slice3A_95 = vector.extract_strided_slice %exp3A {offsets = [0, 5], sizes = [2000, 1], strides = [1, 1]} : vector<2000x16xf32> to vector<2000x1xf32>
    %add3A_96 = arith.addf %slice3A_94, %slice3A_95 : vector<2000x1xf32>
    %add3A_97 = arith.constant 1.000000e-16 : f32
    %add3A_98 = vector.broadcast %add3A_97 : f32 to vector<2000x1xf32>
    %add3A_99 = arith.addf %add3A_96, %add3A_98 : vector<2000x1xf32>
    %div3A_100 = vector.broadcast %add3A_99 : vector<2000x1xf32> to vector<2000x16xf32>
    %div3A_101 = arith.divf %add3A_93, %div3A_100 : vector<2000x16xf32>
    %add3A_102 = arith.addf %add3A_87, %div3A_101 : vector<2000x16xf32>
    %mul3A_103 = arith.constant 0.166666672 : f32
    %mul3A_104 = vector.broadcast %mul3A_103 : f32 to vector<2000x16xf32>
    %mul3A_105 = arith.mulf %add3A_102, %mul3A_104 : vector<2000x16xf32>
    %get3A_106 = arith.constant 0 : index
    %get3A_107 = arith.constant 0 : index
    %get3A_108 = vector.load %arg3[%get3A_106, %get3A_107] : memref<1x16xf32, #tpu.memory_space<vmem>>, vector<1x16xf32>
    %add3A_109 = vector.broadcast %get3A_108 : vector<1x16xf32> to vector<2000x16xf32>
    %add3A_110 = arith.addf %mul3A_105, %add3A_109 : vector<2000x16xf32>
    %max3A_111 = arith.constant 0.000000e+00 : f32
    %max3A_112 = vector.broadcast %max3A_111 : f32 to vector<2000x16xf32>
    %max3A_113 = arith.maximumf %add3A_110, %max3A_112 : vector<2000x16xf32>
    %get3A_114 = arith.constant 0 : index
    %get3A_115 = arith.constant 0 : index
    %get3A_116 = vector.load %arg4[%get3A_114, %get3A_115] : memref<16x16xf32, #tpu.memory_space<vmem>>, vector<16x16xf32>
    %dot_general3A = arith.constant dense<0.000000e+00> : vector<2000x16xf32>
    %dot_general3A_117 = tpu.matmul %max3A_113, %get3A_116, %dot_general3A {dimension_numbers = #tpu.dot_dimension_numbers<[1], [0], [0], [1], [0, 0, 1, 1], [], []>, precision = #tpu.contract_precision<fp32>, transpose_lhs_hint = false} : vector<2000x16xf32>, vector<16x16xf32>, vector<2000x16xf32> -> vector<2000x16xf32>
    %get3A_118 = arith.constant 0 : index
    %get3A_119 = arith.constant 0 : index
    %get3A_120 = vector.load %arg5[%get3A_118, %get3A_119] : memref<16x16xf32, #tpu.memory_space<vmem>>, vector<16x16xf32>
    %dot_general3A_121 = arith.constant dense<0.000000e+00> : vector<2000x16xf32>
    %dot_general3A_122 = tpu.matmul %dot_general3A_117, %get3A_120, %dot_general3A_121 {dimension_numbers = #tpu.dot_dimension_numbers<[1], [0], [0], [1], [0, 0, 1, 1], [], []>, precision = #tpu.contract_precision<fp32>, transpose_lhs_hint = false} : vector<2000x16xf32>, vector<16x16xf32>, vector<2000x16xf32> -> vector<2000x16xf32>
    %get3A_123 = arith.constant 0 : index
    %get3A_124 = arith.constant 0 : index
    %get3A_125 = vector.load %arg6[%get3A_123, %get3A_124] : memref<16x16xf32, #tpu.memory_space<vmem>>, vector<16x16xf32>
    %dot_general3A_126 = arith.constant dense<0.000000e+00> : vector<2000x16xf32>
    %dot_general3A_127 = tpu.matmul %dot_general3A_117, %get3A_125, %dot_general3A_126 {dimension_numbers = #tpu.dot_dimension_numbers<[1], [0], [0], [1], [0, 0, 1, 1], [], []>, precision = #tpu.contract_precision<fp32>, transpose_lhs_hint = false} : vector<2000x16xf32>, vector<16x16xf32>, vector<2000x16xf32> -> vector<2000x16xf32>
    %swap3A = arith.constant 0 : index
    %swap3A_128 = arith.constant 0 : index
    %swap3A_129 = vector.load %arg7[%swap3A, %swap3A_128] : memref<2000x128xf32, #tpu.memory_space<vmem>>, vector<2000x16xf32>
    tpu.vector_store %arg7[%swap3A, %swap3A_128], %dot_general3A_117 {strides = array<i32>} : memref<2000x128xf32, #tpu.memory_space<vmem>>, vector<2000x16xf32>,
    %swap3A_130 = arith.constant 0 : index
    %swap3A_131 = arith.constant 16 : index
    %swap3A_132 = vector.load %arg7[%swap3A_130, %swap3A_131] : memref<2000x128xf32, #tpu.memory_space<vmem>>, vector<2000x16xf32>
    tpu.vector_store %arg7[%swap3A_130, %swap3A_131], %dot_general3A_122 {strides = array<i32>} : memref<2000x128xf32, #tpu.memory_space<vmem>>, vector<2000x16xf32>,
    %swap3A_133 = arith.constant 0 : index
    %swap3A_134 = arith.constant 32 : index
    %swap3A_135 = vector.load %arg7[%swap3A_133, %swap3A_134] : memref<2000x128xf32, #tpu.memory_space<vmem>>, vector<2000x16xf32>
    tpu.vector_store %arg7[%swap3A_133, %swap3A_134], %dot_general3A_127 {strides = array<i32>} : memref<2000x128xf32, #tpu.memory_space<vmem>>, vector<2000x16xf32>,
    %broadcast_in_dim3A_136 = arith.constant 0.000000e+00 : f32
    %broadcast_in_dim3A_137 = vector.broadcast %broadcast_in_dim3A_136 : f32 to vector<2000x80xf32>
    %swap3A_138 = arith.constant 0 : index
    %swap3A_139 = arith.constant 48 : index
    %swap3A_140 = vector.load %arg7[%swap3A_138, %swap3A_139] : memref<2000x128xf32, #tpu.memory_space<vmem>>, vector<2000x80xf32>
    tpu.vector_store %arg7[%swap3A_138, %swap3A_139], %broadcast_in_dim3A_137 {strides = array<i32>} : memref<2000x128xf32, #tpu.memory_space<vmem>>, vector<2000x80xf32>,
    return
  }
  func.func @transform_0(%arg0: i32) -> (i32, i32, i32) {
    %c0_i32 = arith.constant 0 : i32
    %c0_i32_0 = arith.constant 0 : i32
    %c0_i32_1 = arith.constant 0 : i32
    return %c0_i32, %arg0, %c0_i32_0 : i32, i32, i32
  }
  func.func @transform_1(%arg0: i32) -> (i32, i32) {
    %c0_i32 = arith.constant 0 : i32
    %c0_i32_0 = arith.constant 0 : i32
    return %arg0, %c0_i32 : i32, i32
  }
  func.func @transform_2(%arg0: i32) -> (i32, i32) {
    %c0_i32 = arith.constant 0 : i32
    %c0_i32_0 = arith.constant 0 : i32
    %c0_i32_1 = arith.constant 0 : i32
    return %c0_i32, %c0_i32_0 : i32, i32
  }
  func.func @transform_3(%arg0: i32) -> (i32, i32) {
    %c0_i32 = arith.constant 0 : i32
    %c0_i32_0 = arith.constant 0 : i32
    %c0_i32_1 = arith.constant 0 : i32
    return %c0_i32, %c0_i32_0 : i32, i32
  }
  func.func @transform_4(%arg0: i32) -> (i32, i32) {
    %c0_i32 = arith.constant 0 : i32
    %c0_i32_0 = arith.constant 0 : i32
    %c0_i32_1 = arith.constant 0 : i32
    return %c0_i32, %c0_i32_0 : i32, i32
  }
  func.func @transform_5(%arg0: i32) -> (i32, i32) {
    %c0_i32 = arith.constant 0 : i32
    %c0_i32_0 = arith.constant 0 : i32
    %c0_i32_1 = arith.constant 0 : i32
    return %c0_i32, %c0_i32_0 : i32, i32
  }
  func.func @transform_6(%arg0: i32) -> (i32, i32) {
    %c0_i32 = arith.constant 0 : i32
    %c0_i32_0 = arith.constant 0 : i32
    return %arg0, %c0_i32 : i32, i32
  }
}

module attributes {stable_mosaic.version = 14 : i64} {
  func.func @body(%arg0: i32, %arg1: memref<2x2000x128xf32, #tpu.memory_space<vmem>>, %arg2: memref<2000x128xf32, #tpu.memory_space<vmem>>, %arg3: memref<1x8xf32, #tpu.memory_space<vmem>>, %arg4: memref<8x16xf32, #tpu.memory_space<vmem>>, %arg5: memref<16x16xf32, #tpu.memory_space<vmem>>, %arg6: memref<16x16xf32, #tpu.memory_space<vmem>>, %arg7: memref<2000x128xf32, #tpu.memory_space<vmem>>) attributes {dimension_semantics = [#tpu.dimension_semantics<arbitrary>], iteration_bounds = array<i64: 5>, scalar_prefetch = 0 : i64, scratch_operands = 0 : i64, tpu.core_type = #tpu.core_type<tc>, window_params = [{transform_indices = @transform_0, window_bounds = array<i64: 2, 2000, 128>}, {transform_indices = @transform_1, window_bounds = array<i64: 2000, 128>}, {pipeline_mode = #tpu.pipeline_mode<synchronous>, transform_indices = @transform_2, window_bounds = array<i64: 1, 8>}, {pipeline_mode = #tpu.pipeline_mode<synchronous>, transform_indices = @transform_3, window_bounds = array<i64: 8, 16>}, {pipeline_mode = #tpu.pipeline_mode<synchronous>, transform_indices = @transform_4, window_bounds = array<i64: 16, 16>}, {pipeline_mode = #tpu.pipeline_mode<synchronous>, transform_indices = @transform_5, window_bounds = array<i64: 16, 16>}, {transform_indices = @transform_6, window_bounds = array<i64: 2000, 128>}]} {
    %get3A = arith.constant 0 : index
    %get3A_0 = arith.constant 0 : index
    %get3A_1 = arith.constant 0 : index
    %get3A_2 = vector.load %arg1[%get3A, %get3A_0, %get3A_1] : memref<2x2000x128xf32, #tpu.memory_space<vmem>>, vector<2x2000x128xf32>
    %get3A_3 = arith.constant 0 : index
    %get3A_4 = arith.constant 0 : index
    %get3A_5 = vector.load %arg2[%get3A_3, %get3A_4] : memref<2000x128xf32, #tpu.memory_space<vmem>>, vector<2000x128xf32>
    %slice3A = vector.extract_strided_slice %get3A_2 {offsets = [0, 0, 0], sizes = [1, 2000, 128], strides = [1, 1, 1]} : vector<2x2000x128xf32> to vector<1x2000x128xf32>
    %squeeze3A = vector.shape_cast %slice3A : vector<1x2000x128xf32> to vector<2000x128xf32>
    %slice3A_6 = vector.extract_strided_slice %get3A_2 {offsets = [1, 0, 0], sizes = [1, 2000, 128], strides = [1, 1, 1]} : vector<2x2000x128xf32> to vector<1x2000x128xf32>
    %squeeze3A_7 = vector.shape_cast %slice3A_6 : vector<1x2000x128xf32> to vector<2000x128xf32>
    %add3A = arith.addf %squeeze3A, %squeeze3A_7 : vector<2000x128xf32>
    %slice3A_8 = vector.extract_strided_slice %get3A_5 {offsets = [0, 16], sizes = [2000, 16], strides = [1, 1]} : vector<2000x128xf32> to vector<2000x16xf32>
    %slice3A_9 = vector.extract_strided_slice %get3A_5 {offsets = [0, 32], sizes = [2000, 16], strides = [1, 1]} : vector<2000x128xf32> to vector<2000x16xf32>
    %add3A_10 = arith.addf %slice3A_8, %slice3A_9 : vector<2000x16xf32>
    %mul3A = arith.constant 2.000000e-01 : f32
    %mul3A_11 = vector.broadcast %mul3A : f32 to vector<2000x16xf32>
    %mul3A_12 = arith.mulf %mul3A_11, %add3A_10 : vector<2000x16xf32>
    %max3A = arith.maximumf %add3A_10, %mul3A_12 : vector<2000x16xf32>
    %exp3A = math.exp %max3A : vector<2000x16xf32>
    %broadcast_in_dim3A = arith.constant 0.000000e+00 : f32
    %broadcast_in_dim3A_13 = vector.broadcast %broadcast_in_dim3A : f32 to vector<2000x8xf32>
    %slice3A_14 = vector.extract_strided_slice %add3A {offsets = [0, 0], sizes = [2000, 8], strides = [1, 1]} : vector<2000x128xf32> to vector<2000x8xf32>
    %slice3A_15 = vector.extract_strided_slice %exp3A {offsets = [0, 0], sizes = [2000, 1], strides = [1, 1]} : vector<2000x16xf32> to vector<2000x1xf32>
    %slice3A_16 = vector.extract_strided_slice %get3A_5 {offsets = [0, 0], sizes = [2000, 8], strides = [1, 1]} : vector<2000x128xf32> to vector<2000x8xf32>
    %mul3A_17 = vector.broadcast %slice3A_15 : vector<2000x1xf32> to vector<2000x8xf32>
    %mul3A_18 = arith.mulf %mul3A_17, %slice3A_16 : vector<2000x8xf32>
    %add3A_19 = arith.addf %slice3A_14, %mul3A_18 : vector<2000x8xf32>
    %slice3A_20 = vector.extract_strided_slice %add3A {offsets = [0, 16], sizes = [2000, 1], strides = [1, 1]} : vector<2000x128xf32> to vector<2000x1xf32>
    %slice3A_21 = vector.extract_strided_slice %exp3A {offsets = [0, 0], sizes = [2000, 1], strides = [1, 1]} : vector<2000x16xf32> to vector<2000x1xf32>
    %add3A_22 = arith.addf %slice3A_20, %slice3A_21 : vector<2000x1xf32>
    %add3A_23 = arith.constant 1.000000e-16 : f32
    %add3A_24 = vector.broadcast %add3A_23 : f32 to vector<2000x1xf32>
    %add3A_25 = arith.addf %add3A_22, %add3A_24 : vector<2000x1xf32>
    %div3A = vector.broadcast %add3A_25 : vector<2000x1xf32> to vector<2000x8xf32>
    %div3A_26 = arith.divf %add3A_19, %div3A : vector<2000x8xf32>
    %add3A_27 = arith.addf %broadcast_in_dim3A_13, %div3A_26 : vector<2000x8xf32>
    %mul3A_28 = arith.constant 1.000000e+00 : f32
    %mul3A_29 = vector.broadcast %mul3A_28 : f32 to vector<2000x8xf32>
    %mul3A_30 = arith.mulf %add3A_27, %mul3A_29 : vector<2000x8xf32>
    %get3A_31 = arith.constant 0 : index
    %get3A_32 = arith.constant 0 : index
    %get3A_33 = vector.load %arg3[%get3A_31, %get3A_32] : memref<1x8xf32, #tpu.memory_space<vmem>>, vector<1x8xf32>
    %add3A_34 = vector.broadcast %get3A_33 : vector<1x8xf32> to vector<2000x8xf32>
    %add3A_35 = arith.addf %mul3A_30, %add3A_34 : vector<2000x8xf32>
    %max3A_36 = arith.constant 0.000000e+00 : f32
    %max3A_37 = vector.broadcast %max3A_36 : f32 to vector<2000x8xf32>
    %max3A_38 = arith.maximumf %add3A_35, %max3A_37 : vector<2000x8xf32>
    %get3A_39 = arith.constant 0 : index
    %get3A_40 = arith.constant 0 : index
    %get3A_41 = vector.load %arg4[%get3A_39, %get3A_40] : memref<8x16xf32, #tpu.memory_space<vmem>>, vector<8x16xf32>
    %dot_general3A = arith.constant dense<0.000000e+00> : vector<2000x16xf32>
    %dot_general3A_42 = tpu.matmul %max3A_38, %get3A_41, %dot_general3A {dimension_numbers = #tpu.dot_dimension_numbers<[1], [0], [0], [1], [0, 0, 1, 1], [], []>, precision = #tpu.contract_precision<fp32>, transpose_lhs_hint = false} : vector<2000x8xf32>, vector<8x16xf32>, vector<2000x16xf32> -> vector<2000x16xf32>
    %get3A_43 = arith.constant 0 : index
    %get3A_44 = arith.constant 0 : index
    %get3A_45 = vector.load %arg5[%get3A_43, %get3A_44] : memref<16x16xf32, #tpu.memory_space<vmem>>, vector<16x16xf32>
    %dot_general3A_46 = arith.constant dense<0.000000e+00> : vector<2000x16xf32>
    %dot_general3A_47 = tpu.matmul %dot_general3A_42, %get3A_45, %dot_general3A_46 {dimension_numbers = #tpu.dot_dimension_numbers<[1], [0], [0], [1], [0, 0, 1, 1], [], []>, precision = #tpu.contract_precision<fp32>, transpose_lhs_hint = false} : vector<2000x16xf32>, vector<16x16xf32>, vector<2000x16xf32> -> vector<2000x16xf32>
    %get3A_48 = arith.constant 0 : index
    %get3A_49 = arith.constant 0 : index
    %get3A_50 = vector.load %arg6[%get3A_48, %get3A_49] : memref<16x16xf32, #tpu.memory_space<vmem>>, vector<16x16xf32>
    %dot_general3A_51 = arith.constant dense<0.000000e+00> : vector<2000x16xf32>
    %dot_general3A_52 = tpu.matmul %dot_general3A_42, %get3A_50, %dot_general3A_51 {dimension_numbers = #tpu.dot_dimension_numbers<[1], [0], [0], [1], [0, 0, 1, 1], [], []>, precision = #tpu.contract_precision<fp32>, transpose_lhs_hint = false} : vector<2000x16xf32>, vector<16x16xf32>, vector<2000x16xf32> -> vector<2000x16xf32>
    %swap3A = arith.constant 0 : index
    %swap3A_53 = arith.constant 0 : index
    %swap3A_54 = vector.load %arg7[%swap3A, %swap3A_53] : memref<2000x128xf32, #tpu.memory_space<vmem>>, vector<2000x16xf32>
    tpu.vector_store %arg7[%swap3A, %swap3A_53], %dot_general3A_42 {strides = array<i32>} : memref<2000x128xf32, #tpu.memory_space<vmem>>, vector<2000x16xf32>,
    %swap3A_55 = arith.constant 0 : index
    %swap3A_56 = arith.constant 16 : index
    %swap3A_57 = vector.load %arg7[%swap3A_55, %swap3A_56] : memref<2000x128xf32, #tpu.memory_space<vmem>>, vector<2000x16xf32>
    tpu.vector_store %arg7[%swap3A_55, %swap3A_56], %dot_general3A_47 {strides = array<i32>} : memref<2000x128xf32, #tpu.memory_space<vmem>>, vector<2000x16xf32>,
    %swap3A_58 = arith.constant 0 : index
    %swap3A_59 = arith.constant 32 : index
    %swap3A_60 = vector.load %arg7[%swap3A_58, %swap3A_59] : memref<2000x128xf32, #tpu.memory_space<vmem>>, vector<2000x16xf32>
    tpu.vector_store %arg7[%swap3A_58, %swap3A_59], %dot_general3A_52 {strides = array<i32>} : memref<2000x128xf32, #tpu.memory_space<vmem>>, vector<2000x16xf32>,
    %broadcast_in_dim3A_61 = arith.constant 0.000000e+00 : f32
    %broadcast_in_dim3A_62 = vector.broadcast %broadcast_in_dim3A_61 : f32 to vector<2000x80xf32>
    %swap3A_63 = arith.constant 0 : index
    %swap3A_64 = arith.constant 48 : index
    %swap3A_65 = vector.load %arg7[%swap3A_63, %swap3A_64] : memref<2000x128xf32, #tpu.memory_space<vmem>>, vector<2000x80xf32>
    tpu.vector_store %arg7[%swap3A_63, %swap3A_64], %broadcast_in_dim3A_62 {strides = array<i32>} : memref<2000x128xf32, #tpu.memory_space<vmem>>, vector<2000x80xf32>,
    return
  }
  func.func @transform_0(%arg0: i32) -> (i32, i32, i32) {
    %c0_i32 = arith.constant 0 : i32
    %c0_i32_0 = arith.constant 0 : i32
    %c0_i32_1 = arith.constant 0 : i32
    return %c0_i32, %arg0, %c0_i32_0 : i32, i32, i32
  }
  func.func @transform_1(%arg0: i32) -> (i32, i32) {
    %c0_i32 = arith.constant 0 : i32
    %c0_i32_0 = arith.constant 0 : i32
    return %arg0, %c0_i32 : i32, i32
  }
  func.func @transform_2(%arg0: i32) -> (i32, i32) {
    %c0_i32 = arith.constant 0 : i32
    %c0_i32_0 = arith.constant 0 : i32
    %c0_i32_1 = arith.constant 0 : i32
    return %c0_i32, %c0_i32_0 : i32, i32
  }
  func.func @transform_3(%arg0: i32) -> (i32, i32) {
    %c0_i32 = arith.constant 0 : i32
    %c0_i32_0 = arith.constant 0 : i32
    %c0_i32_1 = arith.constant 0 : i32
    return %c0_i32, %c0_i32_0 : i32, i32
  }
  func.func @transform_4(%arg0: i32) -> (i32, i32) {
    %c0_i32 = arith.constant 0 : i32
    %c0_i32_0 = arith.constant 0 : i32
    %c0_i32_1 = arith.constant 0 : i32
    return %c0_i32, %c0_i32_0 : i32, i32
  }
  func.func @transform_5(%arg0: i32) -> (i32, i32) {
    %c0_i32 = arith.constant 0 : i32
    %c0_i32_0 = arith.constant 0 : i32
    %c0_i32_1 = arith.constant 0 : i32
    return %c0_i32, %c0_i32_0 : i32, i32
  }
  func.func @transform_6(%arg0: i32) -> (i32, i32) {
    %c0_i32 = arith.constant 0 : i32
    %c0_i32_0 = arith.constant 0 : i32
    return %arg0, %c0_i32 : i32, i32
  }
}

module attributes {stable_mosaic.version = 14 : i64} {
  func.func @body(%arg0: i32, %arg1: memref<2x2000x128xf32, #tpu.memory_space<vmem>>, %arg2: memref<2000x128xf32, #tpu.memory_space<vmem>>, %arg3: memref<1x16xf32, #tpu.memory_space<vmem>>, %arg4: memref<2000x16xf32, #tpu.memory_space<vmem>>) attributes {dimension_semantics = [#tpu.dimension_semantics<arbitrary>], iteration_bounds = array<i64: 5>, scalar_prefetch = 0 : i64, scratch_operands = 0 : i64, tpu.core_type = #tpu.core_type<tc>, window_params = [{transform_indices = @transform_0, window_bounds = array<i64: 2, 2000, 128>}, {transform_indices = @transform_1, window_bounds = array<i64: 2000, 128>}, {pipeline_mode = #tpu.pipeline_mode<synchronous>, transform_indices = @transform_2, window_bounds = array<i64: 1, 16>}, {transform_indices = @transform_3, window_bounds = array<i64: 2000, 16>}]} {
    %get3A = arith.constant 0 : index
    %get3A_0 = arith.constant 0 : index
    %get3A_1 = arith.constant 0 : index
    %get3A_2 = vector.load %arg1[%get3A, %get3A_0, %get3A_1] : memref<2x2000x128xf32, #tpu.memory_space<vmem>>, vector<2x2000x128xf32>
    %get3A_3 = arith.constant 0 : index
    %get3A_4 = arith.constant 0 : index
    %get3A_5 = vector.load %arg2[%get3A_3, %get3A_4] : memref<2000x128xf32, #tpu.memory_space<vmem>>, vector<2000x128xf32>
    %slice3A = vector.extract_strided_slice %get3A_2 {offsets = [0, 0, 0], sizes = [1, 2000, 128], strides = [1, 1, 1]} : vector<2x2000x128xf32> to vector<1x2000x128xf32>
    %squeeze3A = vector.shape_cast %slice3A : vector<1x2000x128xf32> to vector<2000x128xf32>
    %slice3A_6 = vector.extract_strided_slice %get3A_2 {offsets = [1, 0, 0], sizes = [1, 2000, 128], strides = [1, 1, 1]} : vector<2x2000x128xf32> to vector<1x2000x128xf32>
    %squeeze3A_7 = vector.shape_cast %slice3A_6 : vector<1x2000x128xf32> to vector<2000x128xf32>
    %add3A = arith.addf %squeeze3A, %squeeze3A_7 : vector<2000x128xf32>
    %slice3A_8 = vector.extract_strided_slice %get3A_5 {offsets = [0, 16], sizes = [2000, 16], strides = [1, 1]} : vector<2000x128xf32> to vector<2000x16xf32>
    %slice3A_9 = vector.extract_strided_slice %get3A_5 {offsets = [0, 32], sizes = [2000, 16], strides = [1, 1]} : vector<2000x128xf32> to vector<2000x16xf32>
    %add3A_10 = arith.addf %slice3A_8, %slice3A_9 : vector<2000x16xf32>
    %mul3A = arith.constant 2.000000e-01 : f32
    %mul3A_11 = vector.broadcast %mul3A : f32 to vector<2000x16xf32>
    %mul3A_12 = arith.mulf %mul3A_11, %add3A_10 : vector<2000x16xf32>
    %max3A = arith.maximumf %add3A_10, %mul3A_12 : vector<2000x16xf32>
    %exp3A = math.exp %max3A : vector<2000x16xf32>
    %broadcast_in_dim3A = arith.constant 0.000000e+00 : f32
    %broadcast_in_dim3A_13 = vector.broadcast %broadcast_in_dim3A : f32 to vector<2000x16xf32>
    %slice3A_14 = vector.extract_strided_slice %add3A {offsets = [0, 0], sizes = [2000, 16], strides = [1, 1]} : vector<2000x128xf32> to vector<2000x16xf32>
    %slice3A_15 = vector.extract_strided_slice %exp3A {offsets = [0, 0], sizes = [2000, 1], strides = [1, 1]} : vector<2000x16xf32> to vector<2000x1xf32>
    %slice3A_16 = vector.extract_strided_slice %get3A_5 {offsets = [0, 0], sizes = [2000, 16], strides = [1, 1]} : vector<2000x128xf32> to vector<2000x16xf32>
    %mul3A_17 = vector.broadcast %slice3A_15 : vector<2000x1xf32> to vector<2000x16xf32>
    %mul3A_18 = arith.mulf %mul3A_17, %slice3A_16 : vector<2000x16xf32>
    %add3A_19 = arith.addf %slice3A_14, %mul3A_18 : vector<2000x16xf32>
    %slice3A_20 = vector.extract_strided_slice %add3A {offsets = [0, 16], sizes = [2000, 1], strides = [1, 1]} : vector<2000x128xf32> to vector<2000x1xf32>
    %slice3A_21 = vector.extract_strided_slice %exp3A {offsets = [0, 0], sizes = [2000, 1], strides = [1, 1]} : vector<2000x16xf32> to vector<2000x1xf32>
    %add3A_22 = arith.addf %slice3A_20, %slice3A_21 : vector<2000x1xf32>
    %add3A_23 = arith.constant 1.000000e-16 : f32
    %add3A_24 = vector.broadcast %add3A_23 : f32 to vector<2000x1xf32>
    %add3A_25 = arith.addf %add3A_22, %add3A_24 : vector<2000x1xf32>
    %div3A = vector.broadcast %add3A_25 : vector<2000x1xf32> to vector<2000x16xf32>
    %div3A_26 = arith.divf %add3A_19, %div3A : vector<2000x16xf32>
    %add3A_27 = arith.addf %broadcast_in_dim3A_13, %div3A_26 : vector<2000x16xf32>
    %mul3A_28 = arith.constant 1.000000e+00 : f32
    %mul3A_29 = vector.broadcast %mul3A_28 : f32 to vector<2000x16xf32>
    %mul3A_30 = arith.mulf %add3A_27, %mul3A_29 : vector<2000x16xf32>
    %get3A_31 = arith.constant 0 : index
    %get3A_32 = arith.constant 0 : index
    %get3A_33 = vector.load %arg3[%get3A_31, %get3A_32] : memref<1x16xf32, #tpu.memory_space<vmem>>, vector<1x16xf32>
    %add3A_34 = vector.broadcast %get3A_33 : vector<1x16xf32> to vector<2000x16xf32>
    %add3A_35 = arith.addf %mul3A_30, %add3A_34 : vector<2000x16xf32>
    %reduce_max3A = arith.constant dense<0xFF800000> : vector<2000xf32>
    %reduce_max3A_36 = vector.multi_reduction <maximumf>, %add3A_35, %reduce_max3A [1] : vector<2000x16xf32> to vector<2000xf32>
    %broadcast_in_dim3A_37 = vector.shape_cast %reduce_max3A_36 : vector<2000xf32> to vector<2000x1xf32>
    %sub3A = vector.broadcast %broadcast_in_dim3A_37 : vector<2000x1xf32> to vector<2000x16xf32>
    %sub3A_38 = arith.subf %add3A_35, %sub3A : vector<2000x16xf32>
    %exp3A_39 = math.exp %sub3A_38 : vector<2000x16xf32>
    %reduce_sum3A = arith.constant dense<0.000000e+00> : vector<2000xf32>
    %reduce_sum3A_40 = vector.multi_reduction <add>, %exp3A_39, %reduce_sum3A [1] : vector<2000x16xf32> to vector<2000xf32>
    %broadcast_in_dim3A_41 = vector.shape_cast %reduce_sum3A_40 : vector<2000xf32> to vector<2000x1xf32>
    %log3A = math.log %broadcast_in_dim3A_41 : vector<2000x1xf32>
    %sub3A_42 = vector.broadcast %log3A : vector<2000x1xf32> to vector<2000x16xf32>
    %sub3A_43 = arith.subf %sub3A_38, %sub3A_42 : vector<2000x16xf32>
    %swap3A = arith.constant 0 : index
    %swap3A_44 = arith.constant 0 : index
    %swap3A_45 = vector.load %arg4[%swap3A, %swap3A_44] : memref<2000x16xf32, #tpu.memory_space<vmem>>, vector<2000x16xf32>
    tpu.vector_store %arg4[%swap3A, %swap3A_44], %sub3A_43 {strides = array<i32>} : memref<2000x16xf32, #tpu.memory_space<vmem>>, vector<2000x16xf32>,
    return
  }
  func.func @transform_0(%arg0: i32) -> (i32, i32, i32) {
    %c0_i32 = arith.constant 0 : i32
    %c0_i32_0 = arith.constant 0 : i32
    %c0_i32_1 = arith.constant 0 : i32
    return %c0_i32, %arg0, %c0_i32_0 : i32, i32, i32
  }
  func.func @transform_1(%arg0: i32) -> (i32, i32) {
    %c0_i32 = arith.constant 0 : i32
    %c0_i32_0 = arith.constant 0 : i32
    return %arg0, %c0_i32 : i32, i32
  }
  func.func @transform_2(%arg0: i32) -> (i32, i32) {
    %c0_i32 = arith.constant 0 : i32
    %c0_i32_0 = arith.constant 0 : i32
    %c0_i32_1 = arith.constant 0 : i32
    return %c0_i32, %c0_i32_0 : i32, i32
  }
  func.func @transform_3(%arg0: i32) -> (i32, i32) {
    %c0_i32 = arith.constant 0 : i32
    %c0_i32_0 = arith.constant 0 : i32
    return %arg0, %c0_i32 : i32, i32
  }
}

</mosaic_0001>

<sc_bundles>
// kernel: kernel.11.cloned.1.call-start
scs
__scs_entry_jumppad:
0x0: {  	(pc) =	sbr.rel $0x88, $3  }
0x1: {  	(tag) =	ssettag $0x0;
	lr =	simm.s32 $0x1  }
0x2: {  	[smem:$0x3F8F] =	sst lr;
	_ =	strace $0xD0000000  }
0x3: {  	_ = 	snop  }
0x4: {  	_ = 	snop  }
0x5: {  	_ = 	snop  }
0x6: {  	_ = 	snop  }
0x7: {  	_ = 	snop  }
__scs_overlays_trampoline_lowered:
0x8: {  	[smem:$0x3F9E] =	sst s0  }
0x9: {  	[smem:$0x3F9F] =	sst s1  }
0xa: {  	[smem:$0x3FA0] =	sst s2  }
0xb: {  	[smem:$0x3FA1] =	sst s3  }
0xc: {  	[smem:$0x3FA2] =	sst s4  }
0xd: {  	[smem:$0x3FA3] =	sst s5  }
0xe: {  	[smem:$0x3FA4] =	sst s6  }
0xf: {  	[smem:$0x3FA5] =	sst s7  }
0x10: {  	[smem:$0x3FA6] =	sst s8  }
0x11: {  	[smem:$0x3FA7] =	sst s9;
	s0 =	simm.s32 @!p0 $0x0  }
0x12: {  	s1 =	sld [smem:$0x3F8D];
	s0 =	simm.s32 @p0 $0x1  }
0x13: {  	[smem:$0x3FA8] =	sst s0;
	s0 =	simm.s32 @!p1 $0x0  }
0x14: {  	s2 =	sld [smem:$0x3F8C];
	s0 =	simm.s32 @p1 $0x1  }
0x15: {  	[smem:$0x3FA9] =	sst s0;
	s0 =	simm.s32 @!p2 $0x0  }
0x16: {  	s3 =	sld [smem:$0x3FDB];
	s0 =	simm.s32 @p2 $0x1  }
0x17: {  	s4 =	simm.s32 $0x1BF5;
	[smem:$0x3FAB] =	sst s0  }
0x18: {  	s0 =	sld [smem:$0x3F8E];
	_ =	swait.ge [sflag:s4], $0x0  }
0x19: {  	s7 =	sld [smem:$0x3F8F]  }
0x1a: {  	s8 =	sadd.s32 $0xFFFFE003, lr  }
0x1b: {  	s9 =	sadd.s32 $0xFFFFFEF7, lr;
	s5 =	simm.s32 $0xFFFFFFFF;
	p2 =	slt.u32 s8, $0xFFFFF086  }
0x1c: {  	p1 =	slt.u32 s9, $0xF7A;
	s5 =	simm.s32 @!p2 $0x0  }
0x1d: {  	s5 =	simm.s32 @p1 $0x1;
	p0 =	seq.s32 s7, s2  }
0x1e: {  	s7 =	smul.u32 @!p0 $0xF7A, s2;
	p2 =	seq.s32 @!p0 s5, $0x0  }
0x1f: {  	s9 =	smul.u32 $0xF7A, s1;
	s8 =	simm.s32 @!p0 $0x1BF5;
	p2 =	por !p2, p0  }
0x20: {  	[sflag:s8] =	ssyncset.s32 @!p0 $0xFFFFF086;
	s6 =	sadd.s32 @!p0 s3, s7;
	s7 =	simm.s32 @!p0 $0x108  }
0x21: {  	s3 =	sadd.s32 s3, s9;
	s6 =	sadd.s32 @!p0 $0x88, s6;
	s7 =	simm.s32 @p2 $0x1082  }
0x22: {  	[simem:s7], [sflag:s8] =	dma.local @!p0 [hbm:s6], $0xF7A  }
0x23: {  	s9 =	sor.u32 $0xD0000000, s2;
	s6 =	simm.s32 $0x108;
	_ =	swait.ge @!p0 [sflag:s8], $0x0  }
0x24: {  	s3 =	sadd.s32 $0x88, s3;
	s6 =	simm.s32 @!p1 $0x1082;
	[sflag:s4] =	ssyncset.s32 $0xFFFFF086  }
0x25: {  	[simem:s6], [sflag:s4] =	dma.local [hbm:s3], $0xF7A  }
0x26: {  	[smem:$0x3F8F] =	sst s1;
	(tag) =	ssettag s2;
	_ =	strace s9  }
0x27: {  	s1 =	sld [smem:$0x3F9F]  }
0x28: {  	s2 =	sld [smem:$0x3FA0]  }
0x29: {  	s4 =	sld [smem:$0x3FA2]  }
0x2a: {  	p0 =	seq.s32 s5, $0x0;
	s5 =	sld [smem:$0x3FA3]  }
0x2b: {  	s6 =	sld [smem:$0x3FA4]  }
0x2c: {  	s7 =	sld [smem:$0x3FA5]  }
0x2d: {  	s3 =	simm.s32 $0x108;
	s8 =	sld [smem:$0x3FA6]  }
0x2e: {  	s3 =	simm.s32 @!p0 $0x1082;
	s9 =	sld [smem:$0x3FA7]  }
0x2f: {  	lr =	sadd.s32 s0, s3;
	s0 =	sld [smem:$0x3F9E]  }
0x30: {  	s3 =	sld [smem:$0x3FA1]  }
0x31: {  	[smem:$0x3FAA] =	sst s10  }
0x32: {  	s10 =	sld [smem:$0x3FA8];
	_ =	sdelay $0x3  }
0x33: {  	p0 =	seq.s32 s10, $0x1;
	s10 =	sld [smem:$0x3FAA];
	_ =	sdelay $0x3  }
0x34: {  	[smem:$0x3FAA] =	sst s10  }
0x35: {  	s10 =	sld [smem:$0x3FA9];
	_ =	sdelay $0x3  }
0x36: {  	p1 =	seq.s32 s10, $0x1;
	s10 =	sld [smem:$0x3FAA];
	_ =	sdelay $0x3  }
0x37: {  	[smem:$0x3FAA] =	sst s10  }
0x38: {  	s10 =	sld [smem:$0x3FAB]  }
0x39: {  	_ = 	snop;
	(pc) =	sbr.ind lr, $3  }
0x3a: {  	_ = 	snop  }
0x3b: {  	_ = 	snop  }
0x3c: {  	p2 =	seq.s32 s10, $0x1;
	s10 =	sld [smem:$0x3FAA]  }
0x3d: {  	_ =	shalt  }
0x3e: {  	_ =	shalt  }
0x3f: {  	_ =	shalt  }
0x40: {  	_ =	shalt  }
0x41: {  	_ =	shalt  }
0x42: {  	_ =	shalt  }
0x43: {  	_ =	shalt  }
0x44: {  	_ =	shalt  }
0x45: {  	_ =	shalt  }
0x46: {  	_ =	shalt  }
0x47: {  	_ =	shalt  }
0x48: {  	_ =	shalt  }
0x49: {  	_ =	shalt  }
0x4a: {  	_ =	shalt  }
0x4b: {  	_ =	shalt  }
0x4c: {  	_ =	shalt  }
0x4d: {  	_ =	shalt  }
0x4e: {  	_ =	shalt  }
0x4f: {  	_ =	shalt  }
0x50: {  	_ =	shalt  }
0x51: {  	_ =	shalt  }
0x52: {  	_ =	shalt  }
0x53: {  	_ =	shalt  }
0x54: {  	_ =	shalt  }
0x55: {  	_ =	shalt  }
0x56: {  	_ =	shalt  }
0x57: {  	_ =	shalt  }
0x58: {  	_ =	shalt  }
0x59: {  	_ =	shalt  }
0x5a: {  	_ =	shalt  }
0x5b: {  	_ =	shalt  }
0x5c: {  	_ =	shalt  }
0x5d: {  	_ =	shalt  }
0x5e: {  	_ =	shalt  }
0x5f: {  	_ =	shalt  }
0x60: {  	_ =	shalt  }
0x61: {  	_ =	shalt  }
0x62: {  	_ =	shalt  }
0x63: {  	_ =	shalt  }
0x64: {  	_ =	shalt  }
0x65: {  	_ =	shalt  }
0x66: {  	_ =	shalt  }
0x67: {  	_ =	shalt  }
0x68: {  	_ =	shalt  }
0x69: {  	_ =	shalt  }
0x6a: {  	_ =	shalt  }
0x6b: {  	_ =	shalt  }
0x6c: {  	_ =	shalt  }
0x6d: {  	_ =	shalt  }
0x6e: {  	_ =	shalt  }
0x6f: {  	_ =	shalt  }
0x70: {  	_ =	shalt  }
0x71: {  	_ =	shalt  }
0x72: {  	_ =	shalt  }
0x73: {  	_ =	shalt  }
0x74: {  	_ =	shalt  }
0x75: {  	_ =	shalt  }
0x76: {  	_ =	shalt  }
0x77: {  	_ =	shalt  }
0x78: {  	_ =	shalt  }
0x79: {  	_ =	shalt  }
0x7a: {  	_ =	shalt  }
0x7b: {  	_ =	shalt  }
0x7c: {  	_ =	shalt  }
0x7d: {  	_ =	shalt  }
0x7e: {  	_ =	shalt  }
0x7f: {  	_ =	shalt  }
0x80: {  	_ =	shalt  }
0x81: {  	_ =	shalt  }
0x82: {  	_ =	shalt  }
0x83: {  	_ =	shalt  }
0x84: {  	_ =	shalt  }
0x85: {  	_ =	shalt  }
0x86: {  	_ =	shalt  }
0x87: {  	_ =	shalt  }
.Lfunc_end0:
.L_simem_size_0:
called_computation_lowered:
.L_overlay_start_0:
0x88: {  	s2 =	sld [smem:$0x3FD9]  }
0x89: {  	s3 =	sld [smem:$0x3FFE];
	_ =	sdelay $0x1  }
0x8a: {  	s1 =	srdreg.scid  }
0x8b: {  	s0 =	sand.u32 $0x1, s1  }
0x8c: {  	s16 =	sshll.u32 s0, $0xA;
	s2 =	sadd.s32 s3, s2  }
0x8d: {  	s2 =	sadd.s32 s2, s16  }
0x8e: {  	[smem:$0x3FB6] =	sst s2  }
0x8f: {  	_ = 	snop  }
0x90: {  	(tm) =	ssettm $0x1  }
0x91: {  	s17 =	sld [smem:$0x3FFB];
	_ =	sdelay $0x3  }
0x92: {  	_ =	strace s17  }
0x93: {  	s2 =	sld [smem:$0x3FFC];
	_ =	sdelay $0x3  }
0x94: {  	_ =	strace s2  }
0x95: {  	s2 =	sld [smem:$0x3FFD];
	_ =	sdelay $0x3  }
0x96: {  	_ =	strace s2  }
0x97: {  	_ =	strace $0x8FFFFFFF  }
0x98: {  	s18 =	sld [smem:$0x3FDB];
	_ =	sdelay $0x1  }
0x99: {  	s19 =	simm.s32 $_scs_section_size  }
0x9a: {  	s4 =	simm.s32 $_size__tile_overlayer_lowered;
	s5 =	simm.s32 $_tile_overlayer_lowered  }
0x9b: {  	s22 =	simm.s32 $0x1BFF;
	s21 =	sshll.u32 s5, $0x1;
	s2 =	sadd.s32 s19, s18  }
0x9c: {  	s6 =	simm.s32 $0x0;
	s20 =	sshll.u32 s4, $0x1;
	s4 =	sadd.s32 s21, s2  }
0x9d: {  	[timem:s6], [sflag:s22] =	dma.local [hbm:s4], s20  }
0x9e: {  	_ =	swait.ge [sflag:s22], s20  }
0x9f: {  	s3 =	ssub.s32 $0x0, s20;
	[sflag:s22] =	ssyncset.done $0x0  }
0xa0: {  	[sflag:s22] =	ssyncadd.s32 s3;
	_ =	sdelay $0x1  }
0xa1: {  	s23 =	simm.s32 $0x1B8B  }
0xa2: {  	_ =	swait.ge [sflag:s23], $0x1  }
0xa3: {  	[sflag:s23] =	ssyncset.done $0x0  }
0xa4: {  	s25 =	simm.s32 $0x1B8E;
	s24 =	sld [smem:$0x3FFE];
	[sflag:s23] =	ssyncadd.s32 $0xFFFFFFFF  }
0xa5: {  	s26 =	simm.s32 $execute0_lowered;
	[smem:$0x3FD2] =	sst s25  }
0xa6: {  	s4 =	sshll.u32 s26, $0x1;
	_ =	strace $0x80000046;
	[dreg:$0x1] =	wrdreg $0xFFFFFFFF  }
0xa7: {  	s28 =	simm.s32 $_size_execute0_lowered;
	s2 =	sadd.s32 s2, s4;
	[dreg:$0x0] =	wrdreg $0x0  }
0xa8: {  	s4 =	sshll.u32 s28, $0x1;
	[dreg:$0x2] =	wrdreg s2  }
0xa9: {  	[dreg:$0x3] =	wrdreg s4  }
0xaa: {  	[dreg:$0x4] =	wrdreg $0xC0  }
0xab: {  	_ =	task [dreg:s6], $0x5FFFF  }
0xac: {  	[dreg:$0x1] =	wrdreg $0xFFFFFFFF  }
0xad: {  	[dreg:$0x0] =	wrdreg $0x60  }
0xae: {  	[dreg:$0x2] =	wrdreg s24  }
0xaf: {  	[dreg:$0x3] =	wrdreg $0xA3000  }
0xb0: {  	[dreg:$0x4] =	wrdreg $0x9  }
0xb1: {  	_ =	task.clear_ibuf [dreg:s6], $0x5FFFF;
	_ =	strace $0x90000046  }
0xb2: {  	s29 =	simm.s32 $0x9;
	_ =	strace $0x80000048  }
0xb3: {  	_ =	swait.ge [sflag:s29], $0x1  }
0xb4: {  	[sflag:s29] =	ssyncadd.s32 $0xFFFFFFFF  }
0xb5: {  	_ =	strace $0x90000048  }
0xb6: {  	_ =	sfence  }
0xb7: {  	s30 =	sld [smem:$0x0];
	_ =	sdelay $0x2  }
0xb8: {  	s31 =	sshll.u32 s1, $0xD;
	s1 =	sshrl.u32 s1, $0x2  }
0xb9: {  	s3 =	sand.u32 $0x4000, s31;
	s1 =	sadd.s32 s1, s30  }
0xba: {  	s0 =	sor.u32 s3, s0;
	s1 =	sshll.u32 s1, $0x11  }
0xbb: {  	s0 =	sor.u32 s1, s0  }
0xbc: {  	s0 =	sadd.s32 $0x8F2B, s0  }
0xbd: {  	[sflag:s0] =	ssyncadd.remote.s32 $0x1  }
0xbe: {  	_ =	sfence.sel $0xFFFF  }
0xbf: {  	[dreg:$0x0] =	wrdreg $0xFFFFFFFF;
	(pc) =	sbr.abs _section_cstart, $3  }
0xc0: {  	[dreg:$0x1] =	wrdreg $0xFFFFFFFF  }
0xc1: {  	_ =	task.clear_ibuf [dreg:s6], $0x2FFFF;
	_ =	strace $0x9FFFFFFF  }
0xc2: {  	(tm) =	ssettm $0x7FFFFFFF  }
0xc3: {  	_ =	shalt  }
tec
execute0_lowered:
.L_overlay_start_1:
0x0: {  	(tag) =	ssettag $0x1  }
0x1: {  	s0 =	rddreg [dreg:$0x0]  }
0x2: {  	s29 =	rddreg [dreg:$0x1];
	s2 =	simm.s32 $0x0  }
0x3: {  	s1 =	stileid.u32;
	s5 =	srdreg.scid;
	s28 =	simm.s32 $0x50  }
0x4: {  	s30 =	simm.s32 $0x5300;
	s31 =	simm.s32 $0x2;
	[smem:$0x7FF] =	sst s2  }
0x5: {  	s6 =	smul.u32 $0x13800, s1;
	s3 =	sadd.s32 $0xD800, s0;
	s4 =	sadd.s32 $0x3A00, s0  }
0x6: {  	s8 =	sand.u32 $0x1, s5;
	s5 =	sadd.s32 $0x17600, s0;
	s11 =	sshll.u32 s1, $0x1  }
0x7: {  	s12 =	smul.u32 $0x4E000, s1;
	s13 =	sadd.s32 $0x65A00, s0;
	s14 =	sshll.u32 s1, $0x6  }
0x8: {  	s15 =	sadd.s32 $0x138000, s29;
	p0 =	sne.s32 s1, $0x0;
	_ =	strace $0x80000047  }
0x9: {  	s9 =	ssub.s32 $0x2, s8;
	s11 =	sor.u32 s8, s11;
	[dreg:$0x6] =	wrdreg s15  }
0xa: {  	s8 =	smul.u32 $0x138800, s8;
	s15 =	simm.s32 $0x8;
	s7 =	sshrl.u32 s6, $0x3  }
0xb: {  	s10 =	sshrl.u32 s9, $0x1;
	s12 =	sshrl.u32 s12, $0x2;
	s7 =	sadd.s32 s7, s0  }
0xc: {  	s9 =	ssub.s32 s9, s10;
	s10 =	smul.u32 $0x2710, s11;
	s11 =	sadd.s32 s12, s29  }
0xd: {  	s0 =	sadd.s32 $0x65800, s0;
	s21 =	sadd.s32 s6, s8;
	s22 =	sshrl.u32 s8, $0x3  }
0xe: {  	s8 =	simm.s32 $0xB;
	s12 =	simm.s32 $0x280;
	[dreg:$0x3] =	wrdreg s11  }
0xf: {  	s7 =	sadd.s32 $0x3E800, s7;
	s11 =	sor.u32 $0x1C0B, s14;
	[dreg:$0x7] =	wrdreg s0  }
0x10: {  	s6 =	sadd.s32 s13, s22;
	s26 =	smax.u32 s9, $0x1;
	s22 =	simm.s32 $0x100  }
0x11: {  	s9 =	simm.s32 $0x3;
	s14 =	simm.s32 $0x6;
	[dreg:$0x4] =	wrdreg s7  }
0x12: {  	s16 =	sadd.s32 $0x50, s10;
	s17 =	sshrl.u32 s10, $0x3;
	[dreg:$0x11] =	wrdreg s26  }
0x13: {  	s23 =	sadd.s32 $0xA0, s10;
	s24 =	sadd.s32 $0xF0, s10;
	[dreg:$0x5] =	wrdreg s11  }
0x14: {  	s25 =	sadd.s32 $0x27000, s6;
	s26 =	simm.s32 $0x1;
	[dreg:$0x8] =	wrdreg s16  }
0x15: {  	s6 =	simm.s32 $0x5;
	s10 =	simm.s32 $0x7B00;
	[dreg:$0xd] =	wrdreg s23  }
0x16: {  	s7 =	sshrl.u32 s16, $0x3;
	s18 =	sadd.s32 s3, s17;
	[dreg:$0xe] =	wrdreg s24  }
0x17: {  	s0 =	sadd.s32 s4, s17;
	[dreg:$0x10] =	wrdreg s25;
	s23 =	simm.s32 $0x80  }
0x18: {  	s24 =	simm.s32 $0x180;
	s25 =	simm.s32 $0x200;
	[dreg:$0x9] =	wrdreg s18  }
0x19: {  	[dreg:$0xa] =	wrdreg s0;
	s19 =	sadd.s32 s3, s7;
	s20 =	sadd.s32 s4, s7  }
0x1a: {  	s0 =	sshrl.u32 s21, $0x3;
	s7 =	simm.s32 $0x7;
	[dreg:$0xb] =	wrdreg s19  }
0x1b: {  	s18 =	simm.s32 $0x4;
	[dreg:$0xc] =	wrdreg s20;
	s0 =	sadd.s32 s13, s0  }
0x1c: {  	vm0 =	vmmov $0xff;
	s19 =	simm.s32 $0x9;
	s13 =	simm.s32 $0x0;
	[dreg:$0xf] =	wrdreg s0  }
.LBB2_1:
0x1d: {  	[dreg:$0x12] =	wrdreg s13  }
0x1e: {  	s0 =	rddreg [dreg:$0x3]  }
0x1f: {  	s21 =	rddreg [dreg:$0x4];
	s1 =	sshrl.u32 s0, $0x3  }
0x20: {  	[dreg:$0x13] =	wrdreg s1  }
0x21: {  	[spmem:s1], [sflag:s11] =	dma.local [hbm:s21], $0x2700  }
0x22: {  	_ =	swait.ge [sflag:s8], $0x2700  }
0x23: {  	s0 =	rddreg [dreg:$0x6]  }
0x24: {  	[sflag:s8] =	ssyncset.done $0x0;
	s1 =	sshrl.u32 @!p0 s0, $0x3;
	s0 =	rddreg [dreg:$0x7]  }
0x25: {  	[sflag:s8] =	ssyncadd.s32 $0xFFFFD900;
	[dreg:$0x14] =	wrdreg s1  }
0x26: {  	[spmem:s1], [sflag:s11] =	dma.local @!p0 [hbm:s0], $0x100  }
0x27: {  	s0 =	simm.s32 @!p0 $0xB  }
0x28: {  	_ =	swait.ge @!p0 [sflag:s0], $0x100  }
0x29: {  	[sflag:s0] =	ssyncset.done @!p0 $0x0  }
0x2a: {  	[sflag:s0] =	ssyncadd.s32 @!p0 $0xFFFFFF00  }
0x2b: {  	[bflag:$0x0] =	sbarrier.arrive $0xFFFF  }
0x2c: {  	s13 =	rddreg [dreg:$0x9]  }
0x2d: {  	[tilespmem:s2], [sflag:$0x1] =	stream.linear.gather [hbm4b:s13+s2], $0x50, $0x38;
	[tilespmem:$0x1DB80] =	vst v63  }
0x2e: {  	s16 =	rddreg [dreg:$0xa]  }
0x2f: {  	[tilespmem:s22], [sflag:$0x1] =	stream.linear.gather [hbm4b:s16+s2], $0x50, $0x38;
	[tilespmem:$0x1DB80] =	vst v63  }
0x30: {  	s17 =	rddreg [dreg:$0xb]  }
0x31: {  	[tilespmem:s23], [sflag:$0x2] =	stream.linear.gather [hbm4b:s17+s2], $0x50, $0x38;
	[tilespmem:$0x1DB80] =	vst v63  }
0x32: {  	s20 =	rddreg [dreg:$0xc]  }
0x33: {  	[tilespmem:s24], [sflag:$0x2] =	stream.linear.gather [hbm4b:s20+s2], $0x50, $0x38;
	[tilespmem:$0x1DB80] =	vst v63  }
0x34: {  	_ = 	snop  }
0x35: {  	[tilespmem:s25], [sflag:$0x3] =	stream.linear.gather [hbm4b:s16+s2], $0x50, $0x38;
	[tilespmem:$0x1DB80] =	vst v63  }
0x36: {  	_ =	swait.ge [sflag:s26], $0x50  }
0x37: {  	[sflag:s26] =	ssyncset.done $0x0  }
0x38: {  	[sflag:s26] =	ssyncadd.s32 $0xFFFFFFB0  }
0x39: {  	_ =	swait.ge [sflag:s26], $0x50  }
0x3a: {  	[sflag:s26] =	ssyncset.done $0x0  }
0x3b: {  	s21 =	simm.s32 $0x300;
	[sflag:s26] =	ssyncadd.s32 $0xFFFFFFB0  }
0x3c: {  	[tilespmem:s21], [sflag:$0x5] =	stream.indirect.gather [hbm4b:s5+s28], $0x80, s2, s28, $0xb8;
	[tilespmem:$0x1DB80] =	vst v63  }
0x3d: {  	s13 =	simm.s32 $0x0  }
0x3e: {  	[tilespmem:s30], [sflag:$0x7] =	stream.indirect.gather [hbm4b:s5+s28], $0x80, s22, s28, $0xb8;
	[tilespmem:$0x1DB80] =	vst v63  }
.LBB2_2:
0x3f: {  	_ =	swait.ge [sflag:s31], $0x50  }
0x40: {  	[sflag:s31] =	ssyncset.done $0x0  }
0x41: {  	[sflag:s31] =	ssyncadd.s32 $0xFFFFFFB0  }
0x42: {  	_ =	swait.ge [sflag:s31], $0x50  }
0x43: {  	[sflag:s31] =	ssyncset.done $0x0  }
0x44: {  	s0 =	simm.s32 $0x2B00;
	[sflag:s31] =	ssyncadd.s32 $0xFFFFFFB0  }
0x45: {  	[tilespmem:s0], [sflag:$0x6] =	stream.indirect.gather [hbm4b:s5+s28], $0x80, s23, s28, $0xb8;
	[tilespmem:$0x1DB80] =	vst v63  }
0x46: {  	_ =	swait.ge [sflag:s6], $0x2800  }
0x47: {  	[sflag:s6] =	ssyncset.done $0x0  }
0x48: {  	[sflag:s6] =	ssyncadd.s32 $0xFFFFD800  }
0x49: {  	_ =	swait.ge [sflag:s7], $0x2800  }
0x4a: {  	[sflag:s7] =	ssyncset.done $0x0  }
0x4b: {  	[sflag:s7] =	ssyncadd.s32 $0xFFFFD800  }
0x4c: {  	_ =	swait.ge [sflag:s9], $0x50  }
0x4d: {  	[sflag:s9] =	ssyncset.done $0x0  }
0x4e: {  	s1 =	simm.s32 $0x0;
	[sflag:s9] =	ssyncadd.s32 $0xFFFFFFB0  }
0x4f: {  	v0 =	vld [tilespmem:s1+$0x330]  }
0x50: {  	v1 =	vld [tilespmem:s1+$0x5340];
	_ =	sdelay $0x4  }
0x51: {  	v0 =	vadd.f32 v1, v0;
	_ =	sdelay $0x1  }
0x52: {  	s21 =	simm.s32 $0x80;
	v1 =	vmul.f32 $2.000000030e-01, v0  }
0x53: {  	v2 =	vld [tilespmem:s21+$0x5340]  }
0x54: {  	v0 =	vmax.f32 v0, v1;
	v1 =	vld [tilespmem:s21+$0x330]  }
0x55: {  	v0 =	vmul.f32 $1.442695020e+00, v0  }
0x56: {  	s20 =	simm.s32 $0x100  }
0x57: {  	v3 =	vld [tilespmem:s20+$0x5340];
	(erf) = vpow2.f32 v0  }
0x58: {  	v0 =	vld [tilespmem:s20+$0x330]  }
0x59: {  	v7 =	vadd.f32 v2, v1;
	_ =	sdelay $0x1  }
0x5a: {  	v10 =	vld [tilespmem:s1+$0x300];
	v8 =	vmul.f32 $2.000000030e-01, v7  }
0x5b: {  	v6 =	vld [tilespmem:s1+$0x310]  }
0x5c: {  	v4 =	vld [tilespmem:s21+$0x300];
	v3 =	vadd.f32 v3, v0;
	v0 =	vmax.f32 v7, v8  }
0x5d: {  	v5 =	vld [tilespmem:s21+$0x310];
	v11 =	vmul.f32 $1.442695020e+00, v0  }
0x5e: {  	s8 =	simm.s32 $0x180;
	v9 =	vld [tilespmem:s1+$0x320]  }
0x5f: {  	v12 =	vld [tilespmem:s8+$0x5340];
	v13 =	vpop (erf);
	(erf) = vpow2.f32 v11  }
0x60: {  	v2 =	vld [tilespmem:s20+$0x300];
	v7 =	vmul.f32 $2.000000030e-01, v3  }
0x61: {  	v8 =	vld [tilespmem:s8+$0x330];
	v14 =	vbroadcast v13, $0x4  }
0x62: {  	v1 =	vld [tilespmem:s20+$0x310];
	v7 =	vmax.f32 v3, v7;
	v15 =	vbroadcast v13, $0x5;
	v16 =	vbroadcast v13, $0x0  }
0x63: {  	v0 =	vld [tilespmem:s8+$0x300];
	[tilespmem:s1+$0x5330] =	vst v13;
	v17 =	vbroadcast v13, $0x1;
	v18 =	vmul.f32 $1.442695020e+00, v7  }
0x64: {  	v63 =	vbroadcast v13, $0x2;
	v13 =	vbroadcast v13, $0x3;
	v3 =	vld [tilespmem:s8+$0x310];
	v7 =	vsel vm0, v14, v15  }
0x65: {  	v11 =	vsel vm0, v16, v17;
	(erf) = vpow2.f32 v18;
	v15 =	vmul.f32 v7, v9  }
0x66: {  	s0 =	simm.s32 $0x200;
	v7 =	vld [tilespmem:s21+$0x320];
	v9 =	vadd.f32 v12, v8;
	v10 =	vmul.f32 v11, v10  }
0x67: {  	s17 =	simm.s32 $0xA00;
	v8 =	vld [tilespmem:s0+$0x330];
	v11 =	vsel vm0, v63, v13;
	[tilespmem:s1+$0x5320] =	vst v15  }
.LBB2_3:
0x68: {  	p1 =	sne.s32 s17, $0x9E00;
	v12 =	vld [tilespmem:s0+$0x5340];
	v13 =	vmul.f32 $2.000000030e-01, v9;
	v14 =	vpop (erf);
	[tilespmem:s1+$0x5300] =	vst v10;
	v10 =	vmul.f32 v11, v6;
	v6 =	vmov v5  }
0x69: {  	v5 =	vmovc v1;
	v1 =	vmov v3;
	v15 =	vld [tilespmem:s0+$0x300];
	[tilespmem:s21+$0x5330] =	vst v14;
	v11 =	vbroadcast v14, $0x4;
	v16 =	vbroadcast v14, $0x5  }
.Ltmp0:
0x6a: {  	v17 =	vbroadcast v14, $0x1;
	v3 =	vld [tilespmem:s0+$0x310];
	v9 =	vmax.f32 v9, v13;
	v13 =	vbroadcast v14, $0x0;
	[tilespmem:s1+$0x5310] =	vst v10;
	s1 =	smov.u32 s21;
	s21 =	smov.u32 s20;
	(pc) =	sbr.rel @p1 .LBB2_3-.Ltmp0, $4  }
0x6b: {  	v18 =	vbroadcast v14, $0x2;
	s20 =	smov.u32 s8;
	s8 =	smov.u32 s0;
	v10 =	vmul.f32 $1.442695020e+00, v9;
	v9 =	vsel vm0, v11, v16  }
0x6c: {  	v11 =	vsel vm0, v13, v17;
	v13 =	vbroadcast v14, $0x3;
	v14 =	vmul.f32 v9, v7  }
0x6d: {  	s0 =	sshra.s32 s17, $0x2;
	v9 =	vadd.f32 v12, v8;
	(erf) = vpow2.f32 v10;
	v7 =	vld [tilespmem:s21+$0x320];
	v10 =	vmul.f32 v11, v4;
	v4 =	vmovc v2;
	v2 =	vmovc v0  }
0x6e: {  	s17 =	sadd.s32 $0x200, s17;
	v8 =	vld [tilespmem:s0+$0x330];
	v11 =	vsel vm0, v18, v13;
	[tilespmem:s1+$0x5320] =	vst v14;
	v0 =	vmov v15  }
0x6f: {  	v12 =	vld [tilespmem:s0+$0x5340]  }
0x70: {  	v13 =	vmul.f32 $2.000000030e-01, v9;
	v14 =	vpop (erf)  }
0x71: {  	v6 =	vmul.f32 v11, v6;
	v11 =	vbroadcast v14, $0x4  }
0x72: {  	v15 =	vbroadcast v14, $0x5;
	v51 =	vbroadcast v14, $0x0;
	v9 =	vmax.f32 v9, v13  }
0x73: {  	[tilespmem:s1+$0x5300] =	vst v10;
	v10 =	vbroadcast v14, $0x1;
	v9 =	vmul.f32 $1.442695020e+00, v9  }
0x74: {  	v17 =	vbroadcast v14, $0x2;
	v52 =	vbroadcast v14, $0x3;
	v8 =	vadd.f32 v12, v8  }
0x75: {  	v11 =	vsel vm0, v11, v15;
	v10 =	vsel vm0, v51, v10;
	(erf) = vpow2.f32 v9  }
0x76: {  	v16 =	vld [tilespmem:s0+$0x300];
	[tilespmem:s21+$0x5330] =	vst v14;
	v7 =	vmul.f32 v11, v7;
	v11 =	vsel vm0, v17, v52;
	v53 =	vmul.f32 $2.000000030e-01, v8  }
0x77: {  	v4 =	vmul.f32 v10, v4;
	v9 =	vld [tilespmem:s0+$0x310];
	[tilespmem:s1+$0x5310] =	vst v6;
	v5 =	vmul.f32 v11, v5;
	v6 =	vpop (erf)  }
0x78: {  	v10 =	vld [tilespmem:s20+$0x320];
	[tilespmem:s21+$0x5320] =	vst v7;
	v11 =	vbroadcast v6, $0x4;
	v55 =	vbroadcast v6, $0x0;
	v8 =	vmax.f32 v8, v53  }
0x79: {  	[tilespmem:s21+$0x5300] =	vst v4;
	v7 =	vbroadcast v6, $0x1;
	v8 =	vmul.f32 $1.442695020e+00, v8  }
0x7a: {  	v54 =	vbroadcast v6, $0x5;
	v56 =	vbroadcast v6, $0x2;
	[tilespmem:s20+$0x5330] =	vst v6  }
0x7b: {  	v4 =	vbroadcast v6, $0x3;
	[tilespmem:s21+$0x5310] =	vst v5;
	v5 =	vsel vm0, v55, v7;
	(erf) = vpow2.f32 v8;
	_ =	sdelay $0x1  }
0x7c: {  	v6 =	vsel vm0, v11, v54;
	v4 =	vsel vm0, v56, v4;
	v2 =	vmul.f32 v5, v2  }
0x7d: {  	v7 =	vld [tilespmem:s8+$0x320];
	v6 =	vmul.f32 v6, v10;
	v1 =	vmul.f32 v4, v1;
	v5 =	vpop (erf)  }
0x7e: {  	[tilespmem:s20+$0x5300] =	vst v2;
	v2 =	vbroadcast v5, $0x0;
	v8 =	vbroadcast v5, $0x1  }
0x7f: {  	[tilespmem:s20+$0x5320] =	vst v6;
	v4 =	vbroadcast v5, $0x4;
	v6 =	vbroadcast v5, $0x5  }
0x80: {  	[tilespmem:s8+$0x5330] =	vst v5;
	v10 =	vbroadcast v5, $0x2;
	v5 =	vbroadcast v5, $0x3;
	v2 =	vsel vm0, v2, v8  }
0x81: {  	[tilespmem:s20+$0x5310] =	vst v1;
	v1 =	vsel vm0, v4, v6  }
0x82: {  	v4 =	vld [tilespmem:s0+$0x320];
	v5 =	vsel vm0, v10, v5;
	v1 =	vmul.f32 v1, v7  }
0x83: {  	v0 =	vmul.f32 v2, v0;
	v3 =	vmul.f32 v5, v3;
	v2 =	vpop (erf)  }
0x84: {  	v5 =	vbroadcast v2, $0x4;
	v6 =	vbroadcast v2, $0x5  }
0x85: {  	[tilespmem:s8+$0x5320] =	vst v1;
	v1 =	vbroadcast v2, $0x0;
	v7 =	vbroadcast v2, $0x1  }
0x86: {  	[tilespmem:s8+$0x5300] =	vst v0;
	v0 =	vbroadcast v2, $0x2;
	v5 =	vsel vm0, v5, v6;
	v6 =	vbroadcast v2, $0x3  }
0x87: {  	[tilespmem:s0+$0x5330] =	vst v2;
	v1 =	vsel vm0, v1, v7;
	v2 =	vmul.f32 v5, v4  }
0x88: {  	[tilespmem:s8+$0x5310] =	vst v3;
	v1 =	vmul.f32 v1, v16;
	v0 =	vsel vm0, v0, v6  }
0x89: {  	[tilespmem:s0+$0x5320] =	vst v2;
	v0 =	vmul.f32 v0, v9  }
0x8a: {  	p1 =	seq.s32 s13, $0x0;
	[tilespmem:s0+$0x5300] =	vst v1  }
0x8b: {  	[tilespmem:s0+$0x5310] =	vst v0;
	s0 =	simm.s32 @!p1 $0xA  }
0x8c: {  	[spmem:s29] =	stream.indirect.scatter.add.f32 [tilespmem:s30], [sflag:$0x9], $0x80, s25, s28, $0xb8;
	[tilespmem:$0x1DB80] =	vst v63  }
0x8d: {  	s21 =	smul.u32 $0xA0, s13;
	_ =	swait.ge @!p1 [sflag:s0], $0x2800  }
0x8e: {  	[sflag:s0] =	ssyncset.done @!p1 $0x0;
	s8 =	rddreg [dreg:$0x8]  }
0x8f: {  	[sflag:s0] =	ssyncadd.s32 @!p1 $0xFFFFD800;
	s0 =	sadd.s32 s21, s8  }
0x90: {  	[tilespmem:s10], [sflag:$0x8] =	stream.indirect.gather [hbm4b:s5+s28], $0x80, s24, s28, $0xb8;
	[tilespmem:$0x1DB80] =	vst v63  }
0x91: {  	s0 =	sshrl.u32 s0, $0x3  }
0x92: {  	s1 =	simm.s32 $0x0;
	s11 =	rddreg [dreg:$0xd];
	s0 =	sadd.s32 s4, s0  }
0x93: {  	[tilespmem:s12], [sflag:$0x4] =	stream.linear.gather [hbm4b:s0+s1], $0x50, $0x38;
	[tilespmem:$0x1DB80] =	vst v63  }
0x94: {  	s0 =	sadd.s32 s21, s11  }
0x95: {  	s0 =	sshrl.u32 s0, $0x3  }
0x96: {  	s17 =	sadd.s32 s3, s0  }
0x97: {  	[tilespmem:s1], [sflag:$0x1] =	stream.linear.gather [hbm4b:s17+s1], $0x50, $0x38;
	[tilespmem:$0x1DB80] =	vst v63  }
0x98: {  	s8 =	sadd.s32 s4, s0  }
0x99: {  	[tilespmem:s22], [sflag:$0x1] =	stream.linear.gather [hbm4b:s8+s1], $0x50, $0x38;
	[tilespmem:$0x1DB80] =	vst v63  }
0x9a: {  	_ =	swait.ge [sflag:s26], $0x50  }
0x9b: {  	[sflag:s26] =	ssyncset.done $0x0  }
0x9c: {  	[sflag:s26] =	ssyncadd.s32 $0xFFFFFFB0  }
0x9d: {  	_ =	swait.ge [sflag:s26], $0x50  }
0x9e: {  	[sflag:s26] =	ssyncset.done $0x0  }
0x9f: {  	s20 =	simm.s32 $0x300;
	[sflag:s26] =	ssyncadd.s32 $0xFFFFFFB0  }
0xa0: {  	[tilespmem:s20], [sflag:$0x5] =	stream.indirect.gather [hbm4b:s5+s28], $0x80, s1, s28, $0xb8;
	[tilespmem:$0x1DB80] =	vst v63  }
0xa1: {  	_ =	swait.ge [sflag:s14], $0x2800  }
0xa2: {  	[sflag:s14] =	ssyncset.done $0x0  }
0xa3: {  	[sflag:s14] =	ssyncadd.s32 $0xFFFFD800  }
0xa4: {  	_ =	swait.ge [sflag:s15], $0x2800  }
0xa5: {  	[sflag:s15] =	ssyncset.done $0x0  }
0xa6: {  	[sflag:s15] =	ssyncadd.s32 $0xFFFFD800  }
0xa7: {  	_ =	swait.ge [sflag:s18], $0x50  }
0xa8: {  	[sflag:s18] =	ssyncset.done $0x0  }
0xa9: {  	s17 =	simm.s32 $0x0;
	[sflag:s18] =	ssyncadd.s32 $0xFFFFFFB0  }
0xaa: {  	v0 =	vld [tilespmem:s17+$0x2B30]  }
0xab: {  	v1 =	vld [tilespmem:s17+$0x7B40];
	_ =	sdelay $0x4  }
0xac: {  	v0 =	vadd.f32 v1, v0;
	_ =	sdelay $0x1  }
0xad: {  	s1 =	simm.s32 $0x80;
	v1 =	vmul.f32 $2.000000030e-01, v0  }
0xae: {  	v2 =	vld [tilespmem:s1+$0x7B40]  }
0xaf: {  	v0 =	vmax.f32 v0, v1;
	v1 =	vld [tilespmem:s1+$0x2B30];
	_ =	sdelay $0x1  }
0xb0: {  	s0 =	simm.s32 $0x100;
	v0 =	vmul.f32 $1.442695020e+00, v0  }
0xb1: {  	v3 =	vld [tilespmem:s0+$0x7B40]  }
0xb2: {  	(erf) = vpow2.f32 v0;
	v0 =	vld [tilespmem:s0+$0x2B30]  }
0xb3: {  	v7 =	vadd.f32 v2, v1;
	_ =	sdelay $0x1  }
0xb4: {  	v10 =	vld [tilespmem:s17+$0x2B00];
	v8 =	vmul.f32 $2.000000030e-01, v7  }
0xb5: {  	v6 =	vld [tilespmem:s17+$0x2B10]  }
0xb6: {  	v4 =	vld [tilespmem:s1+$0x2B00];
	v3 =	vadd.f32 v3, v0;
	v0 =	vmax.f32 v7, v8  }
0xb7: {  	v5 =	vld [tilespmem:s1+$0x2B10];
	v11 =	vmul.f32 $1.442695020e+00, v0  }
0xb8: {  	s20 =	simm.s32 $0x180;
	v9 =	vld [tilespmem:s17+$0x2B20]  }
0xb9: {  	v57 =	vld [tilespmem:s20+$0x7B40];
	(erf) = vpow2.f32 v11  }
0xba: {  	v2 =	vld [tilespmem:s0+$0x2B00];
	v7 =	vmul.f32 $2.000000030e-01, v3;
	v58 =	vpop (erf)  }
0xbb: {  	v8 =	vld [tilespmem:s20+$0x2B30];
	v59 =	vbroadcast v58, $0x4  }
0xbc: {  	v1 =	vld [tilespmem:s0+$0x2B10];
	v7 =	vmax.f32 v3, v7;
	v60 =	vbroadcast v58, $0x5;
	v61 =	vbroadcast v58, $0x0  }
0xbd: {  	v0 =	vld [tilespmem:s20+$0x2B00];
	[tilespmem:s17+$0x7B30] =	vst v58;
	v62 =	vbroadcast v58, $0x1;
	v18 =	vmul.f32 $1.442695020e+00, v7  }
0xbe: {  	v63 =	vbroadcast v58, $0x2;
	v13 =	vbroadcast v58, $0x3;
	v3 =	vld [tilespmem:s20+$0x2B10];
	v7 =	vsel vm0, v59, v60  }
0xbf: {  	v11 =	vsel vm0, v61, v62;
	(erf) = vpow2.f32 v18;
	v15 =	vmul.f32 v7, v9  }
0xc0: {  	s16 =	smov.u32 s29;
	s29 =	simm.s32 $0x200;
	v7 =	vld [tilespmem:s1+$0x2B20];
	v9 =	vadd.f32 v57, v8;
	v10 =	vmul.f32 v11, v10  }
0xc1: {  	s11 =	simm.s32 $0xA00;
	v8 =	vld [tilespmem:s29+$0x2B30];
	v11 =	vsel vm0, v63, v13;
	[tilespmem:s17+$0x7B20] =	vst v15  }
.LBB2_5:
0xc2: {  	p1 =	sne.s32 s11, $0x9E00;
	v12 =	vld [tilespmem:s29+$0x7B40];
	v13 =	vmul.f32 $2.000000030e-01, v9;
	v14 =	vpop (erf);
	[tilespmem:s17+$0x7B00] =	vst v10;
	v10 =	vmul.f32 v11, v6;
	v6 =	vmov v5  }
0xc3: {  	v5 =	vmovc v1;
	v1 =	vmov v3;
	v15 =	vld [tilespmem:s29+$0x2B00];
	[tilespmem:s1+$0x7B30] =	vst v14;
	v11 =	vbroadcast v14, $0x4;
	v16 =	vbroadcast v14, $0x5  }
.Ltmp1:
0xc4: {  	v17 =	vbroadcast v14, $0x1;
	v3 =	vld [tilespmem:s29+$0x2B10];
	v9 =	vmax.f32 v9, v13;
	v13 =	vbroadcast v14, $0x0;
	[tilespmem:s17+$0x7B10] =	vst v10;
	s17 =	smov.u32 s1;
	s1 =	smov.u32 s0;
	(pc) =	sbr.rel @p1 .LBB2_5-.Ltmp1, $4  }
0xc5: {  	v18 =	vbroadcast v14, $0x2;
	s0 =	smov.u32 s20;
	s20 =	smov.u32 s29;
	v10 =	vmul.f32 $1.442695020e+00, v9;
	v9 =	vsel vm0, v11, v16  }
0xc6: {  	v11 =	vsel vm0, v13, v17;
	v13 =	vbroadcast v14, $0x3;
	v14 =	vmul.f32 v9, v7  }
0xc7: {  	s29 =	sshra.s32 s11, $0x2;
	v9 =	vadd.f32 v12, v8;
	(erf) = vpow2.f32 v10;
	v7 =	vld [tilespmem:s1+$0x2B20];
	v10 =	vmul.f32 v11, v4;
	v4 =	vmovc v2;
	v2 =	vmovc v0  }
0xc8: {  	s11 =	sadd.s32 $0x200, s11;
	v8 =	vld [tilespmem:s29+$0x2B30];
	v11 =	vsel vm0, v18, v13;
	[tilespmem:s17+$0x7B20] =	vst v14;
	v0 =	vmov v15  }
0xc9: {  	v12 =	vld [tilespmem:s29+$0x7B40]  }
0xca: {  	v13 =	vmul.f32 $2.000000030e-01, v9;
	v14 =	vpop (erf)  }
0xcb: {  	v6 =	vmul.f32 v11, v6;
	v30 =	vbroadcast v14, $0x4  }
0xcc: {  	v15 =	vbroadcast v14, $0x5;
	v31 =	vbroadcast v14, $0x0;
	v9 =	vmax.f32 v9, v13  }
0xcd: {  	v32 =	vbroadcast v14, $0x1;
	v9 =	vmul.f32 $1.442695020e+00, v9  }
0xce: {  	v17 =	vbroadcast v14, $0x2;
	v33 =	vbroadcast v14, $0x3;
	v8 =	vadd.f32 v12, v8  }
0xcf: {  	[tilespmem:s17+$0x7B00] =	vst v10;
	v11 =	vsel vm0, v30, v15;
	v10 =	vsel vm0, v31, v32;
	(erf) = vpow2.f32 v9  }
0xd0: {  	v16 =	vld [tilespmem:s29+$0x2B00];
	[tilespmem:s1+$0x7B30] =	vst v14;
	v35 =	vsel vm0, v17, v33;
	v7 =	vmul.f32 v11, v7;
	v36 =	vmul.f32 $2.000000030e-01, v8  }
0xd1: {  	v34 =	vld [tilespmem:s29+$0x2B10];
	[tilespmem:s17+$0x7B10] =	vst v6;
	v4 =	vmul.f32 v10, v4;
	v5 =	vmul.f32 v35, v5;
	v37 =	vpop (erf)  }
0xd2: {  	v38 =	vld [tilespmem:s0+$0x2B20];
	v39 =	vbroadcast v37, $0x4;
	v40 =	vbroadcast v37, $0x5;
	v8 =	vmax.f32 v8, v36  }
0xd3: {  	v41 =	vbroadcast v37, $0x0;
	v8 =	vmul.f32 $1.442695020e+00, v8  }
0xd4: {  	[tilespmem:s1+$0x7B20] =	vst v7;
	v42 =	vbroadcast v37, $0x1;
	v43 =	vbroadcast v37, $0x2  }
0xd5: {  	[tilespmem:s1+$0x7B00] =	vst v4;
	v44 =	vbroadcast v37, $0x3;
	(erf) = vpow2.f32 v8  }
0xd6: {  	[tilespmem:s0+$0x7B30] =	vst v37;
	v45 =	vsel vm0, v39, v40  }
0xd7: {  	[tilespmem:s1+$0x7B10] =	vst v5;
	v46 =	vsel vm0, v41, v42;
	v4 =	vsel vm0, v43, v44;
	v6 =	vmul.f32 v45, v38  }
0xd8: {  	v47 =	vld [tilespmem:s20+$0x2B20];
	v2 =	vmul.f32 v46, v2;
	v1 =	vmul.f32 v4, v1;
	v48 =	vpop (erf)  }
0xd9: {  	[tilespmem:s0+$0x7B20] =	vst v6;
	v49 =	vbroadcast v48, $0x4;
	v50 =	vbroadcast v48, $0x5  }
0xda: {  	[tilespmem:s0+$0x7B00] =	vst v2;
	v51 =	vbroadcast v48, $0x0;
	v52 =	vbroadcast v48, $0x1  }
0xdb: {  	[tilespmem:s20+$0x7B30] =	vst v48;
	v53 =	vbroadcast v48, $0x2;
	v5 =	vbroadcast v48, $0x3  }
0xdc: {  	[tilespmem:s0+$0x7B10] =	vst v1;
	v54 =	vsel vm0, v49, v50  }
0xdd: {  	v2 =	vsel vm0, v51, v52;
	v55 =	vld [tilespmem:s29+$0x2B20];
	v5 =	vsel vm0, v53, v5;
	v1 =	vmul.f32 v54, v47  }
0xde: {  	v0 =	vmul.f32 v2, v0;
	v3 =	vmul.f32 v5, v3;
	v56 =	vpop (erf)  }
0xdf: {  	v57 =	vbroadcast v56, $0x4;
	v58 =	vbroadcast v56, $0x5  }
0xe0: {  	[tilespmem:s20+$0x7B20] =	vst v1;
	v59 =	vbroadcast v56, $0x0;
	v60 =	vbroadcast v56, $0x1  }
0xe1: {  	[tilespmem:s20+$0x7B00] =	vst v0;
	v61 =	vbroadcast v56, $0x2;
	v62 =	vbroadcast v56, $0x3;
	v5 =	vsel vm0, v57, v58  }
0xe2: {  	[tilespmem:s29+$0x7B30] =	vst v56;
	v1 =	vsel vm0, v59, v60;
	v63 =	vmul.f32 v5, v55  }
0xe3: {  	[tilespmem:s20+$0x7B10] =	vst v3;
	v0 =	vsel vm0, v61, v62;
	v1 =	vmul.f32 v1, v16  }
0xe4: {  	v0 =	vmul.f32 v0, v34;
	[tilespmem:s29+$0x7B20] =	vst v63  }
0xe5: {  	[tilespmem:s29+$0x7B00] =	vst v1  }
0xe6: {  	[tilespmem:s29+$0x7B10] =	vst v0  }
0xe7: {  	[spmem:s16] =	stream.indirect.scatter.add.f32 [tilespmem:s10], [sflag:$0xA], $0x80, s12, s28, $0xb8;
	[tilespmem:$0x1DB80] =	vst v63  }
0xe8: {  	p1 =	seq.s32 s13, $0x3D;
	_ =	swait.ge [sflag:s19], $0x2800  }
.Ltmp2:
0xe9: {  	[sflag:s19] =	ssyncset.done $0x0;
	(pc) =	sbr.rel @p1 .LBB2_8-.Ltmp2, $4  }
0xea: {  	[sflag:s19] =	ssyncadd.s32 $0xFFFFD800  }
0xeb: {  	[tilespmem:s30], [sflag:$0x7] =	stream.indirect.gather [hbm4b:s5+s28], $0x80, s22, s28, $0xb8;
	[tilespmem:$0x1DB80] =	vst v63  }
0xec: {  	s29 =	smov.u32 s16  }
0xed: {  	[tilespmem:s25], [sflag:$0x3] =	stream.linear.gather [hbm4b:s8+s2], $0x50, $0x38;
	[tilespmem:$0x1DB80] =	vst v63  }
0xee: {  	s0 =	rddreg [dreg:$0xe]  }
0xef: {  	s0 =	sadd.s32 s21, s0  }
.Ltmp3:
0xf0: {  	s0 =	sshrl.u32 s0, $0x3;
	(pc) =	sbr.rel .LBB2_2-.Ltmp3, $4  }
0xf1: {  	s1 =	sadd.s32 s3, s0  }
0xf2: {  	[tilespmem:s23], [sflag:$0x2] =	stream.linear.gather [hbm4b:s1+s2], $0x50, $0x38;
	[tilespmem:$0x1DB80] =	vst v63  }
0xf3: {  	s13 =	sadd.s32 $0x1, s13;
	s0 =	sadd.s32 s4, s0  }
0xf4: {  	[tilespmem:s24], [sflag:$0x2] =	stream.linear.gather [hbm4b:s0+s2], $0x50, $0x38;
	[tilespmem:$0x1DB80] =	vst v63  }
.LBB2_8:
0xf5: {  	_ =	swait.ge [sflag:s6], $0x2800  }
0xf6: {  	[sflag:s6] =	ssyncset.done $0x0  }
0xf7: {  	[sflag:s6] =	ssyncadd.s32 $0xFFFFD800  }
0xf8: {  	_ =	swait.ge [sflag:s7], $0x2800  }
0xf9: {  	[sflag:s7] =	ssyncset.done $0x0  }
0xfa: {  	[sflag:s7] =	ssyncadd.s32 $0xFFFFD800  }
0xfb: {  	_ =	swait.ge [sflag:s9], $0x50  }
0xfc: {  	[sflag:s9] =	ssyncset.done $0x0  }
0xfd: {  	s17 =	simm.s32 $0x0;
	[sflag:s9] =	ssyncadd.s32 $0xFFFFFFB0  }
0xfe: {  	v0 =	vld [tilespmem:s17+$0x330]  }
0xff: {  	v1 =	vld [tilespmem:s17+$0x5340];
	_ =	sdelay $0x4  }
0x100: {  	v0 =	vadd.f32 v1, v0;
	_ =	sdelay $0x1  }
0x101: {  	s1 =	simm.s32 $0x80;
	v1 =	vmul.f32 $2.000000030e-01, v0  }
0x102: {  	v2 =	vld [tilespmem:s1+$0x5340]  }
0x103: {  	v0 =	vmax.f32 v0, v1;
	v1 =	vld [tilespmem:s1+$0x330]  }
0x104: {  	v0 =	vmul.f32 $1.442695020e+00, v0  }
0x105: {  	s0 =	simm.s32 $0x100  }
0x106: {  	v3 =	vld [tilespmem:s0+$0x5340];
	(erf) = vpow2.f32 v0  }
0x107: {  	v0 =	vld [tilespmem:s0+$0x330]  }
0x108: {  	v7 =	vadd.f32 v2, v1;
	_ =	sdelay $0x1  }
0x109: {  	v10 =	vld [tilespmem:s17+$0x300];
	v8 =	vmul.f32 $2.000000030e-01, v7  }
0x10a: {  	v6 =	vld [tilespmem:s17+$0x310]  }
0x10b: {  	v4 =	vld [tilespmem:s1+$0x300];
	v3 =	vadd.f32 v3, v0;
	v0 =	vmax.f32 v7, v8  }
0x10c: {  	v5 =	vld [tilespmem:s1+$0x310];
	v11 =	vmul.f32 $1.442695020e+00, v0  }
0x10d: {  	s8 =	simm.s32 $0x180;
	v9 =	vld [tilespmem:s17+$0x320]  }
0x10e: {  	v12 =	vld [tilespmem:s8+$0x5340];
	v13 =	vpop (erf);
	(erf) = vpow2.f32 v11  }
0x10f: {  	v2 =	vld [tilespmem:s0+$0x300];
	v7 =	vmul.f32 $2.000000030e-01, v3  }
0x110: {  	v8 =	vld [tilespmem:s8+$0x330];
	v14 =	vbroadcast v13, $0x4  }
0x111: {  	v1 =	vld [tilespmem:s0+$0x310];
	v7 =	vmax.f32 v3, v7;
	v15 =	vbroadcast v13, $0x5;
	v16 =	vbroadcast v13, $0x0  }
0x112: {  	v0 =	vld [tilespmem:s8+$0x300];
	[tilespmem:s17+$0x5330] =	vst v13;
	v17 =	vbroadcast v13, $0x1;
	v18 =	vmul.f32 $1.442695020e+00, v7  }
0x113: {  	v63 =	vbroadcast v13, $0x2;
	v13 =	vbroadcast v13, $0x3;
	v3 =	vld [tilespmem:s8+$0x310];
	v7 =	vsel vm0, v14, v15  }
0x114: {  	v11 =	vsel vm0, v16, v17;
	(erf) = vpow2.f32 v18;
	v15 =	vmul.f32 v7, v9  }
0x115: {  	s13 =	simm.s32 $0x200;
	v7 =	vld [tilespmem:s1+$0x320];
	v9 =	vadd.f32 v12, v8;
	v10 =	vmul.f32 v11, v10  }
0x116: {  	s11 =	simm.s32 $0xA00;
	v8 =	vld [tilespmem:s13+$0x330];
	v11 =	vsel vm0, v63, v13;
	[tilespmem:s17+$0x5320] =	vst v15  }
.LBB2_9:
0x117: {  	p1 =	sne.s32 s11, $0x9E00;
	v12 =	vld [tilespmem:s13+$0x5340];
	v13 =	vmul.f32 $2.000000030e-01, v9;
	v14 =	vpop (erf);
	[tilespmem:s17+$0x5300] =	vst v10;
	v10 =	vmul.f32 v11, v6;
	v6 =	vmov v5  }
0x118: {  	v5 =	vmovc v1;
	v1 =	vmov v3;
	v15 =	vld [tilespmem:s13+$0x300];
	[tilespmem:s1+$0x5330] =	vst v14;
	v11 =	vbroadcast v14, $0x4;
	v16 =	vbroadcast v14, $0x5  }
.Ltmp4:
0x119: {  	v17 =	vbroadcast v14, $0x1;
	v3 =	vld [tilespmem:s13+$0x310];
	v9 =	vmax.f32 v9, v13;
	v13 =	vbroadcast v14, $0x0;
	[tilespmem:s17+$0x5310] =	vst v10;
	s17 =	smov.u32 s1;
	s1 =	smov.u32 s0;
	(pc) =	sbr.rel @p1 .LBB2_9-.Ltmp4, $4  }
0x11a: {  	v18 =	vbroadcast v14, $0x2;
	s0 =	smov.u32 s8;
	s8 =	smov.u32 s13;
	v10 =	vmul.f32 $1.442695020e+00, v9;
	v9 =	vsel vm0, v11, v16  }
0x11b: {  	v11 =	vsel vm0, v13, v17;
	v13 =	vbroadcast v14, $0x3;
	v14 =	vmul.f32 v9, v7  }
0x11c: {  	s13 =	sshra.s32 s11, $0x2;
	v9 =	vadd.f32 v12, v8;
	(erf) = vpow2.f32 v10;
	v7 =	vld [tilespmem:s1+$0x320];
	v10 =	vmul.f32 v11, v4;
	v4 =	vmovc v2;
	v2 =	vmovc v0  }
0x11d: {  	s11 =	sadd.s32 $0x200, s11;
	v8 =	vld [tilespmem:s13+$0x330];
	v11 =	vsel vm0, v18, v13;
	[tilespmem:s17+$0x5320] =	vst v14;
	v0 =	vmov v15  }
0x11e: {  	v12 =	vld [tilespmem:s13+$0x5340]  }
0x11f: {  	v13 =	vmul.f32 $2.000000030e-01, v9;
	v14 =	vpop (erf)  }
0x120: {  	v6 =	vmul.f32 v11, v6;
	v30 =	vbroadcast v14, $0x4  }
0x121: {  	v15 =	vbroadcast v14, $0x5;
	v31 =	vbroadcast v14, $0x0;
	v9 =	vmax.f32 v9, v13  }
0x122: {  	v32 =	vbroadcast v14, $0x1;
	v9 =	vmul.f32 $1.442695020e+00, v9  }
0x123: {  	v17 =	vbroadcast v14, $0x2;
	v33 =	vbroadcast v14, $0x3;
	v8 =	vadd.f32 v12, v8  }
0x124: {  	[tilespmem:s17+$0x5300] =	vst v10;
	v11 =	vsel vm0, v30, v15;
	v10 =	vsel vm0, v31, v32;
	(erf) = vpow2.f32 v9  }
0x125: {  	v16 =	vld [tilespmem:s13+$0x300];
	[tilespmem:s1+$0x5330] =	vst v14;
	v35 =	vsel vm0, v17, v33;
	v7 =	vmul.f32 v11, v7;
	v36 =	vmul.f32 $2.000000030e-01, v8  }
0x126: {  	v34 =	vld [tilespmem:s13+$0x310];
	[tilespmem:s17+$0x5310] =	vst v6;
	v4 =	vmul.f32 v10, v4;
	v5 =	vmul.f32 v35, v5;
	v37 =	vpop (erf)  }
0x127: {  	v38 =	vld [tilespmem:s0+$0x320];
	v39 =	vbroadcast v37, $0x4;
	v40 =	vbroadcast v37, $0x5;
	v8 =	vmax.f32 v8, v36  }
0x128: {  	v41 =	vbroadcast v37, $0x0;
	v8 =	vmul.f32 $1.442695020e+00, v8  }
0x129: {  	[tilespmem:s1+$0x5320] =	vst v7;
	v42 =	vbroadcast v37, $0x1;
	v43 =	vbroadcast v37, $0x2  }
0x12a: {  	[tilespmem:s1+$0x5300] =	vst v4;
	v44 =	vbroadcast v37, $0x3;
	(erf) = vpow2.f32 v8  }
0x12b: {  	[tilespmem:s0+$0x5330] =	vst v37;
	v45 =	vsel vm0, v39, v40  }
0x12c: {  	[tilespmem:s1+$0x5310] =	vst v5;
	v46 =	vsel vm0, v41, v42;
	v4 =	vsel vm0, v43, v44;
	v6 =	vmul.f32 v45, v38  }
0x12d: {  	v47 =	vld [tilespmem:s8+$0x320];
	v2 =	vmul.f32 v46, v2;
	v1 =	vmul.f32 v4, v1;
	v48 =	vpop (erf)  }
0x12e: {  	[tilespmem:s0+$0x5320] =	vst v6;
	v49 =	vbroadcast v48, $0x4;
	v50 =	vbroadcast v48, $0x5  }
0x12f: {  	[tilespmem:s0+$0x5300] =	vst v2;
	v51 =	vbroadcast v48, $0x0;
	v52 =	vbroadcast v48, $0x1  }
0x130: {  	[tilespmem:s8+$0x5330] =	vst v48;
	v53 =	vbroadcast v48, $0x2;
	v5 =	vbroadcast v48, $0x3  }
0x131: {  	[tilespmem:s0+$0x5310] =	vst v1;
	v54 =	vsel vm0, v49, v50  }
0x132: {  	v2 =	vsel vm0, v51, v52;
	v55 =	vld [tilespmem:s13+$0x320];
	v5 =	vsel vm0, v53, v5;
	v1 =	vmul.f32 v54, v47  }
0x133: {  	v0 =	vmul.f32 v2, v0;
	v3 =	vmul.f32 v5, v3;
	v56 =	vpop (erf)  }
0x134: {  	v57 =	vbroadcast v56, $0x4;
	v58 =	vbroadcast v56, $0x5  }
0x135: {  	[tilespmem:s8+$0x5320] =	vst v1;
	v59 =	vbroadcast v56, $0x0;
	v60 =	vbroadcast v56, $0x1  }
0x136: {  	[tilespmem:s8+$0x5300] =	vst v0;
	v61 =	vbroadcast v56, $0x2;
	v62 =	vbroadcast v56, $0x3;
	v5 =	vsel vm0, v57, v58  }
0x137: {  	[tilespmem:s13+$0x5330] =	vst v56;
	v1 =	vsel vm0, v59, v60;
	v63 =	vmul.f32 v5, v55  }
0x138: {  	[tilespmem:s8+$0x5310] =	vst v3;
	v0 =	vsel vm0, v61, v62;
	v1 =	vmul.f32 v1, v16  }
0x139: {  	v0 =	vmul.f32 v0, v34;
	[tilespmem:s13+$0x5320] =	vst v63  }
0x13a: {  	[tilespmem:s13+$0x5300] =	vst v1  }
0x13b: {  	[tilespmem:s13+$0x5310] =	vst v0;
	s13 =	simm.s32 $0xA  }
0x13c: {  	[spmem:s29] =	stream.indirect.scatter.add.f32 [tilespmem:s30], [sflag:$0x9], $0x80, s25, s28, $0xb8;
	[tilespmem:$0x1DB80] =	vst v63  }
0x13d: {  	_ =	swait.ge [sflag:s13], $0x2800  }
0x13e: {  	[sflag:s13] =	ssyncset.done $0x0  }
0x13f: {  	[sflag:s13] =	ssyncadd.s32 $0xFFFFD800  }
0x140: {  	_ =	swait.ge [sflag:s19], $0x2800  }
0x141: {  	[sflag:s19] =	ssyncset.done $0x0  }
0x142: {  	[sflag:s19] =	ssyncadd.s32 $0xFFFFD800  }
0x143: {  	[bflag:$0x0] =	sbarrier.arrive $0xFFFF  }
0x144: {  	s11 =	rddreg [dreg:$0x5]  }
0x145: {  	s16 =	rddreg [dreg:$0xf]  }
0x146: {  	s8 =	simm.s32 $0xB;
	s17 =	rddreg [dreg:$0x13]  }
0x147: {  	[hbm:s16], [sflag:s11] =	dma.local [spmem:s17], $0x2700  }
0x148: {  	_ =	swait.ge [sflag:s8], $0x2700  }
0x149: {  	[sflag:s8] =	ssyncset.done $0x0;
	s0 =	rddreg [dreg:$0x10]  }
0x14a: {  	s1 =	rddreg [dreg:$0x14];
	[sflag:s8] =	ssyncadd.s32 $0xFFFFD900  }
0x14b: {  	[hbm:s0], [sflag:s11] =	dma.local @!p0 [spmem:s1], $0x100  }
0x14c: {  	s0 =	simm.s32 @!p0 $0xB  }
0x14d: {  	_ =	swait.ge @!p0 [sflag:s0], $0x100  }
0x14e: {  	s20 =	rddreg [dreg:$0x12]  }
0x14f: {  	s21 =	rddreg [dreg:$0x11];
	s13 =	sadd.s32 $0x1, s20  }
0x150: {  	p1 =	sne.s32 s13, s21  }
.Ltmp5:
0x151: {  	_ = 	snop;
	(pc) =	sbr.rel @p1 .LBB2_1-.Ltmp5, $3  }
0x152: {  	_ =	sdelay $0x1  }
0x153: {  	[sflag:s0] =	ssyncset.done @!p0 $0x0  }
0x154: {  	[sflag:s0] =	ssyncadd.s32 @!p0 $0xFFFFFF00  }
0x155: {  	_ =	sfence.sel $0x180000  }
0x156: {  	[bflag:$0x0] =	sbarrier.arrive $0xFFFF  }
0x157: {  	_ =	strace $0x90000047  }
0x158: {  	[bflag:$0x2] =	sbarrier.arrive $0xFFFF  }
0x159: {  	s0 =	rddreg [dreg:$0x2]  }
0x15a: {  	s0 =	sadd.s32 @!p0 $0x100000, s0  }
0x15b: {  	[sflag:s0] =	ssyncadd.tile.s32 @!p0 $0x1;
	_ =	shalt  }
.Lfunc_end2:
_tile_overlayer_lowered:
.L_overlay_start_2:
0x15c: {  	(tag) =	ssettag $0x2  }
0x15d: {  	s0 =	rddreg [dreg:$0x0];
	s2 =	stileid.u32  }
0x15e: {  	s1 =	rddreg [dreg:$0x1];
	p0 =	sne.s32 s2, $0x0  }
0x15f: {  	s3 =	rddreg [dreg:$0x2];
	[bflag:$0x3] =	sbarrier.arrive $0xFFFF;
	s2 =	simm.s32 @!p0 $0x1C0B  }
0x160: {  	[timem:s3], [sflag:s2] =	dma.local @!p0 [hbm:s0], s1  }
0x161: {  	s0 =	simm.s32 @!p0 $0xB  }
0x162: {  	_ =	swait.ge @!p0 [sflag:s0], s1  }
0x163: {  	s1 =	ssub.s32 @!p0 $0x0, s1;
	[sflag:s0] =	ssyncset.done @!p0 $0x0  }
0x164: {  	[sflag:s0] =	ssyncadd.s32 @!p0 s1  }
0x165: {  	[bflag:$0x3] =	sbarrier.arrive $0xFFFF  }
0x166: {  	_ =	shalt  }

// kernel: kernel.14.cloned.1.call-start
scs
__scs_entry_jumppad:
0x0: {  	(pc) =	sbr.rel $0x88, $3  }
0x1: {  	(tag) =	ssettag $0x0;
	lr =	simm.s32 $0x1  }
0x2: {  	[smem:$0x3F8F] =	sst lr;
	_ =	strace $0xD0000000  }
0x3: {  	_ = 	snop  }
0x4: {  	_ = 	snop  }
0x5: {  	_ = 	snop  }
0x6: {  	_ = 	snop  }
0x7: {  	_ = 	snop  }
__scs_overlays_trampoline_lowered:
0x8: {  	[smem:$0x3F9E] =	sst s0  }
0x9: {  	[smem:$0x3F9F] =	sst s1  }
0xa: {  	[smem:$0x3FA0] =	sst s2  }
0xb: {  	[smem:$0x3FA1] =	sst s3  }
0xc: {  	[smem:$0x3FA2] =	sst s4  }
0xd: {  	[smem:$0x3FA3] =	sst s5  }
0xe: {  	[smem:$0x3FA4] =	sst s6  }
0xf: {  	[smem:$0x3FA5] =	sst s7  }
0x10: {  	[smem:$0x3FA6] =	sst s8  }
0x11: {  	[smem:$0x3FA7] =	sst s9;
	s0 =	simm.s32 @!p0 $0x0  }
0x12: {  	s1 =	sld [smem:$0x3F8D];
	s0 =	simm.s32 @p0 $0x1  }
0x13: {  	[smem:$0x3FA8] =	sst s0;
	s0 =	simm.s32 @!p1 $0x0  }
0x14: {  	s2 =	sld [smem:$0x3F8C];
	s0 =	simm.s32 @p1 $0x1  }
0x15: {  	[smem:$0x3FA9] =	sst s0;
	s0 =	simm.s32 @!p2 $0x0  }
0x16: {  	s3 =	sld [smem:$0x3FDB];
	s0 =	simm.s32 @p2 $0x1  }
0x17: {  	s4 =	simm.s32 $0x1BF5;
	[smem:$0x3FAB] =	sst s0  }
0x18: {  	s0 =	sld [smem:$0x3F8E];
	_ =	swait.ge [sflag:s4], $0x0  }
0x19: {  	s7 =	sld [smem:$0x3F8F]  }
0x1a: {  	s8 =	sadd.s32 $0xFFFFE003, lr  }
0x1b: {  	s9 =	sadd.s32 $0xFFFFFEF7, lr;
	s5 =	simm.s32 $0xFFFFFFFF;
	p2 =	slt.u32 s8, $0xFFFFF086  }
0x1c: {  	p1 =	slt.u32 s9, $0xF7A;
	s5 =	simm.s32 @!p2 $0x0  }
0x1d: {  	s5 =	simm.s32 @p1 $0x1;
	p0 =	seq.s32 s7, s2  }
0x1e: {  	s7 =	smul.u32 @!p0 $0xF7A, s2;
	p2 =	seq.s32 @!p0 s5, $0x0  }
0x1f: {  	s9 =	smul.u32 $0xF7A, s1;
	s8 =	simm.s32 @!p0 $0x1BF5;
	p2 =	por !p2, p0  }
0x20: {  	[sflag:s8] =	ssyncset.s32 @!p0 $0xFFFFF086;
	s6 =	sadd.s32 @!p0 s3, s7;
	s7 =	simm.s32 @!p0 $0x108  }
0x21: {  	s3 =	sadd.s32 s3, s9;
	s6 =	sadd.s32 @!p0 $0x88, s6;
	s7 =	simm.s32 @p2 $0x1082  }
0x22: {  	[simem:s7], [sflag:s8] =	dma.local @!p0 [hbm:s6], $0xF7A  }
0x23: {  	s9 =	sor.u32 $0xD0000000, s2;
	s6 =	simm.s32 $0x108;
	_ =	swait.ge @!p0 [sflag:s8], $0x0  }
0x24: {  	s3 =	sadd.s32 $0x88, s3;
	s6 =	simm.s32 @!p1 $0x1082;
	[sflag:s4] =	ssyncset.s32 $0xFFFFF086  }
0x25: {  	[simem:s6], [sflag:s4] =	dma.local [hbm:s3], $0xF7A  }
0x26: {  	[smem:$0x3F8F] =	sst s1;
	(tag) =	ssettag s2;
	_ =	strace s9  }
0x27: {  	s1 =	sld [smem:$0x3F9F]  }
0x28: {  	s2 =	sld [smem:$0x3FA0]  }
0x29: {  	s4 =	sld [smem:$0x3FA2]  }
0x2a: {  	p0 =	seq.s32 s5, $0x0;
	s5 =	sld [smem:$0x3FA3]  }
0x2b: {  	s6 =	sld [smem:$0x3FA4]  }
0x2c: {  	s7 =	sld [smem:$0x3FA5]  }
0x2d: {  	s3 =	simm.s32 $0x108;
	s8 =	sld [smem:$0x3FA6]  }
0x2e: {  	s3 =	simm.s32 @!p0 $0x1082;
	s9 =	sld [smem:$0x3FA7]  }
0x2f: {  	lr =	sadd.s32 s0, s3;
	s0 =	sld [smem:$0x3F9E]  }
0x30: {  	s3 =	sld [smem:$0x3FA1]  }
0x31: {  	[smem:$0x3FAA] =	sst s10  }
0x32: {  	s10 =	sld [smem:$0x3FA8];
	_ =	sdelay $0x3  }
0x33: {  	p0 =	seq.s32 s10, $0x1;
	s10 =	sld [smem:$0x3FAA];
	_ =	sdelay $0x3  }
0x34: {  	[smem:$0x3FAA] =	sst s10  }
0x35: {  	s10 =	sld [smem:$0x3FA9];
	_ =	sdelay $0x3  }
0x36: {  	p1 =	seq.s32 s10, $0x1;
	s10 =	sld [smem:$0x3FAA];
	_ =	sdelay $0x3  }
0x37: {  	[smem:$0x3FAA] =	sst s10  }
0x38: {  	s10 =	sld [smem:$0x3FAB]  }
0x39: {  	_ = 	snop;
	(pc) =	sbr.ind lr, $3  }
0x3a: {  	_ = 	snop  }
0x3b: {  	_ = 	snop  }
0x3c: {  	p2 =	seq.s32 s10, $0x1;
	s10 =	sld [smem:$0x3FAA]  }
0x3d: {  	_ =	shalt  }
0x3e: {  	_ =	shalt  }
0x3f: {  	_ =	shalt  }
0x40: {  	_ =	shalt  }
0x41: {  	_ =	shalt  }
0x42: {  	_ =	shalt  }
0x43: {  	_ =	shalt  }
0x44: {  	_ =	shalt  }
0x45: {  	_ =	shalt  }
0x46: {  	_ =	shalt  }
0x47: {  	_ =	shalt  }
0x48: {  	_ =	shalt  }
0x49: {  	_ =	shalt  }
0x4a: {  	_ =	shalt  }
0x4b: {  	_ =	shalt  }
0x4c: {  	_ =	shalt  }
0x4d: {  	_ =	shalt  }
0x4e: {  	_ =	shalt  }
0x4f: {  	_ =	shalt  }
0x50: {  	_ =	shalt  }
0x51: {  	_ =	shalt  }
0x52: {  	_ =	shalt  }
0x53: {  	_ =	shalt  }
0x54: {  	_ =	shalt  }
0x55: {  	_ =	shalt  }
0x56: {  	_ =	shalt  }
0x57: {  	_ =	shalt  }
0x58: {  	_ =	shalt  }
0x59: {  	_ =	shalt  }
0x5a: {  	_ =	shalt  }
0x5b: {  	_ =	shalt  }
0x5c: {  	_ =	shalt  }
0x5d: {  	_ =	shalt  }
0x5e: {  	_ =	shalt  }
0x5f: {  	_ =	shalt  }
0x60: {  	_ =	shalt  }
0x61: {  	_ =	shalt  }
0x62: {  	_ =	shalt  }
0x63: {  	_ =	shalt  }
0x64: {  	_ =	shalt  }
0x65: {  	_ =	shalt  }
0x66: {  	_ =	shalt  }
0x67: {  	_ =	shalt  }
0x68: {  	_ =	shalt  }
0x69: {  	_ =	shalt  }
0x6a: {  	_ =	shalt  }
0x6b: {  	_ =	shalt  }
0x6c: {  	_ =	shalt  }
0x6d: {  	_ =	shalt  }
0x6e: {  	_ =	shalt  }
0x6f: {  	_ =	shalt  }
0x70: {  	_ =	shalt  }
0x71: {  	_ =	shalt  }
0x72: {  	_ =	shalt  }
0x73: {  	_ =	shalt  }
0x74: {  	_ =	shalt  }
0x75: {  	_ =	shalt  }
0x76: {  	_ =	shalt  }
0x77: {  	_ =	shalt  }
0x78: {  	_ =	shalt  }
0x79: {  	_ =	shalt  }
0x7a: {  	_ =	shalt  }
0x7b: {  	_ =	shalt  }
0x7c: {  	_ =	shalt  }
0x7d: {  	_ =	shalt  }
0x7e: {  	_ =	shalt  }
0x7f: {  	_ =	shalt  }
0x80: {  	_ =	shalt  }
0x81: {  	_ =	shalt  }
0x82: {  	_ =	shalt  }
0x83: {  	_ =	shalt  }
0x84: {  	_ =	shalt  }
0x85: {  	_ =	shalt  }
0x86: {  	_ =	shalt  }
0x87: {  	_ =	shalt  }
.Lfunc_end0:
.L_simem_size_0:
called_computation.1_lowered:
.L_overlay_start_0:
0x88: {  	s2 =	sld [smem:$0x3FD9]  }
0x89: {  	s3 =	sld [smem:$0x3FFE];
	_ =	sdelay $0x1  }
0x8a: {  	s1 =	srdreg.scid  }
0x8b: {  	s0 =	sand.u32 $0x1, s1  }
0x8c: {  	s16 =	sshll.u32 s0, $0xA;
	s2 =	sadd.s32 s3, s2  }
0x8d: {  	s2 =	sadd.s32 s2, s16  }
0x8e: {  	[smem:$0x3FB6] =	sst s2  }
0x8f: {  	_ = 	snop  }
0x90: {  	(tm) =	ssettm $0x1  }
0x91: {  	s17 =	sld [smem:$0x3FFB];
	_ =	sdelay $0x3  }
0x92: {  	_ =	strace s17  }
0x93: {  	s2 =	sld [smem:$0x3FFC];
	_ =	sdelay $0x3  }
0x94: {  	_ =	strace s2  }
0x95: {  	s2 =	sld [smem:$0x3FFD];
	_ =	sdelay $0x3  }
0x96: {  	_ =	strace s2  }
0x97: {  	_ =	strace $0x8FFFFFFF  }
0x98: {  	s18 =	sld [smem:$0x3FDB];
	_ =	sdelay $0x1  }
0x99: {  	s19 =	simm.s32 $_scs_section_size  }
0x9a: {  	s4 =	simm.s32 $_size__tile_overlayer_lowered;
	s5 =	simm.s32 $_tile_overlayer_lowered  }
0x9b: {  	s22 =	simm.s32 $0x1BFF;
	s21 =	sshll.u32 s5, $0x1;
	s2 =	sadd.s32 s19, s18  }
0x9c: {  	s6 =	simm.s32 $0x0;
	s20 =	sshll.u32 s4, $0x1;
	s4 =	sadd.s32 s21, s2  }
0x9d: {  	[timem:s6], [sflag:s22] =	dma.local [hbm:s4], s20  }
0x9e: {  	_ =	swait.ge [sflag:s22], s20  }
0x9f: {  	s3 =	ssub.s32 $0x0, s20;
	[sflag:s22] =	ssyncset.done $0x0  }
0xa0: {  	[sflag:s22] =	ssyncadd.s32 s3;
	_ =	sdelay $0x1  }
0xa1: {  	s23 =	simm.s32 $0x1B8B  }
0xa2: {  	_ =	swait.ge [sflag:s23], $0x1  }
0xa3: {  	[sflag:s23] =	ssyncset.done $0x0  }
0xa4: {  	s25 =	simm.s32 $0x1B8E;
	s24 =	sld [smem:$0x3FFE];
	[sflag:s23] =	ssyncadd.s32 $0xFFFFFFFF  }
0xa5: {  	s26 =	simm.s32 $execute0_lowered;
	[smem:$0x3FD2] =	sst s25  }
0xa6: {  	s4 =	sshll.u32 s26, $0x1;
	_ =	strace $0x80000049;
	[dreg:$0x1] =	wrdreg $0xFFFFFFFF  }
0xa7: {  	s28 =	simm.s32 $_size_execute0_lowered;
	s2 =	sadd.s32 s2, s4;
	[dreg:$0x0] =	wrdreg $0x0  }
0xa8: {  	s4 =	sshll.u32 s28, $0x1;
	[dreg:$0x2] =	wrdreg s2  }
0xa9: {  	[dreg:$0x3] =	wrdreg s4  }
0xaa: {  	[dreg:$0x4] =	wrdreg $0xC0  }
0xab: {  	_ =	task [dreg:s6], $0x5FFFF  }
0xac: {  	[dreg:$0x1] =	wrdreg $0xFFFFFFFF  }
0xad: {  	[dreg:$0x0] =	wrdreg $0x60  }
0xae: {  	[dreg:$0x2] =	wrdreg s24  }
0xaf: {  	[dreg:$0x3] =	wrdreg $0xA3000  }
0xb0: {  	[dreg:$0x4] =	wrdreg $0x9  }
0xb1: {  	_ =	task.clear_ibuf [dreg:s6], $0x5FFFF;
	_ =	strace $0x90000049  }
0xb2: {  	s29 =	simm.s32 $0x9;
	_ =	strace $0x8000004B  }
0xb3: {  	_ =	swait.ge [sflag:s29], $0x1  }
0xb4: {  	[sflag:s29] =	ssyncadd.s32 $0xFFFFFFFF  }
0xb5: {  	_ =	strace $0x9000004B  }
0xb6: {  	_ =	sfence  }
0xb7: {  	s30 =	sld [smem:$0x0];
	_ =	sdelay $0x2  }
0xb8: {  	s31 =	sshll.u32 s1, $0xD;
	s1 =	sshrl.u32 s1, $0x2  }
0xb9: {  	s3 =	sand.u32 $0x4000, s31;
	s1 =	sadd.s32 s1, s30  }
0xba: {  	s0 =	sor.u32 s3, s0;
	s1 =	sshll.u32 s1, $0x11  }
0xbb: {  	s0 =	sor.u32 s1, s0  }
0xbc: {  	s0 =	sadd.s32 $0x8F2B, s0  }
0xbd: {  	[sflag:s0] =	ssyncadd.remote.s32 $0x1  }
0xbe: {  	_ =	sfence.sel $0xFFFF  }
0xbf: {  	[dreg:$0x0] =	wrdreg $0xFFFFFFFF;
	(pc) =	sbr.abs _section_cstart, $3  }
0xc0: {  	[dreg:$0x1] =	wrdreg $0xFFFFFFFF  }
0xc1: {  	_ =	task.clear_ibuf [dreg:s6], $0x2FFFF;
	_ =	strace $0x9FFFFFFF  }
0xc2: {  	(tm) =	ssettm $0x7FFFFFFF  }
0xc3: {  	_ =	shalt  }
tec
execute0_lowered:
.L_overlay_start_1:
0x0: {  	(tag) =	ssettag $0x1  }
0x1: {  	s0 =	rddreg [dreg:$0x0]  }
0x2: {  	s29 =	rddreg [dreg:$0x1];
	s2 =	simm.s32 $0x0  }
0x3: {  	s1 =	stileid.u32;
	s5 =	srdreg.scid;
	s28 =	simm.s32 $0x50  }
0x4: {  	s30 =	simm.s32 $0x5300;
	s31 =	simm.s32 $0x2;
	[smem:$0x7FF] =	sst s2  }
0x5: {  	s6 =	smul.u32 $0x13800, s1;
	s3 =	sadd.s32 $0xD800, s0;
	s4 =	sadd.s32 $0x3A00, s0  }
0x6: {  	s8 =	sand.u32 $0x1, s5;
	s5 =	sadd.s32 $0x17600, s0;
	s11 =	sshll.u32 s1, $0x1  }
0x7: {  	s12 =	smul.u32 $0x4E000, s1;
	s13 =	sadd.s32 $0x65A00, s0;
	s14 =	sshll.u32 s1, $0x6  }
0x8: {  	s15 =	sadd.s32 $0x138000, s29;
	p0 =	sne.s32 s1, $0x0;
	_ =	strace $0x8000004A  }
0x9: {  	s9 =	ssub.s32 $0x2, s8;
	s11 =	sor.u32 s8, s11;
	[dreg:$0x6] =	wrdreg s15  }
0xa: {  	s8 =	smul.u32 $0x138800, s8;
	s15 =	simm.s32 $0x8;
	s7 =	sshrl.u32 s6, $0x3  }
0xb: {  	s10 =	sshrl.u32 s9, $0x1;
	s12 =	sshrl.u32 s12, $0x2;
	s7 =	sadd.s32 s7, s0  }
0xc: {  	s9 =	ssub.s32 s9, s10;
	s10 =	smul.u32 $0x2710, s11;
	s11 =	sadd.s32 s12, s29  }
0xd: {  	s0 =	sadd.s32 $0x65800, s0;
	s21 =	sadd.s32 s6, s8;
	s22 =	sshrl.u32 s8, $0x3  }
0xe: {  	s8 =	simm.s32 $0xB;
	s12 =	simm.s32 $0x280;
	[dreg:$0x3] =	wrdreg s11  }
0xf: {  	s7 =	sadd.s32 $0x3E800, s7;
	s11 =	sor.u32 $0x1C0B, s14;
	[dreg:$0x7] =	wrdreg s0  }
0x10: {  	s6 =	sadd.s32 s13, s22;
	s26 =	smax.u32 s9, $0x1;
	s22 =	simm.s32 $0x100  }
0x11: {  	s9 =	simm.s32 $0x3;
	s14 =	simm.s32 $0x6;
	[dreg:$0x4] =	wrdreg s7  }
0x12: {  	s16 =	sadd.s32 $0x50, s10;
	s17 =	sshrl.u32 s10, $0x3;
	[dreg:$0x11] =	wrdreg s26  }
0x13: {  	s23 =	sadd.s32 $0xA0, s10;
	s24 =	sadd.s32 $0xF0, s10;
	[dreg:$0x5] =	wrdreg s11  }
0x14: {  	s25 =	sadd.s32 $0x27000, s6;
	s26 =	simm.s32 $0x1;
	[dreg:$0x8] =	wrdreg s16  }
0x15: {  	s6 =	simm.s32 $0x5;
	s10 =	simm.s32 $0x7B00;
	[dreg:$0xd] =	wrdreg s23  }
0x16: {  	s7 =	sshrl.u32 s16, $0x3;
	s18 =	sadd.s32 s3, s17;
	[dreg:$0xe] =	wrdreg s24  }
0x17: {  	s0 =	sadd.s32 s4, s17;
	[dreg:$0x10] =	wrdreg s25;
	s23 =	simm.s32 $0x80  }
0x18: {  	s24 =	simm.s32 $0x180;
	s25 =	simm.s32 $0x200;
	[dreg:$0x9] =	wrdreg s18  }
0x19: {  	[dreg:$0xa] =	wrdreg s0;
	s19 =	sadd.s32 s3, s7;
	s20 =	sadd.s32 s4, s7  }
0x1a: {  	s0 =	sshrl.u32 s21, $0x3;
	s7 =	simm.s32 $0x7;
	[dreg:$0xb] =	wrdreg s19  }
0x1b: {  	s18 =	simm.s32 $0x4;
	[dreg:$0xc] =	wrdreg s20;
	s0 =	sadd.s32 s13, s0  }
0x1c: {  	s19 =	simm.s32 $0x9;
	s13 =	simm.s32 $0x0;
	[dreg:$0xf] =	wrdreg s0  }
.LBB2_1:
0x1d: {  	[dreg:$0x12] =	wrdreg s13  }
0x1e: {  	s0 =	rddreg [dreg:$0x3]  }
0x1f: {  	s21 =	rddreg [dreg:$0x4];
	s1 =	sshrl.u32 s0, $0x3  }
0x20: {  	[dreg:$0x13] =	wrdreg s1  }
0x21: {  	[spmem:s1], [sflag:s11] =	dma.local [hbm:s21], $0x2700  }
0x22: {  	_ =	swait.ge [sflag:s8], $0x2700  }
0x23: {  	s0 =	rddreg [dreg:$0x6]  }
0x24: {  	[sflag:s8] =	ssyncset.done $0x0;
	s1 =	sshrl.u32 @!p0 s0, $0x3;
	s0 =	rddreg [dreg:$0x7]  }
0x25: {  	[sflag:s8] =	ssyncadd.s32 $0xFFFFD900;
	[dreg:$0x14] =	wrdreg s1  }
0x26: {  	[spmem:s1], [sflag:s11] =	dma.local @!p0 [hbm:s0], $0x100  }
0x27: {  	s0 =	simm.s32 @!p0 $0xB  }
0x28: {  	_ =	swait.ge @!p0 [sflag:s0], $0x100  }
0x29: {  	[sflag:s0] =	ssyncset.done @!p0 $0x0  }
0x2a: {  	[sflag:s0] =	ssyncadd.s32 @!p0 $0xFFFFFF00  }
0x2b: {  	[bflag:$0x0] =	sbarrier.arrive $0xFFFF  }
0x2c: {  	s13 =	rddreg [dreg:$0x9]  }
0x2d: {  	[tilespmem:s2], [sflag:$0x1] =	stream.linear.gather [hbm4b:s13+s2], $0x50, $0x38;
	[tilespmem:$0x1DB80] =	vst v63  }
0x2e: {  	s16 =	rddreg [dreg:$0xa]  }
0x2f: {  	[tilespmem:s22], [sflag:$0x1] =	stream.linear.gather [hbm4b:s16+s2], $0x50, $0x38;
	[tilespmem:$0x1DB80] =	vst v63  }
0x30: {  	s17 =	rddreg [dreg:$0xb]  }
0x31: {  	[tilespmem:s23], [sflag:$0x2] =	stream.linear.gather [hbm4b:s17+s2], $0x50, $0x38;
	[tilespmem:$0x1DB80] =	vst v63  }
0x32: {  	s20 =	rddreg [dreg:$0xc]  }
0x33: {  	[tilespmem:s24], [sflag:$0x2] =	stream.linear.gather [hbm4b:s20+s2], $0x50, $0x38;
	[tilespmem:$0x1DB80] =	vst v63  }
0x34: {  	_ = 	snop  }
0x35: {  	[tilespmem:s25], [sflag:$0x3] =	stream.linear.gather [hbm4b:s16+s2], $0x50, $0x38;
	[tilespmem:$0x1DB80] =	vst v63  }
0x36: {  	_ =	swait.ge [sflag:s26], $0x50  }
0x37: {  	[sflag:s26] =	ssyncset.done $0x0  }
0x38: {  	[sflag:s26] =	ssyncadd.s32 $0xFFFFFFB0  }
0x39: {  	_ =	swait.ge [sflag:s26], $0x50  }
0x3a: {  	[sflag:s26] =	ssyncset.done $0x0  }
0x3b: {  	s21 =	simm.s32 $0x300;
	[sflag:s26] =	ssyncadd.s32 $0xFFFFFFB0  }
0x3c: {  	[tilespmem:s21], [sflag:$0x5] =	stream.indirect.gather [hbm4b:s5+s28], $0x80, s2, s28, $0xb8;
	[tilespmem:$0x1DB80] =	vst v63  }
0x3d: {  	s13 =	simm.s32 $0x0  }
0x3e: {  	[tilespmem:s30], [sflag:$0x7] =	stream.indirect.gather [hbm4b:s5+s28], $0x80, s22, s28, $0xb8;
	[tilespmem:$0x1DB80] =	vst v63  }
.LBB2_2:
0x3f: {  	_ =	swait.ge [sflag:s31], $0x50  }
0x40: {  	[sflag:s31] =	ssyncset.done $0x0  }
0x41: {  	[sflag:s31] =	ssyncadd.s32 $0xFFFFFFB0  }
0x42: {  	_ =	swait.ge [sflag:s31], $0x50  }
0x43: {  	[sflag:s31] =	ssyncset.done $0x0  }
0x44: {  	s0 =	simm.s32 $0x2B00;
	[sflag:s31] =	ssyncadd.s32 $0xFFFFFFB0  }
0x45: {  	[tilespmem:s0], [sflag:$0x6] =	stream.indirect.gather [hbm4b:s5+s28], $0x80, s23, s28, $0xb8;
	[tilespmem:$0x1DB80] =	vst v63  }
0x46: {  	_ =	swait.ge [sflag:s6], $0x2800  }
0x47: {  	[sflag:s6] =	ssyncset.done $0x0  }
0x48: {  	[sflag:s6] =	ssyncadd.s32 $0xFFFFD800  }
0x49: {  	_ =	swait.ge [sflag:s7], $0x2800  }
0x4a: {  	[sflag:s7] =	ssyncset.done $0x0  }
0x4b: {  	[sflag:s7] =	ssyncadd.s32 $0xFFFFD800  }
0x4c: {  	_ =	swait.ge [sflag:s9], $0x50  }
0x4d: {  	[sflag:s9] =	ssyncset.done $0x0  }
0x4e: {  	s21 =	simm.s32 $0x0;
	[sflag:s9] =	ssyncadd.s32 $0xFFFFFFB0  }
0x4f: {  	v0 =	vld [tilespmem:s21+$0x360]  }
0x50: {  	v1 =	vld [tilespmem:s21+$0x5370];
	_ =	sdelay $0x2  }
0x51: {  	v3 =	vld [tilespmem:s21+$0x300]  }
0x52: {  	v6 =	vld [tilespmem:s21+$0x310]  }
0x53: {  	v7 =	vld [tilespmem:s21+$0x320];
	v0 =	vadd.f32 v1, v0  }
0x54: {  	v15 =	vld [tilespmem:s21+$0x330]  }
0x55: {  	s0 =	simm.s32 $0x80;
	v19 =	vld [tilespmem:s21+$0x340];
	v2 =	vmul.f32 $2.000000030e-01, v0  }
0x56: {  	v4 =	vld [tilespmem:s0+$0x5370]  }
0x57: {  	v13 =	vld [tilespmem:s0+$0x300];
	v0 =	vmax.f32 v0, v2  }
0x58: {  	v1 =	vld [tilespmem:s0+$0x360];
	v0 =	vmul.f32 $1.442695020e+00, v0  }
0x59: {  	v11 =	vld [tilespmem:s0+$0x310]  }
0x5a: {  	v10 =	vld [tilespmem:s0+$0x320];
	(erf) = vpow2.f32 v0  }
0x5b: {  	v9 =	vld [tilespmem:s0+$0x330]  }
0x5c: {  	s20 =	simm.s32 $0x100;
	v8 =	vld [tilespmem:s0+$0x340]  }
0x5d: {  	v14 =	vld [tilespmem:s20+$0x360];
	v12 =	vadd.f32 v4, v1  }
0x5e: {  	v16 =	vld [tilespmem:s20+$0x5370]  }
0x5f: {  	v17 =	vld [tilespmem:s21+$0x350];
	v18 =	vmul.f32 $2.000000030e-01, v12  }
0x60: {  	s8 =	simm.s32 $0x180;
	v5 =	vld [tilespmem:s20+$0x340]  }
0x61: {  	v20 =	vld [tilespmem:s8+$0x360]  }
0x62: {  	v23 =	vld [tilespmem:s8+$0x5370];
	v12 =	vmax.f32 v12, v18  }
0x63: {  	v2 =	vld [tilespmem:s20+$0x300];
	v21 =	vmul.f32 $1.442695020e+00, v12;
	v18 =	vpop (erf)  }
0x64: {  	v4 =	vld [tilespmem:s20+$0x320];
	v22 =	vbroadcast v18, $0x5  }
0x65: {  	v1 =	vld [tilespmem:s20+$0x330];
	(erf) = vpow2.f32 v21  }
0x66: {  	v0 =	vld [tilespmem:s20+$0x310];
	v21 =	vadd.f32 v16, v14;
	v16 =	vmul.f32 v17, v22;
	v17 =	vbroadcast v18, $0x0  }
0x67: {  	v12 =	vld [tilespmem:s8+$0x300];
	[tilespmem:s21+$0x5360] =	vst v18  }
0x68: {  	v14 =	vld [tilespmem:s8+$0x310];
	v22 =	vmul.f32 $2.000000030e-01, v21;
	[tilespmem:s21+$0x5350] =	vst v16;
	v17 =	vmul.f32 v17, v3  }
0x69: {  	v16 =	vld [tilespmem:s0+$0x350]  }
0x6a: {  	v24 =	vbroadcast v18, $0x1;
	v21 =	vmax.f32 v21, v22;
	v3 =	vld [tilespmem:s8+$0x320];
	[tilespmem:s21+$0x5300] =	vst v17;
	v17 =	vbroadcast v18, $0x3  }
0x6b: {  	v25 =	vbroadcast v18, $0x2;
	v21 =	vmul.f32 $1.442695020e+00, v21  }
0x6c: {  	v63 =	vbroadcast v18, $0x4;
	v22 =	vmul.f32 v24, v6  }
0x6d: {  	v25 =	vmul.f32 v25, v7;
	v18 =	vadd.f32 v23, v20;
	(erf) = vpow2.f32 v21  }
0x6e: {  	v6 =	vld [tilespmem:s8+$0x330];
	[tilespmem:s21+$0x5310] =	vst v22;
	v21 =	vmul.f32 v19, v63;
	v26 =	vmul.f32 v15, v17;
	v17 =	vpop (erf)  }
0x6f: {  	s17 =	simm.s32 $0x200;
	v7 =	vld [tilespmem:s8+$0x340];
	[tilespmem:s21+$0x5320] =	vst v25;
	v22 =	vmul.f32 $2.000000030e-01, v18;
	v23 =	vbroadcast v17, $0x5  }
0x70: {  	s1 =	simm.s32 $0xA00;
	v15 =	vld [tilespmem:s17+$0x360];
	[tilespmem:s21+$0x5330] =	vst v26;
	v19 =	vbroadcast v17, $0x0;
	v20 =	vbroadcast v17, $0x1  }
.LBB2_3:
0x71: {  	p1 =	sne.s32 s1, $0x9E00;
	v24 =	vld [tilespmem:s17+$0x5370];
	v25 =	vbroadcast v17, $0x2;
	v16 =	vmul.f32 v16, v23;
	[tilespmem:s21+$0x5340] =	vst v21;
	s21 =	smov.u32 s0;
	s0 =	smov.u32 s20  }
0x72: {  	v21 =	vbroadcast v17, $0x3;
	s20 =	smov.u32 s8;
	s8 =	smov.u32 s17;
	v26 =	vld [tilespmem:s17+$0x300];
	v18 =	vmax.f32 v18, v22;
	[tilespmem:s21+$0x5360] =	vst v17;
	v22 =	vbroadcast v17, $0x4  }
0x73: {  	v27 =	vld [tilespmem:s8+$0x310];
	v23 =	vmul.f32 $1.442695020e+00, v18;
	v18 =	vmul.f32 v19, v13;
	[tilespmem:s21+$0x5350] =	vst v16;
	v13 =	vmovc v2;
	v2 =	vmov v12  }
.Ltmp0:
0x74: {  	v28 =	vmul.f32 v20, v11;
	v11 =	vmovc v0;
	v0 =	vmovc v14;
	v20 =	vmul.f32 v25, v10;
	v10 =	vmov v4;
	v16 =	vld [tilespmem:s0+$0x350];
	(pc) =	sbr.rel @p1 .LBB2_3-.Ltmp0, $4  }
0x75: {  	v25 =	vmul.f32 v9, v21;
	v4 =	vmovc v3;
	v9 =	vmovc v1;
	v1 =	vmov v6;
	(erf) = vpow2.f32 v23;
	[tilespmem:s21+$0x5300] =	vst v18;
	v3 =	vld [tilespmem:s8+$0x320]  }
0x76: {  	v21 =	vmul.f32 v8, v22;
	v8 =	vmov v5;
	v18 =	vadd.f32 v24, v15;
	v6 =	vld [tilespmem:s8+$0x330];
	v17 =	vpop (erf);
	[tilespmem:s21+$0x5310] =	vst v28  }
0x77: {  	s17 =	sshra.s32 s1, $0x2;
	v5 =	vmovc v7;
	v19 =	vbroadcast v17, $0x0;
	v23 =	vbroadcast v17, $0x5;
	[tilespmem:s21+$0x5320] =	vst v20;
	v12 =	vmov v26;
	v7 =	vld [tilespmem:s8+$0x340]  }
0x78: {  	s1 =	sadd.s32 $0x200, s1;
	v20 =	vbroadcast v17, $0x1;
	v15 =	vld [tilespmem:s17+$0x360];
	v22 =	vmul.f32 $2.000000030e-01, v18;
	[tilespmem:s21+$0x5330] =	vst v25;
	v14 =	vmov v27  }
0x79: {  	v24 =	vld [tilespmem:s17+$0x5370];
	[tilespmem:s21+$0x5340] =	vst v21;
	v16 =	vmul.f32 v16, v23  }
0x7a: {  	v21 =	vld [tilespmem:s17+$0x300];
	[tilespmem:s0+$0x5360] =	vst v17  }
0x7b: {  	v13 =	vmul.f32 v19, v13;
	v23 =	vld [tilespmem:s17+$0x310];
	[tilespmem:s0+$0x5350] =	vst v16  }
0x7c: {  	v16 =	vld [tilespmem:s20+$0x350]  }
0x7d: {  	v19 =	vbroadcast v17, $0x2;
	v18 =	vmax.f32 v18, v22;
	v22 =	vld [tilespmem:s17+$0x320];
	[tilespmem:s0+$0x5300] =	vst v13;
	v13 =	vbroadcast v17, $0x3  }
0x7e: {  	v18 =	vmul.f32 $1.442695020e+00, v18  }
0x7f: {  	v11 =	vmul.f32 v20, v11;
	v10 =	vmul.f32 v19, v10  }
0x80: {  	v17 =	vbroadcast v17, $0x4;
	(erf) = vpow2.f32 v18  }
0x81: {  	v20 =	vld [tilespmem:s17+$0x330];
	[tilespmem:s0+$0x5310] =	vst v11;
	v9 =	vmul.f32 v9, v13;
	v13 =	vpop (erf)  }
0x82: {  	v11 =	vadd.f32 v24, v15;
	v15 =	vld [tilespmem:s17+$0x340];
	v8 =	vmul.f32 v8, v17;
	[tilespmem:s0+$0x5320] =	vst v10;
	v17 =	vbroadcast v13, $0x5  }
0x83: {  	[tilespmem:s0+$0x5330] =	vst v9;
	v10 =	vbroadcast v13, $0x0  }
0x84: {  	v18 =	vmul.f32 $2.000000030e-01, v11;
	[tilespmem:s0+$0x5340] =	vst v8;
	v16 =	vmul.f32 v16, v17  }
0x85: {  	v9 =	vbroadcast v13, $0x1;
	[tilespmem:s20+$0x5360] =	vst v13;
	v2 =	vmul.f32 v10, v2  }
0x86: {  	v8 =	vbroadcast v13, $0x2;
	v11 =	vmax.f32 v11, v18;
	v17 =	vbroadcast v13, $0x3;
	[tilespmem:s20+$0x5350] =	vst v16  }
0x87: {  	v11 =	vmul.f32 $1.442695020e+00, v11;
	v10 =	vbroadcast v13, $0x4;
	v13 =	vld [tilespmem:s8+$0x350]  }
0x88: {  	v0 =	vmul.f32 v9, v0;
	v4 =	vmul.f32 v8, v4  }
0x89: {  	(erf) = vpow2.f32 v11;
	v1 =	vmul.f32 v1, v17;
	[tilespmem:s20+$0x5300] =	vst v2;
	v2 =	vpop (erf)  }
0x8a: {  	[tilespmem:s20+$0x5310] =	vst v0;
	v0 =	vmul.f32 v5, v10;
	v5 =	vbroadcast v2, $0x5  }
0x8b: {  	[tilespmem:s20+$0x5320] =	vst v4  }
0x8c: {  	[tilespmem:s20+$0x5330] =	vst v1;
	v4 =	vmul.f32 v13, v5  }
0x8d: {  	v1 =	vbroadcast v2, $0x0;
	[tilespmem:s20+$0x5340] =	vst v0  }
0x8e: {  	v0 =	vbroadcast v2, $0x1;
	[tilespmem:s8+$0x5350] =	vst v4;
	v4 =	vbroadcast v2, $0x3  }
0x8f: {  	[tilespmem:s8+$0x5360] =	vst v2;
	v1 =	vmul.f32 v1, v12;
	v5 =	vbroadcast v2, $0x2  }
0x90: {  	v0 =	vmul.f32 v0, v14;
	v8 =	vld [tilespmem:s17+$0x350]  }
0x91: {  	v2 =	vbroadcast v2, $0x4;
	v3 =	vmul.f32 v5, v3;
	[tilespmem:s8+$0x5300] =	vst v1  }
0x92: {  	[tilespmem:s8+$0x5310] =	vst v0;
	v1 =	vmul.f32 v6, v4;
	v4 =	vpop (erf)  }
0x93: {  	v0 =	vmul.f32 v7, v2;
	[tilespmem:s8+$0x5320] =	vst v3;
	v2 =	vbroadcast v4, $0x5  }
0x94: {  	[tilespmem:s8+$0x5330] =	vst v1;
	v3 =	vbroadcast v4, $0x0  }
0x95: {  	[tilespmem:s8+$0x5340] =	vst v0;
	v1 =	vbroadcast v4, $0x1;
	v2 =	vmul.f32 v8, v2  }
0x96: {  	v0 =	vbroadcast v4, $0x2;
	[tilespmem:s17+$0x5360] =	vst v4;
	v3 =	vmul.f32 v3, v21  }
0x97: {  	v5 =	vbroadcast v4, $0x3;
	v1 =	vmul.f32 v1, v23;
	[tilespmem:s17+$0x5350] =	vst v2  }
0x98: {  	v0 =	vmul.f32 v0, v22;
	v2 =	vbroadcast v4, $0x4;
	[tilespmem:s17+$0x5300] =	vst v3  }
0x99: {  	v3 =	vmul.f32 v20, v5;
	[tilespmem:s17+$0x5310] =	vst v1  }
0x9a: {  	[tilespmem:s17+$0x5320] =	vst v0;
	v1 =	vmul.f32 v15, v2  }
0x9b: {  	p1 =	seq.s32 s13, $0x0;
	[tilespmem:s17+$0x5330] =	vst v3  }
0x9c: {  	s0 =	simm.s32 @!p1 $0xA;
	[tilespmem:s17+$0x5340] =	vst v1  }
0x9d: {  	[spmem:s29] =	stream.indirect.scatter.add.f32 [tilespmem:s30], [sflag:$0x9], $0x80, s25, s28, $0xb8;
	[tilespmem:$0x1DB80] =	vst v63  }
0x9e: {  	s21 =	smul.u32 $0xA0, s13;
	_ =	swait.ge @!p1 [sflag:s0], $0x2800  }
0x9f: {  	[sflag:s0] =	ssyncset.done @!p1 $0x0;
	s8 =	rddreg [dreg:$0x8]  }
0xa0: {  	[sflag:s0] =	ssyncadd.s32 @!p1 $0xFFFFD800;
	s0 =	sadd.s32 s21, s8  }
0xa1: {  	[tilespmem:s10], [sflag:$0x8] =	stream.indirect.gather [hbm4b:s5+s28], $0x80, s24, s28, $0xb8;
	[tilespmem:$0x1DB80] =	vst v63  }
0xa2: {  	s0 =	sshrl.u32 s0, $0x3  }
0xa3: {  	s1 =	simm.s32 $0x0;
	s11 =	rddreg [dreg:$0xd];
	s0 =	sadd.s32 s4, s0  }
0xa4: {  	[tilespmem:s12], [sflag:$0x4] =	stream.linear.gather [hbm4b:s0+s1], $0x50, $0x38;
	[tilespmem:$0x1DB80] =	vst v63  }
0xa5: {  	s0 =	sadd.s32 s21, s11  }
0xa6: {  	s0 =	sshrl.u32 s0, $0x3  }
0xa7: {  	s17 =	sadd.s32 s3, s0  }
0xa8: {  	[tilespmem:s1], [sflag:$0x1] =	stream.linear.gather [hbm4b:s17+s1], $0x50, $0x38;
	[tilespmem:$0x1DB80] =	vst v63  }
0xa9: {  	s8 =	sadd.s32 s4, s0  }
0xaa: {  	[tilespmem:s22], [sflag:$0x1] =	stream.linear.gather [hbm4b:s8+s1], $0x50, $0x38;
	[tilespmem:$0x1DB80] =	vst v63  }
0xab: {  	_ =	swait.ge [sflag:s26], $0x50  }
0xac: {  	[sflag:s26] =	ssyncset.done $0x0  }
0xad: {  	[sflag:s26] =	ssyncadd.s32 $0xFFFFFFB0  }
0xae: {  	_ =	swait.ge [sflag:s26], $0x50  }
0xaf: {  	[sflag:s26] =	ssyncset.done $0x0  }
0xb0: {  	s20 =	simm.s32 $0x300;
	[sflag:s26] =	ssyncadd.s32 $0xFFFFFFB0  }
0xb1: {  	[tilespmem:s20], [sflag:$0x5] =	stream.indirect.gather [hbm4b:s5+s28], $0x80, s1, s28, $0xb8;
	[tilespmem:$0x1DB80] =	vst v63  }
0xb2: {  	_ =	swait.ge [sflag:s14], $0x2800  }
0xb3: {  	[sflag:s14] =	ssyncset.done $0x0  }
0xb4: {  	[sflag:s14] =	ssyncadd.s32 $0xFFFFD800  }
0xb5: {  	_ =	swait.ge [sflag:s15], $0x2800  }
0xb6: {  	[sflag:s15] =	ssyncset.done $0x0  }
0xb7: {  	[sflag:s15] =	ssyncadd.s32 $0xFFFFD800  }
0xb8: {  	_ =	swait.ge [sflag:s18], $0x50  }
0xb9: {  	[sflag:s18] =	ssyncset.done $0x0  }
0xba: {  	s17 =	simm.s32 $0x0;
	[sflag:s18] =	ssyncadd.s32 $0xFFFFFFB0  }
0xbb: {  	v0 =	vld [tilespmem:s17+$0x2B60]  }
0xbc: {  	v1 =	vld [tilespmem:s17+$0x7B70];
	_ =	sdelay $0x2  }
0xbd: {  	v3 =	vld [tilespmem:s17+$0x2B00]  }
0xbe: {  	v6 =	vld [tilespmem:s17+$0x2B10]  }
0xbf: {  	v7 =	vld [tilespmem:s17+$0x2B20];
	v0 =	vadd.f32 v1, v0  }
0xc0: {  	v15 =	vld [tilespmem:s17+$0x2B30]  }
0xc1: {  	s16 =	smov.u32 s29;
	s29 =	simm.s32 $0x80;
	v19 =	vld [tilespmem:s17+$0x2B40];
	v2 =	vmul.f32 $2.000000030e-01, v0  }
0xc2: {  	v4 =	vld [tilespmem:s29+$0x7B70]  }
0xc3: {  	v13 =	vld [tilespmem:s29+$0x2B00];
	v0 =	vmax.f32 v0, v2  }
0xc4: {  	v1 =	vld [tilespmem:s29+$0x2B60];
	v0 =	vmul.f32 $1.442695020e+00, v0  }
0xc5: {  	v11 =	vld [tilespmem:s29+$0x2B10]  }
0xc6: {  	v10 =	vld [tilespmem:s29+$0x2B20];
	(erf) = vpow2.f32 v0  }
0xc7: {  	v9 =	vld [tilespmem:s29+$0x2B30]  }
0xc8: {  	s0 =	simm.s32 $0x100;
	v8 =	vld [tilespmem:s29+$0x2B40]  }
0xc9: {  	v14 =	vld [tilespmem:s0+$0x2B60];
	v12 =	vadd.f32 v4, v1  }
0xca: {  	v16 =	vld [tilespmem:s0+$0x7B70]  }
0xcb: {  	v17 =	vld [tilespmem:s17+$0x2B50];
	v18 =	vmul.f32 $2.000000030e-01, v12  }
0xcc: {  	s20 =	simm.s32 $0x180;
	v5 =	vld [tilespmem:s0+$0x2B40]  }
0xcd: {  	v20 =	vld [tilespmem:s20+$0x2B60]  }
0xce: {  	v23 =	vld [tilespmem:s20+$0x7B70];
	v12 =	vmax.f32 v12, v18  }
0xcf: {  	v2 =	vld [tilespmem:s0+$0x2B00];
	v21 =	vmul.f32 $1.442695020e+00, v12;
	v18 =	vpop (erf)  }
0xd0: {  	v4 =	vld [tilespmem:s0+$0x2B20];
	v22 =	vbroadcast v18, $0x5  }
0xd1: {  	v1 =	vld [tilespmem:s0+$0x2B30];
	(erf) = vpow2.f32 v21  }
0xd2: {  	v0 =	vld [tilespmem:s0+$0x2B10];
	v21 =	vadd.f32 v16, v14;
	v16 =	vmul.f32 v17, v22;
	v17 =	vbroadcast v18, $0x0  }
0xd3: {  	v12 =	vld [tilespmem:s20+$0x2B00];
	[tilespmem:s17+$0x7B60] =	vst v18  }
0xd4: {  	v14 =	vld [tilespmem:s20+$0x2B10];
	v22 =	vmul.f32 $2.000000030e-01, v21;
	[tilespmem:s17+$0x7B50] =	vst v16;
	v17 =	vmul.f32 v17, v3  }
0xd5: {  	v16 =	vld [tilespmem:s29+$0x2B50]  }
0xd6: {  	v62 =	vbroadcast v18, $0x1;
	v21 =	vmax.f32 v21, v22;
	v3 =	vld [tilespmem:s20+$0x2B20];
	[tilespmem:s17+$0x7B00] =	vst v17;
	v17 =	vbroadcast v18, $0x3  }
0xd7: {  	v25 =	vbroadcast v18, $0x2;
	v21 =	vmul.f32 $1.442695020e+00, v21  }
0xd8: {  	v63 =	vbroadcast v18, $0x4;
	v22 =	vmul.f32 v62, v6  }
0xd9: {  	v25 =	vmul.f32 v25, v7;
	v18 =	vadd.f32 v23, v20;
	(erf) = vpow2.f32 v21  }
0xda: {  	v6 =	vld [tilespmem:s20+$0x2B30];
	[tilespmem:s17+$0x7B10] =	vst v22;
	v21 =	vmul.f32 v19, v63;
	v26 =	vmul.f32 v15, v17;
	v17 =	vpop (erf)  }
0xdb: {  	s1 =	simm.s32 $0x200;
	v7 =	vld [tilespmem:s20+$0x2B40];
	[tilespmem:s17+$0x7B20] =	vst v25;
	v22 =	vmul.f32 $2.000000030e-01, v18;
	v23 =	vbroadcast v17, $0x5  }
0xdc: {  	s11 =	simm.s32 $0xA00;
	v15 =	vld [tilespmem:s1+$0x2B60];
	[tilespmem:s17+$0x7B30] =	vst v26;
	v19 =	vbroadcast v17, $0x0;
	v20 =	vbroadcast v17, $0x1  }
.LBB2_5:
0xdd: {  	p1 =	sne.s32 s11, $0x9E00;
	v24 =	vld [tilespmem:s1+$0x7B70];
	v25 =	vbroadcast v17, $0x2;
	v16 =	vmul.f32 v16, v23;
	[tilespmem:s17+$0x7B40] =	vst v21;
	s17 =	smov.u32 s29;
	s29 =	smov.u32 s0  }
0xde: {  	v21 =	vbroadcast v17, $0x3;
	s0 =	smov.u32 s20;
	s20 =	smov.u32 s1;
	v26 =	vld [tilespmem:s1+$0x2B00];
	v18 =	vmax.f32 v18, v22;
	[tilespmem:s17+$0x7B60] =	vst v17;
	v22 =	vbroadcast v17, $0x4  }
0xdf: {  	v27 =	vld [tilespmem:s20+$0x2B10];
	v23 =	vmul.f32 $1.442695020e+00, v18;
	v18 =	vmul.f32 v19, v13;
	[tilespmem:s17+$0x7B50] =	vst v16;
	v13 =	vmovc v2;
	v2 =	vmov v12  }
.Ltmp1:
0xe0: {  	v28 =	vmul.f32 v20, v11;
	v11 =	vmovc v0;
	v0 =	vmovc v14;
	v20 =	vmul.f32 v25, v10;
	v10 =	vmov v4;
	v16 =	vld [tilespmem:s29+$0x2B50];
	(pc) =	sbr.rel @p1 .LBB2_5-.Ltmp1, $4  }
0xe1: {  	v25 =	vmul.f32 v9, v21;
	v4 =	vmovc v3;
	v9 =	vmovc v1;
	v1 =	vmov v6;
	(erf) = vpow2.f32 v23;
	[tilespmem:s17+$0x7B00] =	vst v18;
	v3 =	vld [tilespmem:s20+$0x2B20]  }
0xe2: {  	v21 =	vmul.f32 v8, v22;
	v8 =	vmov v5;
	v18 =	vadd.f32 v24, v15;
	v6 =	vld [tilespmem:s20+$0x2B30];
	v17 =	vpop (erf);
	[tilespmem:s17+$0x7B10] =	vst v28  }
0xe3: {  	s1 =	sshra.s32 s11, $0x2;
	v5 =	vmovc v7;
	v19 =	vbroadcast v17, $0x0;
	v23 =	vbroadcast v17, $0x5;
	[tilespmem:s17+$0x7B20] =	vst v20;
	v12 =	vmov v26;
	v7 =	vld [tilespmem:s20+$0x2B40]  }
0xe4: {  	s11 =	sadd.s32 $0x200, s11;
	v20 =	vbroadcast v17, $0x1;
	v15 =	vld [tilespmem:s1+$0x2B60];
	v22 =	vmul.f32 $2.000000030e-01, v18;
	[tilespmem:s17+$0x7B30] =	vst v25;
	v14 =	vmov v27  }
0xe5: {  	v24 =	vld [tilespmem:s1+$0x7B70];
	[tilespmem:s17+$0x7B40] =	vst v21;
	v16 =	vmul.f32 v16, v23  }
0xe6: {  	v13 =	vmul.f32 v19, v13;
	v28 =	vbroadcast v17, $0x2;
	v21 =	vld [tilespmem:s1+$0x2B00];
	[tilespmem:s29+$0x7B60] =	vst v17;
	v18 =	vmax.f32 v18, v22  }
0xe7: {  	v30 =	vbroadcast v17, $0x3;
	v27 =	vld [tilespmem:s1+$0x2B10];
	[tilespmem:s29+$0x7B50] =	vst v16;
	v18 =	vmul.f32 $1.442695020e+00, v18  }
0xe8: {  	v31 =	vbroadcast v17, $0x4;
	v11 =	vmul.f32 v20, v11;
	v16 =	vld [tilespmem:s0+$0x2B50]  }
0xe9: {  	v10 =	vmul.f32 v28, v10;
	v29 =	vld [tilespmem:s1+$0x2B20];
	[tilespmem:s29+$0x7B00] =	vst v13;
	(erf) = vpow2.f32 v18  }
0xea: {  	v9 =	vmul.f32 v9, v30;
	v32 =	vld [tilespmem:s1+$0x2B30];
	[tilespmem:s29+$0x7B10] =	vst v11;
	v33 =	vadd.f32 v24, v15;
	v34 =	vpop (erf)  }
0xeb: {  	v8 =	vmul.f32 v8, v31;
	v35 =	vld [tilespmem:s1+$0x2B40];
	[tilespmem:s29+$0x7B20] =	vst v10;
	v36 =	vbroadcast v34, $0x5  }
0xec: {  	[tilespmem:s29+$0x7B30] =	vst v9;
	v37 =	vbroadcast v34, $0x0;
	v38 =	vmul.f32 $2.000000030e-01, v33  }
0xed: {  	[tilespmem:s29+$0x7B40] =	vst v8;
	v39 =	vbroadcast v34, $0x1;
	v16 =	vmul.f32 v16, v36  }
0xee: {  	v40 =	vbroadcast v34, $0x2;
	[tilespmem:s0+$0x7B60] =	vst v34;
	v41 =	vbroadcast v34, $0x3;
	v11 =	vmax.f32 v33, v38  }
0xef: {  	v2 =	vmul.f32 v37, v2;
	v11 =	vmul.f32 $1.442695020e+00, v11;
	[tilespmem:s0+$0x7B50] =	vst v16  }
0xf0: {  	v42 =	vbroadcast v34, $0x4;
	v0 =	vmul.f32 v39, v0;
	v43 =	vld [tilespmem:s20+$0x2B50]  }
0xf1: {  	v4 =	vmul.f32 v40, v4;
	[tilespmem:s0+$0x7B00] =	vst v2;
	(erf) = vpow2.f32 v11  }
0xf2: {  	v1 =	vmul.f32 v1, v41;
	[tilespmem:s0+$0x7B10] =	vst v0;
	v44 =	vpop (erf)  }
0xf3: {  	v45 =	vmul.f32 v5, v42;
	[tilespmem:s0+$0x7B20] =	vst v4;
	v46 =	vbroadcast v44, $0x5  }
0xf4: {  	[tilespmem:s0+$0x7B30] =	vst v1  }
0xf5: {  	[tilespmem:s0+$0x7B40] =	vst v45;
	v47 =	vbroadcast v44, $0x0;
	v48 =	vmul.f32 v43, v46  }
0xf6: {  	v49 =	vbroadcast v44, $0x1;
	[tilespmem:s20+$0x7B60] =	vst v44  }
0xf7: {  	v50 =	vbroadcast v44, $0x2;
	v1 =	vmul.f32 v47, v12;
	[tilespmem:s20+$0x7B50] =	vst v48  }
0xf8: {  	v51 =	vbroadcast v44, $0x3;
	v0 =	vmul.f32 v49, v14;
	v52 =	vld [tilespmem:s1+$0x2B50]  }
0xf9: {  	v2 =	vbroadcast v44, $0x4;
	v3 =	vmul.f32 v50, v3;
	[tilespmem:s20+$0x7B00] =	vst v1  }
0xfa: {  	v53 =	vmul.f32 v6, v51;
	[tilespmem:s20+$0x7B10] =	vst v0;
	v54 =	vpop (erf)  }
0xfb: {  	v55 =	vmul.f32 v7, v2;
	[tilespmem:s20+$0x7B20] =	vst v3;
	v56 =	vbroadcast v54, $0x5  }
0xfc: {  	[tilespmem:s20+$0x7B30] =	vst v53;
	v57 =	vbroadcast v54, $0x0  }
0xfd: {  	[tilespmem:s20+$0x7B40] =	vst v55;
	v58 =	vbroadcast v54, $0x1;
	v2 =	vmul.f32 v52, v56  }
0xfe: {  	v59 =	vbroadcast v54, $0x2;
	[tilespmem:s1+$0x7B60] =	vst v54;
	v3 =	vmul.f32 v57, v21  }
0xff: {  	v60 =	vbroadcast v54, $0x3;
	v1 =	vmul.f32 v58, v27;
	[tilespmem:s1+$0x7B50] =	vst v2  }
0x100: {  	v61 =	vbroadcast v54, $0x4;
	v0 =	vmul.f32 v59, v29;
	[tilespmem:s1+$0x7B00] =	vst v3  }
0x101: {  	v62 =	vmul.f32 v32, v60;
	[tilespmem:s1+$0x7B10] =	vst v1  }
0x102: {  	v63 =	vmul.f32 v35, v61;
	[tilespmem:s1+$0x7B20] =	vst v0  }
0x103: {  	[tilespmem:s1+$0x7B30] =	vst v62  }
0x104: {  	[tilespmem:s1+$0x7B40] =	vst v63  }
0x105: {  	[spmem:s16] =	stream.indirect.scatter.add.f32 [tilespmem:s10], [sflag:$0xA], $0x80, s12, s28, $0xb8;
	[tilespmem:$0x1DB80] =	vst v63  }
0x106: {  	p1 =	seq.s32 s13, $0x3D;
	_ =	swait.ge [sflag:s19], $0x2800  }
.Ltmp2:
0x107: {  	[sflag:s19] =	ssyncset.done $0x0;
	(pc) =	sbr.rel @p1 .LBB2_8-.Ltmp2, $4  }
0x108: {  	[sflag:s19] =	ssyncadd.s32 $0xFFFFD800  }
0x109: {  	[tilespmem:s30], [sflag:$0x7] =	stream.indirect.gather [hbm4b:s5+s28], $0x80, s22, s28, $0xb8;
	[tilespmem:$0x1DB80] =	vst v63  }
0x10a: {  	s29 =	smov.u32 s16  }
0x10b: {  	[tilespmem:s25], [sflag:$0x3] =	stream.linear.gather [hbm4b:s8+s2], $0x50, $0x38;
	[tilespmem:$0x1DB80] =	vst v63  }
0x10c: {  	s0 =	rddreg [dreg:$0xe]  }
0x10d: {  	s0 =	sadd.s32 s21, s0  }
.Ltmp3:
0x10e: {  	s0 =	sshrl.u32 s0, $0x3;
	(pc) =	sbr.rel .LBB2_2-.Ltmp3, $4  }
0x10f: {  	s1 =	sadd.s32 s3, s0  }
0x110: {  	[tilespmem:s23], [sflag:$0x2] =	stream.linear.gather [hbm4b:s1+s2], $0x50, $0x38;
	[tilespmem:$0x1DB80] =	vst v63  }
0x111: {  	s13 =	sadd.s32 $0x1, s13;
	s0 =	sadd.s32 s4, s0  }
0x112: {  	[tilespmem:s24], [sflag:$0x2] =	stream.linear.gather [hbm4b:s0+s2], $0x50, $0x38;
	[tilespmem:$0x1DB80] =	vst v63  }
.LBB2_8:
0x113: {  	_ =	swait.ge [sflag:s6], $0x2800  }
0x114: {  	[sflag:s6] =	ssyncset.done $0x0  }
0x115: {  	[sflag:s6] =	ssyncadd.s32 $0xFFFFD800  }
0x116: {  	_ =	swait.ge [sflag:s7], $0x2800  }
0x117: {  	[sflag:s7] =	ssyncset.done $0x0  }
0x118: {  	[sflag:s7] =	ssyncadd.s32 $0xFFFFD800  }
0x119: {  	_ =	swait.ge [sflag:s9], $0x50  }
0x11a: {  	[sflag:s9] =	ssyncset.done $0x0  }
0x11b: {  	s17 =	simm.s32 $0x0;
	[sflag:s9] =	ssyncadd.s32 $0xFFFFFFB0  }
0x11c: {  	v0 =	vld [tilespmem:s17+$0x360]  }
0x11d: {  	v1 =	vld [tilespmem:s17+$0x5370];
	_ =	sdelay $0x2  }
0x11e: {  	v3 =	vld [tilespmem:s17+$0x300]  }
0x11f: {  	v6 =	vld [tilespmem:s17+$0x310]  }
0x120: {  	v7 =	vld [tilespmem:s17+$0x320];
	v0 =	vadd.f32 v1, v0  }
0x121: {  	v15 =	vld [tilespmem:s17+$0x330]  }
0x122: {  	s13 =	simm.s32 $0x80;
	v19 =	vld [tilespmem:s17+$0x340];
	v2 =	vmul.f32 $2.000000030e-01, v0  }
0x123: {  	v4 =	vld [tilespmem:s13+$0x5370]  }
0x124: {  	v13 =	vld [tilespmem:s13+$0x300];
	v0 =	vmax.f32 v0, v2  }
0x125: {  	v1 =	vld [tilespmem:s13+$0x360];
	v0 =	vmul.f32 $1.442695020e+00, v0  }
0x126: {  	v11 =	vld [tilespmem:s13+$0x310]  }
0x127: {  	v10 =	vld [tilespmem:s13+$0x320];
	(erf) = vpow2.f32 v0  }
0x128: {  	v9 =	vld [tilespmem:s13+$0x330]  }
0x129: {  	s0 =	simm.s32 $0x100;
	v8 =	vld [tilespmem:s13+$0x340]  }
0x12a: {  	v14 =	vld [tilespmem:s0+$0x360];
	v12 =	vadd.f32 v4, v1  }
0x12b: {  	v16 =	vld [tilespmem:s0+$0x5370]  }
0x12c: {  	v17 =	vld [tilespmem:s17+$0x350];
	v18 =	vmul.f32 $2.000000030e-01, v12  }
0x12d: {  	s8 =	simm.s32 $0x180;
	v5 =	vld [tilespmem:s0+$0x340]  }
0x12e: {  	v20 =	vld [tilespmem:s8+$0x360]  }
0x12f: {  	v23 =	vld [tilespmem:s8+$0x5370];
	v12 =	vmax.f32 v12, v18  }
0x130: {  	v2 =	vld [tilespmem:s0+$0x300];
	v21 =	vmul.f32 $1.442695020e+00, v12;
	v18 =	vpop (erf)  }
0x131: {  	v4 =	vld [tilespmem:s0+$0x320];
	v22 =	vbroadcast v18, $0x5  }
0x132: {  	v1 =	vld [tilespmem:s0+$0x330];
	(erf) = vpow2.f32 v21  }
0x133: {  	v0 =	vld [tilespmem:s0+$0x310];
	v21 =	vadd.f32 v16, v14;
	v16 =	vmul.f32 v17, v22;
	v17 =	vbroadcast v18, $0x0  }
0x134: {  	v12 =	vld [tilespmem:s8+$0x300];
	[tilespmem:s17+$0x5360] =	vst v18  }
0x135: {  	v14 =	vld [tilespmem:s8+$0x310];
	v22 =	vmul.f32 $2.000000030e-01, v21;
	[tilespmem:s17+$0x5350] =	vst v16;
	v17 =	vmul.f32 v17, v3  }
0x136: {  	v16 =	vld [tilespmem:s13+$0x350]  }
0x137: {  	v24 =	vbroadcast v18, $0x1;
	v21 =	vmax.f32 v21, v22;
	v3 =	vld [tilespmem:s8+$0x320];
	[tilespmem:s17+$0x5300] =	vst v17;
	v17 =	vbroadcast v18, $0x3  }
0x138: {  	v25 =	vbroadcast v18, $0x2;
	v21 =	vmul.f32 $1.442695020e+00, v21  }
0x139: {  	v63 =	vbroadcast v18, $0x4;
	v22 =	vmul.f32 v24, v6  }
0x13a: {  	v25 =	vmul.f32 v25, v7;
	v18 =	vadd.f32 v23, v20;
	(erf) = vpow2.f32 v21  }
0x13b: {  	v6 =	vld [tilespmem:s8+$0x330];
	[tilespmem:s17+$0x5310] =	vst v22;
	v21 =	vmul.f32 v19, v63;
	v26 =	vmul.f32 v15, v17;
	v17 =	vpop (erf)  }
0x13c: {  	s1 =	simm.s32 $0x200;
	v7 =	vld [tilespmem:s8+$0x340];
	[tilespmem:s17+$0x5320] =	vst v25;
	v22 =	vmul.f32 $2.000000030e-01, v18;
	v23 =	vbroadcast v17, $0x5  }
0x13d: {  	s11 =	simm.s32 $0xA00;
	v15 =	vld [tilespmem:s1+$0x360];
	[tilespmem:s17+$0x5330] =	vst v26;
	v19 =	vbroadcast v17, $0x0;
	v20 =	vbroadcast v17, $0x1  }
.LBB2_9:
0x13e: {  	p1 =	sne.s32 s11, $0x9E00;
	v24 =	vld [tilespmem:s1+$0x5370];
	v25 =	vbroadcast v17, $0x2;
	v16 =	vmul.f32 v16, v23;
	[tilespmem:s17+$0x5340] =	vst v21;
	s17 =	smov.u32 s13;
	s13 =	smov.u32 s0  }
0x13f: {  	v21 =	vbroadcast v17, $0x3;
	s0 =	smov.u32 s8;
	s8 =	smov.u32 s1;
	v26 =	vld [tilespmem:s1+$0x300];
	v18 =	vmax.f32 v18, v22;
	[tilespmem:s17+$0x5360] =	vst v17;
	v22 =	vbroadcast v17, $0x4  }
0x140: {  	v27 =	vld [tilespmem:s8+$0x310];
	v23 =	vmul.f32 $1.442695020e+00, v18;
	v18 =	vmul.f32 v19, v13;
	[tilespmem:s17+$0x5350] =	vst v16;
	v13 =	vmovc v2;
	v2 =	vmov v12  }
.Ltmp4:
0x141: {  	v28 =	vmul.f32 v20, v11;
	v11 =	vmovc v0;
	v0 =	vmovc v14;
	v20 =	vmul.f32 v25, v10;
	v10 =	vmov v4;
	v16 =	vld [tilespmem:s13+$0x350];
	(pc) =	sbr.rel @p1 .LBB2_9-.Ltmp4, $4  }
0x142: {  	v25 =	vmul.f32 v9, v21;
	v4 =	vmovc v3;
	v9 =	vmovc v1;
	v1 =	vmov v6;
	(erf) = vpow2.f32 v23;
	[tilespmem:s17+$0x5300] =	vst v18;
	v3 =	vld [tilespmem:s8+$0x320]  }
0x143: {  	v21 =	vmul.f32 v8, v22;
	v8 =	vmov v5;
	v18 =	vadd.f32 v24, v15;
	v6 =	vld [tilespmem:s8+$0x330];
	v17 =	vpop (erf);
	[tilespmem:s17+$0x5310] =	vst v28  }
0x144: {  	s1 =	sshra.s32 s11, $0x2;
	v5 =	vmovc v7;
	v19 =	vbroadcast v17, $0x0;
	v23 =	vbroadcast v17, $0x5;
	[tilespmem:s17+$0x5320] =	vst v20;
	v12 =	vmov v26;
	v7 =	vld [tilespmem:s8+$0x340]  }
0x145: {  	s11 =	sadd.s32 $0x200, s11;
	v20 =	vbroadcast v17, $0x1;
	v15 =	vld [tilespmem:s1+$0x360];
	v22 =	vmul.f32 $2.000000030e-01, v18;
	[tilespmem:s17+$0x5330] =	vst v25;
	v14 =	vmov v27  }
0x146: {  	v24 =	vld [tilespmem:s1+$0x5370];
	[tilespmem:s17+$0x5340] =	vst v21;
	v16 =	vmul.f32 v16, v23  }
0x147: {  	v13 =	vmul.f32 v19, v13;
	v28 =	vbroadcast v17, $0x2;
	v21 =	vld [tilespmem:s1+$0x300];
	[tilespmem:s13+$0x5360] =	vst v17;
	v18 =	vmax.f32 v18, v22  }
0x148: {  	v30 =	vbroadcast v17, $0x3;
	v27 =	vld [tilespmem:s1+$0x310];
	[tilespmem:s13+$0x5350] =	vst v16;
	v18 =	vmul.f32 $1.442695020e+00, v18  }
0x149: {  	v31 =	vbroadcast v17, $0x4;
	v11 =	vmul.f32 v20, v11;
	v16 =	vld [tilespmem:s0+$0x350]  }
0x14a: {  	v10 =	vmul.f32 v28, v10;
	v29 =	vld [tilespmem:s1+$0x320];
	[tilespmem:s13+$0x5300] =	vst v13;
	(erf) = vpow2.f32 v18  }
0x14b: {  	v9 =	vmul.f32 v9, v30;
	v32 =	vld [tilespmem:s1+$0x330];
	[tilespmem:s13+$0x5310] =	vst v11;
	v33 =	vadd.f32 v24, v15;
	v34 =	vpop (erf)  }
0x14c: {  	v8 =	vmul.f32 v8, v31;
	v35 =	vld [tilespmem:s1+$0x340];
	[tilespmem:s13+$0x5320] =	vst v10;
	v36 =	vbroadcast v34, $0x5  }
0x14d: {  	[tilespmem:s13+$0x5330] =	vst v9;
	v37 =	vbroadcast v34, $0x0;
	v38 =	vmul.f32 $2.000000030e-01, v33  }
0x14e: {  	[tilespmem:s13+$0x5340] =	vst v8;
	v39 =	vbroadcast v34, $0x1;
	v16 =	vmul.f32 v16, v36  }
0x14f: {  	v40 =	vbroadcast v34, $0x2;
	[tilespmem:s0+$0x5360] =	vst v34;
	v41 =	vbroadcast v34, $0x3;
	v11 =	vmax.f32 v33, v38  }
0x150: {  	v2 =	vmul.f32 v37, v2;
	v11 =	vmul.f32 $1.442695020e+00, v11;
	[tilespmem:s0+$0x5350] =	vst v16  }
0x151: {  	v42 =	vbroadcast v34, $0x4;
	v0 =	vmul.f32 v39, v0;
	v43 =	vld [tilespmem:s8+$0x350]  }
0x152: {  	v4 =	vmul.f32 v40, v4;
	[tilespmem:s0+$0x5300] =	vst v2;
	(erf) = vpow2.f32 v11  }
0x153: {  	v1 =	vmul.f32 v1, v41;
	[tilespmem:s0+$0x5310] =	vst v0;
	v44 =	vpop (erf)  }
0x154: {  	v45 =	vmul.f32 v5, v42;
	[tilespmem:s0+$0x5320] =	vst v4;
	v46 =	vbroadcast v44, $0x5  }
0x155: {  	[tilespmem:s0+$0x5330] =	vst v1  }
0x156: {  	[tilespmem:s0+$0x5340] =	vst v45;
	v47 =	vbroadcast v44, $0x0;
	v48 =	vmul.f32 v43, v46  }
0x157: {  	v49 =	vbroadcast v44, $0x1;
	[tilespmem:s8+$0x5360] =	vst v44  }
0x158: {  	v50 =	vbroadcast v44, $0x2;
	v1 =	vmul.f32 v47, v12;
	[tilespmem:s8+$0x5350] =	vst v48  }
0x159: {  	v51 =	vbroadcast v44, $0x3;
	v0 =	vmul.f32 v49, v14;
	v52 =	vld [tilespmem:s1+$0x350]  }
0x15a: {  	v2 =	vbroadcast v44, $0x4;
	v3 =	vmul.f32 v50, v3;
	[tilespmem:s8+$0x5300] =	vst v1  }
0x15b: {  	v53 =	vmul.f32 v6, v51;
	[tilespmem:s8+$0x5310] =	vst v0;
	v54 =	vpop (erf)  }
0x15c: {  	v55 =	vmul.f32 v7, v2;
	[tilespmem:s8+$0x5320] =	vst v3;
	v56 =	vbroadcast v54, $0x5  }
0x15d: {  	[tilespmem:s8+$0x5330] =	vst v53;
	v57 =	vbroadcast v54, $0x0  }
0x15e: {  	[tilespmem:s8+$0x5340] =	vst v55;
	v58 =	vbroadcast v54, $0x1;
	v2 =	vmul.f32 v52, v56  }
0x15f: {  	v59 =	vbroadcast v54, $0x2;
	[tilespmem:s1+$0x5360] =	vst v54;
	v3 =	vmul.f32 v57, v21  }
0x160: {  	v60 =	vbroadcast v54, $0x3;
	v1 =	vmul.f32 v58, v27;
	[tilespmem:s1+$0x5350] =	vst v2  }
0x161: {  	v61 =	vbroadcast v54, $0x4;
	v0 =	vmul.f32 v59, v29;
	[tilespmem:s1+$0x5300] =	vst v3  }
0x162: {  	v62 =	vmul.f32 v32, v60;
	[tilespmem:s1+$0x5310] =	vst v1  }
0x163: {  	v63 =	vmul.f32 v35, v61;
	[tilespmem:s1+$0x5320] =	vst v0  }
0x164: {  	[tilespmem:s1+$0x5330] =	vst v62  }
0x165: {  	s13 =	simm.s32 $0xA;
	[tilespmem:s1+$0x5340] =	vst v63  }
0x166: {  	[spmem:s29] =	stream.indirect.scatter.add.f32 [tilespmem:s30], [sflag:$0x9], $0x80, s25, s28, $0xb8;
	[tilespmem:$0x1DB80] =	vst v63  }
0x167: {  	_ =	swait.ge [sflag:s13], $0x2800  }
0x168: {  	[sflag:s13] =	ssyncset.done $0x0  }
0x169: {  	[sflag:s13] =	ssyncadd.s32 $0xFFFFD800  }
0x16a: {  	_ =	swait.ge [sflag:s19], $0x2800  }
0x16b: {  	[sflag:s19] =	ssyncset.done $0x0  }
0x16c: {  	[sflag:s19] =	ssyncadd.s32 $0xFFFFD800  }
0x16d: {  	[bflag:$0x0] =	sbarrier.arrive $0xFFFF  }
0x16e: {  	s11 =	rddreg [dreg:$0x5]  }
0x16f: {  	s16 =	rddreg [dreg:$0xf]  }
0x170: {  	s8 =	simm.s32 $0xB;
	s17 =	rddreg [dreg:$0x13]  }
0x171: {  	[hbm:s16], [sflag:s11] =	dma.local [spmem:s17], $0x2700  }
0x172: {  	_ =	swait.ge [sflag:s8], $0x2700  }
0x173: {  	[sflag:s8] =	ssyncset.done $0x0;
	s0 =	rddreg [dreg:$0x10]  }
0x174: {  	s1 =	rddreg [dreg:$0x14];
	[sflag:s8] =	ssyncadd.s32 $0xFFFFD900  }
0x175: {  	[hbm:s0], [sflag:s11] =	dma.local @!p0 [spmem:s1], $0x100  }
0x176: {  	s0 =	simm.s32 @!p0 $0xB  }
0x177: {  	_ =	swait.ge @!p0 [sflag:s0], $0x100  }
0x178: {  	s20 =	rddreg [dreg:$0x12]  }
0x179: {  	s21 =	rddreg [dreg:$0x11];
	s13 =	sadd.s32 $0x1, s20  }
0x17a: {  	p1 =	sne.s32 s13, s21  }
.Ltmp5:
0x17b: {  	_ = 	snop;
	(pc) =	sbr.rel @p1 .LBB2_1-.Ltmp5, $3  }
0x17c: {  	_ =	sdelay $0x1  }
0x17d: {  	[sflag:s0] =	ssyncset.done @!p0 $0x0  }
0x17e: {  	[sflag:s0] =	ssyncadd.s32 @!p0 $0xFFFFFF00  }
0x17f: {  	_ =	sfence.sel $0x180000  }
0x180: {  	[bflag:$0x0] =	sbarrier.arrive $0xFFFF  }
0x181: {  	_ =	strace $0x9000004A  }
0x182: {  	[bflag:$0x2] =	sbarrier.arrive $0xFFFF  }
0x183: {  	s0 =	rddreg [dreg:$0x2]  }
0x184: {  	s0 =	sadd.s32 @!p0 $0x100000, s0  }
0x185: {  	[sflag:s0] =	ssyncadd.tile.s32 @!p0 $0x1;
	_ =	shalt  }
.Lfunc_end2:
_tile_overlayer_lowered:
.L_overlay_start_2:
0x186: {  	(tag) =	ssettag $0x2  }
0x187: {  	s0 =	rddreg [dreg:$0x0];
	s2 =	stileid.u32  }
0x188: {  	s1 =	rddreg [dreg:$0x1];
	p0 =	sne.s32 s2, $0x0  }
0x189: {  	s3 =	rddreg [dreg:$0x2];
	[bflag:$0x3] =	sbarrier.arrive $0xFFFF;
	s2 =	simm.s32 @!p0 $0x1C0B  }
0x18a: {  	[timem:s3], [sflag:s2] =	dma.local @!p0 [hbm:s0], s1  }
0x18b: {  	s0 =	simm.s32 @!p0 $0xB  }
0x18c: {  	_ =	swait.ge @!p0 [sflag:s0], s1  }
0x18d: {  	s1 =	ssub.s32 @!p0 $0x0, s1;
	[sflag:s0] =	ssyncset.done @!p0 $0x0  }
0x18e: {  	[sflag:s0] =	ssyncadd.s32 @!p0 s1  }
0x18f: {  	[bflag:$0x3] =	sbarrier.arrive $0xFFFF  }
0x190: {  	_ =	shalt  }

// kernel: kernel.17.cloned.1.call-start
scs
__scs_entry_jumppad:
0x0: {  	(pc) =	sbr.rel $0x88, $3  }
0x1: {  	(tag) =	ssettag $0x0;
	lr =	simm.s32 $0x1  }
0x2: {  	[smem:$0x3F8F] =	sst lr;
	_ =	strace $0xD0000000  }
0x3: {  	_ = 	snop  }
0x4: {  	_ = 	snop  }
0x5: {  	_ = 	snop  }
0x6: {  	_ = 	snop  }
0x7: {  	_ = 	snop  }
__scs_overlays_trampoline_lowered:
0x8: {  	[smem:$0x3F9E] =	sst s0  }
0x9: {  	[smem:$0x3F9F] =	sst s1  }
0xa: {  	[smem:$0x3FA0] =	sst s2  }
0xb: {  	[smem:$0x3FA1] =	sst s3  }
0xc: {  	[smem:$0x3FA2] =	sst s4  }
0xd: {  	[smem:$0x3FA3] =	sst s5  }
0xe: {  	[smem:$0x3FA4] =	sst s6  }
0xf: {  	[smem:$0x3FA5] =	sst s7  }
0x10: {  	[smem:$0x3FA6] =	sst s8  }
0x11: {  	[smem:$0x3FA7] =	sst s9;
	s0 =	simm.s32 @!p0 $0x0  }
0x12: {  	s1 =	sld [smem:$0x3F8D];
	s0 =	simm.s32 @p0 $0x1  }
0x13: {  	[smem:$0x3FA8] =	sst s0;
	s0 =	simm.s32 @!p1 $0x0  }
0x14: {  	s2 =	sld [smem:$0x3F8C];
	s0 =	simm.s32 @p1 $0x1  }
0x15: {  	[smem:$0x3FA9] =	sst s0;
	s0 =	simm.s32 @!p2 $0x0  }
0x16: {  	s3 =	sld [smem:$0x3FDB];
	s0 =	simm.s32 @p2 $0x1  }
0x17: {  	s4 =	simm.s32 $0x1BF5;
	[smem:$0x3FAB] =	sst s0  }
0x18: {  	s0 =	sld [smem:$0x3F8E];
	_ =	swait.ge [sflag:s4], $0x0  }
0x19: {  	s7 =	sld [smem:$0x3F8F]  }
0x1a: {  	s8 =	sadd.s32 $0xFFFFE003, lr  }
0x1b: {  	s9 =	sadd.s32 $0xFFFFFEF7, lr;
	s5 =	simm.s32 $0xFFFFFFFF;
	p2 =	slt.u32 s8, $0xFFFFF086  }
0x1c: {  	p1 =	slt.u32 s9, $0xF7A;
	s5 =	simm.s32 @!p2 $0x0  }
0x1d: {  	s5 =	simm.s32 @p1 $0x1;
	p0 =	seq.s32 s7, s2  }
0x1e: {  	s7 =	smul.u32 @!p0 $0xF7A, s2;
	p2 =	seq.s32 @!p0 s5, $0x0  }
0x1f: {  	s9 =	smul.u32 $0xF7A, s1;
	s8 =	simm.s32 @!p0 $0x1BF5;
	p2 =	por !p2, p0  }
0x20: {  	[sflag:s8] =	ssyncset.s32 @!p0 $0xFFFFF086;
	s6 =	sadd.s32 @!p0 s3, s7;
	s7 =	simm.s32 @!p0 $0x108  }
0x21: {  	s3 =	sadd.s32 s3, s9;
	s6 =	sadd.s32 @!p0 $0x88, s6;
	s7 =	simm.s32 @p2 $0x1082  }
0x22: {  	[simem:s7], [sflag:s8] =	dma.local @!p0 [hbm:s6], $0xF7A  }
0x23: {  	s9 =	sor.u32 $0xD0000000, s2;
	s6 =	simm.s32 $0x108;
	_ =	swait.ge @!p0 [sflag:s8], $0x0  }
0x24: {  	s3 =	sadd.s32 $0x88, s3;
	s6 =	simm.s32 @!p1 $0x1082;
	[sflag:s4] =	ssyncset.s32 $0xFFFFF086  }
0x25: {  	[simem:s6], [sflag:s4] =	dma.local [hbm:s3], $0xF7A  }
0x26: {  	[smem:$0x3F8F] =	sst s1;
	(tag) =	ssettag s2;
	_ =	strace s9  }
0x27: {  	s1 =	sld [smem:$0x3F9F]  }
0x28: {  	s2 =	sld [smem:$0x3FA0]  }
0x29: {  	s4 =	sld [smem:$0x3FA2]  }
0x2a: {  	p0 =	seq.s32 s5, $0x0;
	s5 =	sld [smem:$0x3FA3]  }
0x2b: {  	s6 =	sld [smem:$0x3FA4]  }
0x2c: {  	s7 =	sld [smem:$0x3FA5]  }
0x2d: {  	s3 =	simm.s32 $0x108;
	s8 =	sld [smem:$0x3FA6]  }
0x2e: {  	s3 =	simm.s32 @!p0 $0x1082;
	s9 =	sld [smem:$0x3FA7]  }
0x2f: {  	lr =	sadd.s32 s0, s3;
	s0 =	sld [smem:$0x3F9E]  }
0x30: {  	s3 =	sld [smem:$0x3FA1]  }
0x31: {  	[smem:$0x3FAA] =	sst s10  }
0x32: {  	s10 =	sld [smem:$0x3FA8];
	_ =	sdelay $0x3  }
0x33: {  	p0 =	seq.s32 s10, $0x1;
	s10 =	sld [smem:$0x3FAA];
	_ =	sdelay $0x3  }
0x34: {  	[smem:$0x3FAA] =	sst s10  }
0x35: {  	s10 =	sld [smem:$0x3FA9];
	_ =	sdelay $0x3  }
0x36: {  	p1 =	seq.s32 s10, $0x1;
	s10 =	sld [smem:$0x3FAA];
	_ =	sdelay $0x3  }
0x37: {  	[smem:$0x3FAA] =	sst s10  }
0x38: {  	s10 =	sld [smem:$0x3FAB]  }
0x39: {  	_ = 	snop;
	(pc) =	sbr.ind lr, $3  }
0x3a: {  	_ = 	snop  }
0x3b: {  	_ = 	snop  }
0x3c: {  	p2 =	seq.s32 s10, $0x1;
	s10 =	sld [smem:$0x3FAA]  }
0x3d: {  	_ =	shalt  }
0x3e: {  	_ =	shalt  }
0x3f: {  	_ =	shalt  }
0x40: {  	_ =	shalt  }
0x41: {  	_ =	shalt  }
0x42: {  	_ =	shalt  }
0x43: {  	_ =	shalt  }
0x44: {  	_ =	shalt  }
0x45: {  	_ =	shalt  }
0x46: {  	_ =	shalt  }
0x47: {  	_ =	shalt  }
0x48: {  	_ =	shalt  }
0x49: {  	_ =	shalt  }
0x4a: {  	_ =	shalt  }
0x4b: {  	_ =	shalt  }
0x4c: {  	_ =	shalt  }
0x4d: {  	_ =	shalt  }
0x4e: {  	_ =	shalt  }
0x4f: {  	_ =	shalt  }
0x50: {  	_ =	shalt  }
0x51: {  	_ =	shalt  }
0x52: {  	_ =	shalt  }
0x53: {  	_ =	shalt  }
0x54: {  	_ =	shalt  }
0x55: {  	_ =	shalt  }
0x56: {  	_ =	shalt  }
0x57: {  	_ =	shalt  }
0x58: {  	_ =	shalt  }
0x59: {  	_ =	shalt  }
0x5a: {  	_ =	shalt  }
0x5b: {  	_ =	shalt  }
0x5c: {  	_ =	shalt  }
0x5d: {  	_ =	shalt  }
0x5e: {  	_ =	shalt  }
0x5f: {  	_ =	shalt  }
0x60: {  	_ =	shalt  }
0x61: {  	_ =	shalt  }
0x62: {  	_ =	shalt  }
0x63: {  	_ =	shalt  }
0x64: {  	_ =	shalt  }
0x65: {  	_ =	shalt  }
0x66: {  	_ =	shalt  }
0x67: {  	_ =	shalt  }
0x68: {  	_ =	shalt  }
0x69: {  	_ =	shalt  }
0x6a: {  	_ =	shalt  }
0x6b: {  	_ =	shalt  }
0x6c: {  	_ =	shalt  }
0x6d: {  	_ =	shalt  }
0x6e: {  	_ =	shalt  }
0x6f: {  	_ =	shalt  }
0x70: {  	_ =	shalt  }
0x71: {  	_ =	shalt  }
0x72: {  	_ =	shalt  }
0x73: {  	_ =	shalt  }
0x74: {  	_ =	shalt  }
0x75: {  	_ =	shalt  }
0x76: {  	_ =	shalt  }
0x77: {  	_ =	shalt  }
0x78: {  	_ =	shalt  }
0x79: {  	_ =	shalt  }
0x7a: {  	_ =	shalt  }
0x7b: {  	_ =	shalt  }
0x7c: {  	_ =	shalt  }
0x7d: {  	_ =	shalt  }
0x7e: {  	_ =	shalt  }
0x7f: {  	_ =	shalt  }
0x80: {  	_ =	shalt  }
0x81: {  	_ =	shalt  }
0x82: {  	_ =	shalt  }
0x83: {  	_ =	shalt  }
0x84: {  	_ =	shalt  }
0x85: {  	_ =	shalt  }
0x86: {  	_ =	shalt  }
0x87: {  	_ =	shalt  }
.Lfunc_end0:
.L_simem_size_0:
called_computation.2_lowered:
.L_overlay_start_0:
0x88: {  	s2 =	sld [smem:$0x3FD9]  }
0x89: {  	s3 =	sld [smem:$0x3FFE];
	_ =	sdelay $0x1  }
0x8a: {  	s1 =	srdreg.scid  }
0x8b: {  	s0 =	sand.u32 $0x1, s1  }
0x8c: {  	s16 =	sshll.u32 s0, $0xA;
	s2 =	sadd.s32 s3, s2  }
0x8d: {  	s2 =	sadd.s32 s2, s16  }
0x8e: {  	[smem:$0x3FB6] =	sst s2  }
0x8f: {  	_ = 	snop  }
0x90: {  	(tm) =	ssettm $0x1  }
0x91: {  	s17 =	sld [smem:$0x3FFB];
	_ =	sdelay $0x3  }
0x92: {  	_ =	strace s17  }
0x93: {  	s2 =	sld [smem:$0x3FFC];
	_ =	sdelay $0x3  }
0x94: {  	_ =	strace s2  }
0x95: {  	s2 =	sld [smem:$0x3FFD];
	_ =	sdelay $0x3  }
0x96: {  	_ =	strace s2  }
0x97: {  	_ =	strace $0x8FFFFFFF  }
0x98: {  	s18 =	sld [smem:$0x3FDB];
	_ =	sdelay $0x1  }
0x99: {  	s19 =	simm.s32 $_scs_section_size  }
0x9a: {  	s4 =	simm.s32 $_size__tile_overlayer_lowered;
	s5 =	simm.s32 $_tile_overlayer_lowered  }
0x9b: {  	s22 =	simm.s32 $0x1BFF;
	s21 =	sshll.u32 s5, $0x1;
	s2 =	sadd.s32 s19, s18  }
0x9c: {  	s6 =	simm.s32 $0x0;
	s20 =	sshll.u32 s4, $0x1;
	s4 =	sadd.s32 s21, s2  }
0x9d: {  	[timem:s6], [sflag:s22] =	dma.local [hbm:s4], s20  }
0x9e: {  	_ =	swait.ge [sflag:s22], s20  }
0x9f: {  	s3 =	ssub.s32 $0x0, s20;
	[sflag:s22] =	ssyncset.done $0x0  }
0xa0: {  	[sflag:s22] =	ssyncadd.s32 s3;
	_ =	sdelay $0x1  }
0xa1: {  	s23 =	simm.s32 $0x1B8B  }
0xa2: {  	_ =	swait.ge [sflag:s23], $0x1  }
0xa3: {  	[sflag:s23] =	ssyncset.done $0x0  }
0xa4: {  	s25 =	simm.s32 $0x1B8E;
	s24 =	sld [smem:$0x3FFE];
	[sflag:s23] =	ssyncadd.s32 $0xFFFFFFFF  }
0xa5: {  	s26 =	simm.s32 $execute0_lowered;
	[smem:$0x3FD2] =	sst s25  }
0xa6: {  	s4 =	sshll.u32 s26, $0x1;
	_ =	strace $0x8000004C;
	[dreg:$0x1] =	wrdreg $0xFFFFFFFF  }
0xa7: {  	s28 =	simm.s32 $_size_execute0_lowered;
	s2 =	sadd.s32 s2, s4;
	[dreg:$0x0] =	wrdreg $0x0  }
0xa8: {  	s4 =	sshll.u32 s28, $0x1;
	[dreg:$0x2] =	wrdreg s2  }
0xa9: {  	[dreg:$0x3] =	wrdreg s4  }
0xaa: {  	[dreg:$0x4] =	wrdreg $0xC0  }
0xab: {  	_ =	task [dreg:s6], $0x5FFFF  }
0xac: {  	[dreg:$0x1] =	wrdreg $0xFFFFFFFF  }
0xad: {  	[dreg:$0x0] =	wrdreg $0x60  }
0xae: {  	[dreg:$0x2] =	wrdreg s24  }
0xaf: {  	[dreg:$0x3] =	wrdreg $0xA3000  }
0xb0: {  	[dreg:$0x4] =	wrdreg $0x9  }
0xb1: {  	_ =	task.clear_ibuf [dreg:s6], $0x5FFFF;
	_ =	strace $0x9000004C  }
0xb2: {  	s29 =	simm.s32 $0x9;
	_ =	strace $0x8000004E  }
0xb3: {  	_ =	swait.ge [sflag:s29], $0x1  }
0xb4: {  	[sflag:s29] =	ssyncadd.s32 $0xFFFFFFFF  }
0xb5: {  	_ =	strace $0x9000004E  }
0xb6: {  	_ =	sfence  }
0xb7: {  	s30 =	sld [smem:$0x0];
	_ =	sdelay $0x2  }
0xb8: {  	s31 =	sshll.u32 s1, $0xD;
	s1 =	sshrl.u32 s1, $0x2  }
0xb9: {  	s3 =	sand.u32 $0x4000, s31;
	s1 =	sadd.s32 s1, s30  }
0xba: {  	s0 =	sor.u32 s3, s0;
	s1 =	sshll.u32 s1, $0x11  }
0xbb: {  	s0 =	sor.u32 s1, s0  }
0xbc: {  	s0 =	sadd.s32 $0x8F2B, s0  }
0xbd: {  	[sflag:s0] =	ssyncadd.remote.s32 $0x1  }
0xbe: {  	_ =	sfence.sel $0xFFFF  }
0xbf: {  	[dreg:$0x0] =	wrdreg $0xFFFFFFFF;
	(pc) =	sbr.abs _section_cstart, $3  }
0xc0: {  	[dreg:$0x1] =	wrdreg $0xFFFFFFFF  }
0xc1: {  	_ =	task.clear_ibuf [dreg:s6], $0x2FFFF;
	_ =	strace $0x9FFFFFFF  }
0xc2: {  	(tm) =	ssettm $0x7FFFFFFF  }
0xc3: {  	_ =	shalt  }
tec
execute0_lowered:
.L_overlay_start_1:
0x0: {  	(tag) =	ssettag $0x1  }
0x1: {  	s0 =	rddreg [dreg:$0x0]  }
0x2: {  	s29 =	rddreg [dreg:$0x1];
	s2 =	simm.s32 $0x0  }
0x3: {  	s1 =	stileid.u32;
	s5 =	srdreg.scid;
	s28 =	simm.s32 $0x50  }
0x4: {  	s30 =	simm.s32 $0x5300;
	s31 =	simm.s32 $0x2;
	[smem:$0x7FF] =	sst s2  }
0x5: {  	s6 =	smul.u32 $0x13800, s1;
	s3 =	sadd.s32 $0xD800, s0;
	s4 =	sadd.s32 $0x3A00, s0  }
0x6: {  	s8 =	sand.u32 $0x1, s5;
	s5 =	sadd.s32 $0x17600, s0;
	s11 =	sshll.u32 s1, $0x1  }
0x7: {  	s12 =	smul.u32 $0x4E000, s1;
	s13 =	sadd.s32 $0x65A00, s0;
	s14 =	sshll.u32 s1, $0x6  }
0x8: {  	s15 =	sadd.s32 $0x138000, s29;
	p0 =	sne.s32 s1, $0x0;
	_ =	strace $0x8000004D  }
0x9: {  	s9 =	ssub.s32 $0x2, s8;
	s11 =	sor.u32 s8, s11;
	[dreg:$0x6] =	wrdreg s15  }
0xa: {  	s8 =	smul.u32 $0x138800, s8;
	s15 =	simm.s32 $0x8;
	s7 =	sshrl.u32 s6, $0x3  }
0xb: {  	s10 =	sshrl.u32 s9, $0x1;
	s12 =	sshrl.u32 s12, $0x2;
	s7 =	sadd.s32 s7, s0  }
0xc: {  	s9 =	ssub.s32 s9, s10;
	s10 =	smul.u32 $0x2710, s11;
	s11 =	sadd.s32 s12, s29  }
0xd: {  	s0 =	sadd.s32 $0x65800, s0;
	s21 =	sadd.s32 s6, s8;
	s22 =	sshrl.u32 s8, $0x3  }
0xe: {  	s8 =	simm.s32 $0xB;
	s12 =	simm.s32 $0x280;
	[dreg:$0x3] =	wrdreg s11  }
0xf: {  	s7 =	sadd.s32 $0x3E800, s7;
	s11 =	sor.u32 $0x1C0B, s14;
	[dreg:$0x7] =	wrdreg s0  }
0x10: {  	s6 =	sadd.s32 s13, s22;
	s26 =	smax.u32 s9, $0x1;
	s22 =	simm.s32 $0x100  }
0x11: {  	s9 =	simm.s32 $0x3;
	s14 =	simm.s32 $0x6;
	[dreg:$0x4] =	wrdreg s7  }
0x12: {  	s16 =	sadd.s32 $0x50, s10;
	s17 =	sshrl.u32 s10, $0x3;
	[dreg:$0x11] =	wrdreg s26  }
0x13: {  	s23 =	sadd.s32 $0xA0, s10;
	s24 =	sadd.s32 $0xF0, s10;
	[dreg:$0x5] =	wrdreg s11  }
0x14: {  	s25 =	sadd.s32 $0x27000, s6;
	s26 =	simm.s32 $0x1;
	[dreg:$0x8] =	wrdreg s16  }
0x15: {  	s6 =	simm.s32 $0x5;
	s10 =	simm.s32 $0x7B00;
	[dreg:$0xd] =	wrdreg s23  }
0x16: {  	s7 =	sshrl.u32 s16, $0x3;
	s18 =	sadd.s32 s3, s17;
	[dreg:$0xe] =	wrdreg s24  }
0x17: {  	s0 =	sadd.s32 s4, s17;
	[dreg:$0x10] =	wrdreg s25;
	s23 =	simm.s32 $0x80  }
0x18: {  	s24 =	simm.s32 $0x180;
	s25 =	simm.s32 $0x200;
	[dreg:$0x9] =	wrdreg s18  }
0x19: {  	[dreg:$0xa] =	wrdreg s0;
	s19 =	sadd.s32 s3, s7;
	s20 =	sadd.s32 s4, s7  }
0x1a: {  	s0 =	sshrl.u32 s21, $0x3;
	s7 =	simm.s32 $0x7;
	[dreg:$0xb] =	wrdreg s19  }
0x1b: {  	s18 =	simm.s32 $0x4;
	[dreg:$0xc] =	wrdreg s20;
	s0 =	sadd.s32 s13, s0  }
0x1c: {  	s19 =	simm.s32 $0x9;
	s13 =	simm.s32 $0x0;
	[dreg:$0xf] =	wrdreg s0  }
.LBB2_1:
0x1d: {  	[dreg:$0x12] =	wrdreg s13  }
0x1e: {  	s0 =	rddreg [dreg:$0x3]  }
0x1f: {  	s21 =	rddreg [dreg:$0x4];
	s1 =	sshrl.u32 s0, $0x3  }
0x20: {  	[dreg:$0x13] =	wrdreg s1  }
0x21: {  	[spmem:s1], [sflag:s11] =	dma.local [hbm:s21], $0x2700  }
0x22: {  	_ =	swait.ge [sflag:s8], $0x2700  }
0x23: {  	s0 =	rddreg [dreg:$0x6]  }
0x24: {  	[sflag:s8] =	ssyncset.done $0x0;
	s1 =	sshrl.u32 @!p0 s0, $0x3;
	s0 =	rddreg [dreg:$0x7]  }
0x25: {  	[sflag:s8] =	ssyncadd.s32 $0xFFFFD900;
	[dreg:$0x14] =	wrdreg s1  }
0x26: {  	[spmem:s1], [sflag:s11] =	dma.local @!p0 [hbm:s0], $0x100  }
0x27: {  	s0 =	simm.s32 @!p0 $0xB  }
0x28: {  	_ =	swait.ge @!p0 [sflag:s0], $0x100  }
0x29: {  	[sflag:s0] =	ssyncset.done @!p0 $0x0  }
0x2a: {  	[sflag:s0] =	ssyncadd.s32 @!p0 $0xFFFFFF00  }
0x2b: {  	[bflag:$0x0] =	sbarrier.arrive $0xFFFF  }
0x2c: {  	s13 =	rddreg [dreg:$0x9]  }
0x2d: {  	[tilespmem:s2], [sflag:$0x1] =	stream.linear.gather [hbm4b:s13+s2], $0x50, $0x38;
	[tilespmem:$0x1DB80] =	vst v63  }
0x2e: {  	s16 =	rddreg [dreg:$0xa]  }
0x2f: {  	[tilespmem:s22], [sflag:$0x1] =	stream.linear.gather [hbm4b:s16+s2], $0x50, $0x38;
	[tilespmem:$0x1DB80] =	vst v63  }
0x30: {  	s17 =	rddreg [dreg:$0xb]  }
0x31: {  	[tilespmem:s23], [sflag:$0x2] =	stream.linear.gather [hbm4b:s17+s2], $0x50, $0x38;
	[tilespmem:$0x1DB80] =	vst v63  }
0x32: {  	s20 =	rddreg [dreg:$0xc]  }
0x33: {  	[tilespmem:s24], [sflag:$0x2] =	stream.linear.gather [hbm4b:s20+s2], $0x50, $0x38;
	[tilespmem:$0x1DB80] =	vst v63  }
0x34: {  	_ = 	snop  }
0x35: {  	[tilespmem:s25], [sflag:$0x3] =	stream.linear.gather [hbm4b:s16+s2], $0x50, $0x38;
	[tilespmem:$0x1DB80] =	vst v63  }
0x36: {  	_ =	swait.ge [sflag:s26], $0x50  }
0x37: {  	[sflag:s26] =	ssyncset.done $0x0  }
0x38: {  	[sflag:s26] =	ssyncadd.s32 $0xFFFFFFB0  }
0x39: {  	_ =	swait.ge [sflag:s26], $0x50  }
0x3a: {  	[sflag:s26] =	ssyncset.done $0x0  }
0x3b: {  	s21 =	simm.s32 $0x300;
	[sflag:s26] =	ssyncadd.s32 $0xFFFFFFB0  }
0x3c: {  	[tilespmem:s21], [sflag:$0x5] =	stream.indirect.gather [hbm4b:s5+s28], $0x80, s2, s28, $0xb8;
	[tilespmem:$0x1DB80] =	vst v63  }
0x3d: {  	s13 =	simm.s32 $0x0  }
0x3e: {  	[tilespmem:s30], [sflag:$0x7] =	stream.indirect.gather [hbm4b:s5+s28], $0x80, s22, s28, $0xb8;
	[tilespmem:$0x1DB80] =	vst v63  }
.LBB2_2:
0x3f: {  	_ =	swait.ge [sflag:s31], $0x50  }
0x40: {  	[sflag:s31] =	ssyncset.done $0x0  }
0x41: {  	[sflag:s31] =	ssyncadd.s32 $0xFFFFFFB0  }
0x42: {  	_ =	swait.ge [sflag:s31], $0x50  }
0x43: {  	[sflag:s31] =	ssyncset.done $0x0  }
0x44: {  	s0 =	simm.s32 $0x2B00;
	[sflag:s31] =	ssyncadd.s32 $0xFFFFFFB0  }
0x45: {  	[tilespmem:s0], [sflag:$0x6] =	stream.indirect.gather [hbm4b:s5+s28], $0x80, s23, s28, $0xb8;
	[tilespmem:$0x1DB80] =	vst v63  }
0x46: {  	_ =	swait.ge [sflag:s6], $0x2800  }
0x47: {  	[sflag:s6] =	ssyncset.done $0x0  }
0x48: {  	[sflag:s6] =	ssyncadd.s32 $0xFFFFD800  }
0x49: {  	_ =	swait.ge [sflag:s7], $0x2800  }
0x4a: {  	[sflag:s7] =	ssyncset.done $0x0  }
0x4b: {  	[sflag:s7] =	ssyncadd.s32 $0xFFFFD800  }
0x4c: {  	_ =	swait.ge [sflag:s9], $0x50  }
0x4d: {  	[sflag:s9] =	ssyncset.done $0x0  }
0x4e: {  	s20 =	simm.s32 $0x0;
	[sflag:s9] =	ssyncadd.s32 $0xFFFFFFB0  }
0x4f: {  	v0 =	vld [tilespmem:s20+$0x310]  }
0x50: {  	v1 =	vld [tilespmem:s20+$0x5320];
	_ =	sdelay $0x4  }
0x51: {  	s21 =	simm.s32 $0x80;
	v0 =	vadd.f32 v1, v0  }
0x52: {  	v2 =	vld [tilespmem:s21+$0x310]  }
0x53: {  	v3 =	vld [tilespmem:s21+$0x5320];
	v1 =	vmul.f32 $2.000000030e-01, v0;
	_ =	sdelay $0x1  }
0x54: {  	v0 =	vmax.f32 v0, v1  }
0x55: {  	v0 =	vmul.f32 $1.442695020e+00, v0  }
0x56: {  	s8 =	simm.s32 $0x100  }
0x57: {  	v4 =	vld [tilespmem:s8+$0x5320];
	(erf) = vpow2.f32 v0;
	v0 =	vadd.f32 v3, v2  }
0x58: {  	v1 =	vld [tilespmem:s8+$0x310]  }
0x59: {  	v2 =	vmul.f32 $2.000000030e-01, v0;
	_ =	sdelay $0x1  }
0x5a: {  	v0 =	vmax.f32 v0, v2  }
0x5b: {  	s0 =	simm.s32 $0x180;
	v0 =	vmul.f32 $1.442695020e+00, v0  }
0x5c: {  	v3 =	vadd.f32 v4, v1;
	v1 =	vld [tilespmem:s0+$0x310]  }
0x5d: {  	v2 =	vld [tilespmem:s0+$0x5320];
	(erf) = vpow2.f32 v0  }
0x5e: {  	v4 =	vmul.f32 $2.000000030e-01, v3;
	v0 =	vld [tilespmem:s20+$0x300];
	_ =	sdelay $0x1  }
0x5f: {  	s1 =	simm.s32 $0x800;
	v4 =	vmax.f32 v3, v4;
	v3 =	vpop (erf)  }
.LBB2_3:
0x60: {  	s17 =	sshra.s32 s1, $0x2;
	v4 =	vmul.f32 $1.442695020e+00, v4;
	[tilespmem:s20+$0x5310] =	vst v3;
	v3 =	vbroadcast v3, $0x0;
	p1 =	sne.s32 s1, $0x9E00  }
.Ltmp0:
0x61: {  	s1 =	sadd.s32 $0x200, s1;
	v5 =	vadd.f32 v2, v1;
	v1 =	vld [tilespmem:s17+$0x310];
	(pc) =	sbr.rel @p1 .LBB2_3-.Ltmp0, $4  }
0x62: {  	v2 =	vld [tilespmem:s17+$0x5320];
	(erf) = vpow2.f32 v4;
	v6 =	vmul.f32 v3, v0  }
0x63: {  	v4 =	vmul.f32 $2.000000030e-01, v5;
	v0 =	vld [tilespmem:s21+$0x300]  }
0x64: {  	[tilespmem:s20+$0x5300] =	vst v6;
	s20 =	smov.u32 s21;
	s21 =	smov.u32 s8;
	s8 =	smov.u32 s0  }
0x65: {  	s0 =	smov.u32 s17;
	v4 =	vmax.f32 v5, v4;
	v3 =	vpop (erf)  }
0x66: {  	_ = 	snop  }
0x67: {  	v1 =	vadd.f32 v2, v1  }
0x68: {  	v2 =	vmul.f32 $1.442695020e+00, v4  }
0x69: {  	v4 =	vmul.f32 $2.000000030e-01, v1  }
0x6a: {  	(erf) = vpow2.f32 v2;
	v2 =	vbroadcast v3, $0x0  }
0x6b: {  	[tilespmem:s20+$0x5310] =	vst v3  }
0x6c: {  	v3 =	vld [tilespmem:s21+$0x300];
	v1 =	vmax.f32 v1, v4  }
0x6d: {  	v1 =	vmul.f32 $1.442695020e+00, v1  }
0x6e: {  	v0 =	vmul.f32 v2, v0;
	v2 =	vpop (erf)  }
0x6f: {  	(erf) = vpow2.f32 v1;
	v1 =	vbroadcast v2, $0x0;
	_ =	sdelay $0x1  }
0x70: {  	[tilespmem:s20+$0x5300] =	vst v0;
	v0 =	vmul.f32 v1, v3;
	_ =	sdelay $0x2  }
0x71: {  	[tilespmem:s21+$0x5310] =	vst v2  }
0x72: {  	v1 =	vld [tilespmem:s8+$0x300];
	[tilespmem:s21+$0x5300] =	vst v0;
	v0 =	vpop (erf)  }
0x73: {  	[tilespmem:s8+$0x5310] =	vst v0  }
0x74: {  	v2 =	vld [tilespmem:s0+$0x300]  }
0x75: {  	v0 =	vbroadcast v0, $0x0  }
0x76: {  	v3 =	vpop (erf)  }
0x77: {  	v0 =	vmul.f32 v0, v1;
	v1 =	vbroadcast v3, $0x0;
	_ =	sdelay $0x1  }
0x78: {  	[tilespmem:s8+$0x5300] =	vst v0;
	v0 =	vmul.f32 v1, v2  }
0x79: {  	p1 =	seq.s32 s13, $0x0;
	[tilespmem:s0+$0x5310] =	vst v3  }
0x7a: {  	[tilespmem:s0+$0x5300] =	vst v0;
	s0 =	simm.s32 @!p1 $0xA  }
0x7b: {  	[spmem:s29] =	stream.indirect.scatter.add.f32 [tilespmem:s30], [sflag:$0x9], $0x80, s25, s28, $0xb8;
	[tilespmem:$0x1DB80] =	vst v63  }
0x7c: {  	s21 =	smul.u32 $0xA0, s13;
	_ =	swait.ge @!p1 [sflag:s0], $0x2800  }
0x7d: {  	[sflag:s0] =	ssyncset.done @!p1 $0x0;
	s8 =	rddreg [dreg:$0x8]  }
0x7e: {  	[sflag:s0] =	ssyncadd.s32 @!p1 $0xFFFFD800;
	s0 =	sadd.s32 s21, s8  }
0x7f: {  	[tilespmem:s10], [sflag:$0x8] =	stream.indirect.gather [hbm4b:s5+s28], $0x80, s24, s28, $0xb8;
	[tilespmem:$0x1DB80] =	vst v63  }
0x80: {  	s0 =	sshrl.u32 s0, $0x3  }
0x81: {  	s1 =	simm.s32 $0x0;
	s11 =	rddreg [dreg:$0xd];
	s0 =	sadd.s32 s4, s0  }
0x82: {  	[tilespmem:s12], [sflag:$0x4] =	stream.linear.gather [hbm4b:s0+s1], $0x50, $0x38;
	[tilespmem:$0x1DB80] =	vst v63  }
0x83: {  	s0 =	sadd.s32 s21, s11  }
0x84: {  	s0 =	sshrl.u32 s0, $0x3  }
0x85: {  	s17 =	sadd.s32 s3, s0  }
0x86: {  	[tilespmem:s1], [sflag:$0x1] =	stream.linear.gather [hbm4b:s17+s1], $0x50, $0x38;
	[tilespmem:$0x1DB80] =	vst v63  }
0x87: {  	s8 =	sadd.s32 s4, s0  }
0x88: {  	[tilespmem:s22], [sflag:$0x1] =	stream.linear.gather [hbm4b:s8+s1], $0x50, $0x38;
	[tilespmem:$0x1DB80] =	vst v63  }
0x89: {  	_ =	swait.ge [sflag:s26], $0x50  }
0x8a: {  	[sflag:s26] =	ssyncset.done $0x0  }
0x8b: {  	[sflag:s26] =	ssyncadd.s32 $0xFFFFFFB0  }
0x8c: {  	_ =	swait.ge [sflag:s26], $0x50  }
0x8d: {  	[sflag:s26] =	ssyncset.done $0x0  }
0x8e: {  	s20 =	simm.s32 $0x300;
	[sflag:s26] =	ssyncadd.s32 $0xFFFFFFB0  }
0x8f: {  	[tilespmem:s20], [sflag:$0x5] =	stream.indirect.gather [hbm4b:s5+s28], $0x80, s1, s28, $0xb8;
	[tilespmem:$0x1DB80] =	vst v63  }
0x90: {  	_ =	swait.ge [sflag:s14], $0x2800  }
0x91: {  	[sflag:s14] =	ssyncset.done $0x0  }
0x92: {  	[sflag:s14] =	ssyncadd.s32 $0xFFFFD800  }
0x93: {  	_ =	swait.ge [sflag:s15], $0x2800  }
0x94: {  	[sflag:s15] =	ssyncset.done $0x0  }
0x95: {  	[sflag:s15] =	ssyncadd.s32 $0xFFFFD800  }
0x96: {  	_ =	swait.ge [sflag:s18], $0x50  }
0x97: {  	[sflag:s18] =	ssyncset.done $0x0  }
0x98: {  	s0 =	simm.s32 $0x0;
	[sflag:s18] =	ssyncadd.s32 $0xFFFFFFB0  }
0x99: {  	v0 =	vld [tilespmem:s0+$0x2B10]  }
0x9a: {  	v1 =	vld [tilespmem:s0+$0x7B20];
	_ =	sdelay $0x4  }
0x9b: {  	s16 =	smov.u32 s29;
	s29 =	simm.s32 $0x80;
	v0 =	vadd.f32 v1, v0  }
0x9c: {  	v2 =	vld [tilespmem:s29+$0x2B10]  }
0x9d: {  	v3 =	vld [tilespmem:s29+$0x7B20];
	v1 =	vmul.f32 $2.000000030e-01, v0;
	_ =	sdelay $0x1  }
0x9e: {  	v0 =	vmax.f32 v0, v1  }
0x9f: {  	v0 =	vmul.f32 $1.442695020e+00, v0  }
0xa0: {  	s20 =	simm.s32 $0x100  }
0xa1: {  	v4 =	vld [tilespmem:s20+$0x7B20];
	(erf) = vpow2.f32 v0;
	v0 =	vadd.f32 v3, v2  }
0xa2: {  	v1 =	vld [tilespmem:s20+$0x2B10]  }
0xa3: {  	v2 =	vmul.f32 $2.000000030e-01, v0;
	_ =	sdelay $0x1  }
0xa4: {  	v0 =	vmax.f32 v0, v2  }
0xa5: {  	s1 =	simm.s32 $0x180;
	v0 =	vmul.f32 $1.442695020e+00, v0  }
0xa6: {  	v3 =	vadd.f32 v4, v1;
	v1 =	vld [tilespmem:s1+$0x2B10]  }
0xa7: {  	v2 =	vld [tilespmem:s1+$0x7B20];
	(erf) = vpow2.f32 v0  }
0xa8: {  	v4 =	vmul.f32 $2.000000030e-01, v3;
	v0 =	vld [tilespmem:s0+$0x2B00];
	_ =	sdelay $0x1  }
0xa9: {  	s17 =	simm.s32 $0x800;
	v4 =	vmax.f32 v3, v4;
	v3 =	vpop (erf)  }
.LBB2_5:
0xaa: {  	s11 =	sshra.s32 s17, $0x2;
	v4 =	vmul.f32 $1.442695020e+00, v4;
	[tilespmem:s0+$0x7B10] =	vst v3;
	v3 =	vbroadcast v3, $0x0;
	p1 =	sne.s32 s17, $0x9E00  }
.Ltmp1:
0xab: {  	s17 =	sadd.s32 $0x200, s17;
	v5 =	vadd.f32 v2, v1;
	v1 =	vld [tilespmem:s11+$0x2B10];
	(pc) =	sbr.rel @p1 .LBB2_5-.Ltmp1, $4  }
0xac: {  	v2 =	vld [tilespmem:s11+$0x7B20];
	(erf) = vpow2.f32 v4;
	v6 =	vmul.f32 v3, v0  }
0xad: {  	v4 =	vmul.f32 $2.000000030e-01, v5;
	v0 =	vld [tilespmem:s29+$0x2B00]  }
0xae: {  	[tilespmem:s0+$0x7B00] =	vst v6;
	s0 =	smov.u32 s29;
	s29 =	smov.u32 s20;
	s20 =	smov.u32 s1  }
0xaf: {  	s1 =	smov.u32 s11;
	v4 =	vmax.f32 v5, v4;
	v3 =	vpop (erf)  }
0xb0: {  	_ = 	snop  }
0xb1: {  	v1 =	vadd.f32 v2, v1  }
0xb2: {  	v52 =	vmul.f32 $1.442695020e+00, v4  }
0xb3: {  	v53 =	vmul.f32 $2.000000030e-01, v1  }
0xb4: {  	(erf) = vpow2.f32 v52  }
0xb5: {  	[tilespmem:s0+$0x7B10] =	vst v3;
	v1 =	vmax.f32 v1, v53  }
0xb6: {  	v55 =	vld [tilespmem:s29+$0x2B00];
	v1 =	vmul.f32 $1.442695020e+00, v1  }
0xb7: {  	v54 =	vbroadcast v3, $0x0  }
0xb8: {  	v56 =	vpop (erf);
	(erf) = vpow2.f32 v1  }
0xb9: {  	v0 =	vmul.f32 v54, v0;
	v57 =	vbroadcast v56, $0x0;
	_ =	sdelay $0x1  }
0xba: {  	[tilespmem:s0+$0x7B00] =	vst v0;
	v58 =	vmul.f32 v57, v55  }
0xbb: {  	[tilespmem:s29+$0x7B10] =	vst v56  }
0xbc: {  	v59 =	vld [tilespmem:s20+$0x2B00];
	[tilespmem:s29+$0x7B00] =	vst v58;
	v60 =	vpop (erf)  }
0xbd: {  	[tilespmem:s20+$0x7B10] =	vst v60  }
0xbe: {  	v2 =	vld [tilespmem:s1+$0x2B00]  }
0xbf: {  	v0 =	vbroadcast v60, $0x0  }
0xc0: {  	v61 =	vpop (erf)  }
0xc1: {  	v0 =	vmul.f32 v0, v59;
	v62 =	vbroadcast v61, $0x0;
	_ =	sdelay $0x1  }
0xc2: {  	[tilespmem:s20+$0x7B00] =	vst v0;
	v63 =	vmul.f32 v62, v2  }
0xc3: {  	[tilespmem:s1+$0x7B10] =	vst v61  }
0xc4: {  	[tilespmem:s1+$0x7B00] =	vst v63  }
0xc5: {  	[spmem:s16] =	stream.indirect.scatter.add.f32 [tilespmem:s10], [sflag:$0xA], $0x80, s12, s28, $0xb8;
	[tilespmem:$0x1DB80] =	vst v63  }
0xc6: {  	p1 =	seq.s32 s13, $0x3D;
	_ =	swait.ge [sflag:s19], $0x2800  }
.Ltmp2:
0xc7: {  	[sflag:s19] =	ssyncset.done $0x0;
	(pc) =	sbr.rel @p1 .LBB2_8-.Ltmp2, $4  }
0xc8: {  	[sflag:s19] =	ssyncadd.s32 $0xFFFFD800  }
0xc9: {  	[tilespmem:s30], [sflag:$0x7] =	stream.indirect.gather [hbm4b:s5+s28], $0x80, s22, s28, $0xb8;
	[tilespmem:$0x1DB80] =	vst v63  }
0xca: {  	s29 =	smov.u32 s16  }
0xcb: {  	[tilespmem:s25], [sflag:$0x3] =	stream.linear.gather [hbm4b:s8+s2], $0x50, $0x38;
	[tilespmem:$0x1DB80] =	vst v63  }
0xcc: {  	s0 =	rddreg [dreg:$0xe]  }
0xcd: {  	s0 =	sadd.s32 s21, s0  }
.Ltmp3:
0xce: {  	s0 =	sshrl.u32 s0, $0x3;
	(pc) =	sbr.rel .LBB2_2-.Ltmp3, $4  }
0xcf: {  	s1 =	sadd.s32 s3, s0  }
0xd0: {  	[tilespmem:s23], [sflag:$0x2] =	stream.linear.gather [hbm4b:s1+s2], $0x50, $0x38;
	[tilespmem:$0x1DB80] =	vst v63  }
0xd1: {  	s13 =	sadd.s32 $0x1, s13;
	s0 =	sadd.s32 s4, s0  }
0xd2: {  	[tilespmem:s24], [sflag:$0x2] =	stream.linear.gather [hbm4b:s0+s2], $0x50, $0x38;
	[tilespmem:$0x1DB80] =	vst v63  }
.LBB2_8:
0xd3: {  	_ =	swait.ge [sflag:s6], $0x2800  }
0xd4: {  	[sflag:s6] =	ssyncset.done $0x0  }
0xd5: {  	[sflag:s6] =	ssyncadd.s32 $0xFFFFD800  }
0xd6: {  	_ =	swait.ge [sflag:s7], $0x2800  }
0xd7: {  	[sflag:s7] =	ssyncset.done $0x0  }
0xd8: {  	[sflag:s7] =	ssyncadd.s32 $0xFFFFD800  }
0xd9: {  	_ =	swait.ge [sflag:s9], $0x50  }
0xda: {  	[sflag:s9] =	ssyncset.done $0x0  }
0xdb: {  	s0 =	simm.s32 $0x0;
	[sflag:s9] =	ssyncadd.s32 $0xFFFFFFB0  }
0xdc: {  	v0 =	vld [tilespmem:s0+$0x310]  }
0xdd: {  	v1 =	vld [tilespmem:s0+$0x5320];
	_ =	sdelay $0x4  }
0xde: {  	s13 =	simm.s32 $0x80;
	v0 =	vadd.f32 v1, v0  }
0xdf: {  	v2 =	vld [tilespmem:s13+$0x310]  }
0xe0: {  	v3 =	vld [tilespmem:s13+$0x5320];
	v1 =	vmul.f32 $2.000000030e-01, v0;
	_ =	sdelay $0x1  }
0xe1: {  	v0 =	vmax.f32 v0, v1  }
0xe2: {  	v0 =	vmul.f32 $1.442695020e+00, v0  }
0xe3: {  	s8 =	simm.s32 $0x100  }
0xe4: {  	v4 =	vld [tilespmem:s8+$0x5320];
	(erf) = vpow2.f32 v0;
	v0 =	vadd.f32 v3, v2  }
0xe5: {  	v1 =	vld [tilespmem:s8+$0x310]  }
0xe6: {  	v2 =	vmul.f32 $2.000000030e-01, v0;
	_ =	sdelay $0x1  }
0xe7: {  	v0 =	vmax.f32 v0, v2  }
0xe8: {  	s1 =	simm.s32 $0x180;
	v0 =	vmul.f32 $1.442695020e+00, v0  }
0xe9: {  	v3 =	vadd.f32 v4, v1;
	v1 =	vld [tilespmem:s1+$0x310]  }
0xea: {  	v2 =	vld [tilespmem:s1+$0x5320];
	(erf) = vpow2.f32 v0  }
0xeb: {  	v4 =	vmul.f32 $2.000000030e-01, v3;
	v0 =	vld [tilespmem:s0+$0x300];
	_ =	sdelay $0x1  }
0xec: {  	s17 =	simm.s32 $0x800;
	v4 =	vmax.f32 v3, v4;
	v3 =	vpop (erf)  }
.LBB2_9:
0xed: {  	s11 =	sshra.s32 s17, $0x2;
	v4 =	vmul.f32 $1.442695020e+00, v4;
	[tilespmem:s0+$0x5310] =	vst v3;
	v3 =	vbroadcast v3, $0x0;
	p1 =	sne.s32 s17, $0x9E00  }
.Ltmp4:
0xee: {  	s17 =	sadd.s32 $0x200, s17;
	v5 =	vadd.f32 v2, v1;
	v1 =	vld [tilespmem:s11+$0x310];
	(pc) =	sbr.rel @p1 .LBB2_9-.Ltmp4, $4  }
0xef: {  	v2 =	vld [tilespmem:s11+$0x5320];
	(erf) = vpow2.f32 v4;
	v6 =	vmul.f32 v3, v0  }
0xf0: {  	v4 =	vmul.f32 $2.000000030e-01, v5;
	v0 =	vld [tilespmem:s13+$0x300]  }
0xf1: {  	[tilespmem:s0+$0x5300] =	vst v6;
	s0 =	smov.u32 s13;
	s13 =	smov.u32 s8;
	s8 =	smov.u32 s1  }
0xf2: {  	s1 =	smov.u32 s11;
	v4 =	vmax.f32 v5, v4;
	v3 =	vpop (erf)  }
0xf3: {  	_ = 	snop  }
0xf4: {  	v1 =	vadd.f32 v2, v1  }
0xf5: {  	v52 =	vmul.f32 $1.442695020e+00, v4  }
0xf6: {  	v53 =	vmul.f32 $2.000000030e-01, v1  }
0xf7: {  	(erf) = vpow2.f32 v52  }
0xf8: {  	[tilespmem:s0+$0x5310] =	vst v3;
	v1 =	vmax.f32 v1, v53  }
0xf9: {  	v55 =	vld [tilespmem:s13+$0x300];
	v1 =	vmul.f32 $1.442695020e+00, v1  }
0xfa: {  	v54 =	vbroadcast v3, $0x0  }
0xfb: {  	v56 =	vpop (erf);
	(erf) = vpow2.f32 v1  }
0xfc: {  	v0 =	vmul.f32 v54, v0;
	v57 =	vbroadcast v56, $0x0;
	_ =	sdelay $0x1  }
0xfd: {  	[tilespmem:s0+$0x5300] =	vst v0;
	v58 =	vmul.f32 v57, v55  }
0xfe: {  	[tilespmem:s13+$0x5310] =	vst v56  }
0xff: {  	v59 =	vld [tilespmem:s8+$0x300];
	[tilespmem:s13+$0x5300] =	vst v58;
	v60 =	vpop (erf)  }
0x100: {  	[tilespmem:s8+$0x5310] =	vst v60  }
0x101: {  	v2 =	vld [tilespmem:s1+$0x300]  }
0x102: {  	v0 =	vbroadcast v60, $0x0  }
0x103: {  	v61 =	vpop (erf)  }
0x104: {  	v0 =	vmul.f32 v0, v59;
	v62 =	vbroadcast v61, $0x0;
	_ =	sdelay $0x1  }
0x105: {  	[tilespmem:s8+$0x5300] =	vst v0;
	v63 =	vmul.f32 v62, v2  }
0x106: {  	[tilespmem:s1+$0x5310] =	vst v61  }
0x107: {  	s13 =	simm.s32 $0xA;
	[tilespmem:s1+$0x5300] =	vst v63  }
0x108: {  	[spmem:s29] =	stream.indirect.scatter.add.f32 [tilespmem:s30], [sflag:$0x9], $0x80, s25, s28, $0xb8;
	[tilespmem:$0x1DB80] =	vst v63  }
0x109: {  	_ =	swait.ge [sflag:s13], $0x2800  }
0x10a: {  	[sflag:s13] =	ssyncset.done $0x0  }
0x10b: {  	[sflag:s13] =	ssyncadd.s32 $0xFFFFD800  }
0x10c: {  	_ =	swait.ge [sflag:s19], $0x2800  }
0x10d: {  	[sflag:s19] =	ssyncset.done $0x0  }
0x10e: {  	[sflag:s19] =	ssyncadd.s32 $0xFFFFD800  }
0x10f: {  	[bflag:$0x0] =	sbarrier.arrive $0xFFFF  }
0x110: {  	s11 =	rddreg [dreg:$0x5]  }
0x111: {  	s16 =	rddreg [dreg:$0xf]  }
0x112: {  	s8 =	simm.s32 $0xB;
	s17 =	rddreg [dreg:$0x13]  }
0x113: {  	[hbm:s16], [sflag:s11] =	dma.local [spmem:s17], $0x2700  }
0x114: {  	_ =	swait.ge [sflag:s8], $0x2700  }
0x115: {  	[sflag:s8] =	ssyncset.done $0x0;
	s0 =	rddreg [dreg:$0x10]  }
0x116: {  	s1 =	rddreg [dreg:$0x14];
	[sflag:s8] =	ssyncadd.s32 $0xFFFFD900  }
0x117: {  	[hbm:s0], [sflag:s11] =	dma.local @!p0 [spmem:s1], $0x100  }
0x118: {  	s0 =	simm.s32 @!p0 $0xB  }
0x119: {  	_ =	swait.ge @!p0 [sflag:s0], $0x100  }
0x11a: {  	s20 =	rddreg [dreg:$0x12]  }
0x11b: {  	s21 =	rddreg [dreg:$0x11];
	s13 =	sadd.s32 $0x1, s20  }
0x11c: {  	p1 =	sne.s32 s13, s21  }
.Ltmp5:
0x11d: {  	_ = 	snop;
	(pc) =	sbr.rel @p1 .LBB2_1-.Ltmp5, $3  }
0x11e: {  	_ =	sdelay $0x1  }
0x11f: {  	[sflag:s0] =	ssyncset.done @!p0 $0x0  }
0x120: {  	[sflag:s0] =	ssyncadd.s32 @!p0 $0xFFFFFF00  }
0x121: {  	_ =	sfence.sel $0x180000  }
0x122: {  	[bflag:$0x0] =	sbarrier.arrive $0xFFFF  }
0x123: {  	_ =	strace $0x9000004D  }
0x124: {  	[bflag:$0x2] =	sbarrier.arrive $0xFFFF  }
0x125: {  	s0 =	rddreg [dreg:$0x2]  }
0x126: {  	s0 =	sadd.s32 @!p0 $0x100000, s0  }
0x127: {  	[sflag:s0] =	ssyncadd.tile.s32 @!p0 $0x1;
	_ =	shalt  }
.Lfunc_end2:
_tile_overlayer_lowered:
.L_overlay_start_2:
0x128: {  	(tag) =	ssettag $0x2  }
0x129: {  	s0 =	rddreg [dreg:$0x0];
	s2 =	stileid.u32  }
0x12a: {  	s1 =	rddreg [dreg:$0x1];
	p0 =	sne.s32 s2, $0x0  }
0x12b: {  	s3 =	rddreg [dreg:$0x2];
	[bflag:$0x3] =	sbarrier.arrive $0xFFFF;
	s2 =	simm.s32 @!p0 $0x1C0B  }
0x12c: {  	[timem:s3], [sflag:s2] =	dma.local @!p0 [hbm:s0], s1  }
0x12d: {  	s0 =	simm.s32 @!p0 $0xB  }
0x12e: {  	_ =	swait.ge @!p0 [sflag:s0], s1  }
0x12f: {  	s1 =	ssub.s32 @!p0 $0x0, s1;
	[sflag:s0] =	ssyncset.done @!p0 $0x0  }
0x130: {  	[sflag:s0] =	ssyncadd.s32 @!p0 s1  }
0x131: {  	[bflag:$0x3] =	sbarrier.arrive $0xFFFF  }
0x132: {  	_ =	shalt  }

// kernel: kernel.20.cloned.1.call-start
scs
__scs_entry_jumppad:
0x0: {  	(pc) =	sbr.rel $0x88, $3  }
0x1: {  	(tag) =	ssettag $0x0;
	lr =	simm.s32 $0x1  }
0x2: {  	[smem:$0x3F8F] =	sst lr;
	_ =	strace $0xD0000000  }
0x3: {  	_ = 	snop  }
0x4: {  	_ = 	snop  }
0x5: {  	_ = 	snop  }
0x6: {  	_ = 	snop  }
0x7: {  	_ = 	snop  }
__scs_overlays_trampoline_lowered:
0x8: {  	[smem:$0x3F9E] =	sst s0  }
0x9: {  	[smem:$0x3F9F] =	sst s1  }
0xa: {  	[smem:$0x3FA0] =	sst s2  }
0xb: {  	[smem:$0x3FA1] =	sst s3  }
0xc: {  	[smem:$0x3FA2] =	sst s4  }
0xd: {  	[smem:$0x3FA3] =	sst s5  }
0xe: {  	[smem:$0x3FA4] =	sst s6  }
0xf: {  	[smem:$0x3FA5] =	sst s7  }
0x10: {  	[smem:$0x3FA6] =	sst s8  }
0x11: {  	[smem:$0x3FA7] =	sst s9;
	s0 =	simm.s32 @!p0 $0x0  }
0x12: {  	s1 =	sld [smem:$0x3F8D];
	s0 =	simm.s32 @p0 $0x1  }
0x13: {  	[smem:$0x3FA8] =	sst s0;
	s0 =	simm.s32 @!p1 $0x0  }
0x14: {  	s2 =	sld [smem:$0x3F8C];
	s0 =	simm.s32 @p1 $0x1  }
0x15: {  	[smem:$0x3FA9] =	sst s0;
	s0 =	simm.s32 @!p2 $0x0  }
0x16: {  	s3 =	sld [smem:$0x3FDB];
	s0 =	simm.s32 @p2 $0x1  }
0x17: {  	s4 =	simm.s32 $0x1BF5;
	[smem:$0x3FAB] =	sst s0  }
0x18: {  	s0 =	sld [smem:$0x3F8E];
	_ =	swait.ge [sflag:s4], $0x0  }
0x19: {  	s7 =	sld [smem:$0x3F8F]  }
0x1a: {  	s8 =	sadd.s32 $0xFFFFE003, lr  }
0x1b: {  	s9 =	sadd.s32 $0xFFFFFEF7, lr;
	s5 =	simm.s32 $0xFFFFFFFF;
	p2 =	slt.u32 s8, $0xFFFFF086  }
0x1c: {  	p1 =	slt.u32 s9, $0xF7A;
	s5 =	simm.s32 @!p2 $0x0  }
0x1d: {  	s5 =	simm.s32 @p1 $0x1;
	p0 =	seq.s32 s7, s2  }
0x1e: {  	s7 =	smul.u32 @!p0 $0xF7A, s2;
	p2 =	seq.s32 @!p0 s5, $0x0  }
0x1f: {  	s9 =	smul.u32 $0xF7A, s1;
	s8 =	simm.s32 @!p0 $0x1BF5;
	p2 =	por !p2, p0  }
0x20: {  	[sflag:s8] =	ssyncset.s32 @!p0 $0xFFFFF086;
	s6 =	sadd.s32 @!p0 s3, s7;
	s7 =	simm.s32 @!p0 $0x108  }
0x21: {  	s3 =	sadd.s32 s3, s9;
	s6 =	sadd.s32 @!p0 $0x88, s6;
	s7 =	simm.s32 @p2 $0x1082  }
0x22: {  	[simem:s7], [sflag:s8] =	dma.local @!p0 [hbm:s6], $0xF7A  }
0x23: {  	s9 =	sor.u32 $0xD0000000, s2;
	s6 =	simm.s32 $0x108;
	_ =	swait.ge @!p0 [sflag:s8], $0x0  }
0x24: {  	s3 =	sadd.s32 $0x88, s3;
	s6 =	simm.s32 @!p1 $0x1082;
	[sflag:s4] =	ssyncset.s32 $0xFFFFF086  }
0x25: {  	[simem:s6], [sflag:s4] =	dma.local [hbm:s3], $0xF7A  }
0x26: {  	[smem:$0x3F8F] =	sst s1;
	(tag) =	ssettag s2;
	_ =	strace s9  }
0x27: {  	s1 =	sld [smem:$0x3F9F]  }
0x28: {  	s2 =	sld [smem:$0x3FA0]  }
0x29: {  	s4 =	sld [smem:$0x3FA2]  }
0x2a: {  	p0 =	seq.s32 s5, $0x0;
	s5 =	sld [smem:$0x3FA3]  }
0x2b: {  	s6 =	sld [smem:$0x3FA4]  }
0x2c: {  	s7 =	sld [smem:$0x3FA5]  }
0x2d: {  	s3 =	simm.s32 $0x108;
	s8 =	sld [smem:$0x3FA6]  }
0x2e: {  	s3 =	simm.s32 @!p0 $0x1082;
	s9 =	sld [smem:$0x3FA7]  }
0x2f: {  	lr =	sadd.s32 s0, s3;
	s0 =	sld [smem:$0x3F9E]  }
0x30: {  	s3 =	sld [smem:$0x3FA1]  }
0x31: {  	[smem:$0x3FAA] =	sst s10  }
0x32: {  	s10 =	sld [smem:$0x3FA8];
	_ =	sdelay $0x3  }
0x33: {  	p0 =	seq.s32 s10, $0x1;
	s10 =	sld [smem:$0x3FAA];
	_ =	sdelay $0x3  }
0x34: {  	[smem:$0x3FAA] =	sst s10  }
0x35: {  	s10 =	sld [smem:$0x3FA9];
	_ =	sdelay $0x3  }
0x36: {  	p1 =	seq.s32 s10, $0x1;
	s10 =	sld [smem:$0x3FAA];
	_ =	sdelay $0x3  }
0x37: {  	[smem:$0x3FAA] =	sst s10  }
0x38: {  	s10 =	sld [smem:$0x3FAB]  }
0x39: {  	_ = 	snop;
	(pc) =	sbr.ind lr, $3  }
0x3a: {  	_ = 	snop  }
0x3b: {  	_ = 	snop  }
0x3c: {  	p2 =	seq.s32 s10, $0x1;
	s10 =	sld [smem:$0x3FAA]  }
0x3d: {  	_ =	shalt  }
0x3e: {  	_ =	shalt  }
0x3f: {  	_ =	shalt  }
0x40: {  	_ =	shalt  }
0x41: {  	_ =	shalt  }
0x42: {  	_ =	shalt  }
0x43: {  	_ =	shalt  }
0x44: {  	_ =	shalt  }
0x45: {  	_ =	shalt  }
0x46: {  	_ =	shalt  }
0x47: {  	_ =	shalt  }
0x48: {  	_ =	shalt  }
0x49: {  	_ =	shalt  }
0x4a: {  	_ =	shalt  }
0x4b: {  	_ =	shalt  }
0x4c: {  	_ =	shalt  }
0x4d: {  	_ =	shalt  }
0x4e: {  	_ =	shalt  }
0x4f: {  	_ =	shalt  }
0x50: {  	_ =	shalt  }
0x51: {  	_ =	shalt  }
0x52: {  	_ =	shalt  }
0x53: {  	_ =	shalt  }
0x54: {  	_ =	shalt  }
0x55: {  	_ =	shalt  }
0x56: {  	_ =	shalt  }
0x57: {  	_ =	shalt  }
0x58: {  	_ =	shalt  }
0x59: {  	_ =	shalt  }
0x5a: {  	_ =	shalt  }
0x5b: {  	_ =	shalt  }
0x5c: {  	_ =	shalt  }
0x5d: {  	_ =	shalt  }
0x5e: {  	_ =	shalt  }
0x5f: {  	_ =	shalt  }
0x60: {  	_ =	shalt  }
0x61: {  	_ =	shalt  }
0x62: {  	_ =	shalt  }
0x63: {  	_ =	shalt  }
0x64: {  	_ =	shalt  }
0x65: {  	_ =	shalt  }
0x66: {  	_ =	shalt  }
0x67: {  	_ =	shalt  }
0x68: {  	_ =	shalt  }
0x69: {  	_ =	shalt  }
0x6a: {  	_ =	shalt  }
0x6b: {  	_ =	shalt  }
0x6c: {  	_ =	shalt  }
0x6d: {  	_ =	shalt  }
0x6e: {  	_ =	shalt  }
0x6f: {  	_ =	shalt  }
0x70: {  	_ =	shalt  }
0x71: {  	_ =	shalt  }
0x72: {  	_ =	shalt  }
0x73: {  	_ =	shalt  }
0x74: {  	_ =	shalt  }
0x75: {  	_ =	shalt  }
0x76: {  	_ =	shalt  }
0x77: {  	_ =	shalt  }
0x78: {  	_ =	shalt  }
0x79: {  	_ =	shalt  }
0x7a: {  	_ =	shalt  }
0x7b: {  	_ =	shalt  }
0x7c: {  	_ =	shalt  }
0x7d: {  	_ =	shalt  }
0x7e: {  	_ =	shalt  }
0x7f: {  	_ =	shalt  }
0x80: {  	_ =	shalt  }
0x81: {  	_ =	shalt  }
0x82: {  	_ =	shalt  }
0x83: {  	_ =	shalt  }
0x84: {  	_ =	shalt  }
0x85: {  	_ =	shalt  }
0x86: {  	_ =	shalt  }
0x87: {  	_ =	shalt  }
.Lfunc_end0:
.L_simem_size_0:
called_computation.3_lowered:
.L_overlay_start_0:
0x88: {  	s2 =	sld [smem:$0x3FD9]  }
0x89: {  	s3 =	sld [smem:$0x3FFE];
	_ =	sdelay $0x1  }
0x8a: {  	s1 =	srdreg.scid  }
0x8b: {  	s0 =	sand.u32 $0x1, s1  }
0x8c: {  	s16 =	sshll.u32 s0, $0xA;
	s2 =	sadd.s32 s3, s2  }
0x8d: {  	s2 =	sadd.s32 s2, s16  }
0x8e: {  	[smem:$0x3FB6] =	sst s2  }
0x8f: {  	_ = 	snop  }
0x90: {  	(tm) =	ssettm $0x1  }
0x91: {  	s17 =	sld [smem:$0x3FFB];
	_ =	sdelay $0x3  }
0x92: {  	_ =	strace s17  }
0x93: {  	s2 =	sld [smem:$0x3FFC];
	_ =	sdelay $0x3  }
0x94: {  	_ =	strace s2  }
0x95: {  	s2 =	sld [smem:$0x3FFD];
	_ =	sdelay $0x3  }
0x96: {  	_ =	strace s2  }
0x97: {  	_ =	strace $0x8FFFFFFF  }
0x98: {  	s18 =	sld [smem:$0x3FDB];
	_ =	sdelay $0x1  }
0x99: {  	s19 =	simm.s32 $_scs_section_size  }
0x9a: {  	s4 =	simm.s32 $_size__tile_overlayer_lowered;
	s5 =	simm.s32 $_tile_overlayer_lowered  }
0x9b: {  	s22 =	simm.s32 $0x1BFF;
	s21 =	sshll.u32 s5, $0x1;
	s2 =	sadd.s32 s19, s18  }
0x9c: {  	s6 =	simm.s32 $0x0;
	s20 =	sshll.u32 s4, $0x1;
	s4 =	sadd.s32 s21, s2  }
0x9d: {  	[timem:s6], [sflag:s22] =	dma.local [hbm:s4], s20  }
0x9e: {  	_ =	swait.ge [sflag:s22], s20  }
0x9f: {  	s3 =	ssub.s32 $0x0, s20;
	[sflag:s22] =	ssyncset.done $0x0  }
0xa0: {  	[sflag:s22] =	ssyncadd.s32 s3;
	_ =	sdelay $0x1  }
0xa1: {  	s23 =	simm.s32 $0x1B8B  }
0xa2: {  	_ =	swait.ge [sflag:s23], $0x1  }
0xa3: {  	[sflag:s23] =	ssyncset.done $0x0  }
0xa4: {  	s25 =	simm.s32 $0x1B8E;
	s24 =	sld [smem:$0x3FFE];
	[sflag:s23] =	ssyncadd.s32 $0xFFFFFFFF  }
0xa5: {  	s26 =	simm.s32 $execute0_lowered;
	[smem:$0x3FD2] =	sst s25  }
0xa6: {  	s4 =	sshll.u32 s26, $0x1;
	_ =	strace $0x8000004F;
	[dreg:$0x1] =	wrdreg $0xFFFFFFFF  }
0xa7: {  	s28 =	simm.s32 $_size_execute0_lowered;
	s2 =	sadd.s32 s2, s4;
	[dreg:$0x0] =	wrdreg $0x0  }
0xa8: {  	s4 =	sshll.u32 s28, $0x1;
	[dreg:$0x2] =	wrdreg s2  }
0xa9: {  	[dreg:$0x3] =	wrdreg s4  }
0xaa: {  	[dreg:$0x4] =	wrdreg $0xC0  }
0xab: {  	_ =	task [dreg:s6], $0x5FFFF  }
0xac: {  	[dreg:$0x1] =	wrdreg $0xFFFFFFFF  }
0xad: {  	[dreg:$0x0] =	wrdreg $0x60  }
0xae: {  	[dreg:$0x2] =	wrdreg s24  }
0xaf: {  	[dreg:$0x3] =	wrdreg $0xA3000  }
0xb0: {  	[dreg:$0x4] =	wrdreg $0x9  }
0xb1: {  	_ =	task.clear_ibuf [dreg:s6], $0x5FFFF;
	_ =	strace $0x9000004F  }
0xb2: {  	s29 =	simm.s32 $0x9;
	_ =	strace $0x80000051  }
0xb3: {  	_ =	swait.ge [sflag:s29], $0x1  }
0xb4: {  	[sflag:s29] =	ssyncadd.s32 $0xFFFFFFFF  }
0xb5: {  	_ =	strace $0x90000051  }
0xb6: {  	_ =	sfence  }
0xb7: {  	s30 =	sld [smem:$0x0];
	_ =	sdelay $0x2  }
0xb8: {  	s31 =	sshll.u32 s1, $0xD;
	s1 =	sshrl.u32 s1, $0x2  }
0xb9: {  	s3 =	sand.u32 $0x4000, s31;
	s1 =	sadd.s32 s1, s30  }
0xba: {  	s0 =	sor.u32 s3, s0;
	s1 =	sshll.u32 s1, $0x11  }
0xbb: {  	s0 =	sor.u32 s1, s0  }
0xbc: {  	s0 =	sadd.s32 $0x8F2B, s0  }
0xbd: {  	[sflag:s0] =	ssyncadd.remote.s32 $0x1  }
0xbe: {  	_ =	sfence.sel $0xFFFF  }
0xbf: {  	[dreg:$0x0] =	wrdreg $0xFFFFFFFF;
	(pc) =	sbr.abs _section_cstart, $3  }
0xc0: {  	[dreg:$0x1] =	wrdreg $0xFFFFFFFF  }
0xc1: {  	_ =	task.clear_ibuf [dreg:s6], $0x2FFFF;
	_ =	strace $0x9FFFFFFF  }
0xc2: {  	(tm) =	ssettm $0x7FFFFFFF  }
0xc3: {  	_ =	shalt  }
tec
execute0_lowered:
.L_overlay_start_1:
0x0: {  	(tag) =	ssettag $0x1  }
0x1: {  	s0 =	rddreg [dreg:$0x0]  }
0x2: {  	s29 =	rddreg [dreg:$0x1];
	s2 =	simm.s32 $0x0  }
0x3: {  	s1 =	stileid.u32;
	s5 =	srdreg.scid;
	s28 =	simm.s32 $0x50  }
0x4: {  	s30 =	simm.s32 $0x5300;
	s31 =	simm.s32 $0x2;
	[smem:$0x7FF] =	sst s2  }
0x5: {  	s6 =	smul.u32 $0x13800, s1;
	s3 =	sadd.s32 $0xD800, s0;
	s4 =	sadd.s32 $0x3A00, s0  }
0x6: {  	s8 =	sand.u32 $0x1, s5;
	s5 =	sadd.s32 $0x17600, s0;
	s11 =	sshll.u32 s1, $0x1  }
0x7: {  	s12 =	smul.u32 $0x4E000, s1;
	s13 =	sadd.s32 $0x65A00, s0;
	s14 =	sshll.u32 s1, $0x6  }
0x8: {  	s15 =	sadd.s32 $0x138000, s29;
	p0 =	sne.s32 s1, $0x0;
	_ =	strace $0x80000050  }
0x9: {  	s9 =	ssub.s32 $0x2, s8;
	s11 =	sor.u32 s8, s11;
	[dreg:$0x6] =	wrdreg s15  }
0xa: {  	s8 =	smul.u32 $0x138800, s8;
	s15 =	simm.s32 $0x8;
	s7 =	sshrl.u32 s6, $0x3  }
0xb: {  	s10 =	sshrl.u32 s9, $0x1;
	s12 =	sshrl.u32 s12, $0x2;
	s7 =	sadd.s32 s7, s0  }
0xc: {  	s9 =	ssub.s32 s9, s10;
	s10 =	smul.u32 $0x2710, s11;
	s11 =	sadd.s32 s12, s29  }
0xd: {  	s0 =	sadd.s32 $0x65800, s0;
	s21 =	sadd.s32 s6, s8;
	s22 =	sshrl.u32 s8, $0x3  }
0xe: {  	s8 =	simm.s32 $0xB;
	s12 =	simm.s32 $0x280;
	[dreg:$0x3] =	wrdreg s11  }
0xf: {  	s7 =	sadd.s32 $0x3E800, s7;
	s11 =	sor.u32 $0x1C0B, s14;
	[dreg:$0x7] =	wrdreg s0  }
0x10: {  	s6 =	sadd.s32 s13, s22;
	s26 =	smax.u32 s9, $0x1;
	s22 =	simm.s32 $0x100  }
0x11: {  	s9 =	simm.s32 $0x3;
	s14 =	simm.s32 $0x6;
	[dreg:$0x4] =	wrdreg s7  }
0x12: {  	s16 =	sadd.s32 $0x50, s10;
	s17 =	sshrl.u32 s10, $0x3;
	[dreg:$0x11] =	wrdreg s26  }
0x13: {  	s23 =	sadd.s32 $0xA0, s10;
	s24 =	sadd.s32 $0xF0, s10;
	[dreg:$0x5] =	wrdreg s11  }
0x14: {  	s25 =	sadd.s32 $0x27000, s6;
	s26 =	simm.s32 $0x1;
	[dreg:$0x8] =	wrdreg s16  }
0x15: {  	s6 =	simm.s32 $0x5;
	s10 =	simm.s32 $0x7B00;
	[dreg:$0xd] =	wrdreg s23  }
0x16: {  	s7 =	sshrl.u32 s16, $0x3;
	s18 =	sadd.s32 s3, s17;
	[dreg:$0xe] =	wrdreg s24  }
0x17: {  	s0 =	sadd.s32 s4, s17;
	[dreg:$0x10] =	wrdreg s25;
	s23 =	simm.s32 $0x80  }
0x18: {  	s24 =	simm.s32 $0x180;
	s25 =	simm.s32 $0x200;
	[dreg:$0x9] =	wrdreg s18  }
0x19: {  	[dreg:$0xa] =	wrdreg s0;
	s19 =	sadd.s32 s3, s7;
	s20 =	sadd.s32 s4, s7  }
0x1a: {  	s0 =	sshrl.u32 s21, $0x3;
	s7 =	simm.s32 $0x7;
	[dreg:$0xb] =	wrdreg s19  }
0x1b: {  	s18 =	simm.s32 $0x4;
	[dreg:$0xc] =	wrdreg s20;
	s0 =	sadd.s32 s13, s0  }
0x1c: {  	s19 =	simm.s32 $0x9;
	s13 =	simm.s32 $0x0;
	[dreg:$0xf] =	wrdreg s0  }
.LBB2_1:
0x1d: {  	[dreg:$0x12] =	wrdreg s13  }
0x1e: {  	s0 =	rddreg [dreg:$0x3]  }
0x1f: {  	s21 =	rddreg [dreg:$0x4];
	s1 =	sshrl.u32 s0, $0x3  }
0x20: {  	[dreg:$0x13] =	wrdreg s1  }
0x21: {  	[spmem:s1], [sflag:s11] =	dma.local [hbm:s21], $0x2700  }
0x22: {  	_ =	swait.ge [sflag:s8], $0x2700  }
0x23: {  	s0 =	rddreg [dreg:$0x6]  }
0x24: {  	[sflag:s8] =	ssyncset.done $0x0;
	s1 =	sshrl.u32 @!p0 s0, $0x3;
	s0 =	rddreg [dreg:$0x7]  }
0x25: {  	[sflag:s8] =	ssyncadd.s32 $0xFFFFD900;
	[dreg:$0x14] =	wrdreg s1  }
0x26: {  	[spmem:s1], [sflag:s11] =	dma.local @!p0 [hbm:s0], $0x100  }
0x27: {  	s0 =	simm.s32 @!p0 $0xB  }
0x28: {  	_ =	swait.ge @!p0 [sflag:s0], $0x100  }
0x29: {  	[sflag:s0] =	ssyncset.done @!p0 $0x0  }
0x2a: {  	[sflag:s0] =	ssyncadd.s32 @!p0 $0xFFFFFF00  }
0x2b: {  	[bflag:$0x0] =	sbarrier.arrive $0xFFFF  }
0x2c: {  	s13 =	rddreg [dreg:$0x9]  }
0x2d: {  	[tilespmem:s2], [sflag:$0x1] =	stream.linear.gather [hbm4b:s13+s2], $0x50, $0x38;
	[tilespmem:$0x1DB80] =	vst v63  }
0x2e: {  	s16 =	rddreg [dreg:$0xa]  }
0x2f: {  	[tilespmem:s22], [sflag:$0x1] =	stream.linear.gather [hbm4b:s16+s2], $0x50, $0x38;
	[tilespmem:$0x1DB80] =	vst v63  }
0x30: {  	s17 =	rddreg [dreg:$0xb]  }
0x31: {  	[tilespmem:s23], [sflag:$0x2] =	stream.linear.gather [hbm4b:s17+s2], $0x50, $0x38;
	[tilespmem:$0x1DB80] =	vst v63  }
0x32: {  	s20 =	rddreg [dreg:$0xc]  }
0x33: {  	[tilespmem:s24], [sflag:$0x2] =	stream.linear.gather [hbm4b:s20+s2], $0x50, $0x38;
	[tilespmem:$0x1DB80] =	vst v63  }
0x34: {  	_ = 	snop  }
0x35: {  	[tilespmem:s25], [sflag:$0x3] =	stream.linear.gather [hbm4b:s16+s2], $0x50, $0x38;
	[tilespmem:$0x1DB80] =	vst v63  }
0x36: {  	_ =	swait.ge [sflag:s26], $0x50  }
0x37: {  	[sflag:s26] =	ssyncset.done $0x0  }
0x38: {  	[sflag:s26] =	ssyncadd.s32 $0xFFFFFFB0  }
0x39: {  	_ =	swait.ge [sflag:s26], $0x50  }
0x3a: {  	[sflag:s26] =	ssyncset.done $0x0  }
0x3b: {  	s21 =	simm.s32 $0x300;
	[sflag:s26] =	ssyncadd.s32 $0xFFFFFFB0  }
0x3c: {  	[tilespmem:s21], [sflag:$0x5] =	stream.indirect.gather [hbm4b:s5+s28], $0x80, s2, s28, $0xb8;
	[tilespmem:$0x1DB80] =	vst v63  }
0x3d: {  	s13 =	simm.s32 $0x0  }
0x3e: {  	[tilespmem:s30], [sflag:$0x7] =	stream.indirect.gather [hbm4b:s5+s28], $0x80, s22, s28, $0xb8;
	[tilespmem:$0x1DB80] =	vst v63  }
.LBB2_2:
0x3f: {  	_ =	swait.ge [sflag:s31], $0x50  }
0x40: {  	[sflag:s31] =	ssyncset.done $0x0  }
0x41: {  	[sflag:s31] =	ssyncadd.s32 $0xFFFFFFB0  }
0x42: {  	_ =	swait.ge [sflag:s31], $0x50  }
0x43: {  	[sflag:s31] =	ssyncset.done $0x0  }
0x44: {  	s0 =	simm.s32 $0x2B00;
	[sflag:s31] =	ssyncadd.s32 $0xFFFFFFB0  }
0x45: {  	[tilespmem:s0], [sflag:$0x6] =	stream.indirect.gather [hbm4b:s5+s28], $0x80, s23, s28, $0xb8;
	[tilespmem:$0x1DB80] =	vst v63  }
0x46: {  	_ =	swait.ge [sflag:s6], $0x2800  }
0x47: {  	[sflag:s6] =	ssyncset.done $0x0  }
0x48: {  	[sflag:s6] =	ssyncadd.s32 $0xFFFFD800  }
0x49: {  	_ =	swait.ge [sflag:s7], $0x2800  }
0x4a: {  	[sflag:s7] =	ssyncset.done $0x0  }
0x4b: {  	[sflag:s7] =	ssyncadd.s32 $0xFFFFD800  }
0x4c: {  	_ =	swait.ge [sflag:s9], $0x50  }
0x4d: {  	[sflag:s9] =	ssyncset.done $0x0  }
0x4e: {  	s20 =	simm.s32 $0x0;
	[sflag:s9] =	ssyncadd.s32 $0xFFFFFFB0  }
0x4f: {  	v0 =	vld [tilespmem:s20+$0x310]  }
0x50: {  	v1 =	vld [tilespmem:s20+$0x5320];
	_ =	sdelay $0x4  }
0x51: {  	s21 =	simm.s32 $0x80;
	v0 =	vadd.f32 v1, v0  }
0x52: {  	v2 =	vld [tilespmem:s21+$0x310]  }
0x53: {  	v3 =	vld [tilespmem:s21+$0x5320];
	v1 =	vmul.f32 $2.000000030e-01, v0;
	_ =	sdelay $0x1  }
0x54: {  	v0 =	vmax.f32 v0, v1  }
0x55: {  	v0 =	vmul.f32 $1.442695020e+00, v0  }
0x56: {  	s8 =	simm.s32 $0x100  }
0x57: {  	v4 =	vld [tilespmem:s8+$0x5320];
	(erf) = vpow2.f32 v0;
	v0 =	vadd.f32 v3, v2  }
0x58: {  	v1 =	vld [tilespmem:s8+$0x310]  }
0x59: {  	v2 =	vmul.f32 $2.000000030e-01, v0;
	_ =	sdelay $0x1  }
0x5a: {  	v0 =	vmax.f32 v0, v2  }
0x5b: {  	s0 =	simm.s32 $0x180;
	v0 =	vmul.f32 $1.442695020e+00, v0  }
0x5c: {  	v3 =	vadd.f32 v4, v1;
	v1 =	vld [tilespmem:s0+$0x310]  }
0x5d: {  	v2 =	vld [tilespmem:s0+$0x5320];
	(erf) = vpow2.f32 v0  }
0x5e: {  	v4 =	vmul.f32 $2.000000030e-01, v3;
	v0 =	vld [tilespmem:s20+$0x300];
	_ =	sdelay $0x1  }
0x5f: {  	s1 =	simm.s32 $0x800;
	v4 =	vmax.f32 v3, v4;
	v3 =	vpop (erf)  }
.LBB2_3:
0x60: {  	s17 =	sshra.s32 s1, $0x2;
	v4 =	vmul.f32 $1.442695020e+00, v4;
	[tilespmem:s20+$0x5310] =	vst v3;
	v3 =	vbroadcast v3, $0x0;
	p1 =	sne.s32 s1, $0x9E00  }
.Ltmp0:
0x61: {  	s1 =	sadd.s32 $0x200, s1;
	v5 =	vadd.f32 v2, v1;
	v1 =	vld [tilespmem:s17+$0x310];
	(pc) =	sbr.rel @p1 .LBB2_3-.Ltmp0, $4  }
0x62: {  	v2 =	vld [tilespmem:s17+$0x5320];
	(erf) = vpow2.f32 v4;
	v6 =	vmul.f32 v3, v0  }
0x63: {  	v4 =	vmul.f32 $2.000000030e-01, v5;
	v0 =	vld [tilespmem:s21+$0x300]  }
0x64: {  	[tilespmem:s20+$0x5300] =	vst v6;
	s20 =	smov.u32 s21;
	s21 =	smov.u32 s8;
	s8 =	smov.u32 s0  }
0x65: {  	s0 =	smov.u32 s17;
	v4 =	vmax.f32 v5, v4;
	v3 =	vpop (erf)  }
0x66: {  	_ = 	snop  }
0x67: {  	v1 =	vadd.f32 v2, v1  }
0x68: {  	v2 =	vmul.f32 $1.442695020e+00, v4  }
0x69: {  	v4 =	vmul.f32 $2.000000030e-01, v1  }
0x6a: {  	(erf) = vpow2.f32 v2;
	v2 =	vbroadcast v3, $0x0  }
0x6b: {  	[tilespmem:s20+$0x5310] =	vst v3  }
0x6c: {  	v3 =	vld [tilespmem:s21+$0x300];
	v1 =	vmax.f32 v1, v4  }
0x6d: {  	v1 =	vmul.f32 $1.442695020e+00, v1  }
0x6e: {  	v0 =	vmul.f32 v2, v0;
	v2 =	vpop (erf)  }
0x6f: {  	(erf) = vpow2.f32 v1;
	v1 =	vbroadcast v2, $0x0;
	_ =	sdelay $0x1  }
0x70: {  	[tilespmem:s20+$0x5300] =	vst v0;
	v0 =	vmul.f32 v1, v3;
	_ =	sdelay $0x2  }
0x71: {  	[tilespmem:s21+$0x5310] =	vst v2  }
0x72: {  	v1 =	vld [tilespmem:s8+$0x300];
	[tilespmem:s21+$0x5300] =	vst v0;
	v0 =	vpop (erf)  }
0x73: {  	[tilespmem:s8+$0x5310] =	vst v0  }
0x74: {  	v2 =	vld [tilespmem:s0+$0x300]  }
0x75: {  	v0 =	vbroadcast v0, $0x0  }
0x76: {  	v3 =	vpop (erf)  }
0x77: {  	v0 =	vmul.f32 v0, v1;
	v1 =	vbroadcast v3, $0x0;
	_ =	sdelay $0x1  }
0x78: {  	[tilespmem:s8+$0x5300] =	vst v0;
	v0 =	vmul.f32 v1, v2  }
0x79: {  	p1 =	seq.s32 s13, $0x0;
	[tilespmem:s0+$0x5310] =	vst v3  }
0x7a: {  	[tilespmem:s0+$0x5300] =	vst v0;
	s0 =	simm.s32 @!p1 $0xA  }
0x7b: {  	[spmem:s29] =	stream.indirect.scatter.add.f32 [tilespmem:s30], [sflag:$0x9], $0x80, s25, s28, $0xb8;
	[tilespmem:$0x1DB80] =	vst v63  }
0x7c: {  	s21 =	smul.u32 $0xA0, s13;
	_ =	swait.ge @!p1 [sflag:s0], $0x2800  }
0x7d: {  	[sflag:s0] =	ssyncset.done @!p1 $0x0;
	s8 =	rddreg [dreg:$0x8]  }
0x7e: {  	[sflag:s0] =	ssyncadd.s32 @!p1 $0xFFFFD800;
	s0 =	sadd.s32 s21, s8  }
0x7f: {  	[tilespmem:s10], [sflag:$0x8] =	stream.indirect.gather [hbm4b:s5+s28], $0x80, s24, s28, $0xb8;
	[tilespmem:$0x1DB80] =	vst v63  }
0x80: {  	s0 =	sshrl.u32 s0, $0x3  }
0x81: {  	s1 =	simm.s32 $0x0;
	s11 =	rddreg [dreg:$0xd];
	s0 =	sadd.s32 s4, s0  }
0x82: {  	[tilespmem:s12], [sflag:$0x4] =	stream.linear.gather [hbm4b:s0+s1], $0x50, $0x38;
	[tilespmem:$0x1DB80] =	vst v63  }
0x83: {  	s0 =	sadd.s32 s21, s11  }
0x84: {  	s0 =	sshrl.u32 s0, $0x3  }
0x85: {  	s17 =	sadd.s32 s3, s0  }
0x86: {  	[tilespmem:s1], [sflag:$0x1] =	stream.linear.gather [hbm4b:s17+s1], $0x50, $0x38;
	[tilespmem:$0x1DB80] =	vst v63  }
0x87: {  	s8 =	sadd.s32 s4, s0  }
0x88: {  	[tilespmem:s22], [sflag:$0x1] =	stream.linear.gather [hbm4b:s8+s1], $0x50, $0x38;
	[tilespmem:$0x1DB80] =	vst v63  }
0x89: {  	_ =	swait.ge [sflag:s26], $0x50  }
0x8a: {  	[sflag:s26] =	ssyncset.done $0x0  }
0x8b: {  	[sflag:s26] =	ssyncadd.s32 $0xFFFFFFB0  }
0x8c: {  	_ =	swait.ge [sflag:s26], $0x50  }
0x8d: {  	[sflag:s26] =	ssyncset.done $0x0  }
0x8e: {  	s20 =	simm.s32 $0x300;
	[sflag:s26] =	ssyncadd.s32 $0xFFFFFFB0  }
0x8f: {  	[tilespmem:s20], [sflag:$0x5] =	stream.indirect.gather [hbm4b:s5+s28], $0x80, s1, s28, $0xb8;
	[tilespmem:$0x1DB80] =	vst v63  }
0x90: {  	_ =	swait.ge [sflag:s14], $0x2800  }
0x91: {  	[sflag:s14] =	ssyncset.done $0x0  }
0x92: {  	[sflag:s14] =	ssyncadd.s32 $0xFFFFD800  }
0x93: {  	_ =	swait.ge [sflag:s15], $0x2800  }
0x94: {  	[sflag:s15] =	ssyncset.done $0x0  }
0x95: {  	[sflag:s15] =	ssyncadd.s32 $0xFFFFD800  }
0x96: {  	_ =	swait.ge [sflag:s18], $0x50  }
0x97: {  	[sflag:s18] =	ssyncset.done $0x0  }
0x98: {  	s0 =	simm.s32 $0x0;
	[sflag:s18] =	ssyncadd.s32 $0xFFFFFFB0  }
0x99: {  	v0 =	vld [tilespmem:s0+$0x2B10]  }
0x9a: {  	v1 =	vld [tilespmem:s0+$0x7B20];
	_ =	sdelay $0x4  }
0x9b: {  	s16 =	smov.u32 s29;
	s29 =	simm.s32 $0x80;
	v0 =	vadd.f32 v1, v0  }
0x9c: {  	v2 =	vld [tilespmem:s29+$0x2B10]  }
0x9d: {  	v3 =	vld [tilespmem:s29+$0x7B20];
	v1 =	vmul.f32 $2.000000030e-01, v0;
	_ =	sdelay $0x1  }
0x9e: {  	v0 =	vmax.f32 v0, v1  }
0x9f: {  	v0 =	vmul.f32 $1.442695020e+00, v0  }
0xa0: {  	s20 =	simm.s32 $0x100  }
0xa1: {  	v4 =	vld [tilespmem:s20+$0x7B20];
	(erf) = vpow2.f32 v0;
	v0 =	vadd.f32 v3, v2  }
0xa2: {  	v1 =	vld [tilespmem:s20+$0x2B10]  }
0xa3: {  	v2 =	vmul.f32 $2.000000030e-01, v0;
	_ =	sdelay $0x1  }
0xa4: {  	v0 =	vmax.f32 v0, v2  }
0xa5: {  	s1 =	simm.s32 $0x180;
	v0 =	vmul.f32 $1.442695020e+00, v0  }
0xa6: {  	v3 =	vadd.f32 v4, v1;
	v1 =	vld [tilespmem:s1+$0x2B10]  }
0xa7: {  	v2 =	vld [tilespmem:s1+$0x7B20];
	(erf) = vpow2.f32 v0  }
0xa8: {  	v4 =	vmul.f32 $2.000000030e-01, v3;
	v0 =	vld [tilespmem:s0+$0x2B00];
	_ =	sdelay $0x1  }
0xa9: {  	s17 =	simm.s32 $0x800;
	v4 =	vmax.f32 v3, v4;
	v3 =	vpop (erf)  }
.LBB2_5:
0xaa: {  	s11 =	sshra.s32 s17, $0x2;
	v4 =	vmul.f32 $1.442695020e+00, v4;
	[tilespmem:s0+$0x7B10] =	vst v3;
	v3 =	vbroadcast v3, $0x0;
	p1 =	sne.s32 s17, $0x9E00  }
.Ltmp1:
0xab: {  	s17 =	sadd.s32 $0x200, s17;
	v5 =	vadd.f32 v2, v1;
	v1 =	vld [tilespmem:s11+$0x2B10];
	(pc) =	sbr.rel @p1 .LBB2_5-.Ltmp1, $4  }
0xac: {  	v2 =	vld [tilespmem:s11+$0x7B20];
	(erf) = vpow2.f32 v4;
	v6 =	vmul.f32 v3, v0  }
0xad: {  	v4 =	vmul.f32 $2.000000030e-01, v5;
	v0 =	vld [tilespmem:s29+$0x2B00]  }
0xae: {  	[tilespmem:s0+$0x7B00] =	vst v6;
	s0 =	smov.u32 s29;
	s29 =	smov.u32 s20;
	s20 =	smov.u32 s1  }
0xaf: {  	s1 =	smov.u32 s11;
	v4 =	vmax.f32 v5, v4;
	v3 =	vpop (erf)  }
0xb0: {  	_ = 	snop  }
0xb1: {  	v1 =	vadd.f32 v2, v1  }
0xb2: {  	v52 =	vmul.f32 $1.442695020e+00, v4  }
0xb3: {  	v53 =	vmul.f32 $2.000000030e-01, v1  }
0xb4: {  	(erf) = vpow2.f32 v52  }
0xb5: {  	[tilespmem:s0+$0x7B10] =	vst v3;
	v1 =	vmax.f32 v1, v53  }
0xb6: {  	v55 =	vld [tilespmem:s29+$0x2B00];
	v1 =	vmul.f32 $1.442695020e+00, v1  }
0xb7: {  	v54 =	vbroadcast v3, $0x0  }
0xb8: {  	v56 =	vpop (erf);
	(erf) = vpow2.f32 v1  }
0xb9: {  	v0 =	vmul.f32 v54, v0;
	v57 =	vbroadcast v56, $0x0;
	_ =	sdelay $0x1  }
0xba: {  	[tilespmem:s0+$0x7B00] =	vst v0;
	v58 =	vmul.f32 v57, v55  }
0xbb: {  	[tilespmem:s29+$0x7B10] =	vst v56  }
0xbc: {  	v59 =	vld [tilespmem:s20+$0x2B00];
	[tilespmem:s29+$0x7B00] =	vst v58;
	v60 =	vpop (erf)  }
0xbd: {  	[tilespmem:s20+$0x7B10] =	vst v60  }
0xbe: {  	v2 =	vld [tilespmem:s1+$0x2B00]  }
0xbf: {  	v0 =	vbroadcast v60, $0x0  }
0xc0: {  	v61 =	vpop (erf)  }
0xc1: {  	v0 =	vmul.f32 v0, v59;
	v62 =	vbroadcast v61, $0x0;
	_ =	sdelay $0x1  }
0xc2: {  	[tilespmem:s20+$0x7B00] =	vst v0;
	v63 =	vmul.f32 v62, v2  }
0xc3: {  	[tilespmem:s1+$0x7B10] =	vst v61  }
0xc4: {  	[tilespmem:s1+$0x7B00] =	vst v63  }
0xc5: {  	[spmem:s16] =	stream.indirect.scatter.add.f32 [tilespmem:s10], [sflag:$0xA], $0x80, s12, s28, $0xb8;
	[tilespmem:$0x1DB80] =	vst v63  }
0xc6: {  	p1 =	seq.s32 s13, $0x3D;
	_ =	swait.ge [sflag:s19], $0x2800  }
.Ltmp2:
0xc7: {  	[sflag:s19] =	ssyncset.done $0x0;
	(pc) =	sbr.rel @p1 .LBB2_8-.Ltmp2, $4  }
0xc8: {  	[sflag:s19] =	ssyncadd.s32 $0xFFFFD800  }
0xc9: {  	[tilespmem:s30], [sflag:$0x7] =	stream.indirect.gather [hbm4b:s5+s28], $0x80, s22, s28, $0xb8;
	[tilespmem:$0x1DB80] =	vst v63  }
0xca: {  	s29 =	smov.u32 s16  }
0xcb: {  	[tilespmem:s25], [sflag:$0x3] =	stream.linear.gather [hbm4b:s8+s2], $0x50, $0x38;
	[tilespmem:$0x1DB80] =	vst v63  }
0xcc: {  	s0 =	rddreg [dreg:$0xe]  }
0xcd: {  	s0 =	sadd.s32 s21, s0  }
.Ltmp3:
0xce: {  	s0 =	sshrl.u32 s0, $0x3;
	(pc) =	sbr.rel .LBB2_2-.Ltmp3, $4  }
0xcf: {  	s1 =	sadd.s32 s3, s0  }
0xd0: {  	[tilespmem:s23], [sflag:$0x2] =	stream.linear.gather [hbm4b:s1+s2], $0x50, $0x38;
	[tilespmem:$0x1DB80] =	vst v63  }
0xd1: {  	s13 =	sadd.s32 $0x1, s13;
	s0 =	sadd.s32 s4, s0  }
0xd2: {  	[tilespmem:s24], [sflag:$0x2] =	stream.linear.gather [hbm4b:s0+s2], $0x50, $0x38;
	[tilespmem:$0x1DB80] =	vst v63  }
.LBB2_8:
0xd3: {  	_ =	swait.ge [sflag:s6], $0x2800  }
0xd4: {  	[sflag:s6] =	ssyncset.done $0x0  }
0xd5: {  	[sflag:s6] =	ssyncadd.s32 $0xFFFFD800  }
0xd6: {  	_ =	swait.ge [sflag:s7], $0x2800  }
0xd7: {  	[sflag:s7] =	ssyncset.done $0x0  }
0xd8: {  	[sflag:s7] =	ssyncadd.s32 $0xFFFFD800  }
0xd9: {  	_ =	swait.ge [sflag:s9], $0x50  }
0xda: {  	[sflag:s9] =	ssyncset.done $0x0  }
0xdb: {  	s0 =	simm.s32 $0x0;
	[sflag:s9] =	ssyncadd.s32 $0xFFFFFFB0  }
0xdc: {  	v0 =	vld [tilespmem:s0+$0x310]  }
0xdd: {  	v1 =	vld [tilespmem:s0+$0x5320];
	_ =	sdelay $0x4  }
0xde: {  	s13 =	simm.s32 $0x80;
	v0 =	vadd.f32 v1, v0  }
0xdf: {  	v2 =	vld [tilespmem:s13+$0x310]  }
0xe0: {  	v3 =	vld [tilespmem:s13+$0x5320];
	v1 =	vmul.f32 $2.000000030e-01, v0;
	_ =	sdelay $0x1  }
0xe1: {  	v0 =	vmax.f32 v0, v1  }
0xe2: {  	v0 =	vmul.f32 $1.442695020e+00, v0  }
0xe3: {  	s8 =	simm.s32 $0x100  }
0xe4: {  	v4 =	vld [tilespmem:s8+$0x5320];
	(erf) = vpow2.f32 v0;
	v0 =	vadd.f32 v3, v2  }
0xe5: {  	v1 =	vld [tilespmem:s8+$0x310]  }
0xe6: {  	v2 =	vmul.f32 $2.000000030e-01, v0;
	_ =	sdelay $0x1  }
0xe7: {  	v0 =	vmax.f32 v0, v2  }
0xe8: {  	s1 =	simm.s32 $0x180;
	v0 =	vmul.f32 $1.442695020e+00, v0  }
0xe9: {  	v3 =	vadd.f32 v4, v1;
	v1 =	vld [tilespmem:s1+$0x310]  }
0xea: {  	v2 =	vld [tilespmem:s1+$0x5320];
	(erf) = vpow2.f32 v0  }
0xeb: {  	v4 =	vmul.f32 $2.000000030e-01, v3;
	v0 =	vld [tilespmem:s0+$0x300];
	_ =	sdelay $0x1  }
0xec: {  	s17 =	simm.s32 $0x800;
	v4 =	vmax.f32 v3, v4;
	v3 =	vpop (erf)  }
.LBB2_9:
0xed: {  	s11 =	sshra.s32 s17, $0x2;
	v4 =	vmul.f32 $1.442695020e+00, v4;
	[tilespmem:s0+$0x5310] =	vst v3;
	v3 =	vbroadcast v3, $0x0;
	p1 =	sne.s32 s17, $0x9E00  }
.Ltmp4:
0xee: {  	s17 =	sadd.s32 $0x200, s17;
	v5 =	vadd.f32 v2, v1;
	v1 =	vld [tilespmem:s11+$0x310];
	(pc) =	sbr.rel @p1 .LBB2_9-.Ltmp4, $4  }
0xef: {  	v2 =	vld [tilespmem:s11+$0x5320];
	(erf) = vpow2.f32 v4;
	v6 =	vmul.f32 v3, v0  }
0xf0: {  	v4 =	vmul.f32 $2.000000030e-01, v5;
	v0 =	vld [tilespmem:s13+$0x300]  }
0xf1: {  	[tilespmem:s0+$0x5300] =	vst v6;
	s0 =	smov.u32 s13;
	s13 =	smov.u32 s8;
	s8 =	smov.u32 s1  }
0xf2: {  	s1 =	smov.u32 s11;
	v4 =	vmax.f32 v5, v4;
	v3 =	vpop (erf)  }
0xf3: {  	_ = 	snop  }
0xf4: {  	v1 =	vadd.f32 v2, v1  }
0xf5: {  	v52 =	vmul.f32 $1.442695020e+00, v4  }
0xf6: {  	v53 =	vmul.f32 $2.000000030e-01, v1  }
0xf7: {  	(erf) = vpow2.f32 v52  }
0xf8: {  	[tilespmem:s0+$0x5310] =	vst v3;
	v1 =	vmax.f32 v1, v53  }
0xf9: {  	v55 =	vld [tilespmem:s13+$0x300];
	v1 =	vmul.f32 $1.442695020e+00, v1  }
0xfa: {  	v54 =	vbroadcast v3, $0x0  }
0xfb: {  	v56 =	vpop (erf);
	(erf) = vpow2.f32 v1  }
0xfc: {  	v0 =	vmul.f32 v54, v0;
	v57 =	vbroadcast v56, $0x0;
	_ =	sdelay $0x1  }
0xfd: {  	[tilespmem:s0+$0x5300] =	vst v0;
	v58 =	vmul.f32 v57, v55  }
0xfe: {  	[tilespmem:s13+$0x5310] =	vst v56  }
0xff: {  	v59 =	vld [tilespmem:s8+$0x300];
	[tilespmem:s13+$0x5300] =	vst v58;
	v60 =	vpop (erf)  }
0x100: {  	[tilespmem:s8+$0x5310] =	vst v60  }
0x101: {  	v2 =	vld [tilespmem:s1+$0x300]  }
0x102: {  	v0 =	vbroadcast v60, $0x0  }
0x103: {  	v61 =	vpop (erf)  }
0x104: {  	v0 =	vmul.f32 v0, v59;
	v62 =	vbroadcast v61, $0x0;
	_ =	sdelay $0x1  }
0x105: {  	[tilespmem:s8+$0x5300] =	vst v0;
	v63 =	vmul.f32 v62, v2  }
0x106: {  	[tilespmem:s1+$0x5310] =	vst v61  }
0x107: {  	s13 =	simm.s32 $0xA;
	[tilespmem:s1+$0x5300] =	vst v63  }
0x108: {  	[spmem:s29] =	stream.indirect.scatter.add.f32 [tilespmem:s30], [sflag:$0x9], $0x80, s25, s28, $0xb8;
	[tilespmem:$0x1DB80] =	vst v63  }
0x109: {  	_ =	swait.ge [sflag:s13], $0x2800  }
0x10a: {  	[sflag:s13] =	ssyncset.done $0x0  }
0x10b: {  	[sflag:s13] =	ssyncadd.s32 $0xFFFFD800  }
0x10c: {  	_ =	swait.ge [sflag:s19], $0x2800  }
0x10d: {  	[sflag:s19] =	ssyncset.done $0x0  }
0x10e: {  	[sflag:s19] =	ssyncadd.s32 $0xFFFFD800  }
0x10f: {  	[bflag:$0x0] =	sbarrier.arrive $0xFFFF  }
0x110: {  	s11 =	rddreg [dreg:$0x5]  }
0x111: {  	s16 =	rddreg [dreg:$0xf]  }
0x112: {  	s8 =	simm.s32 $0xB;
	s17 =	rddreg [dreg:$0x13]  }
0x113: {  	[hbm:s16], [sflag:s11] =	dma.local [spmem:s17], $0x2700  }
0x114: {  	_ =	swait.ge [sflag:s8], $0x2700  }
0x115: {  	[sflag:s8] =	ssyncset.done $0x0;
	s0 =	rddreg [dreg:$0x10]  }
0x116: {  	s1 =	rddreg [dreg:$0x14];
	[sflag:s8] =	ssyncadd.s32 $0xFFFFD900  }
0x117: {  	[hbm:s0], [sflag:s11] =	dma.local @!p0 [spmem:s1], $0x100  }
0x118: {  	s0 =	simm.s32 @!p0 $0xB  }
0x119: {  	_ =	swait.ge @!p0 [sflag:s0], $0x100  }
0x11a: {  	s20 =	rddreg [dreg:$0x12]  }
0x11b: {  	s21 =	rddreg [dreg:$0x11];
	s13 =	sadd.s32 $0x1, s20  }
0x11c: {  	p1 =	sne.s32 s13, s21  }
.Ltmp5:
0x11d: {  	_ = 	snop;
	(pc) =	sbr.rel @p1 .LBB2_1-.Ltmp5, $3  }
0x11e: {  	_ =	sdelay $0x1  }
0x11f: {  	[sflag:s0] =	ssyncset.done @!p0 $0x0  }
0x120: {  	[sflag:s0] =	ssyncadd.s32 @!p0 $0xFFFFFF00  }
0x121: {  	_ =	sfence.sel $0x180000  }
0x122: {  	[bflag:$0x0] =	sbarrier.arrive $0xFFFF  }
0x123: {  	_ =	strace $0x90000050  }
0x124: {  	[bflag:$0x2] =	sbarrier.arrive $0xFFFF  }
0x125: {  	s0 =	rddreg [dreg:$0x2]  }
0x126: {  	s0 =	sadd.s32 @!p0 $0x100000, s0  }
0x127: {  	[sflag:s0] =	ssyncadd.tile.s32 @!p0 $0x1;
	_ =	shalt  }
.Lfunc_end2:
_tile_overlayer_lowered:
.L_overlay_start_2:
0x128: {  	(tag) =	ssettag $0x2  }
0x129: {  	s0 =	rddreg [dreg:$0x0];
	s2 =	stileid.u32  }
0x12a: {  	s1 =	rddreg [dreg:$0x1];
	p0 =	sne.s32 s2, $0x0  }
0x12b: {  	s3 =	rddreg [dreg:$0x2];
	[bflag:$0x3] =	sbarrier.arrive $0xFFFF;
	s2 =	simm.s32 @!p0 $0x1C0B  }
0x12c: {  	[timem:s3], [sflag:s2] =	dma.local @!p0 [hbm:s0], s1  }
0x12d: {  	s0 =	simm.s32 @!p0 $0xB  }
0x12e: {  	_ =	swait.ge @!p0 [sflag:s0], s1  }
0x12f: {  	s1 =	ssub.s32 @!p0 $0x0, s1;
	[sflag:s0] =	ssyncset.done @!p0 $0x0  }
0x130: {  	[sflag:s0] =	ssyncadd.s32 @!p0 s1  }
0x131: {  	[bflag:$0x3] =	sbarrier.arrive $0xFFFF  }
0x132: {  	_ =	shalt  }

</sc_bundles>
